<compile_context>
chip_gen: v7x
topology: tpu7x:2x2x1
jax: 0.10.2.dev20260603
libtpu: 0.0.44.dev20260713+nightly
codegen_flags: <defaults>
</compile_context>

<pallas_src>
import functools

import jax
import jax.numpy as jnp
from jax import lax
from jax.experimental import pallas as pl
from jax.experimental.pallas import tpu as pltpu
from jax.experimental.pallas import tpu_sc as plsc

_BATCH = 4
_SEQ = 4096
_DIM = 1024
_NC = 2
_NS = 16
_NW = _NC * _NS
_SPW = _SEQ // _NW
_CHUNKS = ((0, 64), (64, 56), (120, 8))
_LANES = 16
_GRP = _BATCH * _SPW // _LANES

_mesh = plsc.VectorSubcoreMesh(core_axis_name="c", subcore_axis_name="s")


@functools.partial(
    pl.kernel,
    mesh=_mesh,
    compiler_params=pltpu.CompilerParams(needs_layout_passes=False),
    out_type=jax.ShapeDtypeStruct((_BATCH, _SEQ, _DIM), jnp.float32),
    scratch_types=[
        pltpu.VMEM((_BATCH, _SPW), jnp.int32),
        pltpu.VMEM((_SPW,), jnp.int32),
        pltpu.VMEM((64, _DIM), jnp.float32),
        pltpu.VMEM((56, _DIM), jnp.float32),
        pltpu.VMEM((_GRP,), jnp.int32),
        pltpu.SemaphoreType.DMA,
        pltpu.SemaphoreType.DMA,
        pltpu.SemaphoreType.DMA,
        pltpu.SemaphoreType.DMA,
        pltpu.SemaphoreType.DMA,
        pltpu.SemaphoreType.DMA,
    ],
)
def _sc_embed(inp_hbm, table_hbm, out_hbm, inp_v, rows_v, buf0, buf1,
              flags_v, rsem0, rsem1, wsem0, wsem1, isem, fsem):
    wid = lax.axis_index("s") * _NC + lax.axis_index("c")
    s_base = wid * _SPW

    lanes = lax.iota(jnp.int32, _LANES)
    for k in range(_SPW // _LANES):
        rows_v[pl.ds(k * _LANES, _LANES)] = lanes + (s_base + k * _LANES + 1)

    bufs = (buf0, buf1)
    rsems = (rsem0, rsem1)
    wsems = (wsem0, wsem1)
    read_h = [None, None]
    write_h = [[], []]

    read_h[0] = pltpu.async_copy(
        table_hbm.at[rows_v.at[pl.ds(_CHUNKS[0][0], _CHUNKS[0][1])]],
        bufs[0].at[pl.ds(0, _CHUNKS[0][1])], rsems[0])
    inp_h = pltpu.async_copy(inp_hbm.at[:, pl.ds(s_base, _SPW)], inp_v, isem)

    for c, (off, n) in enumerate(_CHUNKS):
        cur = c & 1
        nxt = 1 - cur
        if c + 1 < len(_CHUNKS):
            for h in write_h[nxt]:
                h.wait()
            write_h[nxt] = []
            noff, nn = _CHUNKS[c + 1]
            read_h[nxt] = pltpu.async_copy(
                table_hbm.at[rows_v.at[pl.ds(noff, nn)]],
                bufs[nxt].at[pl.ds(0, nn)], rsems[nxt])
        read_h[cur].wait()
        for b in range(_BATCH):
            write_h[cur].append(pltpu.async_copy(
                bufs[cur].at[pl.ds(0, n)],
                out_hbm.at[b, pl.ds(s_base + off, n)],
                wsems[cur]))

    inp_h.wait()
    for h in range(_GRP // _LANES):
        acc = jnp.zeros((_LANES,), jnp.int32)
        for t in range(_LANES):
            flat = lanes * _LANES + (h * _LANES * _LANES + t)
            w = plsc.load_gather(inp_v, [flat >> 7, flat & (_SPW - 1)])
            acc = acc | jnp.where(w == 0, 1, 0)
        flags_v[pl.ds(h * _LANES, _LANES)] = acc

    for side in (0, 1):
        for h in write_h[side]:
            h.wait()

    fixbuf = buf0.at[pl.ds(0, _LANES)]
    for j in range(_GRP):
        b = j // (_SPW // _LANES)
        k = j % (_SPW // _LANES)
        fv = flags_v[pl.ds((j // _LANES) * _LANES, _LANES)]
        has_pad = fv[j % _LANES] > 0

        @pl.when(has_pad)
        def _fix(b=b, k=k):
            v = inp_v[b, pl.ds(k * _LANES, _LANES)]
            pos = lanes + (s_base + k * _LANES + 1)
            idx = jnp.where(v != 0, pos, 0)
            pltpu.async_copy(table_hbm.at[idx], fixbuf, fsem).wait()
            pltpu.async_copy(
                fixbuf,
                out_hbm.at[b, pl.ds(s_base + k * _LANES, _LANES)],
                fsem).wait()


def kernel(input, weights):
    return _sc_embed(input.astype(jnp.int32), weights)

# --- scband reference (transcript-rebuilt; emitter-appended) ---
"""Pipeline reference for scband-sinusoidal-positional-embedding-43276090474522 (READ-ONLY COPY).

The authoritative reference and input builder live on the scoring server;
editing this copy changes nothing except your own understanding.
"""

import jax, jax.numpy as jnp
import numpy as np
import math

EMBEDDING_DIM = 1024
PADDING_IDX = 0
LEFT_PAD = False
INIT_SIZE = 8192
BATCH = 4
SEQ_LEN = 4096


def get_embedding(num_embeddings, embedding_dim, padding_idx=None):
    half_dim = embedding_dim // 2
    emb = math.log(10000) / (half_dim - 1)
    emb = np.exp(np.arange(half_dim, dtype=np.float64) * -emb)
    emb = np.arange(num_embeddings, dtype=np.float64)[:, None] * emb[None, :]
    emb = np.concatenate([np.sin(emb), np.cos(emb)], axis=1).reshape(num_embeddings, -1)
    if embedding_dim % 2 == 1:
        emb = np.concatenate([emb, np.zeros((num_embeddings, 1))], axis=1)
    if padding_idx is not None:
        emb[padding_idx, :] = 0
    return jnp.asarray(emb, dtype=jnp.float32)


def setup_inputs(seed: int = 0) -> dict:
    key = jax.random.key(seed)
    k1, _ = jax.random.split(key)
    inp = jax.random.randint(k1, (BATCH, SEQ_LEN), 0, 50000, dtype=jnp.int32).astype(jnp.int64)
    weights = get_embedding(INIT_SIZE, EMBEDDING_DIM, PADDING_IDX)
    return {"input": inp, "weights": weights}


def reference(input, weights):
    # Input is [bsz, seqlen] token ids; produce positional embeddings,
    # ignoring padding symbols (padding_idx), right-padded (left_pad=False).
    input = input.astype(jnp.int32)
    bsz, seq_len = input.shape
    # make_positions: positions start at padding_idx + 1
    range_buf = jnp.arange(PADDING_IDX + 1, PADDING_IDX + 1 + seq_len, dtype=jnp.int32)
    positions = jnp.broadcast_to(range_buf[None, :], (bsz, seq_len))
    mask = jnp.not_equal(input, PADDING_IDX)
    if LEFT_PAD:
        positions = positions - seq_len + jnp.sum(mask.astype(jnp.int32), axis=1, keepdims=True)
    positions = jnp.where(mask, positions, input)
    # embedding gather
    out = jnp.take(weights, positions, axis=0)
    return out

if __name__ == "__main__":
    import jax
    _d = setup_inputs()
    print(jax.jit(kernel)(*tuple(_d.values())))

</pallas_src>

<mosaic_0001>
#map = affine_map<(d0, d1) -> (0, 0)>
#map1 = affine_map<(d0, d1) -> (0, 0, 0)>
module attributes {stable_mosaic.version = 14 : i64} {
  func.func @_sc_embed(%arg0: i32, %arg1: i32, %arg2: memref<4x4096xi32, #tpu.memory_space<hbm>>, %arg3: memref<8192x1024xf32, #tpu.memory_space<hbm>>, %arg4: memref<4x4096x1024xf32, #tpu.memory_space<hbm>>, %arg5: memref<4x128xi32, #tpu.memory_space<vmem>>, %arg6: memref<128xi32, #tpu.memory_space<vmem>>, %arg7: memref<64x1024xf32, #tpu.memory_space<vmem>>, %arg8: memref<56x1024xf32, #tpu.memory_space<vmem>>, %arg9: memref<32xi32, #tpu.memory_space<vmem>>, %arg10: memref<!tpu.dma_semaphore, #tpu.memory_space<semaphore_mem>>, %arg11: memref<!tpu.dma_semaphore, #tpu.memory_space<semaphore_mem>>, %arg12: memref<!tpu.dma_semaphore, #tpu.memory_space<semaphore_mem>>, %arg13: memref<!tpu.dma_semaphore, #tpu.memory_space<semaphore_mem>>, %arg14: memref<!tpu.dma_semaphore, #tpu.memory_space<semaphore_mem>>, %arg15: memref<!tpu.dma_semaphore, #tpu.memory_space<semaphore_mem>>) attributes {dimension_semantics = [#tpu.dimension_semantics<core_parallel>, #tpu.dimension_semantics<subcore_parallel>], iteration_bounds = array<i64: 2, 16>, scalar_prefetch = 0 : i64, scratch_operands = 11 : i64, tpu.core_type = #tpu.core_type<sc_vector_subcore>, window_params = [{transform_indices = #map}, {transform_indices = #map}, {transform_indices = #map1}]} {
    %mul3A = arith.constant 2 : i32
    %mul3A_0 = arith.muli %arg1, %mul3A : i32
    %add3A = arith.addi %mul3A_0, %arg0 : i32
    %mul3A_1 = arith.constant 128 : i32
    %mul3A_2 = arith.muli %add3A, %mul3A_1 : i32
    %iota3A = tpu.iota {dimensions = array<i32: 0>} : vector<16xi32>
    %add3A_3 = arith.constant 0 : i32
    %add3A_4 = arith.addi %mul3A_2, %add3A_3 : i32
    %add3A_5 = arith.constant 1 : i32
    %add3A_6 = arith.addi %add3A_4, %add3A_5 : i32
    %add3A_7 = vector.broadcast %add3A_6 : i32 to vector<16xi32>
    %add3A_8 = arith.addi %iota3A, %add3A_7 : vector<16xi32>
    %swap3A = arith.constant 0 : index
    %swap3A_9 = tpu.vector_load %arg6[%swap3A] {strides = array<i32>} : memref<128xi32, #tpu.memory_space<vmem>>, vector<16xi32>,
    tpu.vector_store %arg6[%swap3A], %add3A_8 {strides = array<i32>} : memref<128xi32, #tpu.memory_space<vmem>>, vector<16xi32>,
    %add3A_10 = arith.constant 16 : i32
    %add3A_11 = arith.addi %mul3A_2, %add3A_10 : i32
    %add3A_12 = arith.constant 1 : i32
    %add3A_13 = arith.addi %add3A_11, %add3A_12 : i32
    %add3A_14 = vector.broadcast %add3A_13 : i32 to vector<16xi32>
    %add3A_15 = arith.addi %iota3A, %add3A_14 : vector<16xi32>
    %swap3A_16 = arith.constant 16 : index
    %swap3A_17 = tpu.vector_load %arg6[%swap3A_16] {strides = array<i32>} : memref<128xi32, #tpu.memory_space<vmem>>, vector<16xi32>,
    tpu.vector_store %arg6[%swap3A_16], %add3A_15 {strides = array<i32>} : memref<128xi32, #tpu.memory_space<vmem>>, vector<16xi32>,
    %add3A_18 = arith.constant 32 : i32
    %add3A_19 = arith.addi %mul3A_2, %add3A_18 : i32
    %add3A_20 = arith.constant 1 : i32
    %add3A_21 = arith.addi %add3A_19, %add3A_20 : i32
    %add3A_22 = vector.broadcast %add3A_21 : i32 to vector<16xi32>
    %add3A_23 = arith.addi %iota3A, %add3A_22 : vector<16xi32>
    %swap3A_24 = arith.constant 32 : index
    %swap3A_25 = tpu.vector_load %arg6[%swap3A_24] {strides = array<i32>} : memref<128xi32, #tpu.memory_space<vmem>>, vector<16xi32>,
    tpu.vector_store %arg6[%swap3A_24], %add3A_23 {strides = array<i32>} : memref<128xi32, #tpu.memory_space<vmem>>, vector<16xi32>,
    %add3A_26 = arith.constant 48 : i32
    %add3A_27 = arith.addi %mul3A_2, %add3A_26 : i32
    %add3A_28 = arith.constant 1 : i32
    %add3A_29 = arith.addi %add3A_27, %add3A_28 : i32
    %add3A_30 = vector.broadcast %add3A_29 : i32 to vector<16xi32>
    %add3A_31 = arith.addi %iota3A, %add3A_30 : vector<16xi32>
    %swap3A_32 = arith.constant 48 : index
    %swap3A_33 = tpu.vector_load %arg6[%swap3A_32] {strides = array<i32>} : memref<128xi32, #tpu.memory_space<vmem>>, vector<16xi32>,
    tpu.vector_store %arg6[%swap3A_32], %add3A_31 {strides = array<i32>} : memref<128xi32, #tpu.memory_space<vmem>>, vector<16xi32>,
    %add3A_34 = arith.constant 64 : i32
    %add3A_35 = arith.addi %mul3A_2, %add3A_34 : i32
    %add3A_36 = arith.constant 1 : i32
    %add3A_37 = arith.addi %add3A_35, %add3A_36 : i32
    %add3A_38 = vector.broadcast %add3A_37 : i32 to vector<16xi32>
    %add3A_39 = arith.addi %iota3A, %add3A_38 : vector<16xi32>
    %swap3A_40 = arith.constant 64 : index
    %swap3A_41 = tpu.vector_load %arg6[%swap3A_40] {strides = array<i32>} : memref<128xi32, #tpu.memory_space<vmem>>, vector<16xi32>,
    tpu.vector_store %arg6[%swap3A_40], %add3A_39 {strides = array<i32>} : memref<128xi32, #tpu.memory_space<vmem>>, vector<16xi32>,
    %add3A_42 = arith.constant 80 : i32
    %add3A_43 = arith.addi %mul3A_2, %add3A_42 : i32
    %add3A_44 = arith.constant 1 : i32
    %add3A_45 = arith.addi %add3A_43, %add3A_44 : i32
    %add3A_46 = vector.broadcast %add3A_45 : i32 to vector<16xi32>
    %add3A_47 = arith.addi %iota3A, %add3A_46 : vector<16xi32>
    %swap3A_48 = arith.constant 80 : index
    %swap3A_49 = tpu.vector_load %arg6[%swap3A_48] {strides = array<i32>} : memref<128xi32, #tpu.memory_space<vmem>>, vector<16xi32>,
    tpu.vector_store %arg6[%swap3A_48], %add3A_47 {strides = array<i32>} : memref<128xi32, #tpu.memory_space<vmem>>, vector<16xi32>,
    %add3A_50 = arith.constant 96 : i32
    %add3A_51 = arith.addi %mul3A_2, %add3A_50 : i32
    %add3A_52 = arith.constant 1 : i32
    %add3A_53 = arith.addi %add3A_51, %add3A_52 : i32
    %add3A_54 = vector.broadcast %add3A_53 : i32 to vector<16xi32>
    %add3A_55 = arith.addi %iota3A, %add3A_54 : vector<16xi32>
    %swap3A_56 = arith.constant 96 : index
    %swap3A_57 = tpu.vector_load %arg6[%swap3A_56] {strides = array<i32>} : memref<128xi32, #tpu.memory_space<vmem>>, vector<16xi32>,
    tpu.vector_store %arg6[%swap3A_56], %add3A_55 {strides = array<i32>} : memref<128xi32, #tpu.memory_space<vmem>>, vector<16xi32>,
    %add3A_58 = arith.constant 112 : i32
    %add3A_59 = arith.addi %mul3A_2, %add3A_58 : i32
    %add3A_60 = arith.constant 1 : i32
    %add3A_61 = arith.addi %add3A_59, %add3A_60 : i32
    %add3A_62 = vector.broadcast %add3A_61 : i32 to vector<16xi32>
    %add3A_63 = arith.addi %iota3A, %add3A_62 : vector<16xi32>
    %swap3A_64 = arith.constant 112 : index
    %swap3A_65 = tpu.vector_load %arg6[%swap3A_64] {strides = array<i32>} : memref<128xi32, #tpu.memory_space<vmem>>, vector<16xi32>,
    tpu.vector_store %arg6[%swap3A_64], %add3A_63 {strides = array<i32>} : memref<128xi32, #tpu.memory_space<vmem>>, vector<16xi32>,
    %dma_start3A = arith.constant 0 : i32
    %dma_start3A_66 = arith.constant 0 : i32
    %dma_start3A_67 = tpu.memref_slice %arg7[%dma_start3A, %dma_start3A_66] : memref<64x1024xf32, #tpu.memory_space<vmem>> -> memref<64x1024xf32, #tpu.memory_space<vmem>>
    %dma_start3A_68 = arith.constant 0 : i32
    %dma_start3A_69 = tpu.memref_slice %arg6[%dma_start3A_68] : memref<128xi32, #tpu.memory_space<vmem>> -> memref<64xi32, #tpu.memory_space<vmem>>
    %dma_start3A_70 = arith.constant 0 : i32
    %dma_start3A_71 = arith.constant 0 : i32
    %dma_start3A_72 = tpu.memref_slice %arg3[%dma_start3A_70, %dma_start3A_71] : memref<8192x1024xf32, #tpu.memory_space<hbm>> -> memref<8192x1024xf32, #tpu.memory_space<hbm>>
    tpu.enqueue_indirect_dma source(%dma_start3A_72 : memref<8192x1024xf32, #tpu.memory_space<hbm>>) target(%dma_start3A_67 : memref<64x1024xf32, #tpu.memory_space<vmem>>) offsets(%dma_start3A_69 : memref<64xi32, #tpu.memory_space<vmem>>) semaphore(%arg10 : memref<!tpu.dma_semaphore, #tpu.memory_space<semaphore_mem>>)
    %dma_start3A_73 = arith.constant 0 : i32
    %dma_start3A_74 = tpu.memref_slice %arg2[%dma_start3A_73, %mul3A_2] : memref<4x4096xi32, #tpu.memory_space<hbm>> -> memref<4x128xi32, #tpu.memory_space<hbm>>
    %dma_start3A_75 = arith.constant 0 : i32
    %dma_start3A_76 = tpu.memref_slice %arg2[%dma_start3A_75, %mul3A_2] : memref<4x4096xi32, #tpu.memory_space<hbm>> -> memref<4x128xi32, #tpu.memory_space<hbm>>
    tpu.enqueue_dma source(%dma_start3A_76 : memref<4x128xi32, #tpu.memory_space<hbm>>) target(%arg5 : memref<4x128xi32, #tpu.memory_space<vmem>>) target_semaphore(%arg14 : memref<!tpu.dma_semaphore, #tpu.memory_space<semaphore_mem>>)
    %dma_start3A_77 = arith.constant 0 : i32
    %dma_start3A_78 = arith.constant 0 : i32
    %dma_start3A_79 = tpu.memref_slice %arg8[%dma_start3A_77, %dma_start3A_78] : memref<56x1024xf32, #tpu.memory_space<vmem>> -> memref<56x1024xf32, #tpu.memory_space<vmem>>
    %dma_start3A_80 = arith.constant 64 : i32
    %dma_start3A_81 = tpu.memref_slice %arg6[%dma_start3A_80] : memref<128xi32, #tpu.memory_space<vmem>> -> memref<56xi32, #tpu.memory_space<vmem>>
    %dma_start3A_82 = arith.constant 0 : i32
    %dma_start3A_83 = arith.constant 0 : i32
    %dma_start3A_84 = tpu.memref_slice %arg3[%dma_start3A_82, %dma_start3A_83] : memref<8192x1024xf32, #tpu.memory_space<hbm>> -> memref<8192x1024xf32, #tpu.memory_space<hbm>>
    tpu.enqueue_indirect_dma source(%dma_start3A_84 : memref<8192x1024xf32, #tpu.memory_space<hbm>>) target(%dma_start3A_79 : memref<56x1024xf32, #tpu.memory_space<vmem>>) offsets(%dma_start3A_81 : memref<56xi32, #tpu.memory_space<vmem>>) semaphore(%arg11 : memref<!tpu.dma_semaphore, #tpu.memory_space<semaphore_mem>>)
    %dma_wait3A = arith.constant 0 : i32
    %dma_wait3A_85 = arith.constant 0 : i32
    %dma_wait3A_86 = tpu.memref_slice %arg7[%dma_wait3A, %dma_wait3A_85] : memref<64x1024xf32, #tpu.memory_space<vmem>> -> memref<64x1024xf32, #tpu.memory_space<vmem>>
    %dma_wait3A_87 = arith.constant 0 : i32
    %dma_wait3A_88 = tpu.memref_slice %arg6[%dma_wait3A_87] : memref<128xi32, #tpu.memory_space<vmem>> -> memref<64xi32, #tpu.memory_space<vmem>>
    %dma_wait3A_89 = arith.constant 0 : i32
    %dma_wait3A_90 = arith.constant 0 : i32
    %dma_wait3A_91 = tpu.memref_slice %arg3[%dma_wait3A_89, %dma_wait3A_90] : memref<8192x1024xf32, #tpu.memory_space<hbm>> -> memref<8192x1024xf32, #tpu.memory_space<hbm>>
    tpu.wait_indirect_dma semaphore(%arg10 : memref<!tpu.dma_semaphore, #tpu.memory_space<semaphore_mem>>) src(%dma_wait3A_91 : memref<8192x1024xf32, #tpu.memory_space<hbm>>) dst(%dma_wait3A_86 : memref<64x1024xf32, #tpu.memory_space<vmem>>)
    %add3A_92 = arith.constant 0 : i32
    %add3A_93 = arith.addi %mul3A_2, %add3A_92 : i32
    %dma_start3A_94 = arith.constant 0 : i32
    %dma_start3A_95 = arith.constant 0 : i32
    %dma_start3A_96 = arith.constant 0 : i32
    %dma_start3A_97 = tpu.memref_slice %arg7[%dma_start3A_95, %dma_start3A_96] : memref<64x1024xf32, #tpu.memory_space<vmem>> -> memref<64x1024xf32, #tpu.memory_space<vmem>>
    %dma_start3A_98 = arith.constant 0 : i32
    %dma_start3A_99 = tpu.memref_slice %arg4[%dma_start3A_94, %add3A_93, %dma_start3A_98] : memref<4x4096x1024xf32, #tpu.memory_space<hbm>> -> memref<1x64x1024xf32, #tpu.memory_space<hbm>>
    %dma_start3A_100 = tpu.memref_squeeze %dma_start3A_99 : memref<1x64x1024xf32, #tpu.memory_space<hbm>> -> memref<64x1024xf32, #tpu.memory_space<hbm>>
    %dma_start3A_101 = arith.constant 0 : i32
    %dma_start3A_102 = tpu.memref_slice %arg4[%dma_start3A_94, %add3A_93, %dma_start3A_101] : memref<4x4096x1024xf32, #tpu.memory_space<hbm>> -> memref<1x64x1024xf32, #tpu.memory_space<hbm>>
    %dma_start3A_103 = tpu.memref_squeeze %dma_start3A_102 : memref<1x64x1024xf32, #tpu.memory_space<hbm>> -> memref<64x1024xf32, #tpu.memory_space<hbm>>
    %dma_start3A_104 = arith.constant 0 : i32
    %dma_start3A_105 = arith.constant 0 : i32
    %dma_start3A_106 = tpu.memref_slice %arg7[%dma_start3A_104, %dma_start3A_105] : memref<64x1024xf32, #tpu.memory_space<vmem>> -> memref<64x1024xf32, #tpu.memory_space<vmem>>
    tpu.enqueue_dma source(%dma_start3A_106 : memref<64x1024xf32, #tpu.memory_space<vmem>>) target(%dma_start3A_103 : memref<64x1024xf32, #tpu.memory_space<hbm>>) target_semaphore(%arg12 : memref<!tpu.dma_semaphore, #tpu.memory_space<semaphore_mem>>)
    %add3A_107 = arith.constant 0 : i32
    %add3A_108 = arith.addi %mul3A_2, %add3A_107 : i32
    %dma_start3A_109 = arith.constant 1 : i32
    %dma_start3A_110 = arith.constant 0 : i32
    %dma_start3A_111 = arith.constant 0 : i32
    %dma_start3A_112 = tpu.memref_slice %arg7[%dma_start3A_110, %dma_start3A_111] : memref<64x1024xf32, #tpu.memory_space<vmem>> -> memref<64x1024xf32, #tpu.memory_space<vmem>>
    %dma_start3A_113 = arith.constant 0 : i32
    %dma_start3A_114 = tpu.memref_slice %arg4[%dma_start3A_109, %add3A_108, %dma_start3A_113] : memref<4x4096x1024xf32, #tpu.memory_space<hbm>> -> memref<1x64x1024xf32, #tpu.memory_space<hbm>>
    %dma_start3A_115 = tpu.memref_squeeze %dma_start3A_114 : memref<1x64x1024xf32, #tpu.memory_space<hbm>> -> memref<64x1024xf32, #tpu.memory_space<hbm>>
    %dma_start3A_116 = arith.constant 0 : i32
    %dma_start3A_117 = tpu.memref_slice %arg4[%dma_start3A_109, %add3A_108, %dma_start3A_116] : memref<4x4096x1024xf32, #tpu.memory_space<hbm>> -> memref<1x64x1024xf32, #tpu.memory_space<hbm>>
    %dma_start3A_118 = tpu.memref_squeeze %dma_start3A_117 : memref<1x64x1024xf32, #tpu.memory_space<hbm>> -> memref<64x1024xf32, #tpu.memory_space<hbm>>
    %dma_start3A_119 = arith.constant 0 : i32
    %dma_start3A_120 = arith.constant 0 : i32
    %dma_start3A_121 = tpu.memref_slice %arg7[%dma_start3A_119, %dma_start3A_120] : memref<64x1024xf32, #tpu.memory_space<vmem>> -> memref<64x1024xf32, #tpu.memory_space<vmem>>
    tpu.enqueue_dma source(%dma_start3A_121 : memref<64x1024xf32, #tpu.memory_space<vmem>>) target(%dma_start3A_118 : memref<64x1024xf32, #tpu.memory_space<hbm>>) target_semaphore(%arg12 : memref<!tpu.dma_semaphore, #tpu.memory_space<semaphore_mem>>)
    %add3A_122 = arith.constant 0 : i32
    %add3A_123 = arith.addi %mul3A_2, %add3A_122 : i32
    %dma_start3A_124 = arith.constant 2 : i32
    %dma_start3A_125 = arith.constant 0 : i32
    %dma_start3A_126 = arith.constant 0 : i32
    %dma_start3A_127 = tpu.memref_slice %arg7[%dma_start3A_125, %dma_start3A_126] : memref<64x1024xf32, #tpu.memory_space<vmem>> -> memref<64x1024xf32, #tpu.memory_space<vmem>>
    %dma_start3A_128 = arith.constant 0 : i32
    %dma_start3A_129 = tpu.memref_slice %arg4[%dma_start3A_124, %add3A_123, %dma_start3A_128] : memref<4x4096x1024xf32, #tpu.memory_space<hbm>> -> memref<1x64x1024xf32, #tpu.memory_space<hbm>>
    %dma_start3A_130 = tpu.memref_squeeze %dma_start3A_129 : memref<1x64x1024xf32, #tpu.memory_space<hbm>> -> memref<64x1024xf32, #tpu.memory_space<hbm>>
    %dma_start3A_131 = arith.constant 0 : i32
    %dma_start3A_132 = tpu.memref_slice %arg4[%dma_start3A_124, %add3A_123, %dma_start3A_131] : memref<4x4096x1024xf32, #tpu.memory_space<hbm>> -> memref<1x64x1024xf32, #tpu.memory_space<hbm>>
    %dma_start3A_133 = tpu.memref_squeeze %dma_start3A_132 : memref<1x64x1024xf32, #tpu.memory_space<hbm>> -> memref<64x1024xf32, #tpu.memory_space<hbm>>
    %dma_start3A_134 = arith.constant 0 : i32
    %dma_start3A_135 = arith.constant 0 : i32
    %dma_start3A_136 = tpu.memref_slice %arg7[%dma_start3A_134, %dma_start3A_135] : memref<64x1024xf32, #tpu.memory_space<vmem>> -> memref<64x1024xf32, #tpu.memory_space<vmem>>
    tpu.enqueue_dma source(%dma_start3A_136 : memref<64x1024xf32, #tpu.memory_space<vmem>>) target(%dma_start3A_133 : memref<64x1024xf32, #tpu.memory_space<hbm>>) target_semaphore(%arg12 : memref<!tpu.dma_semaphore, #tpu.memory_space<semaphore_mem>>)
    %add3A_137 = arith.constant 0 : i32
    %add3A_138 = arith.addi %mul3A_2, %add3A_137 : i32
    %dma_start3A_139 = arith.constant 3 : i32
    %dma_start3A_140 = arith.constant 0 : i32
    %dma_start3A_141 = arith.constant 0 : i32
    %dma_start3A_142 = tpu.memref_slice %arg7[%dma_start3A_140, %dma_start3A_141] : memref<64x1024xf32, #tpu.memory_space<vmem>> -> memref<64x1024xf32, #tpu.memory_space<vmem>>
    %dma_start3A_143 = arith.constant 0 : i32
    %dma_start3A_144 = tpu.memref_slice %arg4[%dma_start3A_139, %add3A_138, %dma_start3A_143] : memref<4x4096x1024xf32, #tpu.memory_space<hbm>> -> memref<1x64x1024xf32, #tpu.memory_space<hbm>>
    %dma_start3A_145 = tpu.memref_squeeze %dma_start3A_144 : memref<1x64x1024xf32, #tpu.memory_space<hbm>> -> memref<64x1024xf32, #tpu.memory_space<hbm>>
    %dma_start3A_146 = arith.constant 0 : i32
    %dma_start3A_147 = tpu.memref_slice %arg4[%dma_start3A_139, %add3A_138, %dma_start3A_146] : memref<4x4096x1024xf32, #tpu.memory_space<hbm>> -> memref<1x64x1024xf32, #tpu.memory_space<hbm>>
    %dma_start3A_148 = tpu.memref_squeeze %dma_start3A_147 : memref<1x64x1024xf32, #tpu.memory_space<hbm>> -> memref<64x1024xf32, #tpu.memory_space<hbm>>
    %dma_start3A_149 = arith.constant 0 : i32
    %dma_start3A_150 = arith.constant 0 : i32
    %dma_start3A_151 = tpu.memref_slice %arg7[%dma_start3A_149, %dma_start3A_150] : memref<64x1024xf32, #tpu.memory_space<vmem>> -> memref<64x1024xf32, #tpu.memory_space<vmem>>
    tpu.enqueue_dma source(%dma_start3A_151 : memref<64x1024xf32, #tpu.memory_space<vmem>>) target(%dma_start3A_148 : memref<64x1024xf32, #tpu.memory_space<hbm>>) target_semaphore(%arg12 : memref<!tpu.dma_semaphore, #tpu.memory_space<semaphore_mem>>)
    %dma_wait3A_152 = arith.constant 0 : i32
    %dma_wait3A_153 = arith.constant 0 : i32
    %dma_wait3A_154 = arith.constant 0 : i32
    %dma_wait3A_155 = tpu.memref_slice %arg7[%dma_wait3A_153, %dma_wait3A_154] : memref<64x1024xf32, #tpu.memory_space<vmem>> -> memref<64x1024xf32, #tpu.memory_space<vmem>>
    %dma_wait3A_156 = arith.constant 0 : i32
    %dma_wait3A_157 = tpu.memref_slice %arg4[%dma_wait3A_152, %add3A_93, %dma_wait3A_156] : memref<4x4096x1024xf32, #tpu.memory_space<hbm>> -> memref<1x64x1024xf32, #tpu.memory_space<hbm>>
    %dma_wait3A_158 = tpu.memref_squeeze %dma_wait3A_157 : memref<1x64x1024xf32, #tpu.memory_space<hbm>> -> memref<64x1024xf32, #tpu.memory_space<hbm>>
    %dma_wait3A_159 = arith.constant 0 : i32
    %dma_wait3A_160 = tpu.memref_slice %arg4[%dma_wait3A_152, %add3A_93, %dma_wait3A_159] : memref<4x4096x1024xf32, #tpu.memory_space<hbm>> -> memref<1x64x1024xf32, #tpu.memory_space<hbm>>
    %dma_wait3A_161 = tpu.memref_squeeze %dma_wait3A_160 : memref<1x64x1024xf32, #tpu.memory_space<hbm>> -> memref<64x1024xf32, #tpu.memory_space<hbm>>
    %dma_wait3A_162 = arith.constant 0 : i32
    %dma_wait3A_163 = arith.constant 0 : i32
    %dma_wait3A_164 = tpu.memref_slice %arg7[%dma_wait3A_162, %dma_wait3A_163] : memref<64x1024xf32, #tpu.memory_space<vmem>> -> memref<64x1024xf32, #tpu.memory_space<vmem>>
    tpu.wait_dma2 semaphore(%arg12 : memref<!tpu.dma_semaphore, #tpu.memory_space<semaphore_mem>>) src(%dma_wait3A_164 : memref<64x1024xf32, #tpu.memory_space<vmem>>) dst(%dma_wait3A_161 : memref<64x1024xf32, #tpu.memory_space<hbm>>)
    %dma_wait3A_165 = arith.constant 1 : i32
    %dma_wait3A_166 = arith.constant 0 : i32
    %dma_wait3A_167 = arith.constant 0 : i32
    %dma_wait3A_168 = tpu.memref_slice %arg7[%dma_wait3A_166, %dma_wait3A_167] : memref<64x1024xf32, #tpu.memory_space<vmem>> -> memref<64x1024xf32, #tpu.memory_space<vmem>>
    %dma_wait3A_169 = arith.constant 0 : i32
    %dma_wait3A_170 = tpu.memref_slice %arg4[%dma_wait3A_165, %add3A_108, %dma_wait3A_169] : memref<4x4096x1024xf32, #tpu.memory_space<hbm>> -> memref<1x64x1024xf32, #tpu.memory_space<hbm>>
    %dma_wait3A_171 = tpu.memref_squeeze %dma_wait3A_170 : memref<1x64x1024xf32, #tpu.memory_space<hbm>> -> memref<64x1024xf32, #tpu.memory_space<hbm>>
    %dma_wait3A_172 = arith.constant 0 : i32
    %dma_wait3A_173 = tpu.memref_slice %arg4[%dma_wait3A_165, %add3A_108, %dma_wait3A_172] : memref<4x4096x1024xf32, #tpu.memory_space<hbm>> -> memref<1x64x1024xf32, #tpu.memory_space<hbm>>
    %dma_wait3A_174 = tpu.memref_squeeze %dma_wait3A_173 : memref<1x64x1024xf32, #tpu.memory_space<hbm>> -> memref<64x1024xf32, #tpu.memory_space<hbm>>
    %dma_wait3A_175 = arith.constant 0 : i32
    %dma_wait3A_176 = arith.constant 0 : i32
    %dma_wait3A_177 = tpu.memref_slice %arg7[%dma_wait3A_175, %dma_wait3A_176] : memref<64x1024xf32, #tpu.memory_space<vmem>> -> memref<64x1024xf32, #tpu.memory_space<vmem>>
    tpu.wait_dma2 semaphore(%arg12 : memref<!tpu.dma_semaphore, #tpu.memory_space<semaphore_mem>>) src(%dma_wait3A_177 : memref<64x1024xf32, #tpu.memory_space<vmem>>) dst(%dma_wait3A_174 : memref<64x1024xf32, #tpu.memory_space<hbm>>)
    %dma_wait3A_178 = arith.constant 2 : i32
    %dma_wait3A_179 = arith.constant 0 : i32
    %dma_wait3A_180 = arith.constant 0 : i32
    %dma_wait3A_181 = tpu.memref_slice %arg7[%dma_wait3A_179, %dma_wait3A_180] : memref<64x1024xf32, #tpu.memory_space<vmem>> -> memref<64x1024xf32, #tpu.memory_space<vmem>>
    %dma_wait3A_182 = arith.constant 0 : i32
    %dma_wait3A_183 = tpu.memref_slice %arg4[%dma_wait3A_178, %add3A_123, %dma_wait3A_182] : memref<4x4096x1024xf32, #tpu.memory_space<hbm>> -> memref<1x64x1024xf32, #tpu.memory_space<hbm>>
    %dma_wait3A_184 = tpu.memref_squeeze %dma_wait3A_183 : memref<1x64x1024xf32, #tpu.memory_space<hbm>> -> memref<64x1024xf32, #tpu.memory_space<hbm>>
    %dma_wait3A_185 = arith.constant 0 : i32
    %dma_wait3A_186 = tpu.memref_slice %arg4[%dma_wait3A_178, %add3A_123, %dma_wait3A_185] : memref<4x4096x1024xf32, #tpu.memory_space<hbm>> -> memref<1x64x1024xf32, #tpu.memory_space<hbm>>
    %dma_wait3A_187 = tpu.memref_squeeze %dma_wait3A_186 : memref<1x64x1024xf32, #tpu.memory_space<hbm>> -> memref<64x1024xf32, #tpu.memory_space<hbm>>
    %dma_wait3A_188 = arith.constant 0 : i32
    %dma_wait3A_189 = arith.constant 0 : i32
    %dma_wait3A_190 = tpu.memref_slice %arg7[%dma_wait3A_188, %dma_wait3A_189] : memref<64x1024xf32, #tpu.memory_space<vmem>> -> memref<64x1024xf32, #tpu.memory_space<vmem>>
    tpu.wait_dma2 semaphore(%arg12 : memref<!tpu.dma_semaphore, #tpu.memory_space<semaphore_mem>>) src(%dma_wait3A_190 : memref<64x1024xf32, #tpu.memory_space<vmem>>) dst(%dma_wait3A_187 : memref<64x1024xf32, #tpu.memory_space<hbm>>)
    %dma_wait3A_191 = arith.constant 3 : i32
    %dma_wait3A_192 = arith.constant 0 : i32
    %dma_wait3A_193 = arith.constant 0 : i32
    %dma_wait3A_194 = tpu.memref_slice %arg7[%dma_wait3A_192, %dma_wait3A_193] : memref<64x1024xf32, #tpu.memory_space<vmem>> -> memref<64x1024xf32, #tpu.memory_space<vmem>>
    %dma_wait3A_195 = arith.constant 0 : i32
    %dma_wait3A_196 = tpu.memref_slice %arg4[%dma_wait3A_191, %add3A_138, %dma_wait3A_195] : memref<4x4096x1024xf32, #tpu.memory_space<hbm>> -> memref<1x64x1024xf32, #tpu.memory_space<hbm>>
    %dma_wait3A_197 = tpu.memref_squeeze %dma_wait3A_196 : memref<1x64x1024xf32, #tpu.memory_space<hbm>> -> memref<64x1024xf32, #tpu.memory_space<hbm>>
    %dma_wait3A_198 = arith.constant 0 : i32
    %dma_wait3A_199 = tpu.memref_slice %arg4[%dma_wait3A_191, %add3A_138, %dma_wait3A_198] : memref<4x4096x1024xf32, #tpu.memory_space<hbm>> -> memref<1x64x1024xf32, #tpu.memory_space<hbm>>
    %dma_wait3A_200 = tpu.memref_squeeze %dma_wait3A_199 : memref<1x64x1024xf32, #tpu.memory_space<hbm>> -> memref<64x1024xf32, #tpu.memory_space<hbm>>
    %dma_wait3A_201 = arith.constant 0 : i32
    %dma_wait3A_202 = arith.constant 0 : i32
    %dma_wait3A_203 = tpu.memref_slice %arg7[%dma_wait3A_201, %dma_wait3A_202] : memref<64x1024xf32, #tpu.memory_space<vmem>> -> memref<64x1024xf32, #tpu.memory_space<vmem>>
    tpu.wait_dma2 semaphore(%arg12 : memref<!tpu.dma_semaphore, #tpu.memory_space<semaphore_mem>>) src(%dma_wait3A_203 : memref<64x1024xf32, #tpu.memory_space<vmem>>) dst(%dma_wait3A_200 : memref<64x1024xf32, #tpu.memory_space<hbm>>)
    %dma_start3A_204 = arith.constant 0 : i32
    %dma_start3A_205 = arith.constant 0 : i32
    %dma_start3A_206 = tpu.memref_slice %arg7[%dma_start3A_204, %dma_start3A_205] : memref<64x1024xf32, #tpu.memory_space<vmem>> -> memref<8x1024xf32, #tpu.memory_space<vmem>>
    %dma_start3A_207 = arith.constant 120 : i32
    %dma_start3A_208 = tpu.memref_slice %arg6[%dma_start3A_207] : memref<128xi32, #tpu.memory_space<vmem>> -> memref<8xi32, #tpu.memory_space<vmem>>
    %dma_start3A_209 = arith.constant 0 : i32
    %dma_start3A_210 = arith.constant 0 : i32
    %dma_start3A_211 = tpu.memref_slice %arg3[%dma_start3A_209, %dma_start3A_210] : memref<8192x1024xf32, #tpu.memory_space<hbm>> -> memref<8192x1024xf32, #tpu.memory_space<hbm>>
    tpu.enqueue_indirect_dma source(%dma_start3A_211 : memref<8192x1024xf32, #tpu.memory_space<hbm>>) target(%dma_start3A_206 : memref<8x1024xf32, #tpu.memory_space<vmem>>) offsets(%dma_start3A_208 : memref<8xi32, #tpu.memory_space<vmem>>) semaphore(%arg10 : memref<!tpu.dma_semaphore, #tpu.memory_space<semaphore_mem>>)
    %dma_wait3A_212 = arith.constant 0 : i32
    %dma_wait3A_213 = arith.constant 0 : i32
    %dma_wait3A_214 = tpu.memref_slice %arg8[%dma_wait3A_212, %dma_wait3A_213] : memref<56x1024xf32, #tpu.memory_space<vmem>> -> memref<56x1024xf32, #tpu.memory_space<vmem>>
    %dma_wait3A_215 = arith.constant 64 : i32
    %dma_wait3A_216 = tpu.memref_slice %arg6[%dma_wait3A_215] : memref<128xi32, #tpu.memory_space<vmem>> -> memref<56xi32, #tpu.memory_space<vmem>>
    %dma_wait3A_217 = arith.constant 0 : i32
    %dma_wait3A_218 = arith.constant 0 : i32
    %dma_wait3A_219 = tpu.memref_slice %arg3[%dma_wait3A_217, %dma_wait3A_218] : memref<8192x1024xf32, #tpu.memory_space<hbm>> -> memref<8192x1024xf32, #tpu.memory_space<hbm>>
    tpu.wait_indirect_dma semaphore(%arg11 : memref<!tpu.dma_semaphore, #tpu.memory_space<semaphore_mem>>) src(%dma_wait3A_219 : memref<8192x1024xf32, #tpu.memory_space<hbm>>) dst(%dma_wait3A_214 : memref<56x1024xf32, #tpu.memory_space<vmem>>)
    %add3A_220 = arith.constant 64 : i32
    %add3A_221 = arith.addi %mul3A_2, %add3A_220 : i32
    %dma_start3A_222 = arith.constant 0 : i32
    %dma_start3A_223 = arith.constant 0 : i32
    %dma_start3A_224 = arith.constant 0 : i32
    %dma_start3A_225 = tpu.memref_slice %arg8[%dma_start3A_223, %dma_start3A_224] : memref<56x1024xf32, #tpu.memory_space<vmem>> -> memref<56x1024xf32, #tpu.memory_space<vmem>>
    %dma_start3A_226 = arith.constant 0 : i32
    %dma_start3A_227 = tpu.memref_slice %arg4[%dma_start3A_222, %add3A_221, %dma_start3A_226] : memref<4x4096x1024xf32, #tpu.memory_space<hbm>> -> memref<1x56x1024xf32, #tpu.memory_space<hbm>>
    %dma_start3A_228 = tpu.memref_squeeze %dma_start3A_227 : memref<1x56x1024xf32, #tpu.memory_space<hbm>> -> memref<56x1024xf32, #tpu.memory_space<hbm>>
    %dma_start3A_229 = arith.constant 0 : i32
    %dma_start3A_230 = tpu.memref_slice %arg4[%dma_start3A_222, %add3A_221, %dma_start3A_229] : memref<4x4096x1024xf32, #tpu.memory_space<hbm>> -> memref<1x56x1024xf32, #tpu.memory_space<hbm>>
    %dma_start3A_231 = tpu.memref_squeeze %dma_start3A_230 : memref<1x56x1024xf32, #tpu.memory_space<hbm>> -> memref<56x1024xf32, #tpu.memory_space<hbm>>
    %dma_start3A_232 = arith.constant 0 : i32
    %dma_start3A_233 = arith.constant 0 : i32
    %dma_start3A_234 = tpu.memref_slice %arg8[%dma_start3A_232, %dma_start3A_233] : memref<56x1024xf32, #tpu.memory_space<vmem>> -> memref<56x1024xf32, #tpu.memory_space<vmem>>
    tpu.enqueue_dma source(%dma_start3A_234 : memref<56x1024xf32, #tpu.memory_space<vmem>>) target(%dma_start3A_231 : memref<56x1024xf32, #tpu.memory_space<hbm>>) target_semaphore(%arg13 : memref<!tpu.dma_semaphore, #tpu.memory_space<semaphore_mem>>)
    %add3A_235 = arith.constant 64 : i32
    %add3A_236 = arith.addi %mul3A_2, %add3A_235 : i32
    %dma_start3A_237 = arith.constant 1 : i32
    %dma_start3A_238 = arith.constant 0 : i32
    %dma_start3A_239 = arith.constant 0 : i32
    %dma_start3A_240 = tpu.memref_slice %arg8[%dma_start3A_238, %dma_start3A_239] : memref<56x1024xf32, #tpu.memory_space<vmem>> -> memref<56x1024xf32, #tpu.memory_space<vmem>>
    %dma_start3A_241 = arith.constant 0 : i32
    %dma_start3A_242 = tpu.memref_slice %arg4[%dma_start3A_237, %add3A_236, %dma_start3A_241] : memref<4x4096x1024xf32, #tpu.memory_space<hbm>> -> memref<1x56x1024xf32, #tpu.memory_space<hbm>>
    %dma_start3A_243 = tpu.memref_squeeze %dma_start3A_242 : memref<1x56x1024xf32, #tpu.memory_space<hbm>> -> memref<56x1024xf32, #tpu.memory_space<hbm>>
    %dma_start3A_244 = arith.constant 0 : i32
    %dma_start3A_245 = tpu.memref_slice %arg4[%dma_start3A_237, %add3A_236, %dma_start3A_244] : memref<4x4096x1024xf32, #tpu.memory_space<hbm>> -> memref<1x56x1024xf32, #tpu.memory_space<hbm>>
    %dma_start3A_246 = tpu.memref_squeeze %dma_start3A_245 : memref<1x56x1024xf32, #tpu.memory_space<hbm>> -> memref<56x1024xf32, #tpu.memory_space<hbm>>
    %dma_start3A_247 = arith.constant 0 : i32
    %dma_start3A_248 = arith.constant 0 : i32
    %dma_start3A_249 = tpu.memref_slice %arg8[%dma_start3A_247, %dma_start3A_248] : memref<56x1024xf32, #tpu.memory_space<vmem>> -> memref<56x1024xf32, #tpu.memory_space<vmem>>
    tpu.enqueue_dma source(%dma_start3A_249 : memref<56x1024xf32, #tpu.memory_space<vmem>>) target(%dma_start3A_246 : memref<56x1024xf32, #tpu.memory_space<hbm>>) target_semaphore(%arg13 : memref<!tpu.dma_semaphore, #tpu.memory_space<semaphore_mem>>)
    %add3A_250 = arith.constant 64 : i32
    %add3A_251 = arith.addi %mul3A_2, %add3A_250 : i32
    %dma_start3A_252 = arith.constant 2 : i32
    %dma_start3A_253 = arith.constant 0 : i32
    %dma_start3A_254 = arith.constant 0 : i32
    %dma_start3A_255 = tpu.memref_slice %arg8[%dma_start3A_253, %dma_start3A_254] : memref<56x1024xf32, #tpu.memory_space<vmem>> -> memref<56x1024xf32, #tpu.memory_space<vmem>>
    %dma_start3A_256 = arith.constant 0 : i32
    %dma_start3A_257 = tpu.memref_slice %arg4[%dma_start3A_252, %add3A_251, %dma_start3A_256] : memref<4x4096x1024xf32, #tpu.memory_space<hbm>> -> memref<1x56x1024xf32, #tpu.memory_space<hbm>>
    %dma_start3A_258 = tpu.memref_squeeze %dma_start3A_257 : memref<1x56x1024xf32, #tpu.memory_space<hbm>> -> memref<56x1024xf32, #tpu.memory_space<hbm>>
    %dma_start3A_259 = arith.constant 0 : i32
    %dma_start3A_260 = tpu.memref_slice %arg4[%dma_start3A_252, %add3A_251, %dma_start3A_259] : memref<4x4096x1024xf32, #tpu.memory_space<hbm>> -> memref<1x56x1024xf32, #tpu.memory_space<hbm>>
    %dma_start3A_261 = tpu.memref_squeeze %dma_start3A_260 : memref<1x56x1024xf32, #tpu.memory_space<hbm>> -> memref<56x1024xf32, #tpu.memory_space<hbm>>
    %dma_start3A_262 = arith.constant 0 : i32
    %dma_start3A_263 = arith.constant 0 : i32
    %dma_start3A_264 = tpu.memref_slice %arg8[%dma_start3A_262, %dma_start3A_263] : memref<56x1024xf32, #tpu.memory_space<vmem>> -> memref<56x1024xf32, #tpu.memory_space<vmem>>
    tpu.enqueue_dma source(%dma_start3A_264 : memref<56x1024xf32, #tpu.memory_space<vmem>>) target(%dma_start3A_261 : memref<56x1024xf32, #tpu.memory_space<hbm>>) target_semaphore(%arg13 : memref<!tpu.dma_semaphore, #tpu.memory_space<semaphore_mem>>)
    %add3A_265 = arith.constant 64 : i32
    %add3A_266 = arith.addi %mul3A_2, %add3A_265 : i32
    %dma_start3A_267 = arith.constant 3 : i32
    %dma_start3A_268 = arith.constant 0 : i32
    %dma_start3A_269 = arith.constant 0 : i32
    %dma_start3A_270 = tpu.memref_slice %arg8[%dma_start3A_268, %dma_start3A_269] : memref<56x1024xf32, #tpu.memory_space<vmem>> -> memref<56x1024xf32, #tpu.memory_space<vmem>>
    %dma_start3A_271 = arith.constant 0 : i32
    %dma_start3A_272 = tpu.memref_slice %arg4[%dma_start3A_267, %add3A_266, %dma_start3A_271] : memref<4x4096x1024xf32, #tpu.memory_space<hbm>> -> memref<1x56x1024xf32, #tpu.memory_space<hbm>>
    %dma_start3A_273 = tpu.memref_squeeze %dma_start3A_272 : memref<1x56x1024xf32, #tpu.memory_space<hbm>> -> memref<56x1024xf32, #tpu.memory_space<hbm>>
    %dma_start3A_274 = arith.constant 0 : i32
    %dma_start3A_275 = tpu.memref_slice %arg4[%dma_start3A_267, %add3A_266, %dma_start3A_274] : memref<4x4096x1024xf32, #tpu.memory_space<hbm>> -> memref<1x56x1024xf32, #tpu.memory_space<hbm>>
    %dma_start3A_276 = tpu.memref_squeeze %dma_start3A_275 : memref<1x56x1024xf32, #tpu.memory_space<hbm>> -> memref<56x1024xf32, #tpu.memory_space<hbm>>
    %dma_start3A_277 = arith.constant 0 : i32
    %dma_start3A_278 = arith.constant 0 : i32
    %dma_start3A_279 = tpu.memref_slice %arg8[%dma_start3A_277, %dma_start3A_278] : memref<56x1024xf32, #tpu.memory_space<vmem>> -> memref<56x1024xf32, #tpu.memory_space<vmem>>
    tpu.enqueue_dma source(%dma_start3A_279 : memref<56x1024xf32, #tpu.memory_space<vmem>>) target(%dma_start3A_276 : memref<56x1024xf32, #tpu.memory_space<hbm>>) target_semaphore(%arg13 : memref<!tpu.dma_semaphore, #tpu.memory_space<semaphore_mem>>)
    %dma_wait3A_280 = arith.constant 0 : i32
    %dma_wait3A_281 = arith.constant 0 : i32
    %dma_wait3A_282 = tpu.memref_slice %arg7[%dma_wait3A_280, %dma_wait3A_281] : memref<64x1024xf32, #tpu.memory_space<vmem>> -> memref<8x1024xf32, #tpu.memory_space<vmem>>
    %dma_wait3A_283 = arith.constant 120 : i32
    %dma_wait3A_284 = tpu.memref_slice %arg6[%dma_wait3A_283] : memref<128xi32, #tpu.memory_space<vmem>> -> memref<8xi32, #tpu.memory_space<vmem>>
    %dma_wait3A_285 = arith.constant 0 : i32
    %dma_wait3A_286 = arith.constant 0 : i32
    %dma_wait3A_287 = tpu.memref_slice %arg3[%dma_wait3A_285, %dma_wait3A_286] : memref<8192x1024xf32, #tpu.memory_space<hbm>> -> memref<8192x1024xf32, #tpu.memory_space<hbm>>
    tpu.wait_indirect_dma semaphore(%arg10 : memref<!tpu.dma_semaphore, #tpu.memory_space<semaphore_mem>>) src(%dma_wait3A_287 : memref<8192x1024xf32, #tpu.memory_space<hbm>>) dst(%dma_wait3A_282 : memref<8x1024xf32, #tpu.memory_space<vmem>>)
    %add3A_288 = arith.constant 120 : i32
    %add3A_289 = arith.addi %mul3A_2, %add3A_288 : i32
    %dma_start3A_290 = arith.constant 0 : i32
    %dma_start3A_291 = arith.constant 0 : i32
    %dma_start3A_292 = arith.constant 0 : i32
    %dma_start3A_293 = tpu.memref_slice %arg7[%dma_start3A_291, %dma_start3A_292] : memref<64x1024xf32, #tpu.memory_space<vmem>> -> memref<8x1024xf32, #tpu.memory_space<vmem>>
    %dma_start3A_294 = arith.constant 0 : i32
    %dma_start3A_295 = tpu.memref_slice %arg4[%dma_start3A_290, %add3A_289, %dma_start3A_294] : memref<4x4096x1024xf32, #tpu.memory_space<hbm>> -> memref<1x8x1024xf32, #tpu.memory_space<hbm>>
    %dma_start3A_296 = tpu.memref_squeeze %dma_start3A_295 : memref<1x8x1024xf32, #tpu.memory_space<hbm>> -> memref<8x1024xf32, #tpu.memory_space<hbm>>
    %dma_start3A_297 = arith.constant 0 : i32
    %dma_start3A_298 = tpu.memref_slice %arg4[%dma_start3A_290, %add3A_289, %dma_start3A_297] : memref<4x4096x1024xf32, #tpu.memory_space<hbm>> -> memref<1x8x1024xf32, #tpu.memory_space<hbm>>
    %dma_start3A_299 = tpu.memref_squeeze %dma_start3A_298 : memref<1x8x1024xf32, #tpu.memory_space<hbm>> -> memref<8x1024xf32, #tpu.memory_space<hbm>>
    %dma_start3A_300 = arith.constant 0 : i32
    %dma_start3A_301 = arith.constant 0 : i32
    %dma_start3A_302 = tpu.memref_slice %arg7[%dma_start3A_300, %dma_start3A_301] : memref<64x1024xf32, #tpu.memory_space<vmem>> -> memref<8x1024xf32, #tpu.memory_space<vmem>>
    tpu.enqueue_dma source(%dma_start3A_302 : memref<8x1024xf32, #tpu.memory_space<vmem>>) target(%dma_start3A_299 : memref<8x1024xf32, #tpu.memory_space<hbm>>) target_semaphore(%arg12 : memref<!tpu.dma_semaphore, #tpu.memory_space<semaphore_mem>>)
    %add3A_303 = arith.constant 120 : i32
    %add3A_304 = arith.addi %mul3A_2, %add3A_303 : i32
    %dma_start3A_305 = arith.constant 1 : i32
    %dma_start3A_306 = arith.constant 0 : i32
    %dma_start3A_307 = arith.constant 0 : i32
    %dma_start3A_308 = tpu.memref_slice %arg7[%dma_start3A_306, %dma_start3A_307] : memref<64x1024xf32, #tpu.memory_space<vmem>> -> memref<8x1024xf32, #tpu.memory_space<vmem>>
    %dma_start3A_309 = arith.constant 0 : i32
    %dma_start3A_310 = tpu.memref_slice %arg4[%dma_start3A_305, %add3A_304, %dma_start3A_309] : memref<4x4096x1024xf32, #tpu.memory_space<hbm>> -> memref<1x8x1024xf32, #tpu.memory_space<hbm>>
    %dma_start3A_311 = tpu.memref_squeeze %dma_start3A_310 : memref<1x8x1024xf32, #tpu.memory_space<hbm>> -> memref<8x1024xf32, #tpu.memory_space<hbm>>
    %dma_start3A_312 = arith.constant 0 : i32
    %dma_start3A_313 = tpu.memref_slice %arg4[%dma_start3A_305, %add3A_304, %dma_start3A_312] : memref<4x4096x1024xf32, #tpu.memory_space<hbm>> -> memref<1x8x1024xf32, #tpu.memory_space<hbm>>
    %dma_start3A_314 = tpu.memref_squeeze %dma_start3A_313 : memref<1x8x1024xf32, #tpu.memory_space<hbm>> -> memref<8x1024xf32, #tpu.memory_space<hbm>>
    %dma_start3A_315 = arith.constant 0 : i32
    %dma_start3A_316 = arith.constant 0 : i32
    %dma_start3A_317 = tpu.memref_slice %arg7[%dma_start3A_315, %dma_start3A_316] : memref<64x1024xf32, #tpu.memory_space<vmem>> -> memref<8x1024xf32, #tpu.memory_space<vmem>>
    tpu.enqueue_dma source(%dma_start3A_317 : memref<8x1024xf32, #tpu.memory_space<vmem>>) target(%dma_start3A_314 : memref<8x1024xf32, #tpu.memory_space<hbm>>) target_semaphore(%arg12 : memref<!tpu.dma_semaphore, #tpu.memory_space<semaphore_mem>>)
    %add3A_318 = arith.constant 120 : i32
    %add3A_319 = arith.addi %mul3A_2, %add3A_318 : i32
    %dma_start3A_320 = arith.constant 2 : i32
    %dma_start3A_321 = arith.constant 0 : i32
    %dma_start3A_322 = arith.constant 0 : i32
    %dma_start3A_323 = tpu.memref_slice %arg7[%dma_start3A_321, %dma_start3A_322] : memref<64x1024xf32, #tpu.memory_space<vmem>> -> memref<8x1024xf32, #tpu.memory_space<vmem>>
    %dma_start3A_324 = arith.constant 0 : i32
    %dma_start3A_325 = tpu.memref_slice %arg4[%dma_start3A_320, %add3A_319, %dma_start3A_324] : memref<4x4096x1024xf32, #tpu.memory_space<hbm>> -> memref<1x8x1024xf32, #tpu.memory_space<hbm>>
    %dma_start3A_326 = tpu.memref_squeeze %dma_start3A_325 : memref<1x8x1024xf32, #tpu.memory_space<hbm>> -> memref<8x1024xf32, #tpu.memory_space<hbm>>
    %dma_start3A_327 = arith.constant 0 : i32
    %dma_start3A_328 = tpu.memref_slice %arg4[%dma_start3A_320, %add3A_319, %dma_start3A_327] : memref<4x4096x1024xf32, #tpu.memory_space<hbm>> -> memref<1x8x1024xf32, #tpu.memory_space<hbm>>
    %dma_start3A_329 = tpu.memref_squeeze %dma_start3A_328 : memref<1x8x1024xf32, #tpu.memory_space<hbm>> -> memref<8x1024xf32, #tpu.memory_space<hbm>>
    %dma_start3A_330 = arith.constant 0 : i32
    %dma_start3A_331 = arith.constant 0 : i32
    %dma_start3A_332 = tpu.memref_slice %arg7[%dma_start3A_330, %dma_start3A_331] : memref<64x1024xf32, #tpu.memory_space<vmem>> -> memref<8x1024xf32, #tpu.memory_space<vmem>>
    tpu.enqueue_dma source(%dma_start3A_332 : memref<8x1024xf32, #tpu.memory_space<vmem>>) target(%dma_start3A_329 : memref<8x1024xf32, #tpu.memory_space<hbm>>) target_semaphore(%arg12 : memref<!tpu.dma_semaphore, #tpu.memory_space<semaphore_mem>>)
    %add3A_333 = arith.constant 120 : i32
    %add3A_334 = arith.addi %mul3A_2, %add3A_333 : i32
    %dma_start3A_335 = arith.constant 3 : i32
    %dma_start3A_336 = arith.constant 0 : i32
    %dma_start3A_337 = arith.constant 0 : i32
    %dma_start3A_338 = tpu.memref_slice %arg7[%dma_start3A_336, %dma_start3A_337] : memref<64x1024xf32, #tpu.memory_space<vmem>> -> memref<8x1024xf32, #tpu.memory_space<vmem>>
    %dma_start3A_339 = arith.constant 0 : i32
    %dma_start3A_340 = tpu.memref_slice %arg4[%dma_start3A_335, %add3A_334, %dma_start3A_339] : memref<4x4096x1024xf32, #tpu.memory_space<hbm>> -> memref<1x8x1024xf32, #tpu.memory_space<hbm>>
    %dma_start3A_341 = tpu.memref_squeeze %dma_start3A_340 : memref<1x8x1024xf32, #tpu.memory_space<hbm>> -> memref<8x1024xf32, #tpu.memory_space<hbm>>
    %dma_start3A_342 = arith.constant 0 : i32
    %dma_start3A_343 = tpu.memref_slice %arg4[%dma_start3A_335, %add3A_334, %dma_start3A_342] : memref<4x4096x1024xf32, #tpu.memory_space<hbm>> -> memref<1x8x1024xf32, #tpu.memory_space<hbm>>
    %dma_start3A_344 = tpu.memref_squeeze %dma_start3A_343 : memref<1x8x1024xf32, #tpu.memory_space<hbm>> -> memref<8x1024xf32, #tpu.memory_space<hbm>>
    %dma_start3A_345 = arith.constant 0 : i32
    %dma_start3A_346 = arith.constant 0 : i32
    %dma_start3A_347 = tpu.memref_slice %arg7[%dma_start3A_345, %dma_start3A_346] : memref<64x1024xf32, #tpu.memory_space<vmem>> -> memref<8x1024xf32, #tpu.memory_space<vmem>>
    tpu.enqueue_dma source(%dma_start3A_347 : memref<8x1024xf32, #tpu.memory_space<vmem>>) target(%dma_start3A_344 : memref<8x1024xf32, #tpu.memory_space<hbm>>) target_semaphore(%arg12 : memref<!tpu.dma_semaphore, #tpu.memory_space<semaphore_mem>>)
    %dma_wait3A_348 = arith.constant 0 : i32
    %dma_wait3A_349 = tpu.memref_slice %arg2[%dma_wait3A_348, %mul3A_2] : memref<4x4096xi32, #tpu.memory_space<hbm>> -> memref<4x128xi32, #tpu.memory_space<hbm>>
    %dma_wait3A_350 = arith.constant 0 : i32
    %dma_wait3A_351 = tpu.memref_slice %arg2[%dma_wait3A_350, %mul3A_2] : memref<4x4096xi32, #tpu.memory_space<hbm>> -> memref<4x128xi32, #tpu.memory_space<hbm>>
    tpu.wait_dma2 semaphore(%arg14 : memref<!tpu.dma_semaphore, #tpu.memory_space<semaphore_mem>>) src(%dma_wait3A_351 : memref<4x128xi32, #tpu.memory_space<hbm>>) dst(%arg5 : memref<4x128xi32, #tpu.memory_space<vmem>>)
    %broadcast_in_dim3A = arith.constant 0 : i32
    %broadcast_in_dim3A_352 = vector.broadcast %broadcast_in_dim3A : i32 to vector<16xi32>
    %mul3A_353 = arith.constant 16 : i32
    %mul3A_354 = vector.broadcast %mul3A_353 : i32 to vector<16xi32>
    %mul3A_355 = arith.muli %iota3A, %mul3A_354 : vector<16xi32>
    %add3A_356 = arith.constant 0 : i32
    %add3A_357 = vector.broadcast %add3A_356 : i32 to vector<16xi32>
    %add3A_358 = arith.addi %mul3A_355, %add3A_357 : vector<16xi32>
    %shift_right_arithmetic3A = arith.constant 7 : i32
    %shift_right_arithmetic3A_359 = vector.broadcast %shift_right_arithmetic3A : i32 to vector<16xi32>
    %shift_right_arithmetic3A_360 = arith.shrsi %add3A_358, %shift_right_arithmetic3A_359 : vector<16xi32>
    %and3A = arith.constant 127 : i32
    %and3A_361 = vector.broadcast %and3A : i32 to vector<16xi32>
    %and3A_362 = arith.andi %add3A_358, %and3A_361 : vector<16xi32>
    %gather3A = tpu.vector_load_idx %arg5[%shift_right_arithmetic3A_360, %and3A_362] : memref<4x128xi32, #tpu.memory_space<vmem>>[vector<16xi32>, vector<16xi32>], vector<16xi32>,
    %eq3A = arith.constant 0 : i32
    %eq3A_363 = vector.broadcast %eq3A : i32 to vector<16xi32>
    %eq3A_364 = arith.cmpi eq, %gather3A, %eq3A_363 : vector<16xi32>
    %jit3A = arith.constant 1 : i32
    %jit3A_365 = arith.constant 0 : i32
    %broadcast_in_dim3A_366 = vector.broadcast %jit3A : i32 to vector<16xi32>
    %broadcast_in_dim3A_367 = vector.broadcast %jit3A_365 : i32 to vector<16xi32>
    %select_n3A = arith.select %eq3A_364, %broadcast_in_dim3A_366, %broadcast_in_dim3A_367 : vector<16xi1>, vector<16xi32>
    %or3A = arith.ori %broadcast_in_dim3A_352, %select_n3A : vector<16xi32>
    %mul3A_368 = arith.constant 16 : i32
    %mul3A_369 = vector.broadcast %mul3A_368 : i32 to vector<16xi32>
    %mul3A_370 = arith.muli %iota3A, %mul3A_369 : vector<16xi32>
    %add3A_371 = arith.constant 1 : i32
    %add3A_372 = vector.broadcast %add3A_371 : i32 to vector<16xi32>
    %add3A_373 = arith.addi %mul3A_370, %add3A_372 : vector<16xi32>
    %shift_right_arithmetic3A_374 = arith.constant 7 : i32
    %shift_right_arithmetic3A_375 = vector.broadcast %shift_right_arithmetic3A_374 : i32 to vector<16xi32>
    %shift_right_arithmetic3A_376 = arith.shrsi %add3A_373, %shift_right_arithmetic3A_375 : vector<16xi32>
    %and3A_377 = arith.constant 127 : i32
    %and3A_378 = vector.broadcast %and3A_377 : i32 to vector<16xi32>
    %and3A_379 = arith.andi %add3A_373, %and3A_378 : vector<16xi32>
    %gather3A_380 = tpu.vector_load_idx %arg5[%shift_right_arithmetic3A_376, %and3A_379] : memref<4x128xi32, #tpu.memory_space<vmem>>[vector<16xi32>, vector<16xi32>], vector<16xi32>,
    %eq3A_381 = arith.constant 0 : i32
    %eq3A_382 = vector.broadcast %eq3A_381 : i32 to vector<16xi32>
    %eq3A_383 = arith.cmpi eq, %gather3A_380, %eq3A_382 : vector<16xi32>
    %jit3A_384 = arith.constant 1 : i32
    %jit3A_385 = arith.constant 0 : i32
    %broadcast_in_dim3A_386 = vector.broadcast %jit3A_384 : i32 to vector<16xi32>
    %broadcast_in_dim3A_387 = vector.broadcast %jit3A_385 : i32 to vector<16xi32>
    %select_n3A_388 = arith.select %eq3A_383, %broadcast_in_dim3A_386, %broadcast_in_dim3A_387 : vector<16xi1>, vector<16xi32>
    %or3A_389 = arith.ori %or3A, %select_n3A_388 : vector<16xi32>
    %mul3A_390 = arith.constant 16 : i32
    %mul3A_391 = vector.broadcast %mul3A_390 : i32 to vector<16xi32>
    %mul3A_392 = arith.muli %iota3A, %mul3A_391 : vector<16xi32>
    %add3A_393 = arith.constant 2 : i32
    %add3A_394 = vector.broadcast %add3A_393 : i32 to vector<16xi32>
    %add3A_395 = arith.addi %mul3A_392, %add3A_394 : vector<16xi32>
    %shift_right_arithmetic3A_396 = arith.constant 7 : i32
    %shift_right_arithmetic3A_397 = vector.broadcast %shift_right_arithmetic3A_396 : i32 to vector<16xi32>
    %shift_right_arithmetic3A_398 = arith.shrsi %add3A_395, %shift_right_arithmetic3A_397 : vector<16xi32>
    %and3A_399 = arith.constant 127 : i32
    %and3A_400 = vector.broadcast %and3A_399 : i32 to vector<16xi32>
    %and3A_401 = arith.andi %add3A_395, %and3A_400 : vector<16xi32>
    %gather3A_402 = tpu.vector_load_idx %arg5[%shift_right_arithmetic3A_398, %and3A_401] : memref<4x128xi32, #tpu.memory_space<vmem>>[vector<16xi32>, vector<16xi32>], vector<16xi32>,
    %eq3A_403 = arith.constant 0 : i32
    %eq3A_404 = vector.broadcast %eq3A_403 : i32 to vector<16xi32>
    %eq3A_405 = arith.cmpi eq, %gather3A_402, %eq3A_404 : vector<16xi32>
    %jit3A_406 = arith.constant 1 : i32
    %jit3A_407 = arith.constant 0 : i32
    %broadcast_in_dim3A_408 = vector.broadcast %jit3A_406 : i32 to vector<16xi32>
    %broadcast_in_dim3A_409 = vector.broadcast %jit3A_407 : i32 to vector<16xi32>
    %select_n3A_410 = arith.select %eq3A_405, %broadcast_in_dim3A_408, %broadcast_in_dim3A_409 : vector<16xi1>, vector<16xi32>
    %or3A_411 = arith.ori %or3A_389, %select_n3A_410 : vector<16xi32>
    %mul3A_412 = arith.constant 16 : i32
    %mul3A_413 = vector.broadcast %mul3A_412 : i32 to vector<16xi32>
    %mul3A_414 = arith.muli %iota3A, %mul3A_413 : vector<16xi32>
    %add3A_415 = arith.constant 3 : i32
    %add3A_416 = vector.broadcast %add3A_415 : i32 to vector<16xi32>
    %add3A_417 = arith.addi %mul3A_414, %add3A_416 : vector<16xi32>
    %shift_right_arithmetic3A_418 = arith.constant 7 : i32
    %shift_right_arithmetic3A_419 = vector.broadcast %shift_right_arithmetic3A_418 : i32 to vector<16xi32>
    %shift_right_arithmetic3A_420 = arith.shrsi %add3A_417, %shift_right_arithmetic3A_419 : vector<16xi32>
    %and3A_421 = arith.constant 127 : i32
    %and3A_422 = vector.broadcast %and3A_421 : i32 to vector<16xi32>
    %and3A_423 = arith.andi %add3A_417, %and3A_422 : vector<16xi32>
    %gather3A_424 = tpu.vector_load_idx %arg5[%shift_right_arithmetic3A_420, %and3A_423] : memref<4x128xi32, #tpu.memory_space<vmem>>[vector<16xi32>, vector<16xi32>], vector<16xi32>,
    %eq3A_425 = arith.constant 0 : i32
    %eq3A_426 = vector.broadcast %eq3A_425 : i32 to vector<16xi32>
    %eq3A_427 = arith.cmpi eq, %gather3A_424, %eq3A_426 : vector<16xi32>
    %jit3A_428 = arith.constant 1 : i32
    %jit3A_429 = arith.constant 0 : i32
    %broadcast_in_dim3A_430 = vector.broadcast %jit3A_428 : i32 to vector<16xi32>
    %broadcast_in_dim3A_431 = vector.broadcast %jit3A_429 : i32 to vector<16xi32>
    %select_n3A_432 = arith.select %eq3A_427, %broadcast_in_dim3A_430, %broadcast_in_dim3A_431 : vector<16xi1>, vector<16xi32>
    %or3A_433 = arith.ori %or3A_411, %select_n3A_432 : vector<16xi32>
    %mul3A_434 = arith.constant 16 : i32
    %mul3A_435 = vector.broadcast %mul3A_434 : i32 to vector<16xi32>
    %mul3A_436 = arith.muli %iota3A, %mul3A_435 : vector<16xi32>
    %add3A_437 = arith.constant 4 : i32
    %add3A_438 = vector.broadcast %add3A_437 : i32 to vector<16xi32>
    %add3A_439 = arith.addi %mul3A_436, %add3A_438 : vector<16xi32>
    %shift_right_arithmetic3A_440 = arith.constant 7 : i32
    %shift_right_arithmetic3A_441 = vector.broadcast %shift_right_arithmetic3A_440 : i32 to vector<16xi32>
    %shift_right_arithmetic3A_442 = arith.shrsi %add3A_439, %shift_right_arithmetic3A_441 : vector<16xi32>
    %and3A_443 = arith.constant 127 : i32
    %and3A_444 = vector.broadcast %and3A_443 : i32 to vector<16xi32>
    %and3A_445 = arith.andi %add3A_439, %and3A_444 : vector<16xi32>
    %gather3A_446 = tpu.vector_load_idx %arg5[%shift_right_arithmetic3A_442, %and3A_445] : memref<4x128xi32, #tpu.memory_space<vmem>>[vector<16xi32>, vector<16xi32>], vector<16xi32>,
    %eq3A_447 = arith.constant 0 : i32
    %eq3A_448 = vector.broadcast %eq3A_447 : i32 to vector<16xi32>
    %eq3A_449 = arith.cmpi eq, %gather3A_446, %eq3A_448 : vector<16xi32>
    %jit3A_450 = arith.constant 1 : i32
    %jit3A_451 = arith.constant 0 : i32
    %broadcast_in_dim3A_452 = vector.broadcast %jit3A_450 : i32 to vector<16xi32>
    %broadcast_in_dim3A_453 = vector.broadcast %jit3A_451 : i32 to vector<16xi32>
    %select_n3A_454 = arith.select %eq3A_449, %broadcast_in_dim3A_452, %broadcast_in_dim3A_453 : vector<16xi1>, vector<16xi32>
    %or3A_455 = arith.ori %or3A_433, %select_n3A_454 : vector<16xi32>
    %mul3A_456 = arith.constant 16 : i32
    %mul3A_457 = vector.broadcast %mul3A_456 : i32 to vector<16xi32>
    %mul3A_458 = arith.muli %iota3A, %mul3A_457 : vector<16xi32>
    %add3A_459 = arith.constant 5 : i32
    %add3A_460 = vector.broadcast %add3A_459 : i32 to vector<16xi32>
    %add3A_461 = arith.addi %mul3A_458, %add3A_460 : vector<16xi32>
    %shift_right_arithmetic3A_462 = arith.constant 7 : i32
    %shift_right_arithmetic3A_463 = vector.broadcast %shift_right_arithmetic3A_462 : i32 to vector<16xi32>
    %shift_right_arithmetic3A_464 = arith.shrsi %add3A_461, %shift_right_arithmetic3A_463 : vector<16xi32>
    %and3A_465 = arith.constant 127 : i32
    %and3A_466 = vector.broadcast %and3A_465 : i32 to vector<16xi32>
    %and3A_467 = arith.andi %add3A_461, %and3A_466 : vector<16xi32>
    %gather3A_468 = tpu.vector_load_idx %arg5[%shift_right_arithmetic3A_464, %and3A_467] : memref<4x128xi32, #tpu.memory_space<vmem>>[vector<16xi32>, vector<16xi32>], vector<16xi32>,
    %eq3A_469 = arith.constant 0 : i32
    %eq3A_470 = vector.broadcast %eq3A_469 : i32 to vector<16xi32>
    %eq3A_471 = arith.cmpi eq, %gather3A_468, %eq3A_470 : vector<16xi32>
    %jit3A_472 = arith.constant 1 : i32
    %jit3A_473 = arith.constant 0 : i32
    %broadcast_in_dim3A_474 = vector.broadcast %jit3A_472 : i32 to vector<16xi32>
    %broadcast_in_dim3A_475 = vector.broadcast %jit3A_473 : i32 to vector<16xi32>
    %select_n3A_476 = arith.select %eq3A_471, %broadcast_in_dim3A_474, %broadcast_in_dim3A_475 : vector<16xi1>, vector<16xi32>
    %or3A_477 = arith.ori %or3A_455, %select_n3A_476 : vector<16xi32>
    %mul3A_478 = arith.constant 16 : i32
    %mul3A_479 = vector.broadcast %mul3A_478 : i32 to vector<16xi32>
    %mul3A_480 = arith.muli %iota3A, %mul3A_479 : vector<16xi32>
    %add3A_481 = arith.constant 6 : i32
    %add3A_482 = vector.broadcast %add3A_481 : i32 to vector<16xi32>
    %add3A_483 = arith.addi %mul3A_480, %add3A_482 : vector<16xi32>
    %shift_right_arithmetic3A_484 = arith.constant 7 : i32
    %shift_right_arithmetic3A_485 = vector.broadcast %shift_right_arithmetic3A_484 : i32 to vector<16xi32>
    %shift_right_arithmetic3A_486 = arith.shrsi %add3A_483, %shift_right_arithmetic3A_485 : vector<16xi32>
    %and3A_487 = arith.constant 127 : i32
    %and3A_488 = vector.broadcast %and3A_487 : i32 to vector<16xi32>
    %and3A_489 = arith.andi %add3A_483, %and3A_488 : vector<16xi32>
    %gather3A_490 = tpu.vector_load_idx %arg5[%shift_right_arithmetic3A_486, %and3A_489] : memref<4x128xi32, #tpu.memory_space<vmem>>[vector<16xi32>, vector<16xi32>], vector<16xi32>,
    %eq3A_491 = arith.constant 0 : i32
    %eq3A_492 = vector.broadcast %eq3A_491 : i32 to vector<16xi32>
    %eq3A_493 = arith.cmpi eq, %gather3A_490, %eq3A_492 : vector<16xi32>
    %jit3A_494 = arith.constant 1 : i32
    %jit3A_495 = arith.constant 0 : i32
    %broadcast_in_dim3A_496 = vector.broadcast %jit3A_494 : i32 to vector<16xi32>
    %broadcast_in_dim3A_497 = vector.broadcast %jit3A_495 : i32 to vector<16xi32>
    %select_n3A_498 = arith.select %eq3A_493, %broadcast_in_dim3A_496, %broadcast_in_dim3A_497 : vector<16xi1>, vector<16xi32>
    %or3A_499 = arith.ori %or3A_477, %select_n3A_498 : vector<16xi32>
    %mul3A_500 = arith.constant 16 : i32
    %mul3A_501 = vector.broadcast %mul3A_500 : i32 to vector<16xi32>
    %mul3A_502 = arith.muli %iota3A, %mul3A_501 : vector<16xi32>
    %add3A_503 = arith.constant 7 : i32
    %add3A_504 = vector.broadcast %add3A_503 : i32 to vector<16xi32>
    %add3A_505 = arith.addi %mul3A_502, %add3A_504 : vector<16xi32>
    %shift_right_arithmetic3A_506 = arith.constant 7 : i32
    %shift_right_arithmetic3A_507 = vector.broadcast %shift_right_arithmetic3A_506 : i32 to vector<16xi32>
    %shift_right_arithmetic3A_508 = arith.shrsi %add3A_505, %shift_right_arithmetic3A_507 : vector<16xi32>
    %and3A_509 = arith.constant 127 : i32
    %and3A_510 = vector.broadcast %and3A_509 : i32 to vector<16xi32>
    %and3A_511 = arith.andi %add3A_505, %and3A_510 : vector<16xi32>
    %gather3A_512 = tpu.vector_load_idx %arg5[%shift_right_arithmetic3A_508, %and3A_511] : memref<4x128xi32, #tpu.memory_space<vmem>>[vector<16xi32>, vector<16xi32>], vector<16xi32>,
    %eq3A_513 = arith.constant 0 : i32
    %eq3A_514 = vector.broadcast %eq3A_513 : i32 to vector<16xi32>
    %eq3A_515 = arith.cmpi eq, %gather3A_512, %eq3A_514 : vector<16xi32>
    %jit3A_516 = arith.constant 1 : i32
    %jit3A_517 = arith.constant 0 : i32
    %broadcast_in_dim3A_518 = vector.broadcast %jit3A_516 : i32 to vector<16xi32>
    %broadcast_in_dim3A_519 = vector.broadcast %jit3A_517 : i32 to vector<16xi32>
    %select_n3A_520 = arith.select %eq3A_515, %broadcast_in_dim3A_518, %broadcast_in_dim3A_519 : vector<16xi1>, vector<16xi32>
    %or3A_521 = arith.ori %or3A_499, %select_n3A_520 : vector<16xi32>
    %mul3A_522 = arith.constant 16 : i32
    %mul3A_523 = vector.broadcast %mul3A_522 : i32 to vector<16xi32>
    %mul3A_524 = arith.muli %iota3A, %mul3A_523 : vector<16xi32>
    %add3A_525 = arith.constant 8 : i32
    %add3A_526 = vector.broadcast %add3A_525 : i32 to vector<16xi32>
    %add3A_527 = arith.addi %mul3A_524, %add3A_526 : vector<16xi32>
    %shift_right_arithmetic3A_528 = arith.constant 7 : i32
    %shift_right_arithmetic3A_529 = vector.broadcast %shift_right_arithmetic3A_528 : i32 to vector<16xi32>
    %shift_right_arithmetic3A_530 = arith.shrsi %add3A_527, %shift_right_arithmetic3A_529 : vector<16xi32>
    %and3A_531 = arith.constant 127 : i32
    %and3A_532 = vector.broadcast %and3A_531 : i32 to vector<16xi32>
    %and3A_533 = arith.andi %add3A_527, %and3A_532 : vector<16xi32>
    %gather3A_534 = tpu.vector_load_idx %arg5[%shift_right_arithmetic3A_530, %and3A_533] : memref<4x128xi32, #tpu.memory_space<vmem>>[vector<16xi32>, vector<16xi32>], vector<16xi32>,
    %eq3A_535 = arith.constant 0 : i32
    %eq3A_536 = vector.broadcast %eq3A_535 : i32 to vector<16xi32>
    %eq3A_537 = arith.cmpi eq, %gather3A_534, %eq3A_536 : vector<16xi32>
    %jit3A_538 = arith.constant 1 : i32
    %jit3A_539 = arith.constant 0 : i32
    %broadcast_in_dim3A_540 = vector.broadcast %jit3A_538 : i32 to vector<16xi32>
    %broadcast_in_dim3A_541 = vector.broadcast %jit3A_539 : i32 to vector<16xi32>
    %select_n3A_542 = arith.select %eq3A_537, %broadcast_in_dim3A_540, %broadcast_in_dim3A_541 : vector<16xi1>, vector<16xi32>
    %or3A_543 = arith.ori %or3A_521, %select_n3A_542 : vector<16xi32>
    %mul3A_544 = arith.constant 16 : i32
    %mul3A_545 = vector.broadcast %mul3A_544 : i32 to vector<16xi32>
    %mul3A_546 = arith.muli %iota3A, %mul3A_545 : vector<16xi32>
    %add3A_547 = arith.constant 9 : i32
    %add3A_548 = vector.broadcast %add3A_547 : i32 to vector<16xi32>
    %add3A_549 = arith.addi %mul3A_546, %add3A_548 : vector<16xi32>
    %shift_right_arithmetic3A_550 = arith.constant 7 : i32
    %shift_right_arithmetic3A_551 = vector.broadcast %shift_right_arithmetic3A_550 : i32 to vector<16xi32>
    %shift_right_arithmetic3A_552 = arith.shrsi %add3A_549, %shift_right_arithmetic3A_551 : vector<16xi32>
    %and3A_553 = arith.constant 127 : i32
    %and3A_554 = vector.broadcast %and3A_553 : i32 to vector<16xi32>
    %and3A_555 = arith.andi %add3A_549, %and3A_554 : vector<16xi32>
    %gather3A_556 = tpu.vector_load_idx %arg5[%shift_right_arithmetic3A_552, %and3A_555] : memref<4x128xi32, #tpu.memory_space<vmem>>[vector<16xi32>, vector<16xi32>], vector<16xi32>,
    %eq3A_557 = arith.constant 0 : i32
    %eq3A_558 = vector.broadcast %eq3A_557 : i32 to vector<16xi32>
    %eq3A_559 = arith.cmpi eq, %gather3A_556, %eq3A_558 : vector<16xi32>
    %jit3A_560 = arith.constant 1 : i32
    %jit3A_561 = arith.constant 0 : i32
    %broadcast_in_dim3A_562 = vector.broadcast %jit3A_560 : i32 to vector<16xi32>
    %broadcast_in_dim3A_563 = vector.broadcast %jit3A_561 : i32 to vector<16xi32>
    %select_n3A_564 = arith.select %eq3A_559, %broadcast_in_dim3A_562, %broadcast_in_dim3A_563 : vector<16xi1>, vector<16xi32>
    %or3A_565 = arith.ori %or3A_543, %select_n3A_564 : vector<16xi32>
    %mul3A_566 = arith.constant 16 : i32
    %mul3A_567 = vector.broadcast %mul3A_566 : i32 to vector<16xi32>
    %mul3A_568 = arith.muli %iota3A, %mul3A_567 : vector<16xi32>
    %add3A_569 = arith.constant 10 : i32
    %add3A_570 = vector.broadcast %add3A_569 : i32 to vector<16xi32>
    %add3A_571 = arith.addi %mul3A_568, %add3A_570 : vector<16xi32>
    %shift_right_arithmetic3A_572 = arith.constant 7 : i32
    %shift_right_arithmetic3A_573 = vector.broadcast %shift_right_arithmetic3A_572 : i32 to vector<16xi32>
    %shift_right_arithmetic3A_574 = arith.shrsi %add3A_571, %shift_right_arithmetic3A_573 : vector<16xi32>
    %and3A_575 = arith.constant 127 : i32
    %and3A_576 = vector.broadcast %and3A_575 : i32 to vector<16xi32>
    %and3A_577 = arith.andi %add3A_571, %and3A_576 : vector<16xi32>
    %gather3A_578 = tpu.vector_load_idx %arg5[%shift_right_arithmetic3A_574, %and3A_577] : memref<4x128xi32, #tpu.memory_space<vmem>>[vector<16xi32>, vector<16xi32>], vector<16xi32>,
    %eq3A_579 = arith.constant 0 : i32
    %eq3A_580 = vector.broadcast %eq3A_579 : i32 to vector<16xi32>
    %eq3A_581 = arith.cmpi eq, %gather3A_578, %eq3A_580 : vector<16xi32>
    %jit3A_582 = arith.constant 1 : i32
    %jit3A_583 = arith.constant 0 : i32
    %broadcast_in_dim3A_584 = vector.broadcast %jit3A_582 : i32 to vector<16xi32>
    %broadcast_in_dim3A_585 = vector.broadcast %jit3A_583 : i32 to vector<16xi32>
    %select_n3A_586 = arith.select %eq3A_581, %broadcast_in_dim3A_584, %broadcast_in_dim3A_585 : vector<16xi1>, vector<16xi32>
    %or3A_587 = arith.ori %or3A_565, %select_n3A_586 : vector<16xi32>
    %mul3A_588 = arith.constant 16 : i32
    %mul3A_589 = vector.broadcast %mul3A_588 : i32 to vector<16xi32>
    %mul3A_590 = arith.muli %iota3A, %mul3A_589 : vector<16xi32>
    %add3A_591 = arith.constant 11 : i32
    %add3A_592 = vector.broadcast %add3A_591 : i32 to vector<16xi32>
    %add3A_593 = arith.addi %mul3A_590, %add3A_592 : vector<16xi32>
    %shift_right_arithmetic3A_594 = arith.constant 7 : i32
    %shift_right_arithmetic3A_595 = vector.broadcast %shift_right_arithmetic3A_594 : i32 to vector<16xi32>
    %shift_right_arithmetic3A_596 = arith.shrsi %add3A_593, %shift_right_arithmetic3A_595 : vector<16xi32>
    %and3A_597 = arith.constant 127 : i32
    %and3A_598 = vector.broadcast %and3A_597 : i32 to vector<16xi32>
    %and3A_599 = arith.andi %add3A_593, %and3A_598 : vector<16xi32>
    %gather3A_600 = tpu.vector_load_idx %arg5[%shift_right_arithmetic3A_596, %and3A_599] : memref<4x128xi32, #tpu.memory_space<vmem>>[vector<16xi32>, vector<16xi32>], vector<16xi32>,
    %eq3A_601 = arith.constant 0 : i32
    %eq3A_602 = vector.broadcast %eq3A_601 : i32 to vector<16xi32>
    %eq3A_603 = arith.cmpi eq, %gather3A_600, %eq3A_602 : vector<16xi32>
    %jit3A_604 = arith.constant 1 : i32
    %jit3A_605 = arith.constant 0 : i32
    %broadcast_in_dim3A_606 = vector.broadcast %jit3A_604 : i32 to vector<16xi32>
    %broadcast_in_dim3A_607 = vector.broadcast %jit3A_605 : i32 to vector<16xi32>
    %select_n3A_608 = arith.select %eq3A_603, %broadcast_in_dim3A_606, %broadcast_in_dim3A_607 : vector<16xi1>, vector<16xi32>
    %or3A_609 = arith.ori %or3A_587, %select_n3A_608 : vector<16xi32>
    %mul3A_610 = arith.constant 16 : i32
    %mul3A_611 = vector.broadcast %mul3A_610 : i32 to vector<16xi32>
    %mul3A_612 = arith.muli %iota3A, %mul3A_611 : vector<16xi32>
    %add3A_613 = arith.constant 12 : i32
    %add3A_614 = vector.broadcast %add3A_613 : i32 to vector<16xi32>
    %add3A_615 = arith.addi %mul3A_612, %add3A_614 : vector<16xi32>
    %shift_right_arithmetic3A_616 = arith.constant 7 : i32
    %shift_right_arithmetic3A_617 = vector.broadcast %shift_right_arithmetic3A_616 : i32 to vector<16xi32>
    %shift_right_arithmetic3A_618 = arith.shrsi %add3A_615, %shift_right_arithmetic3A_617 : vector<16xi32>
    %and3A_619 = arith.constant 127 : i32
    %and3A_620 = vector.broadcast %and3A_619 : i32 to vector<16xi32>
    %and3A_621 = arith.andi %add3A_615, %and3A_620 : vector<16xi32>
    %gather3A_622 = tpu.vector_load_idx %arg5[%shift_right_arithmetic3A_618, %and3A_621] : memref<4x128xi32, #tpu.memory_space<vmem>>[vector<16xi32>, vector<16xi32>], vector<16xi32>,
    %eq3A_623 = arith.constant 0 : i32
    %eq3A_624 = vector.broadcast %eq3A_623 : i32 to vector<16xi32>
    %eq3A_625 = arith.cmpi eq, %gather3A_622, %eq3A_624 : vector<16xi32>
    %jit3A_626 = arith.constant 1 : i32
    %jit3A_627 = arith.constant 0 : i32
    %broadcast_in_dim3A_628 = vector.broadcast %jit3A_626 : i32 to vector<16xi32>
    %broadcast_in_dim3A_629 = vector.broadcast %jit3A_627 : i32 to vector<16xi32>
    %select_n3A_630 = arith.select %eq3A_625, %broadcast_in_dim3A_628, %broadcast_in_dim3A_629 : vector<16xi1>, vector<16xi32>
    %or3A_631 = arith.ori %or3A_609, %select_n3A_630 : vector<16xi32>
    %mul3A_632 = arith.constant 16 : i32
    %mul3A_633 = vector.broadcast %mul3A_632 : i32 to vector<16xi32>
    %mul3A_634 = arith.muli %iota3A, %mul3A_633 : vector<16xi32>
    %add3A_635 = arith.constant 13 : i32
    %add3A_636 = vector.broadcast %add3A_635 : i32 to vector<16xi32>
    %add3A_637 = arith.addi %mul3A_634, %add3A_636 : vector<16xi32>
    %shift_right_arithmetic3A_638 = arith.constant 7 : i32
    %shift_right_arithmetic3A_639 = vector.broadcast %shift_right_arithmetic3A_638 : i32 to vector<16xi32>
    %shift_right_arithmetic3A_640 = arith.shrsi %add3A_637, %shift_right_arithmetic3A_639 : vector<16xi32>
    %and3A_641 = arith.constant 127 : i32
    %and3A_642 = vector.broadcast %and3A_641 : i32 to vector<16xi32>
    %and3A_643 = arith.andi %add3A_637, %and3A_642 : vector<16xi32>
    %gather3A_644 = tpu.vector_load_idx %arg5[%shift_right_arithmetic3A_640, %and3A_643] : memref<4x128xi32, #tpu.memory_space<vmem>>[vector<16xi32>, vector<16xi32>], vector<16xi32>,
    %eq3A_645 = arith.constant 0 : i32
    %eq3A_646 = vector.broadcast %eq3A_645 : i32 to vector<16xi32>
    %eq3A_647 = arith.cmpi eq, %gather3A_644, %eq3A_646 : vector<16xi32>
    %jit3A_648 = arith.constant 1 : i32
    %jit3A_649 = arith.constant 0 : i32
    %broadcast_in_dim3A_650 = vector.broadcast %jit3A_648 : i32 to vector<16xi32>
    %broadcast_in_dim3A_651 = vector.broadcast %jit3A_649 : i32 to vector<16xi32>
    %select_n3A_652 = arith.select %eq3A_647, %broadcast_in_dim3A_650, %broadcast_in_dim3A_651 : vector<16xi1>, vector<16xi32>
    %or3A_653 = arith.ori %or3A_631, %select_n3A_652 : vector<16xi32>
    %mul3A_654 = arith.constant 16 : i32
    %mul3A_655 = vector.broadcast %mul3A_654 : i32 to vector<16xi32>
    %mul3A_656 = arith.muli %iota3A, %mul3A_655 : vector<16xi32>
    %add3A_657 = arith.constant 14 : i32
    %add3A_658 = vector.broadcast %add3A_657 : i32 to vector<16xi32>
    %add3A_659 = arith.addi %mul3A_656, %add3A_658 : vector<16xi32>
    %shift_right_arithmetic3A_660 = arith.constant 7 : i32
    %shift_right_arithmetic3A_661 = vector.broadcast %shift_right_arithmetic3A_660 : i32 to vector<16xi32>
    %shift_right_arithmetic3A_662 = arith.shrsi %add3A_659, %shift_right_arithmetic3A_661 : vector<16xi32>
    %and3A_663 = arith.constant 127 : i32
    %and3A_664 = vector.broadcast %and3A_663 : i32 to vector<16xi32>
    %and3A_665 = arith.andi %add3A_659, %and3A_664 : vector<16xi32>
    %gather3A_666 = tpu.vector_load_idx %arg5[%shift_right_arithmetic3A_662, %and3A_665] : memref<4x128xi32, #tpu.memory_space<vmem>>[vector<16xi32>, vector<16xi32>], vector<16xi32>,
    %eq3A_667 = arith.constant 0 : i32
    %eq3A_668 = vector.broadcast %eq3A_667 : i32 to vector<16xi32>
    %eq3A_669 = arith.cmpi eq, %gather3A_666, %eq3A_668 : vector<16xi32>
    %jit3A_670 = arith.constant 1 : i32
    %jit3A_671 = arith.constant 0 : i32
    %broadcast_in_dim3A_672 = vector.broadcast %jit3A_670 : i32 to vector<16xi32>
    %broadcast_in_dim3A_673 = vector.broadcast %jit3A_671 : i32 to vector<16xi32>
    %select_n3A_674 = arith.select %eq3A_669, %broadcast_in_dim3A_672, %broadcast_in_dim3A_673 : vector<16xi1>, vector<16xi32>
    %or3A_675 = arith.ori %or3A_653, %select_n3A_674 : vector<16xi32>
    %mul3A_676 = arith.constant 16 : i32
    %mul3A_677 = vector.broadcast %mul3A_676 : i32 to vector<16xi32>
    %mul3A_678 = arith.muli %iota3A, %mul3A_677 : vector<16xi32>
    %add3A_679 = arith.constant 15 : i32
    %add3A_680 = vector.broadcast %add3A_679 : i32 to vector<16xi32>
    %add3A_681 = arith.addi %mul3A_678, %add3A_680 : vector<16xi32>
    %shift_right_arithmetic3A_682 = arith.constant 7 : i32
    %shift_right_arithmetic3A_683 = vector.broadcast %shift_right_arithmetic3A_682 : i32 to vector<16xi32>
    %shift_right_arithmetic3A_684 = arith.shrsi %add3A_681, %shift_right_arithmetic3A_683 : vector<16xi32>
    %and3A_685 = arith.constant 127 : i32
    %and3A_686 = vector.broadcast %and3A_685 : i32 to vector<16xi32>
    %and3A_687 = arith.andi %add3A_681, %and3A_686 : vector<16xi32>
    %gather3A_688 = tpu.vector_load_idx %arg5[%shift_right_arithmetic3A_684, %and3A_687] : memref<4x128xi32, #tpu.memory_space<vmem>>[vector<16xi32>, vector<16xi32>], vector<16xi32>,
    %eq3A_689 = arith.constant 0 : i32
    %eq3A_690 = vector.broadcast %eq3A_689 : i32 to vector<16xi32>
    %eq3A_691 = arith.cmpi eq, %gather3A_688, %eq3A_690 : vector<16xi32>
    %jit3A_692 = arith.constant 1 : i32
    %jit3A_693 = arith.constant 0 : i32
    %broadcast_in_dim3A_694 = vector.broadcast %jit3A_692 : i32 to vector<16xi32>
    %broadcast_in_dim3A_695 = vector.broadcast %jit3A_693 : i32 to vector<16xi32>
    %select_n3A_696 = arith.select %eq3A_691, %broadcast_in_dim3A_694, %broadcast_in_dim3A_695 : vector<16xi1>, vector<16xi32>
    %or3A_697 = arith.ori %or3A_675, %select_n3A_696 : vector<16xi32>
    %swap3A_698 = arith.constant 0 : index
    %swap3A_699 = tpu.vector_load %arg9[%swap3A_698] {strides = array<i32>} : memref<32xi32, #tpu.memory_space<vmem>>, vector<16xi32>,
    tpu.vector_store %arg9[%swap3A_698], %or3A_697 {strides = array<i32>} : memref<32xi32, #tpu.memory_space<vmem>>, vector<16xi32>,
    %broadcast_in_dim3A_700 = arith.constant 0 : i32
    %broadcast_in_dim3A_701 = vector.broadcast %broadcast_in_dim3A_700 : i32 to vector<16xi32>
    %mul3A_702 = arith.constant 16 : i32
    %mul3A_703 = vector.broadcast %mul3A_702 : i32 to vector<16xi32>
    %mul3A_704 = arith.muli %iota3A, %mul3A_703 : vector<16xi32>
    %add3A_705 = arith.constant 256 : i32
    %add3A_706 = vector.broadcast %add3A_705 : i32 to vector<16xi32>
    %add3A_707 = arith.addi %mul3A_704, %add3A_706 : vector<16xi32>
    %shift_right_arithmetic3A_708 = arith.constant 7 : i32
    %shift_right_arithmetic3A_709 = vector.broadcast %shift_right_arithmetic3A_708 : i32 to vector<16xi32>
    %shift_right_arithmetic3A_710 = arith.shrsi %add3A_707, %shift_right_arithmetic3A_709 : vector<16xi32>
    %and3A_711 = arith.constant 127 : i32
    %and3A_712 = vector.broadcast %and3A_711 : i32 to vector<16xi32>
    %and3A_713 = arith.andi %add3A_707, %and3A_712 : vector<16xi32>
    %gather3A_714 = tpu.vector_load_idx %arg5[%shift_right_arithmetic3A_710, %and3A_713] : memref<4x128xi32, #tpu.memory_space<vmem>>[vector<16xi32>, vector<16xi32>], vector<16xi32>,
    %eq3A_715 = arith.constant 0 : i32
    %eq3A_716 = vector.broadcast %eq3A_715 : i32 to vector<16xi32>
    %eq3A_717 = arith.cmpi eq, %gather3A_714, %eq3A_716 : vector<16xi32>
    %jit3A_718 = arith.constant 1 : i32
    %jit3A_719 = arith.constant 0 : i32
    %broadcast_in_dim3A_720 = vector.broadcast %jit3A_718 : i32 to vector<16xi32>
    %broadcast_in_dim3A_721 = vector.broadcast %jit3A_719 : i32 to vector<16xi32>
    %select_n3A_722 = arith.select %eq3A_717, %broadcast_in_dim3A_720, %broadcast_in_dim3A_721 : vector<16xi1>, vector<16xi32>
    %or3A_723 = arith.ori %broadcast_in_dim3A_701, %select_n3A_722 : vector<16xi32>
    %mul3A_724 = arith.constant 16 : i32
    %mul3A_725 = vector.broadcast %mul3A_724 : i32 to vector<16xi32>
    %mul3A_726 = arith.muli %iota3A, %mul3A_725 : vector<16xi32>
    %add3A_727 = arith.constant 257 : i32
    %add3A_728 = vector.broadcast %add3A_727 : i32 to vector<16xi32>
    %add3A_729 = arith.addi %mul3A_726, %add3A_728 : vector<16xi32>
    %shift_right_arithmetic3A_730 = arith.constant 7 : i32
    %shift_right_arithmetic3A_731 = vector.broadcast %shift_right_arithmetic3A_730 : i32 to vector<16xi32>
    %shift_right_arithmetic3A_732 = arith.shrsi %add3A_729, %shift_right_arithmetic3A_731 : vector<16xi32>
    %and3A_733 = arith.constant 127 : i32
    %and3A_734 = vector.broadcast %and3A_733 : i32 to vector<16xi32>
    %and3A_735 = arith.andi %add3A_729, %and3A_734 : vector<16xi32>
    %gather3A_736 = tpu.vector_load_idx %arg5[%shift_right_arithmetic3A_732, %and3A_735] : memref<4x128xi32, #tpu.memory_space<vmem>>[vector<16xi32>, vector<16xi32>], vector<16xi32>,
    %eq3A_737 = arith.constant 0 : i32
    %eq3A_738 = vector.broadcast %eq3A_737 : i32 to vector<16xi32>
    %eq3A_739 = arith.cmpi eq, %gather3A_736, %eq3A_738 : vector<16xi32>
    %jit3A_740 = arith.constant 1 : i32
    %jit3A_741 = arith.constant 0 : i32
    %broadcast_in_dim3A_742 = vector.broadcast %jit3A_740 : i32 to vector<16xi32>
    %broadcast_in_dim3A_743 = vector.broadcast %jit3A_741 : i32 to vector<16xi32>
    %select_n3A_744 = arith.select %eq3A_739, %broadcast_in_dim3A_742, %broadcast_in_dim3A_743 : vector<16xi1>, vector<16xi32>
    %or3A_745 = arith.ori %or3A_723, %select_n3A_744 : vector<16xi32>
    %mul3A_746 = arith.constant 16 : i32
    %mul3A_747 = vector.broadcast %mul3A_746 : i32 to vector<16xi32>
    %mul3A_748 = arith.muli %iota3A, %mul3A_747 : vector<16xi32>
    %add3A_749 = arith.constant 258 : i32
    %add3A_750 = vector.broadcast %add3A_749 : i32 to vector<16xi32>
    %add3A_751 = arith.addi %mul3A_748, %add3A_750 : vector<16xi32>
    %shift_right_arithmetic3A_752 = arith.constant 7 : i32
    %shift_right_arithmetic3A_753 = vector.broadcast %shift_right_arithmetic3A_752 : i32 to vector<16xi32>
    %shift_right_arithmetic3A_754 = arith.shrsi %add3A_751, %shift_right_arithmetic3A_753 : vector<16xi32>
    %and3A_755 = arith.constant 127 : i32
    %and3A_756 = vector.broadcast %and3A_755 : i32 to vector<16xi32>
    %and3A_757 = arith.andi %add3A_751, %and3A_756 : vector<16xi32>
    %gather3A_758 = tpu.vector_load_idx %arg5[%shift_right_arithmetic3A_754, %and3A_757] : memref<4x128xi32, #tpu.memory_space<vmem>>[vector<16xi32>, vector<16xi32>], vector<16xi32>,
    %eq3A_759 = arith.constant 0 : i32
    %eq3A_760 = vector.broadcast %eq3A_759 : i32 to vector<16xi32>
    %eq3A_761 = arith.cmpi eq, %gather3A_758, %eq3A_760 : vector<16xi32>
    %jit3A_762 = arith.constant 1 : i32
    %jit3A_763 = arith.constant 0 : i32
    %broadcast_in_dim3A_764 = vector.broadcast %jit3A_762 : i32 to vector<16xi32>
    %broadcast_in_dim3A_765 = vector.broadcast %jit3A_763 : i32 to vector<16xi32>
    %select_n3A_766 = arith.select %eq3A_761, %broadcast_in_dim3A_764, %broadcast_in_dim3A_765 : vector<16xi1>, vector<16xi32>
    %or3A_767 = arith.ori %or3A_745, %select_n3A_766 : vector<16xi32>
    %mul3A_768 = arith.constant 16 : i32
    %mul3A_769 = vector.broadcast %mul3A_768 : i32 to vector<16xi32>
    %mul3A_770 = arith.muli %iota3A, %mul3A_769 : vector<16xi32>
    %add3A_771 = arith.constant 259 : i32
    %add3A_772 = vector.broadcast %add3A_771 : i32 to vector<16xi32>
    %add3A_773 = arith.addi %mul3A_770, %add3A_772 : vector<16xi32>
    %shift_right_arithmetic3A_774 = arith.constant 7 : i32
    %shift_right_arithmetic3A_775 = vector.broadcast %shift_right_arithmetic3A_774 : i32 to vector<16xi32>
    %shift_right_arithmetic3A_776 = arith.shrsi %add3A_773, %shift_right_arithmetic3A_775 : vector<16xi32>
    %and3A_777 = arith.constant 127 : i32
    %and3A_778 = vector.broadcast %and3A_777 : i32 to vector<16xi32>
    %and3A_779 = arith.andi %add3A_773, %and3A_778 : vector<16xi32>
    %gather3A_780 = tpu.vector_load_idx %arg5[%shift_right_arithmetic3A_776, %and3A_779] : memref<4x128xi32, #tpu.memory_space<vmem>>[vector<16xi32>, vector<16xi32>], vector<16xi32>,
    %eq3A_781 = arith.constant 0 : i32
    %eq3A_782 = vector.broadcast %eq3A_781 : i32 to vector<16xi32>
    %eq3A_783 = arith.cmpi eq, %gather3A_780, %eq3A_782 : vector<16xi32>
    %jit3A_784 = arith.constant 1 : i32
    %jit3A_785 = arith.constant 0 : i32
    %broadcast_in_dim3A_786 = vector.broadcast %jit3A_784 : i32 to vector<16xi32>
    %broadcast_in_dim3A_787 = vector.broadcast %jit3A_785 : i32 to vector<16xi32>
    %select_n3A_788 = arith.select %eq3A_783, %broadcast_in_dim3A_786, %broadcast_in_dim3A_787 : vector<16xi1>, vector<16xi32>
    %or3A_789 = arith.ori %or3A_767, %select_n3A_788 : vector<16xi32>
    %mul3A_790 = arith.constant 16 : i32
    %mul3A_791 = vector.broadcast %mul3A_790 : i32 to vector<16xi32>
    %mul3A_792 = arith.muli %iota3A, %mul3A_791 : vector<16xi32>
    %add3A_793 = arith.constant 260 : i32
    %add3A_794 = vector.broadcast %add3A_793 : i32 to vector<16xi32>
    %add3A_795 = arith.addi %mul3A_792, %add3A_794 : vector<16xi32>
    %shift_right_arithmetic3A_796 = arith.constant 7 : i32
    %shift_right_arithmetic3A_797 = vector.broadcast %shift_right_arithmetic3A_796 : i32 to vector<16xi32>
    %shift_right_arithmetic3A_798 = arith.shrsi %add3A_795, %shift_right_arithmetic3A_797 : vector<16xi32>
    %and3A_799 = arith.constant 127 : i32
    %and3A_800 = vector.broadcast %and3A_799 : i32 to vector<16xi32>
    %and3A_801 = arith.andi %add3A_795, %and3A_800 : vector<16xi32>
    %gather3A_802 = tpu.vector_load_idx %arg5[%shift_right_arithmetic3A_798, %and3A_801] : memref<4x128xi32, #tpu.memory_space<vmem>>[vector<16xi32>, vector<16xi32>], vector<16xi32>,
    %eq3A_803 = arith.constant 0 : i32
    %eq3A_804 = vector.broadcast %eq3A_803 : i32 to vector<16xi32>
    %eq3A_805 = arith.cmpi eq, %gather3A_802, %eq3A_804 : vector<16xi32>
    %jit3A_806 = arith.constant 1 : i32
    %jit3A_807 = arith.constant 0 : i32
    %broadcast_in_dim3A_808 = vector.broadcast %jit3A_806 : i32 to vector<16xi32>
    %broadcast_in_dim3A_809 = vector.broadcast %jit3A_807 : i32 to vector<16xi32>
    %select_n3A_810 = arith.select %eq3A_805, %broadcast_in_dim3A_808, %broadcast_in_dim3A_809 : vector<16xi1>, vector<16xi32>
    %or3A_811 = arith.ori %or3A_789, %select_n3A_810 : vector<16xi32>
    %mul3A_812 = arith.constant 16 : i32
    %mul3A_813 = vector.broadcast %mul3A_812 : i32 to vector<16xi32>
    %mul3A_814 = arith.muli %iota3A, %mul3A_813 : vector<16xi32>
    %add3A_815 = arith.constant 261 : i32
    %add3A_816 = vector.broadcast %add3A_815 : i32 to vector<16xi32>
    %add3A_817 = arith.addi %mul3A_814, %add3A_816 : vector<16xi32>
    %shift_right_arithmetic3A_818 = arith.constant 7 : i32
    %shift_right_arithmetic3A_819 = vector.broadcast %shift_right_arithmetic3A_818 : i32 to vector<16xi32>
    %shift_right_arithmetic3A_820 = arith.shrsi %add3A_817, %shift_right_arithmetic3A_819 : vector<16xi32>
    %and3A_821 = arith.constant 127 : i32
    %and3A_822 = vector.broadcast %and3A_821 : i32 to vector<16xi32>
    %and3A_823 = arith.andi %add3A_817, %and3A_822 : vector<16xi32>
    %gather3A_824 = tpu.vector_load_idx %arg5[%shift_right_arithmetic3A_820, %and3A_823] : memref<4x128xi32, #tpu.memory_space<vmem>>[vector<16xi32>, vector<16xi32>], vector<16xi32>,
    %eq3A_825 = arith.constant 0 : i32
    %eq3A_826 = vector.broadcast %eq3A_825 : i32 to vector<16xi32>
    %eq3A_827 = arith.cmpi eq, %gather3A_824, %eq3A_826 : vector<16xi32>
    %jit3A_828 = arith.constant 1 : i32
    %jit3A_829 = arith.constant 0 : i32
    %broadcast_in_dim3A_830 = vector.broadcast %jit3A_828 : i32 to vector<16xi32>
    %broadcast_in_dim3A_831 = vector.broadcast %jit3A_829 : i32 to vector<16xi32>
    %select_n3A_832 = arith.select %eq3A_827, %broadcast_in_dim3A_830, %broadcast_in_dim3A_831 : vector<16xi1>, vector<16xi32>
    %or3A_833 = arith.ori %or3A_811, %select_n3A_832 : vector<16xi32>
    %mul3A_834 = arith.constant 16 : i32
    %mul3A_835 = vector.broadcast %mul3A_834 : i32 to vector<16xi32>
    %mul3A_836 = arith.muli %iota3A, %mul3A_835 : vector<16xi32>
    %add3A_837 = arith.constant 262 : i32
    %add3A_838 = vector.broadcast %add3A_837 : i32 to vector<16xi32>
    %add3A_839 = arith.addi %mul3A_836, %add3A_838 : vector<16xi32>
    %shift_right_arithmetic3A_840 = arith.constant 7 : i32
    %shift_right_arithmetic3A_841 = vector.broadcast %shift_right_arithmetic3A_840 : i32 to vector<16xi32>
    %shift_right_arithmetic3A_842 = arith.shrsi %add3A_839, %shift_right_arithmetic3A_841 : vector<16xi32>
    %and3A_843 = arith.constant 127 : i32
    %and3A_844 = vector.broadcast %and3A_843 : i32 to vector<16xi32>
    %and3A_845 = arith.andi %add3A_839, %and3A_844 : vector<16xi32>
    %gather3A_846 = tpu.vector_load_idx %arg5[%shift_right_arithmetic3A_842, %and3A_845] : memref<4x128xi32, #tpu.memory_space<vmem>>[vector<16xi32>, vector<16xi32>], vector<16xi32>,
    %eq3A_847 = arith.constant 0 : i32
    %eq3A_848 = vector.broadcast %eq3A_847 : i32 to vector<16xi32>
    %eq3A_849 = arith.cmpi eq, %gather3A_846, %eq3A_848 : vector<16xi32>
    %jit3A_850 = arith.constant 1 : i32
    %jit3A_851 = arith.constant 0 : i32
    %broadcast_in_dim3A_852 = vector.broadcast %jit3A_850 : i32 to vector<16xi32>
    %broadcast_in_dim3A_853 = vector.broadcast %jit3A_851 : i32 to vector<16xi32>
    %select_n3A_854 = arith.select %eq3A_849, %broadcast_in_dim3A_852, %broadcast_in_dim3A_853 : vector<16xi1>, vector<16xi32>
    %or3A_855 = arith.ori %or3A_833, %select_n3A_854 : vector<16xi32>
    %mul3A_856 = arith.constant 16 : i32
    %mul3A_857 = vector.broadcast %mul3A_856 : i32 to vector<16xi32>
    %mul3A_858 = arith.muli %iota3A, %mul3A_857 : vector<16xi32>
    %add3A_859 = arith.constant 263 : i32
    %add3A_860 = vector.broadcast %add3A_859 : i32 to vector<16xi32>
    %add3A_861 = arith.addi %mul3A_858, %add3A_860 : vector<16xi32>
    %shift_right_arithmetic3A_862 = arith.constant 7 : i32
    %shift_right_arithmetic3A_863 = vector.broadcast %shift_right_arithmetic3A_862 : i32 to vector<16xi32>
    %shift_right_arithmetic3A_864 = arith.shrsi %add3A_861, %shift_right_arithmetic3A_863 : vector<16xi32>
    %and3A_865 = arith.constant 127 : i32
    %and3A_866 = vector.broadcast %and3A_865 : i32 to vector<16xi32>
    %and3A_867 = arith.andi %add3A_861, %and3A_866 : vector<16xi32>
    %gather3A_868 = tpu.vector_load_idx %arg5[%shift_right_arithmetic3A_864, %and3A_867] : memref<4x128xi32, #tpu.memory_space<vmem>>[vector<16xi32>, vector<16xi32>], vector<16xi32>,
    %eq3A_869 = arith.constant 0 : i32
    %eq3A_870 = vector.broadcast %eq3A_869 : i32 to vector<16xi32>
    %eq3A_871 = arith.cmpi eq, %gather3A_868, %eq3A_870 : vector<16xi32>
    %jit3A_872 = arith.constant 1 : i32
    %jit3A_873 = arith.constant 0 : i32
    %broadcast_in_dim3A_874 = vector.broadcast %jit3A_872 : i32 to vector<16xi32>
    %broadcast_in_dim3A_875 = vector.broadcast %jit3A_873 : i32 to vector<16xi32>
    %select_n3A_876 = arith.select %eq3A_871, %broadcast_in_dim3A_874, %broadcast_in_dim3A_875 : vector<16xi1>, vector<16xi32>
    %or3A_877 = arith.ori %or3A_855, %select_n3A_876 : vector<16xi32>
    %mul3A_878 = arith.constant 16 : i32
    %mul3A_879 = vector.broadcast %mul3A_878 : i32 to vector<16xi32>
    %mul3A_880 = arith.muli %iota3A, %mul3A_879 : vector<16xi32>
    %add3A_881 = arith.constant 264 : i32
    %add3A_882 = vector.broadcast %add3A_881 : i32 to vector<16xi32>
    %add3A_883 = arith.addi %mul3A_880, %add3A_882 : vector<16xi32>
    %shift_right_arithmetic3A_884 = arith.constant 7 : i32
    %shift_right_arithmetic3A_885 = vector.broadcast %shift_right_arithmetic3A_884 : i32 to vector<16xi32>
    %shift_right_arithmetic3A_886 = arith.shrsi %add3A_883, %shift_right_arithmetic3A_885 : vector<16xi32>
    %and3A_887 = arith.constant 127 : i32
    %and3A_888 = vector.broadcast %and3A_887 : i32 to vector<16xi32>
    %and3A_889 = arith.andi %add3A_883, %and3A_888 : vector<16xi32>
    %gather3A_890 = tpu.vector_load_idx %arg5[%shift_right_arithmetic3A_886, %and3A_889] : memref<4x128xi32, #tpu.memory_space<vmem>>[vector<16xi32>, vector<16xi32>], vector<16xi32>,
    %eq3A_891 = arith.constant 0 : i32
    %eq3A_892 = vector.broadcast %eq3A_891 : i32 to vector<16xi32>
    %eq3A_893 = arith.cmpi eq, %gather3A_890, %eq3A_892 : vector<16xi32>
    %jit3A_894 = arith.constant 1 : i32
    %jit3A_895 = arith.constant 0 : i32
    %broadcast_in_dim3A_896 = vector.broadcast %jit3A_894 : i32 to vector<16xi32>
    %broadcast_in_dim3A_897 = vector.broadcast %jit3A_895 : i32 to vector<16xi32>
    %select_n3A_898 = arith.select %eq3A_893, %broadcast_in_dim3A_896, %broadcast_in_dim3A_897 : vector<16xi1>, vector<16xi32>
    %or3A_899 = arith.ori %or3A_877, %select_n3A_898 : vector<16xi32>
    %mul3A_900 = arith.constant 16 : i32
    %mul3A_901 = vector.broadcast %mul3A_900 : i32 to vector<16xi32>
    %mul3A_902 = arith.muli %iota3A, %mul3A_901 : vector<16xi32>
    %add3A_903 = arith.constant 265 : i32
    %add3A_904 = vector.broadcast %add3A_903 : i32 to vector<16xi32>
    %add3A_905 = arith.addi %mul3A_902, %add3A_904 : vector<16xi32>
    %shift_right_arithmetic3A_906 = arith.constant 7 : i32
    %shift_right_arithmetic3A_907 = vector.broadcast %shift_right_arithmetic3A_906 : i32 to vector<16xi32>
    %shift_right_arithmetic3A_908 = arith.shrsi %add3A_905, %shift_right_arithmetic3A_907 : vector<16xi32>
    %and3A_909 = arith.constant 127 : i32
    %and3A_910 = vector.broadcast %and3A_909 : i32 to vector<16xi32>
    %and3A_911 = arith.andi %add3A_905, %and3A_910 : vector<16xi32>
    %gather3A_912 = tpu.vector_load_idx %arg5[%shift_right_arithmetic3A_908, %and3A_911] : memref<4x128xi32, #tpu.memory_space<vmem>>[vector<16xi32>, vector<16xi32>], vector<16xi32>,
    %eq3A_913 = arith.constant 0 : i32
    %eq3A_914 = vector.broadcast %eq3A_913 : i32 to vector<16xi32>
    %eq3A_915 = arith.cmpi eq, %gather3A_912, %eq3A_914 : vector<16xi32>
    %jit3A_916 = arith.constant 1 : i32
    %jit3A_917 = arith.constant 0 : i32
    %broadcast_in_dim3A_918 = vector.broadcast %jit3A_916 : i32 to vector<16xi32>
    %broadcast_in_dim3A_919 = vector.broadcast %jit3A_917 : i32 to vector<16xi32>
    %select_n3A_920 = arith.select %eq3A_915, %broadcast_in_dim3A_918, %broadcast_in_dim3A_919 : vector<16xi1>, vector<16xi32>
    %or3A_921 = arith.ori %or3A_899, %select_n3A_920 : vector<16xi32>
    %mul3A_922 = arith.constant 16 : i32
    %mul3A_923 = vector.broadcast %mul3A_922 : i32 to vector<16xi32>
    %mul3A_924 = arith.muli %iota3A, %mul3A_923 : vector<16xi32>
    %add3A_925 = arith.constant 266 : i32
    %add3A_926 = vector.broadcast %add3A_925 : i32 to vector<16xi32>
    %add3A_927 = arith.addi %mul3A_924, %add3A_926 : vector<16xi32>
    %shift_right_arithmetic3A_928 = arith.constant 7 : i32
    %shift_right_arithmetic3A_929 = vector.broadcast %shift_right_arithmetic3A_928 : i32 to vector<16xi32>
    %shift_right_arithmetic3A_930 = arith.shrsi %add3A_927, %shift_right_arithmetic3A_929 : vector<16xi32>
    %and3A_931 = arith.constant 127 : i32
    %and3A_932 = vector.broadcast %and3A_931 : i32 to vector<16xi32>
    %and3A_933 = arith.andi %add3A_927, %and3A_932 : vector<16xi32>
    %gather3A_934 = tpu.vector_load_idx %arg5[%shift_right_arithmetic3A_930, %and3A_933] : memref<4x128xi32, #tpu.memory_space<vmem>>[vector<16xi32>, vector<16xi32>], vector<16xi32>,
    %eq3A_935 = arith.constant 0 : i32
    %eq3A_936 = vector.broadcast %eq3A_935 : i32 to vector<16xi32>
    %eq3A_937 = arith.cmpi eq, %gather3A_934, %eq3A_936 : vector<16xi32>
    %jit3A_938 = arith.constant 1 : i32
    %jit3A_939 = arith.constant 0 : i32
    %broadcast_in_dim3A_940 = vector.broadcast %jit3A_938 : i32 to vector<16xi32>
    %broadcast_in_dim3A_941 = vector.broadcast %jit3A_939 : i32 to vector<16xi32>
    %select_n3A_942 = arith.select %eq3A_937, %broadcast_in_dim3A_940, %broadcast_in_dim3A_941 : vector<16xi1>, vector<16xi32>
    %or3A_943 = arith.ori %or3A_921, %select_n3A_942 : vector<16xi32>
    %mul3A_944 = arith.constant 16 : i32
    %mul3A_945 = vector.broadcast %mul3A_944 : i32 to vector<16xi32>
    %mul3A_946 = arith.muli %iota3A, %mul3A_945 : vector<16xi32>
    %add3A_947 = arith.constant 267 : i32
    %add3A_948 = vector.broadcast %add3A_947 : i32 to vector<16xi32>
    %add3A_949 = arith.addi %mul3A_946, %add3A_948 : vector<16xi32>
    %shift_right_arithmetic3A_950 = arith.constant 7 : i32
    %shift_right_arithmetic3A_951 = vector.broadcast %shift_right_arithmetic3A_950 : i32 to vector<16xi32>
    %shift_right_arithmetic3A_952 = arith.shrsi %add3A_949, %shift_right_arithmetic3A_951 : vector<16xi32>
    %and3A_953 = arith.constant 127 : i32
    %and3A_954 = vector.broadcast %and3A_953 : i32 to vector<16xi32>
    %and3A_955 = arith.andi %add3A_949, %and3A_954 : vector<16xi32>
    %gather3A_956 = tpu.vector_load_idx %arg5[%shift_right_arithmetic3A_952, %and3A_955] : memref<4x128xi32, #tpu.memory_space<vmem>>[vector<16xi32>, vector<16xi32>], vector<16xi32>,
    %eq3A_957 = arith.constant 0 : i32
    %eq3A_958 = vector.broadcast %eq3A_957 : i32 to vector<16xi32>
    %eq3A_959 = arith.cmpi eq, %gather3A_956, %eq3A_958 : vector<16xi32>
    %jit3A_960 = arith.constant 1 : i32
    %jit3A_961 = arith.constant 0 : i32
    %broadcast_in_dim3A_962 = vector.broadcast %jit3A_960 : i32 to vector<16xi32>
    %broadcast_in_dim3A_963 = vector.broadcast %jit3A_961 : i32 to vector<16xi32>
    %select_n3A_964 = arith.select %eq3A_959, %broadcast_in_dim3A_962, %broadcast_in_dim3A_963 : vector<16xi1>, vector<16xi32>
    %or3A_965 = arith.ori %or3A_943, %select_n3A_964 : vector<16xi32>
    %mul3A_966 = arith.constant 16 : i32
    %mul3A_967 = vector.broadcast %mul3A_966 : i32 to vector<16xi32>
    %mul3A_968 = arith.muli %iota3A, %mul3A_967 : vector<16xi32>
    %add3A_969 = arith.constant 268 : i32
    %add3A_970 = vector.broadcast %add3A_969 : i32 to vector<16xi32>
    %add3A_971 = arith.addi %mul3A_968, %add3A_970 : vector<16xi32>
    %shift_right_arithmetic3A_972 = arith.constant 7 : i32
    %shift_right_arithmetic3A_973 = vector.broadcast %shift_right_arithmetic3A_972 : i32 to vector<16xi32>
    %shift_right_arithmetic3A_974 = arith.shrsi %add3A_971, %shift_right_arithmetic3A_973 : vector<16xi32>
    %and3A_975 = arith.constant 127 : i32
    %and3A_976 = vector.broadcast %and3A_975 : i32 to vector<16xi32>
    %and3A_977 = arith.andi %add3A_971, %and3A_976 : vector<16xi32>
    %gather3A_978 = tpu.vector_load_idx %arg5[%shift_right_arithmetic3A_974, %and3A_977] : memref<4x128xi32, #tpu.memory_space<vmem>>[vector<16xi32>, vector<16xi32>], vector<16xi32>,
    %eq3A_979 = arith.constant 0 : i32
    %eq3A_980 = vector.broadcast %eq3A_979 : i32 to vector<16xi32>
    %eq3A_981 = arith.cmpi eq, %gather3A_978, %eq3A_980 : vector<16xi32>
    %jit3A_982 = arith.constant 1 : i32
    %jit3A_983 = arith.constant 0 : i32
    %broadcast_in_dim3A_984 = vector.broadcast %jit3A_982 : i32 to vector<16xi32>
    %broadcast_in_dim3A_985 = vector.broadcast %jit3A_983 : i32 to vector<16xi32>
    %select_n3A_986 = arith.select %eq3A_981, %broadcast_in_dim3A_984, %broadcast_in_dim3A_985 : vector<16xi1>, vector<16xi32>
    %or3A_987 = arith.ori %or3A_965, %select_n3A_986 : vector<16xi32>
    %mul3A_988 = arith.constant 16 : i32
    %mul3A_989 = vector.broadcast %mul3A_988 : i32 to vector<16xi32>
    %mul3A_990 = arith.muli %iota3A, %mul3A_989 : vector<16xi32>
    %add3A_991 = arith.constant 269 : i32
    %add3A_992 = vector.broadcast %add3A_991 : i32 to vector<16xi32>
    %add3A_993 = arith.addi %mul3A_990, %add3A_992 : vector<16xi32>
    %shift_right_arithmetic3A_994 = arith.constant 7 : i32
    %shift_right_arithmetic3A_995 = vector.broadcast %shift_right_arithmetic3A_994 : i32 to vector<16xi32>
    %shift_right_arithmetic3A_996 = arith.shrsi %add3A_993, %shift_right_arithmetic3A_995 : vector<16xi32>
    %and3A_997 = arith.constant 127 : i32
    %and3A_998 = vector.broadcast %and3A_997 : i32 to vector<16xi32>
    %and3A_999 = arith.andi %add3A_993, %and3A_998 : vector<16xi32>
    %gather3A_1000 = tpu.vector_load_idx %arg5[%shift_right_arithmetic3A_996, %and3A_999] : memref<4x128xi32, #tpu.memory_space<vmem>>[vector<16xi32>, vector<16xi32>], vector<16xi32>,
    %eq3A_1001 = arith.constant 0 : i32
    %eq3A_1002 = vector.broadcast %eq3A_1001 : i32 to vector<16xi32>
    %eq3A_1003 = arith.cmpi eq, %gather3A_1000, %eq3A_1002 : vector<16xi32>
    %jit3A_1004 = arith.constant 1 : i32
    %jit3A_1005 = arith.constant 0 : i32
    %broadcast_in_dim3A_1006 = vector.broadcast %jit3A_1004 : i32 to vector<16xi32>
    %broadcast_in_dim3A_1007 = vector.broadcast %jit3A_1005 : i32 to vector<16xi32>
    %select_n3A_1008 = arith.select %eq3A_1003, %broadcast_in_dim3A_1006, %broadcast_in_dim3A_1007 : vector<16xi1>, vector<16xi32>
    %or3A_1009 = arith.ori %or3A_987, %select_n3A_1008 : vector<16xi32>
    %mul3A_1010 = arith.constant 16 : i32
    %mul3A_1011 = vector.broadcast %mul3A_1010 : i32 to vector<16xi32>
    %mul3A_1012 = arith.muli %iota3A, %mul3A_1011 : vector<16xi32>
    %add3A_1013 = arith.constant 270 : i32
    %add3A_1014 = vector.broadcast %add3A_1013 : i32 to vector<16xi32>
    %add3A_1015 = arith.addi %mul3A_1012, %add3A_1014 : vector<16xi32>
    %shift_right_arithmetic3A_1016 = arith.constant 7 : i32
    %shift_right_arithmetic3A_1017 = vector.broadcast %shift_right_arithmetic3A_1016 : i32 to vector<16xi32>
    %shift_right_arithmetic3A_1018 = arith.shrsi %add3A_1015, %shift_right_arithmetic3A_1017 : vector<16xi32>
    %and3A_1019 = arith.constant 127 : i32
    %and3A_1020 = vector.broadcast %and3A_1019 : i32 to vector<16xi32>
    %and3A_1021 = arith.andi %add3A_1015, %and3A_1020 : vector<16xi32>
    %gather3A_1022 = tpu.vector_load_idx %arg5[%shift_right_arithmetic3A_1018, %and3A_1021] : memref<4x128xi32, #tpu.memory_space<vmem>>[vector<16xi32>, vector<16xi32>], vector<16xi32>,
    %eq3A_1023 = arith.constant 0 : i32
    %eq3A_1024 = vector.broadcast %eq3A_1023 : i32 to vector<16xi32>
    %eq3A_1025 = arith.cmpi eq, %gather3A_1022, %eq3A_1024 : vector<16xi32>
    %jit3A_1026 = arith.constant 1 : i32
    %jit3A_1027 = arith.constant 0 : i32
    %broadcast_in_dim3A_1028 = vector.broadcast %jit3A_1026 : i32 to vector<16xi32>
    %broadcast_in_dim3A_1029 = vector.broadcast %jit3A_1027 : i32 to vector<16xi32>
    %select_n3A_1030 = arith.select %eq3A_1025, %broadcast_in_dim3A_1028, %broadcast_in_dim3A_1029 : vector<16xi1>, vector<16xi32>
    %or3A_1031 = arith.ori %or3A_1009, %select_n3A_1030 : vector<16xi32>
    %mul3A_1032 = arith.constant 16 : i32
    %mul3A_1033 = vector.broadcast %mul3A_1032 : i32 to vector<16xi32>
    %mul3A_1034 = arith.muli %iota3A, %mul3A_1033 : vector<16xi32>
    %add3A_1035 = arith.constant 271 : i32
    %add3A_1036 = vector.broadcast %add3A_1035 : i32 to vector<16xi32>
    %add3A_1037 = arith.addi %mul3A_1034, %add3A_1036 : vector<16xi32>
    %shift_right_arithmetic3A_1038 = arith.constant 7 : i32
    %shift_right_arithmetic3A_1039 = vector.broadcast %shift_right_arithmetic3A_1038 : i32 to vector<16xi32>
    %shift_right_arithmetic3A_1040 = arith.shrsi %add3A_1037, %shift_right_arithmetic3A_1039 : vector<16xi32>
    %and3A_1041 = arith.constant 127 : i32
    %and3A_1042 = vector.broadcast %and3A_1041 : i32 to vector<16xi32>
    %and3A_1043 = arith.andi %add3A_1037, %and3A_1042 : vector<16xi32>
    %gather3A_1044 = tpu.vector_load_idx %arg5[%shift_right_arithmetic3A_1040, %and3A_1043] : memref<4x128xi32, #tpu.memory_space<vmem>>[vector<16xi32>, vector<16xi32>], vector<16xi32>,
    %eq3A_1045 = arith.constant 0 : i32
    %eq3A_1046 = vector.broadcast %eq3A_1045 : i32 to vector<16xi32>
    %eq3A_1047 = arith.cmpi eq, %gather3A_1044, %eq3A_1046 : vector<16xi32>
    %jit3A_1048 = arith.constant 1 : i32
    %jit3A_1049 = arith.constant 0 : i32
    %broadcast_in_dim3A_1050 = vector.broadcast %jit3A_1048 : i32 to vector<16xi32>
    %broadcast_in_dim3A_1051 = vector.broadcast %jit3A_1049 : i32 to vector<16xi32>
    %select_n3A_1052 = arith.select %eq3A_1047, %broadcast_in_dim3A_1050, %broadcast_in_dim3A_1051 : vector<16xi1>, vector<16xi32>
    %or3A_1053 = arith.ori %or3A_1031, %select_n3A_1052 : vector<16xi32>
    %swap3A_1054 = arith.constant 16 : index
    %swap3A_1055 = tpu.vector_load %arg9[%swap3A_1054] {strides = array<i32>} : memref<32xi32, #tpu.memory_space<vmem>>, vector<16xi32>,
    tpu.vector_store %arg9[%swap3A_1054], %or3A_1053 {strides = array<i32>} : memref<32xi32, #tpu.memory_space<vmem>>, vector<16xi32>,
    %dma_wait3A_1056 = arith.constant 0 : i32
    %dma_wait3A_1057 = arith.constant 0 : i32
    %dma_wait3A_1058 = arith.constant 0 : i32
    %dma_wait3A_1059 = tpu.memref_slice %arg7[%dma_wait3A_1057, %dma_wait3A_1058] : memref<64x1024xf32, #tpu.memory_space<vmem>> -> memref<8x1024xf32, #tpu.memory_space<vmem>>
    %dma_wait3A_1060 = arith.constant 0 : i32
    %dma_wait3A_1061 = tpu.memref_slice %arg4[%dma_wait3A_1056, %add3A_289, %dma_wait3A_1060] : memref<4x4096x1024xf32, #tpu.memory_space<hbm>> -> memref<1x8x1024xf32, #tpu.memory_space<hbm>>
    %dma_wait3A_1062 = tpu.memref_squeeze %dma_wait3A_1061 : memref<1x8x1024xf32, #tpu.memory_space<hbm>> -> memref<8x1024xf32, #tpu.memory_space<hbm>>
    %dma_wait3A_1063 = arith.constant 0 : i32
    %dma_wait3A_1064 = tpu.memref_slice %arg4[%dma_wait3A_1056, %add3A_289, %dma_wait3A_1063] : memref<4x4096x1024xf32, #tpu.memory_space<hbm>> -> memref<1x8x1024xf32, #tpu.memory_space<hbm>>
    %dma_wait3A_1065 = tpu.memref_squeeze %dma_wait3A_1064 : memref<1x8x1024xf32, #tpu.memory_space<hbm>> -> memref<8x1024xf32, #tpu.memory_space<hbm>>
    %dma_wait3A_1066 = arith.constant 0 : i32
    %dma_wait3A_1067 = arith.constant 0 : i32
    %dma_wait3A_1068 = tpu.memref_slice %arg7[%dma_wait3A_1066, %dma_wait3A_1067] : memref<64x1024xf32, #tpu.memory_space<vmem>> -> memref<8x1024xf32, #tpu.memory_space<vmem>>
    tpu.wait_dma2 semaphore(%arg12 : memref<!tpu.dma_semaphore, #tpu.memory_space<semaphore_mem>>) src(%dma_wait3A_1068 : memref<8x1024xf32, #tpu.memory_space<vmem>>) dst(%dma_wait3A_1065 : memref<8x1024xf32, #tpu.memory_space<hbm>>)
    %dma_wait3A_1069 = arith.constant 1 : i32
    %dma_wait3A_1070 = arith.constant 0 : i32
    %dma_wait3A_1071 = arith.constant 0 : i32
    %dma_wait3A_1072 = tpu.memref_slice %arg7[%dma_wait3A_1070, %dma_wait3A_1071] : memref<64x1024xf32, #tpu.memory_space<vmem>> -> memref<8x1024xf32, #tpu.memory_space<vmem>>
    %dma_wait3A_1073 = arith.constant 0 : i32
    %dma_wait3A_1074 = tpu.memref_slice %arg4[%dma_wait3A_1069, %add3A_304, %dma_wait3A_1073] : memref<4x4096x1024xf32, #tpu.memory_space<hbm>> -> memref<1x8x1024xf32, #tpu.memory_space<hbm>>
    %dma_wait3A_1075 = tpu.memref_squeeze %dma_wait3A_1074 : memref<1x8x1024xf32, #tpu.memory_space<hbm>> -> memref<8x1024xf32, #tpu.memory_space<hbm>>
    %dma_wait3A_1076 = arith.constant 0 : i32
    %dma_wait3A_1077 = tpu.memref_slice %arg4[%dma_wait3A_1069, %add3A_304, %dma_wait3A_1076] : memref<4x4096x1024xf32, #tpu.memory_space<hbm>> -> memref<1x8x1024xf32, #tpu.memory_space<hbm>>
    %dma_wait3A_1078 = tpu.memref_squeeze %dma_wait3A_1077 : memref<1x8x1024xf32, #tpu.memory_space<hbm>> -> memref<8x1024xf32, #tpu.memory_space<hbm>>
    %dma_wait3A_1079 = arith.constant 0 : i32
    %dma_wait3A_1080 = arith.constant 0 : i32
    %dma_wait3A_1081 = tpu.memref_slice %arg7[%dma_wait3A_1079, %dma_wait3A_1080] : memref<64x1024xf32, #tpu.memory_space<vmem>> -> memref<8x1024xf32, #tpu.memory_space<vmem>>
    tpu.wait_dma2 semaphore(%arg12 : memref<!tpu.dma_semaphore, #tpu.memory_space<semaphore_mem>>) src(%dma_wait3A_1081 : memref<8x1024xf32, #tpu.memory_space<vmem>>) dst(%dma_wait3A_1078 : memref<8x1024xf32, #tpu.memory_space<hbm>>)
    %dma_wait3A_1082 = arith.constant 2 : i32
    %dma_wait3A_1083 = arith.constant 0 : i32
    %dma_wait3A_1084 = arith.constant 0 : i32
    %dma_wait3A_1085 = tpu.memref_slice %arg7[%dma_wait3A_1083, %dma_wait3A_1084] : memref<64x1024xf32, #tpu.memory_space<vmem>> -> memref<8x1024xf32, #tpu.memory_space<vmem>>
    %dma_wait3A_1086 = arith.constant 0 : i32
    %dma_wait3A_1087 = tpu.memref_slice %arg4[%dma_wait3A_1082, %add3A_319, %dma_wait3A_1086] : memref<4x4096x1024xf32, #tpu.memory_space<hbm>> -> memref<1x8x1024xf32, #tpu.memory_space<hbm>>
    %dma_wait3A_1088 = tpu.memref_squeeze %dma_wait3A_1087 : memref<1x8x1024xf32, #tpu.memory_space<hbm>> -> memref<8x1024xf32, #tpu.memory_space<hbm>>
    %dma_wait3A_1089 = arith.constant 0 : i32
    %dma_wait3A_1090 = tpu.memref_slice %arg4[%dma_wait3A_1082, %add3A_319, %dma_wait3A_1089] : memref<4x4096x1024xf32, #tpu.memory_space<hbm>> -> memref<1x8x1024xf32, #tpu.memory_space<hbm>>
    %dma_wait3A_1091 = tpu.memref_squeeze %dma_wait3A_1090 : memref<1x8x1024xf32, #tpu.memory_space<hbm>> -> memref<8x1024xf32, #tpu.memory_space<hbm>>
    %dma_wait3A_1092 = arith.constant 0 : i32
    %dma_wait3A_1093 = arith.constant 0 : i32
    %dma_wait3A_1094 = tpu.memref_slice %arg7[%dma_wait3A_1092, %dma_wait3A_1093] : memref<64x1024xf32, #tpu.memory_space<vmem>> -> memref<8x1024xf32, #tpu.memory_space<vmem>>
    tpu.wait_dma2 semaphore(%arg12 : memref<!tpu.dma_semaphore, #tpu.memory_space<semaphore_mem>>) src(%dma_wait3A_1094 : memref<8x1024xf32, #tpu.memory_space<vmem>>) dst(%dma_wait3A_1091 : memref<8x1024xf32, #tpu.memory_space<hbm>>)
    %dma_wait3A_1095 = arith.constant 3 : i32
    %dma_wait3A_1096 = arith.constant 0 : i32
    %dma_wait3A_1097 = arith.constant 0 : i32
    %dma_wait3A_1098 = tpu.memref_slice %arg7[%dma_wait3A_1096, %dma_wait3A_1097] : memref<64x1024xf32, #tpu.memory_space<vmem>> -> memref<8x1024xf32, #tpu.memory_space<vmem>>
    %dma_wait3A_1099 = arith.constant 0 : i32
    %dma_wait3A_1100 = tpu.memref_slice %arg4[%dma_wait3A_1095, %add3A_334, %dma_wait3A_1099] : memref<4x4096x1024xf32, #tpu.memory_space<hbm>> -> memref<1x8x1024xf32, #tpu.memory_space<hbm>>
    %dma_wait3A_1101 = tpu.memref_squeeze %dma_wait3A_1100 : memref<1x8x1024xf32, #tpu.memory_space<hbm>> -> memref<8x1024xf32, #tpu.memory_space<hbm>>
    %dma_wait3A_1102 = arith.constant 0 : i32
    %dma_wait3A_1103 = tpu.memref_slice %arg4[%dma_wait3A_1095, %add3A_334, %dma_wait3A_1102] : memref<4x4096x1024xf32, #tpu.memory_space<hbm>> -> memref<1x8x1024xf32, #tpu.memory_space<hbm>>
    %dma_wait3A_1104 = tpu.memref_squeeze %dma_wait3A_1103 : memref<1x8x1024xf32, #tpu.memory_space<hbm>> -> memref<8x1024xf32, #tpu.memory_space<hbm>>
    %dma_wait3A_1105 = arith.constant 0 : i32
    %dma_wait3A_1106 = arith.constant 0 : i32
    %dma_wait3A_1107 = tpu.memref_slice %arg7[%dma_wait3A_1105, %dma_wait3A_1106] : memref<64x1024xf32, #tpu.memory_space<vmem>> -> memref<8x1024xf32, #tpu.memory_space<vmem>>
    tpu.wait_dma2 semaphore(%arg12 : memref<!tpu.dma_semaphore, #tpu.memory_space<semaphore_mem>>) src(%dma_wait3A_1107 : memref<8x1024xf32, #tpu.memory_space<vmem>>) dst(%dma_wait3A_1104 : memref<8x1024xf32, #tpu.memory_space<hbm>>)
    %dma_wait3A_1108 = arith.constant 0 : i32
    %dma_wait3A_1109 = arith.constant 0 : i32
    %dma_wait3A_1110 = arith.constant 0 : i32
    %dma_wait3A_1111 = tpu.memref_slice %arg8[%dma_wait3A_1109, %dma_wait3A_1110] : memref<56x1024xf32, #tpu.memory_space<vmem>> -> memref<56x1024xf32, #tpu.memory_space<vmem>>
    %dma_wait3A_1112 = arith.constant 0 : i32
    %dma_wait3A_1113 = tpu.memref_slice %arg4[%dma_wait3A_1108, %add3A_221, %dma_wait3A_1112] : memref<4x4096x1024xf32, #tpu.memory_space<hbm>> -> memref<1x56x1024xf32, #tpu.memory_space<hbm>>
    %dma_wait3A_1114 = tpu.memref_squeeze %dma_wait3A_1113 : memref<1x56x1024xf32, #tpu.memory_space<hbm>> -> memref<56x1024xf32, #tpu.memory_space<hbm>>
    %dma_wait3A_1115 = arith.constant 0 : i32
    %dma_wait3A_1116 = tpu.memref_slice %arg4[%dma_wait3A_1108, %add3A_221, %dma_wait3A_1115] : memref<4x4096x1024xf32, #tpu.memory_space<hbm>> -> memref<1x56x1024xf32, #tpu.memory_space<hbm>>
    %dma_wait3A_1117 = tpu.memref_squeeze %dma_wait3A_1116 : memref<1x56x1024xf32, #tpu.memory_space<hbm>> -> memref<56x1024xf32, #tpu.memory_space<hbm>>
    %dma_wait3A_1118 = arith.constant 0 : i32
    %dma_wait3A_1119 = arith.constant 0 : i32
    %dma_wait3A_1120 = tpu.memref_slice %arg8[%dma_wait3A_1118, %dma_wait3A_1119] : memref<56x1024xf32, #tpu.memory_space<vmem>> -> memref<56x1024xf32, #tpu.memory_space<vmem>>
    tpu.wait_dma2 semaphore(%arg13 : memref<!tpu.dma_semaphore, #tpu.memory_space<semaphore_mem>>) src(%dma_wait3A_1120 : memref<56x1024xf32, #tpu.memory_space<vmem>>) dst(%dma_wait3A_1117 : memref<56x1024xf32, #tpu.memory_space<hbm>>)
    %dma_wait3A_1121 = arith.constant 1 : i32
    %dma_wait3A_1122 = arith.constant 0 : i32
    %dma_wait3A_1123 = arith.constant 0 : i32
    %dma_wait3A_1124 = tpu.memref_slice %arg8[%dma_wait3A_1122, %dma_wait3A_1123] : memref<56x1024xf32, #tpu.memory_space<vmem>> -> memref<56x1024xf32, #tpu.memory_space<vmem>>
    %dma_wait3A_1125 = arith.constant 0 : i32
    %dma_wait3A_1126 = tpu.memref_slice %arg4[%dma_wait3A_1121, %add3A_236, %dma_wait3A_1125] : memref<4x4096x1024xf32, #tpu.memory_space<hbm>> -> memref<1x56x1024xf32, #tpu.memory_space<hbm>>
    %dma_wait3A_1127 = tpu.memref_squeeze %dma_wait3A_1126 : memref<1x56x1024xf32, #tpu.memory_space<hbm>> -> memref<56x1024xf32, #tpu.memory_space<hbm>>
    %dma_wait3A_1128 = arith.constant 0 : i32
    %dma_wait3A_1129 = tpu.memref_slice %arg4[%dma_wait3A_1121, %add3A_236, %dma_wait3A_1128] : memref<4x4096x1024xf32, #tpu.memory_space<hbm>> -> memref<1x56x1024xf32, #tpu.memory_space<hbm>>
    %dma_wait3A_1130 = tpu.memref_squeeze %dma_wait3A_1129 : memref<1x56x1024xf32, #tpu.memory_space<hbm>> -> memref<56x1024xf32, #tpu.memory_space<hbm>>
    %dma_wait3A_1131 = arith.constant 0 : i32
    %dma_wait3A_1132 = arith.constant 0 : i32
    %dma_wait3A_1133 = tpu.memref_slice %arg8[%dma_wait3A_1131, %dma_wait3A_1132] : memref<56x1024xf32, #tpu.memory_space<vmem>> -> memref<56x1024xf32, #tpu.memory_space<vmem>>
    tpu.wait_dma2 semaphore(%arg13 : memref<!tpu.dma_semaphore, #tpu.memory_space<semaphore_mem>>) src(%dma_wait3A_1133 : memref<56x1024xf32, #tpu.memory_space<vmem>>) dst(%dma_wait3A_1130 : memref<56x1024xf32, #tpu.memory_space<hbm>>)
    %dma_wait3A_1134 = arith.constant 2 : i32
    %dma_wait3A_1135 = arith.constant 0 : i32
    %dma_wait3A_1136 = arith.constant 0 : i32
    %dma_wait3A_1137 = tpu.memref_slice %arg8[%dma_wait3A_1135, %dma_wait3A_1136] : memref<56x1024xf32, #tpu.memory_space<vmem>> -> memref<56x1024xf32, #tpu.memory_space<vmem>>
    %dma_wait3A_1138 = arith.constant 0 : i32
    %dma_wait3A_1139 = tpu.memref_slice %arg4[%dma_wait3A_1134, %add3A_251, %dma_wait3A_1138] : memref<4x4096x1024xf32, #tpu.memory_space<hbm>> -> memref<1x56x1024xf32, #tpu.memory_space<hbm>>
    %dma_wait3A_1140 = tpu.memref_squeeze %dma_wait3A_1139 : memref<1x56x1024xf32, #tpu.memory_space<hbm>> -> memref<56x1024xf32, #tpu.memory_space<hbm>>
    %dma_wait3A_1141 = arith.constant 0 : i32
    %dma_wait3A_1142 = tpu.memref_slice %arg4[%dma_wait3A_1134, %add3A_251, %dma_wait3A_1141] : memref<4x4096x1024xf32, #tpu.memory_space<hbm>> -> memref<1x56x1024xf32, #tpu.memory_space<hbm>>
    %dma_wait3A_1143 = tpu.memref_squeeze %dma_wait3A_1142 : memref<1x56x1024xf32, #tpu.memory_space<hbm>> -> memref<56x1024xf32, #tpu.memory_space<hbm>>
    %dma_wait3A_1144 = arith.constant 0 : i32
    %dma_wait3A_1145 = arith.constant 0 : i32
    %dma_wait3A_1146 = tpu.memref_slice %arg8[%dma_wait3A_1144, %dma_wait3A_1145] : memref<56x1024xf32, #tpu.memory_space<vmem>> -> memref<56x1024xf32, #tpu.memory_space<vmem>>
    tpu.wait_dma2 semaphore(%arg13 : memref<!tpu.dma_semaphore, #tpu.memory_space<semaphore_mem>>) src(%dma_wait3A_1146 : memref<56x1024xf32, #tpu.memory_space<vmem>>) dst(%dma_wait3A_1143 : memref<56x1024xf32, #tpu.memory_space<hbm>>)
    %dma_wait3A_1147 = arith.constant 3 : i32
    %dma_wait3A_1148 = arith.constant 0 : i32
    %dma_wait3A_1149 = arith.constant 0 : i32
    %dma_wait3A_1150 = tpu.memref_slice %arg8[%dma_wait3A_1148, %dma_wait3A_1149] : memref<56x1024xf32, #tpu.memory_space<vmem>> -> memref<56x1024xf32, #tpu.memory_space<vmem>>
    %dma_wait3A_1151 = arith.constant 0 : i32
    %dma_wait3A_1152 = tpu.memref_slice %arg4[%dma_wait3A_1147, %add3A_266, %dma_wait3A_1151] : memref<4x4096x1024xf32, #tpu.memory_space<hbm>> -> memref<1x56x1024xf32, #tpu.memory_space<hbm>>
    %dma_wait3A_1153 = tpu.memref_squeeze %dma_wait3A_1152 : memref<1x56x1024xf32, #tpu.memory_space<hbm>> -> memref<56x1024xf32, #tpu.memory_space<hbm>>
    %dma_wait3A_1154 = arith.constant 0 : i32
    %dma_wait3A_1155 = tpu.memref_slice %arg4[%dma_wait3A_1147, %add3A_266, %dma_wait3A_1154] : memref<4x4096x1024xf32, #tpu.memory_space<hbm>> -> memref<1x56x1024xf32, #tpu.memory_space<hbm>>
    %dma_wait3A_1156 = tpu.memref_squeeze %dma_wait3A_1155 : memref<1x56x1024xf32, #tpu.memory_space<hbm>> -> memref<56x1024xf32, #tpu.memory_space<hbm>>
    %dma_wait3A_1157 = arith.constant 0 : i32
    %dma_wait3A_1158 = arith.constant 0 : i32
    %dma_wait3A_1159 = tpu.memref_slice %arg8[%dma_wait3A_1157, %dma_wait3A_1158] : memref<56x1024xf32, #tpu.memory_space<vmem>> -> memref<56x1024xf32, #tpu.memory_space<vmem>>
    tpu.wait_dma2 semaphore(%arg13 : memref<!tpu.dma_semaphore, #tpu.memory_space<semaphore_mem>>) src(%dma_wait3A_1159 : memref<56x1024xf32, #tpu.memory_space<vmem>>) dst(%dma_wait3A_1156 : memref<56x1024xf32, #tpu.memory_space<hbm>>)
    %get3A = arith.constant 0 : index
    %get3A_1160 = tpu.vector_load %arg9[%get3A] {strides = array<i32>} : memref<32xi32, #tpu.memory_space<vmem>>, vector<16xi32>,
    %slice3A = vector.extract_strided_slice %get3A_1160 {offsets = [0], sizes = [1], strides = [1]} : vector<16xi32> to vector<1xi32>
    %squeeze3A = vector.extract %slice3A[0] : i32 from vector<1xi32>
    %gt3A = arith.constant 0 : i32
    %gt3A_1161 = arith.cmpi sgt, %squeeze3A, %gt3A : i32
    %convert_element_type3A = arith.extui %gt3A_1161 : i1 to i32
    %cond3A = arith.constant 0 : i32
    %cond3A_1162 = arith.cmpi ne, %convert_element_type3A, %cond3A : i32
    scf.if %cond3A_1162 {
      %get3A_1442 = arith.constant 0 : i32
      %get3A_1443 = arith.index_cast %get3A_1442 : i32 to index
      %get3A_1444 = arith.constant 0 : index
      %get3A_1445 = tpu.vector_load %arg5[%get3A_1443, %get3A_1444] {strides = array<i32>} : memref<4x128xi32, #tpu.memory_space<vmem>>, vector<16xi32>,
      %add3A_1446 = arith.constant 0 : i32
      %add3A_1447 = arith.addi %mul3A_2, %add3A_1446 : i32
      %add3A_1448 = arith.constant 1 : i32
      %add3A_1449 = arith.addi %add3A_1447, %add3A_1448 : i32
      %add3A_1450 = vector.broadcast %add3A_1449 : i32 to vector<16xi32>
      %add3A_1451 = arith.addi %iota3A, %add3A_1450 : vector<16xi32>
      %ne3A = arith.constant 0 : i32
      %ne3A_1452 = vector.broadcast %ne3A : i32 to vector<16xi32>
      %ne3A_1453 = arith.cmpi ne, %get3A_1445, %ne3A_1452 : vector<16xi32>
      %jit3A_1454 = arith.constant 0 : i32
      %broadcast_in_dim3A_1455 = vector.broadcast %jit3A_1454 : i32 to vector<16xi32>
      %select_n3A_1456 = arith.select %ne3A_1453, %add3A_1451, %broadcast_in_dim3A_1455 : vector<16xi1>, vector<16xi32>
      %dma_start3A_1457 = arith.constant 0 : i32
      %dma_start3A_1458 = arith.constant 0 : i32
      %dma_start3A_1459 = tpu.memref_slice %arg7[%dma_start3A_1457, %dma_start3A_1458] : memref<64x1024xf32, #tpu.memory_space<vmem>> -> memref<16x1024xf32, #tpu.memory_space<vmem>>
      %dma_start3A_1460 = arith.constant 0 : i32
      %dma_start3A_1461 = arith.constant 0 : i32
      %dma_start3A_1462 = tpu.memref_slice %arg3[%dma_start3A_1460, %dma_start3A_1461] : memref<8192x1024xf32, #tpu.memory_space<hbm>> -> memref<8192x1024xf32, #tpu.memory_space<hbm>>
      tpu.enqueue_indirect_dma source(%dma_start3A_1462 : memref<8192x1024xf32, #tpu.memory_space<hbm>>) target(%dma_start3A_1459 : memref<16x1024xf32, #tpu.memory_space<vmem>>) offsets(%select_n3A_1456 : vector<16xi32>) semaphore(%arg15 : memref<!tpu.dma_semaphore, #tpu.memory_space<semaphore_mem>>)
      %dma_wait3A_1463 = arith.constant 0 : i32
      %dma_wait3A_1464 = arith.constant 0 : i32
      %dma_wait3A_1465 = tpu.memref_slice %arg7[%dma_wait3A_1463, %dma_wait3A_1464] : memref<64x1024xf32, #tpu.memory_space<vmem>> -> memref<16x1024xf32, #tpu.memory_space<vmem>>
      %dma_wait3A_1466 = arith.constant 0 : i32
      %dma_wait3A_1467 = arith.constant 0 : i32
      %dma_wait3A_1468 = tpu.memref_slice %arg3[%dma_wait3A_1466, %dma_wait3A_1467] : memref<8192x1024xf32, #tpu.memory_space<hbm>> -> memref<8192x1024xf32, #tpu.memory_space<hbm>>
      tpu.wait_indirect_dma semaphore(%arg15 : memref<!tpu.dma_semaphore, #tpu.memory_space<semaphore_mem>>) src(%dma_wait3A_1468 : memref<8192x1024xf32, #tpu.memory_space<hbm>>) dst(%dma_wait3A_1465 : memref<16x1024xf32, #tpu.memory_space<vmem>>)
      %add3A_1469 = arith.constant 0 : i32
      %add3A_1470 = arith.addi %mul3A_2, %add3A_1469 : i32
      %dma_start3A_1471 = arith.constant 0 : i32
      %dma_start3A_1472 = arith.constant 0 : i32
      %dma_start3A_1473 = arith.constant 0 : i32
      %dma_start3A_1474 = tpu.memref_slice %arg7[%dma_start3A_1472, %dma_start3A_1473] : memref<64x1024xf32, #tpu.memory_space<vmem>> -> memref<16x1024xf32, #tpu.memory_space<vmem>>
      %dma_start3A_1475 = arith.constant 0 : i32
      %dma_start3A_1476 = tpu.memref_slice %arg4[%dma_start3A_1471, %add3A_1470, %dma_start3A_1475] : memref<4x4096x1024xf32, #tpu.memory_space<hbm>> -> memref<1x16x1024xf32, #tpu.memory_space<hbm>>
      %dma_start3A_1477 = tpu.memref_squeeze %dma_start3A_1476 : memref<1x16x1024xf32, #tpu.memory_space<hbm>> -> memref<16x1024xf32, #tpu.memory_space<hbm>>
      %dma_start3A_1478 = arith.constant 0 : i32
      %dma_start3A_1479 = tpu.memref_slice %arg4[%dma_start3A_1471, %add3A_1470, %dma_start3A_1478] : memref<4x4096x1024xf32, #tpu.memory_space<hbm>> -> memref<1x16x1024xf32, #tpu.memory_space<hbm>>
      %dma_start3A_1480 = tpu.memref_squeeze %dma_start3A_1479 : memref<1x16x1024xf32, #tpu.memory_space<hbm>> -> memref<16x1024xf32, #tpu.memory_space<hbm>>
      %dma_start3A_1481 = arith.constant 0 : i32
      %dma_start3A_1482 = arith.constant 0 : i32
      %dma_start3A_1483 = tpu.memref_slice %arg7[%dma_start3A_1481, %dma_start3A_1482] : memref<64x1024xf32, #tpu.memory_space<vmem>> -> memref<16x1024xf32, #tpu.memory_space<vmem>>
      tpu.enqueue_dma source(%dma_start3A_1483 : memref<16x1024xf32, #tpu.memory_space<vmem>>) target(%dma_start3A_1480 : memref<16x1024xf32, #tpu.memory_space<hbm>>) target_semaphore(%arg15 : memref<!tpu.dma_semaphore, #tpu.memory_space<semaphore_mem>>)
      %dma_wait3A_1484 = arith.constant 0 : i32
      %dma_wait3A_1485 = arith.constant 0 : i32
      %dma_wait3A_1486 = arith.constant 0 : i32
      %dma_wait3A_1487 = tpu.memref_slice %arg7[%dma_wait3A_1485, %dma_wait3A_1486] : memref<64x1024xf32, #tpu.memory_space<vmem>> -> memref<16x1024xf32, #tpu.memory_space<vmem>>
      %dma_wait3A_1488 = arith.constant 0 : i32
      %dma_wait3A_1489 = tpu.memref_slice %arg4[%dma_wait3A_1484, %add3A_1470, %dma_wait3A_1488] : memref<4x4096x1024xf32, #tpu.memory_space<hbm>> -> memref<1x16x1024xf32, #tpu.memory_space<hbm>>
      %dma_wait3A_1490 = tpu.memref_squeeze %dma_wait3A_1489 : memref<1x16x1024xf32, #tpu.memory_space<hbm>> -> memref<16x1024xf32, #tpu.memory_space<hbm>>
      %dma_wait3A_1491 = arith.constant 0 : i32
      %dma_wait3A_1492 = tpu.memref_slice %arg4[%dma_wait3A_1484, %add3A_1470, %dma_wait3A_1491] : memref<4x4096x1024xf32, #tpu.memory_space<hbm>> -> memref<1x16x1024xf32, #tpu.memory_space<hbm>>
      %dma_wait3A_1493 = tpu.memref_squeeze %dma_wait3A_1492 : memref<1x16x1024xf32, #tpu.memory_space<hbm>> -> memref<16x1024xf32, #tpu.memory_space<hbm>>
      %dma_wait3A_1494 = arith.constant 0 : i32
      %dma_wait3A_1495 = arith.constant 0 : i32
      %dma_wait3A_1496 = tpu.memref_slice %arg7[%dma_wait3A_1494, %dma_wait3A_1495] : memref<64x1024xf32, #tpu.memory_space<vmem>> -> memref<16x1024xf32, #tpu.memory_space<vmem>>
      tpu.wait_dma2 semaphore(%arg15 : memref<!tpu.dma_semaphore, #tpu.memory_space<semaphore_mem>>) src(%dma_wait3A_1496 : memref<16x1024xf32, #tpu.memory_space<vmem>>) dst(%dma_wait3A_1493 : memref<16x1024xf32, #tpu.memory_space<hbm>>)
    } else {
    }
    %get3A_1163 = arith.constant 0 : index
    %get3A_1164 = tpu.vector_load %arg9[%get3A_1163] {strides = array<i32>} : memref<32xi32, #tpu.memory_space<vmem>>, vector<16xi32>,
    %slice3A_1165 = vector.extract_strided_slice %get3A_1164 {offsets = [1], sizes = [1], strides = [1]} : vector<16xi32> to vector<1xi32>
    %squeeze3A_1166 = vector.extract %slice3A_1165[0] : i32 from vector<1xi32>
    %gt3A_1167 = arith.constant 0 : i32
    %gt3A_1168 = arith.cmpi sgt, %squeeze3A_1166, %gt3A_1167 : i32
    %convert_element_type3A_1169 = arith.extui %gt3A_1168 : i1 to i32
    %cond3A_1170 = arith.constant 0 : i32
    %cond3A_1171 = arith.cmpi ne, %convert_element_type3A_1169, %cond3A_1170 : i32
    scf.if %cond3A_1171 {
      %get3A_1442 = arith.constant 0 : i32
      %get3A_1443 = arith.index_cast %get3A_1442 : i32 to index
      %get3A_1444 = arith.constant 16 : index
      %get3A_1445 = tpu.vector_load %arg5[%get3A_1443, %get3A_1444] {strides = array<i32>} : memref<4x128xi32, #tpu.memory_space<vmem>>, vector<16xi32>,
      %add3A_1446 = arith.constant 16 : i32
      %add3A_1447 = arith.addi %mul3A_2, %add3A_1446 : i32
      %add3A_1448 = arith.constant 1 : i32
      %add3A_1449 = arith.addi %add3A_1447, %add3A_1448 : i32
      %add3A_1450 = vector.broadcast %add3A_1449 : i32 to vector<16xi32>
      %add3A_1451 = arith.addi %iota3A, %add3A_1450 : vector<16xi32>
      %ne3A = arith.constant 0 : i32
      %ne3A_1452 = vector.broadcast %ne3A : i32 to vector<16xi32>
      %ne3A_1453 = arith.cmpi ne, %get3A_1445, %ne3A_1452 : vector<16xi32>
      %jit3A_1454 = arith.constant 0 : i32
      %broadcast_in_dim3A_1455 = vector.broadcast %jit3A_1454 : i32 to vector<16xi32>
      %select_n3A_1456 = arith.select %ne3A_1453, %add3A_1451, %broadcast_in_dim3A_1455 : vector<16xi1>, vector<16xi32>
      %dma_start3A_1457 = arith.constant 0 : i32
      %dma_start3A_1458 = arith.constant 0 : i32
      %dma_start3A_1459 = tpu.memref_slice %arg7[%dma_start3A_1457, %dma_start3A_1458] : memref<64x1024xf32, #tpu.memory_space<vmem>> -> memref<16x1024xf32, #tpu.memory_space<vmem>>
      %dma_start3A_1460 = arith.constant 0 : i32
      %dma_start3A_1461 = arith.constant 0 : i32
      %dma_start3A_1462 = tpu.memref_slice %arg3[%dma_start3A_1460, %dma_start3A_1461] : memref<8192x1024xf32, #tpu.memory_space<hbm>> -> memref<8192x1024xf32, #tpu.memory_space<hbm>>
      tpu.enqueue_indirect_dma source(%dma_start3A_1462 : memref<8192x1024xf32, #tpu.memory_space<hbm>>) target(%dma_start3A_1459 : memref<16x1024xf32, #tpu.memory_space<vmem>>) offsets(%select_n3A_1456 : vector<16xi32>) semaphore(%arg15 : memref<!tpu.dma_semaphore, #tpu.memory_space<semaphore_mem>>)
      %dma_wait3A_1463 = arith.constant 0 : i32
      %dma_wait3A_1464 = arith.constant 0 : i32
      %dma_wait3A_1465 = tpu.memref_slice %arg7[%dma_wait3A_1463, %dma_wait3A_1464] : memref<64x1024xf32, #tpu.memory_space<vmem>> -> memref<16x1024xf32, #tpu.memory_space<vmem>>
      %dma_wait3A_1466 = arith.constant 0 : i32
      %dma_wait3A_1467 = arith.constant 0 : i32
      %dma_wait3A_1468 = tpu.memref_slice %arg3[%dma_wait3A_1466, %dma_wait3A_1467] : memref<8192x1024xf32, #tpu.memory_space<hbm>> -> memref<8192x1024xf32, #tpu.memory_space<hbm>>
      tpu.wait_indirect_dma semaphore(%arg15 : memref<!tpu.dma_semaphore, #tpu.memory_space<semaphore_mem>>) src(%dma_wait3A_1468 : memref<8192x1024xf32, #tpu.memory_space<hbm>>) dst(%dma_wait3A_1465 : memref<16x1024xf32, #tpu.memory_space<vmem>>)
      %add3A_1469 = arith.constant 16 : i32
      %add3A_1470 = arith.addi %mul3A_2, %add3A_1469 : i32
      %dma_start3A_1471 = arith.constant 0 : i32
      %dma_start3A_1472 = arith.constant 0 : i32
      %dma_start3A_1473 = arith.constant 0 : i32
      %dma_start3A_1474 = tpu.memref_slice %arg7[%dma_start3A_1472, %dma_start3A_1473] : memref<64x1024xf32, #tpu.memory_space<vmem>> -> memref<16x1024xf32, #tpu.memory_space<vmem>>
      %dma_start3A_1475 = arith.constant 0 : i32
      %dma_start3A_1476 = tpu.memref_slice %arg4[%dma_start3A_1471, %add3A_1470, %dma_start3A_1475] : memref<4x4096x1024xf32, #tpu.memory_space<hbm>> -> memref<1x16x1024xf32, #tpu.memory_space<hbm>>
      %dma_start3A_1477 = tpu.memref_squeeze %dma_start3A_1476 : memref<1x16x1024xf32, #tpu.memory_space<hbm>> -> memref<16x1024xf32, #tpu.memory_space<hbm>>
      %dma_start3A_1478 = arith.constant 0 : i32
      %dma_start3A_1479 = tpu.memref_slice %arg4[%dma_start3A_1471, %add3A_1470, %dma_start3A_1478] : memref<4x4096x1024xf32, #tpu.memory_space<hbm>> -> memref<1x16x1024xf32, #tpu.memory_space<hbm>>
      %dma_start3A_1480 = tpu.memref_squeeze %dma_start3A_1479 : memref<1x16x1024xf32, #tpu.memory_space<hbm>> -> memref<16x1024xf32, #tpu.memory_space<hbm>>
      %dma_start3A_1481 = arith.constant 0 : i32
      %dma_start3A_1482 = arith.constant 0 : i32
      %dma_start3A_1483 = tpu.memref_slice %arg7[%dma_start3A_1481, %dma_start3A_1482] : memref<64x1024xf32, #tpu.memory_space<vmem>> -> memref<16x1024xf32, #tpu.memory_space<vmem>>
      tpu.enqueue_dma source(%dma_start3A_1483 : memref<16x1024xf32, #tpu.memory_space<vmem>>) target(%dma_start3A_1480 : memref<16x1024xf32, #tpu.memory_space<hbm>>) target_semaphore(%arg15 : memref<!tpu.dma_semaphore, #tpu.memory_space<semaphore_mem>>)
      %dma_wait3A_1484 = arith.constant 0 : i32
      %dma_wait3A_1485 = arith.constant 0 : i32
      %dma_wait3A_1486 = arith.constant 0 : i32
      %dma_wait3A_1487 = tpu.memref_slice %arg7[%dma_wait3A_1485, %dma_wait3A_1486] : memref<64x1024xf32, #tpu.memory_space<vmem>> -> memref<16x1024xf32, #tpu.memory_space<vmem>>
      %dma_wait3A_1488 = arith.constant 0 : i32
      %dma_wait3A_1489 = tpu.memref_slice %arg4[%dma_wait3A_1484, %add3A_1470, %dma_wait3A_1488] : memref<4x4096x1024xf32, #tpu.memory_space<hbm>> -> memref<1x16x1024xf32, #tpu.memory_space<hbm>>
      %dma_wait3A_1490 = tpu.memref_squeeze %dma_wait3A_1489 : memref<1x16x1024xf32, #tpu.memory_space<hbm>> -> memref<16x1024xf32, #tpu.memory_space<hbm>>
      %dma_wait3A_1491 = arith.constant 0 : i32
      %dma_wait3A_1492 = tpu.memref_slice %arg4[%dma_wait3A_1484, %add3A_1470, %dma_wait3A_1491] : memref<4x4096x1024xf32, #tpu.memory_space<hbm>> -> memref<1x16x1024xf32, #tpu.memory_space<hbm>>
      %dma_wait3A_1493 = tpu.memref_squeeze %dma_wait3A_1492 : memref<1x16x1024xf32, #tpu.memory_space<hbm>> -> memref<16x1024xf32, #tpu.memory_space<hbm>>
      %dma_wait3A_1494 = arith.constant 0 : i32
      %dma_wait3A_1495 = arith.constant 0 : i32
      %dma_wait3A_1496 = tpu.memref_slice %arg7[%dma_wait3A_1494, %dma_wait3A_1495] : memref<64x1024xf32, #tpu.memory_space<vmem>> -> memref<16x1024xf32, #tpu.memory_space<vmem>>
      tpu.wait_dma2 semaphore(%arg15 : memref<!tpu.dma_semaphore, #tpu.memory_space<semaphore_mem>>) src(%dma_wait3A_1496 : memref<16x1024xf32, #tpu.memory_space<vmem>>) dst(%dma_wait3A_1493 : memref<16x1024xf32, #tpu.memory_space<hbm>>)
    } else {
    }
    %get3A_1172 = arith.constant 0 : index
    %get3A_1173 = tpu.vector_load %arg9[%get3A_1172] {strides = array<i32>} : memref<32xi32, #tpu.memory_space<vmem>>, vector<16xi32>,
    %slice3A_1174 = vector.extract_strided_slice %get3A_1173 {offsets = [2], sizes = [1], strides = [1]} : vector<16xi32> to vector<1xi32>
    %squeeze3A_1175 = vector.extract %slice3A_1174[0] : i32 from vector<1xi32>
    %gt3A_1176 = arith.constant 0 : i32
    %gt3A_1177 = arith.cmpi sgt, %squeeze3A_1175, %gt3A_1176 : i32
    %convert_element_type3A_1178 = arith.extui %gt3A_1177 : i1 to i32
    %cond3A_1179 = arith.constant 0 : i32
    %cond3A_1180 = arith.cmpi ne, %convert_element_type3A_1178, %cond3A_1179 : i32
    scf.if %cond3A_1180 {
      %get3A_1442 = arith.constant 0 : i32
      %get3A_1443 = arith.index_cast %get3A_1442 : i32 to index
      %get3A_1444 = arith.constant 32 : index
      %get3A_1445 = tpu.vector_load %arg5[%get3A_1443, %get3A_1444] {strides = array<i32>} : memref<4x128xi32, #tpu.memory_space<vmem>>, vector<16xi32>,
      %add3A_1446 = arith.constant 32 : i32
      %add3A_1447 = arith.addi %mul3A_2, %add3A_1446 : i32
      %add3A_1448 = arith.constant 1 : i32
      %add3A_1449 = arith.addi %add3A_1447, %add3A_1448 : i32
      %add3A_1450 = vector.broadcast %add3A_1449 : i32 to vector<16xi32>
      %add3A_1451 = arith.addi %iota3A, %add3A_1450 : vector<16xi32>
      %ne3A = arith.constant 0 : i32
      %ne3A_1452 = vector.broadcast %ne3A : i32 to vector<16xi32>
      %ne3A_1453 = arith.cmpi ne, %get3A_1445, %ne3A_1452 : vector<16xi32>
      %jit3A_1454 = arith.constant 0 : i32
      %broadcast_in_dim3A_1455 = vector.broadcast %jit3A_1454 : i32 to vector<16xi32>
      %select_n3A_1456 = arith.select %ne3A_1453, %add3A_1451, %broadcast_in_dim3A_1455 : vector<16xi1>, vector<16xi32>
      %dma_start3A_1457 = arith.constant 0 : i32
      %dma_start3A_1458 = arith.constant 0 : i32
      %dma_start3A_1459 = tpu.memref_slice %arg7[%dma_start3A_1457, %dma_start3A_1458] : memref<64x1024xf32, #tpu.memory_space<vmem>> -> memref<16x1024xf32, #tpu.memory_space<vmem>>
      %dma_start3A_1460 = arith.constant 0 : i32
      %dma_start3A_1461 = arith.constant 0 : i32
      %dma_start3A_1462 = tpu.memref_slice %arg3[%dma_start3A_1460, %dma_start3A_1461] : memref<8192x1024xf32, #tpu.memory_space<hbm>> -> memref<8192x1024xf32, #tpu.memory_space<hbm>>
      tpu.enqueue_indirect_dma source(%dma_start3A_1462 : memref<8192x1024xf32, #tpu.memory_space<hbm>>) target(%dma_start3A_1459 : memref<16x1024xf32, #tpu.memory_space<vmem>>) offsets(%select_n3A_1456 : vector<16xi32>) semaphore(%arg15 : memref<!tpu.dma_semaphore, #tpu.memory_space<semaphore_mem>>)
      %dma_wait3A_1463 = arith.constant 0 : i32
      %dma_wait3A_1464 = arith.constant 0 : i32
      %dma_wait3A_1465 = tpu.memref_slice %arg7[%dma_wait3A_1463, %dma_wait3A_1464] : memref<64x1024xf32, #tpu.memory_space<vmem>> -> memref<16x1024xf32, #tpu.memory_space<vmem>>
      %dma_wait3A_1466 = arith.constant 0 : i32
      %dma_wait3A_1467 = arith.constant 0 : i32
      %dma_wait3A_1468 = tpu.memref_slice %arg3[%dma_wait3A_1466, %dma_wait3A_1467] : memref<8192x1024xf32, #tpu.memory_space<hbm>> -> memref<8192x1024xf32, #tpu.memory_space<hbm>>
      tpu.wait_indirect_dma semaphore(%arg15 : memref<!tpu.dma_semaphore, #tpu.memory_space<semaphore_mem>>) src(%dma_wait3A_1468 : memref<8192x1024xf32, #tpu.memory_space<hbm>>) dst(%dma_wait3A_1465 : memref<16x1024xf32, #tpu.memory_space<vmem>>)
      %add3A_1469 = arith.constant 32 : i32
      %add3A_1470 = arith.addi %mul3A_2, %add3A_1469 : i32
      %dma_start3A_1471 = arith.constant 0 : i32
      %dma_start3A_1472 = arith.constant 0 : i32
      %dma_start3A_1473 = arith.constant 0 : i32
      %dma_start3A_1474 = tpu.memref_slice %arg7[%dma_start3A_1472, %dma_start3A_1473] : memref<64x1024xf32, #tpu.memory_space<vmem>> -> memref<16x1024xf32, #tpu.memory_space<vmem>>
      %dma_start3A_1475 = arith.constant 0 : i32
      %dma_start3A_1476 = tpu.memref_slice %arg4[%dma_start3A_1471, %add3A_1470, %dma_start3A_1475] : memref<4x4096x1024xf32, #tpu.memory_space<hbm>> -> memref<1x16x1024xf32, #tpu.memory_space<hbm>>
      %dma_start3A_1477 = tpu.memref_squeeze %dma_start3A_1476 : memref<1x16x1024xf32, #tpu.memory_space<hbm>> -> memref<16x1024xf32, #tpu.memory_space<hbm>>
      %dma_start3A_1478 = arith.constant 0 : i32
      %dma_start3A_1479 = tpu.memref_slice %arg4[%dma_start3A_1471, %add3A_1470, %dma_start3A_1478] : memref<4x4096x1024xf32, #tpu.memory_space<hbm>> -> memref<1x16x1024xf32, #tpu.memory_space<hbm>>
      %dma_start3A_1480 = tpu.memref_squeeze %dma_start3A_1479 : memref<1x16x1024xf32, #tpu.memory_space<hbm>> -> memref<16x1024xf32, #tpu.memory_space<hbm>>
      %dma_start3A_1481 = arith.constant 0 : i32
      %dma_start3A_1482 = arith.constant 0 : i32
      %dma_start3A_1483 = tpu.memref_slice %arg7[%dma_start3A_1481, %dma_start3A_1482] : memref<64x1024xf32, #tpu.memory_space<vmem>> -> memref<16x1024xf32, #tpu.memory_space<vmem>>
      tpu.enqueue_dma source(%dma_start3A_1483 : memref<16x1024xf32, #tpu.memory_space<vmem>>) target(%dma_start3A_1480 : memref<16x1024xf32, #tpu.memory_space<hbm>>) target_semaphore(%arg15 : memref<!tpu.dma_semaphore, #tpu.memory_space<semaphore_mem>>)
      %dma_wait3A_1484 = arith.constant 0 : i32
      %dma_wait3A_1485 = arith.constant 0 : i32
      %dma_wait3A_1486 = arith.constant 0 : i32
      %dma_wait3A_1487 = tpu.memref_slice %arg7[%dma_wait3A_1485, %dma_wait3A_1486] : memref<64x1024xf32, #tpu.memory_space<vmem>> -> memref<16x1024xf32, #tpu.memory_space<vmem>>
      %dma_wait3A_1488 = arith.constant 0 : i32
      %dma_wait3A_1489 = tpu.memref_slice %arg4[%dma_wait3A_1484, %add3A_1470, %dma_wait3A_1488] : memref<4x4096x1024xf32, #tpu.memory_space<hbm>> -> memref<1x16x1024xf32, #tpu.memory_space<hbm>>
      %dma_wait3A_1490 = tpu.memref_squeeze %dma_wait3A_1489 : memref<1x16x1024xf32, #tpu.memory_space<hbm>> -> memref<16x1024xf32, #tpu.memory_space<hbm>>
      %dma_wait3A_1491 = arith.constant 0 : i32
      %dma_wait3A_1492 = tpu.memref_slice %arg4[%dma_wait3A_1484, %add3A_1470, %dma_wait3A_1491] : memref<4x4096x1024xf32, #tpu.memory_space<hbm>> -> memref<1x16x1024xf32, #tpu.memory_space<hbm>>
      %dma_wait3A_1493 = tpu.memref_squeeze %dma_wait3A_1492 : memref<1x16x1024xf32, #tpu.memory_space<hbm>> -> memref<16x1024xf32, #tpu.memory_space<hbm>>
      %dma_wait3A_1494 = arith.constant 0 : i32
      %dma_wait3A_1495 = arith.constant 0 : i32
      %dma_wait3A_1496 = tpu.memref_slice %arg7[%dma_wait3A_1494, %dma_wait3A_1495] : memref<64x1024xf32, #tpu.memory_space<vmem>> -> memref<16x1024xf32, #tpu.memory_space<vmem>>
      tpu.wait_dma2 semaphore(%arg15 : memref<!tpu.dma_semaphore, #tpu.memory_space<semaphore_mem>>) src(%dma_wait3A_1496 : memref<16x1024xf32, #tpu.memory_space<vmem>>) dst(%dma_wait3A_1493 : memref<16x1024xf32, #tpu.memory_space<hbm>>)
    } else {
    }
    %get3A_1181 = arith.constant 0 : index
    %get3A_1182 = tpu.vector_load %arg9[%get3A_1181] {strides = array<i32>} : memref<32xi32, #tpu.memory_space<vmem>>, vector<16xi32>,
    %slice3A_1183 = vector.extract_strided_slice %get3A_1182 {offsets = [3], sizes = [1], strides = [1]} : vector<16xi32> to vector<1xi32>
    %squeeze3A_1184 = vector.extract %slice3A_1183[0] : i32 from vector<1xi32>
    %gt3A_1185 = arith.constant 0 : i32
    %gt3A_1186 = arith.cmpi sgt, %squeeze3A_1184, %gt3A_1185 : i32
    %convert_element_type3A_1187 = arith.extui %gt3A_1186 : i1 to i32
    %cond3A_1188 = arith.constant 0 : i32
    %cond3A_1189 = arith.cmpi ne, %convert_element_type3A_1187, %cond3A_1188 : i32
    scf.if %cond3A_1189 {
      %get3A_1442 = arith.constant 0 : i32
      %get3A_1443 = arith.index_cast %get3A_1442 : i32 to index
      %get3A_1444 = arith.constant 48 : index
      %get3A_1445 = tpu.vector_load %arg5[%get3A_1443, %get3A_1444] {strides = array<i32>} : memref<4x128xi32, #tpu.memory_space<vmem>>, vector<16xi32>,
      %add3A_1446 = arith.constant 48 : i32
      %add3A_1447 = arith.addi %mul3A_2, %add3A_1446 : i32
      %add3A_1448 = arith.constant 1 : i32
      %add3A_1449 = arith.addi %add3A_1447, %add3A_1448 : i32
      %add3A_1450 = vector.broadcast %add3A_1449 : i32 to vector<16xi32>
      %add3A_1451 = arith.addi %iota3A, %add3A_1450 : vector<16xi32>
      %ne3A = arith.constant 0 : i32
      %ne3A_1452 = vector.broadcast %ne3A : i32 to vector<16xi32>
      %ne3A_1453 = arith.cmpi ne, %get3A_1445, %ne3A_1452 : vector<16xi32>
      %jit3A_1454 = arith.constant 0 : i32
      %broadcast_in_dim3A_1455 = vector.broadcast %jit3A_1454 : i32 to vector<16xi32>
      %select_n3A_1456 = arith.select %ne3A_1453, %add3A_1451, %broadcast_in_dim3A_1455 : vector<16xi1>, vector<16xi32>
      %dma_start3A_1457 = arith.constant 0 : i32
      %dma_start3A_1458 = arith.constant 0 : i32
      %dma_start3A_1459 = tpu.memref_slice %arg7[%dma_start3A_1457, %dma_start3A_1458] : memref<64x1024xf32, #tpu.memory_space<vmem>> -> memref<16x1024xf32, #tpu.memory_space<vmem>>
      %dma_start3A_1460 = arith.constant 0 : i32
      %dma_start3A_1461 = arith.constant 0 : i32
      %dma_start3A_1462 = tpu.memref_slice %arg3[%dma_start3A_1460, %dma_start3A_1461] : memref<8192x1024xf32, #tpu.memory_space<hbm>> -> memref<8192x1024xf32, #tpu.memory_space<hbm>>
      tpu.enqueue_indirect_dma source(%dma_start3A_1462 : memref<8192x1024xf32, #tpu.memory_space<hbm>>) target(%dma_start3A_1459 : memref<16x1024xf32, #tpu.memory_space<vmem>>) offsets(%select_n3A_1456 : vector<16xi32>) semaphore(%arg15 : memref<!tpu.dma_semaphore, #tpu.memory_space<semaphore_mem>>)
      %dma_wait3A_1463 = arith.constant 0 : i32
      %dma_wait3A_1464 = arith.constant 0 : i32
      %dma_wait3A_1465 = tpu.memref_slice %arg7[%dma_wait3A_1463, %dma_wait3A_1464] : memref<64x1024xf32, #tpu.memory_space<vmem>> -> memref<16x1024xf32, #tpu.memory_space<vmem>>
      %dma_wait3A_1466 = arith.constant 0 : i32
      %dma_wait3A_1467 = arith.constant 0 : i32
      %dma_wait3A_1468 = tpu.memref_slice %arg3[%dma_wait3A_1466, %dma_wait3A_1467] : memref<8192x1024xf32, #tpu.memory_space<hbm>> -> memref<8192x1024xf32, #tpu.memory_space<hbm>>
      tpu.wait_indirect_dma semaphore(%arg15 : memref<!tpu.dma_semaphore, #tpu.memory_space<semaphore_mem>>) src(%dma_wait3A_1468 : memref<8192x1024xf32, #tpu.memory_space<hbm>>) dst(%dma_wait3A_1465 : memref<16x1024xf32, #tpu.memory_space<vmem>>)
      %add3A_1469 = arith.constant 48 : i32
      %add3A_1470 = arith.addi %mul3A_2, %add3A_1469 : i32
      %dma_start3A_1471 = arith.constant 0 : i32
      %dma_start3A_1472 = arith.constant 0 : i32
      %dma_start3A_1473 = arith.constant 0 : i32
      %dma_start3A_1474 = tpu.memref_slice %arg7[%dma_start3A_1472, %dma_start3A_1473] : memref<64x1024xf32, #tpu.memory_space<vmem>> -> memref<16x1024xf32, #tpu.memory_space<vmem>>
      %dma_start3A_1475 = arith.constant 0 : i32
      %dma_start3A_1476 = tpu.memref_slice %arg4[%dma_start3A_1471, %add3A_1470, %dma_start3A_1475] : memref<4x4096x1024xf32, #tpu.memory_space<hbm>> -> memref<1x16x1024xf32, #tpu.memory_space<hbm>>
      %dma_start3A_1477 = tpu.memref_squeeze %dma_start3A_1476 : memref<1x16x1024xf32, #tpu.memory_space<hbm>> -> memref<16x1024xf32, #tpu.memory_space<hbm>>
      %dma_start3A_1478 = arith.constant 0 : i32
      %dma_start3A_1479 = tpu.memref_slice %arg4[%dma_start3A_1471, %add3A_1470, %dma_start3A_1478] : memref<4x4096x1024xf32, #tpu.memory_space<hbm>> -> memref<1x16x1024xf32, #tpu.memory_space<hbm>>
      %dma_start3A_1480 = tpu.memref_squeeze %dma_start3A_1479 : memref<1x16x1024xf32, #tpu.memory_space<hbm>> -> memref<16x1024xf32, #tpu.memory_space<hbm>>
      %dma_start3A_1481 = arith.constant 0 : i32
      %dma_start3A_1482 = arith.constant 0 : i32
      %dma_start3A_1483 = tpu.memref_slice %arg7[%dma_start3A_1481, %dma_start3A_1482] : memref<64x1024xf32, #tpu.memory_space<vmem>> -> memref<16x1024xf32, #tpu.memory_space<vmem>>
      tpu.enqueue_dma source(%dma_start3A_1483 : memref<16x1024xf32, #tpu.memory_space<vmem>>) target(%dma_start3A_1480 : memref<16x1024xf32, #tpu.memory_space<hbm>>) target_semaphore(%arg15 : memref<!tpu.dma_semaphore, #tpu.memory_space<semaphore_mem>>)
      %dma_wait3A_1484 = arith.constant 0 : i32
      %dma_wait3A_1485 = arith.constant 0 : i32
      %dma_wait3A_1486 = arith.constant 0 : i32
      %dma_wait3A_1487 = tpu.memref_slice %arg7[%dma_wait3A_1485, %dma_wait3A_1486] : memref<64x1024xf32, #tpu.memory_space<vmem>> -> memref<16x1024xf32, #tpu.memory_space<vmem>>
      %dma_wait3A_1488 = arith.constant 0 : i32
      %dma_wait3A_1489 = tpu.memref_slice %arg4[%dma_wait3A_1484, %add3A_1470, %dma_wait3A_1488] : memref<4x4096x1024xf32, #tpu.memory_space<hbm>> -> memref<1x16x1024xf32, #tpu.memory_space<hbm>>
      %dma_wait3A_1490 = tpu.memref_squeeze %dma_wait3A_1489 : memref<1x16x1024xf32, #tpu.memory_space<hbm>> -> memref<16x1024xf32, #tpu.memory_space<hbm>>
      %dma_wait3A_1491 = arith.constant 0 : i32
      %dma_wait3A_1492 = tpu.memref_slice %arg4[%dma_wait3A_1484, %add3A_1470, %dma_wait3A_1491] : memref<4x4096x1024xf32, #tpu.memory_space<hbm>> -> memref<1x16x1024xf32, #tpu.memory_space<hbm>>
      %dma_wait3A_1493 = tpu.memref_squeeze %dma_wait3A_1492 : memref<1x16x1024xf32, #tpu.memory_space<hbm>> -> memref<16x1024xf32, #tpu.memory_space<hbm>>
      %dma_wait3A_1494 = arith.constant 0 : i32
      %dma_wait3A_1495 = arith.constant 0 : i32
      %dma_wait3A_1496 = tpu.memref_slice %arg7[%dma_wait3A_1494, %dma_wait3A_1495] : memref<64x1024xf32, #tpu.memory_space<vmem>> -> memref<16x1024xf32, #tpu.memory_space<vmem>>
      tpu.wait_dma2 semaphore(%arg15 : memref<!tpu.dma_semaphore, #tpu.memory_space<semaphore_mem>>) src(%dma_wait3A_1496 : memref<16x1024xf32, #tpu.memory_space<vmem>>) dst(%dma_wait3A_1493 : memref<16x1024xf32, #tpu.memory_space<hbm>>)
    } else {
    }
    %get3A_1190 = arith.constant 0 : index
    %get3A_1191 = tpu.vector_load %arg9[%get3A_1190] {strides = array<i32>} : memref<32xi32, #tpu.memory_space<vmem>>, vector<16xi32>,
    %slice3A_1192 = vector.extract_strided_slice %get3A_1191 {offsets = [4], sizes = [1], strides = [1]} : vector<16xi32> to vector<1xi32>
    %squeeze3A_1193 = vector.extract %slice3A_1192[0] : i32 from vector<1xi32>
    %gt3A_1194 = arith.constant 0 : i32
    %gt3A_1195 = arith.cmpi sgt, %squeeze3A_1193, %gt3A_1194 : i32
    %convert_element_type3A_1196 = arith.extui %gt3A_1195 : i1 to i32
    %cond3A_1197 = arith.constant 0 : i32
    %cond3A_1198 = arith.cmpi ne, %convert_element_type3A_1196, %cond3A_1197 : i32
    scf.if %cond3A_1198 {
      %get3A_1442 = arith.constant 0 : i32
      %get3A_1443 = arith.index_cast %get3A_1442 : i32 to index
      %get3A_1444 = arith.constant 64 : index
      %get3A_1445 = tpu.vector_load %arg5[%get3A_1443, %get3A_1444] {strides = array<i32>} : memref<4x128xi32, #tpu.memory_space<vmem>>, vector<16xi32>,
      %add3A_1446 = arith.constant 64 : i32
      %add3A_1447 = arith.addi %mul3A_2, %add3A_1446 : i32
      %add3A_1448 = arith.constant 1 : i32
      %add3A_1449 = arith.addi %add3A_1447, %add3A_1448 : i32
      %add3A_1450 = vector.broadcast %add3A_1449 : i32 to vector<16xi32>
      %add3A_1451 = arith.addi %iota3A, %add3A_1450 : vector<16xi32>
      %ne3A = arith.constant 0 : i32
      %ne3A_1452 = vector.broadcast %ne3A : i32 to vector<16xi32>
      %ne3A_1453 = arith.cmpi ne, %get3A_1445, %ne3A_1452 : vector<16xi32>
      %jit3A_1454 = arith.constant 0 : i32
      %broadcast_in_dim3A_1455 = vector.broadcast %jit3A_1454 : i32 to vector<16xi32>
      %select_n3A_1456 = arith.select %ne3A_1453, %add3A_1451, %broadcast_in_dim3A_1455 : vector<16xi1>, vector<16xi32>
      %dma_start3A_1457 = arith.constant 0 : i32
      %dma_start3A_1458 = arith.constant 0 : i32
      %dma_start3A_1459 = tpu.memref_slice %arg7[%dma_start3A_1457, %dma_start3A_1458] : memref<64x1024xf32, #tpu.memory_space<vmem>> -> memref<16x1024xf32, #tpu.memory_space<vmem>>
      %dma_start3A_1460 = arith.constant 0 : i32
      %dma_start3A_1461 = arith.constant 0 : i32
      %dma_start3A_1462 = tpu.memref_slice %arg3[%dma_start3A_1460, %dma_start3A_1461] : memref<8192x1024xf32, #tpu.memory_space<hbm>> -> memref<8192x1024xf32, #tpu.memory_space<hbm>>
      tpu.enqueue_indirect_dma source(%dma_start3A_1462 : memref<8192x1024xf32, #tpu.memory_space<hbm>>) target(%dma_start3A_1459 : memref<16x1024xf32, #tpu.memory_space<vmem>>) offsets(%select_n3A_1456 : vector<16xi32>) semaphore(%arg15 : memref<!tpu.dma_semaphore, #tpu.memory_space<semaphore_mem>>)
      %dma_wait3A_1463 = arith.constant 0 : i32
      %dma_wait3A_1464 = arith.constant 0 : i32
      %dma_wait3A_1465 = tpu.memref_slice %arg7[%dma_wait3A_1463, %dma_wait3A_1464] : memref<64x1024xf32, #tpu.memory_space<vmem>> -> memref<16x1024xf32, #tpu.memory_space<vmem>>
      %dma_wait3A_1466 = arith.constant 0 : i32
      %dma_wait3A_1467 = arith.constant 0 : i32
      %dma_wait3A_1468 = tpu.memref_slice %arg3[%dma_wait3A_1466, %dma_wait3A_1467] : memref<8192x1024xf32, #tpu.memory_space<hbm>> -> memref<8192x1024xf32, #tpu.memory_space<hbm>>
      tpu.wait_indirect_dma semaphore(%arg15 : memref<!tpu.dma_semaphore, #tpu.memory_space<semaphore_mem>>) src(%dma_wait3A_1468 : memref<8192x1024xf32, #tpu.memory_space<hbm>>) dst(%dma_wait3A_1465 : memref<16x1024xf32, #tpu.memory_space<vmem>>)
      %add3A_1469 = arith.constant 64 : i32
      %add3A_1470 = arith.addi %mul3A_2, %add3A_1469 : i32
      %dma_start3A_1471 = arith.constant 0 : i32
      %dma_start3A_1472 = arith.constant 0 : i32
      %dma_start3A_1473 = arith.constant 0 : i32
      %dma_start3A_1474 = tpu.memref_slice %arg7[%dma_start3A_1472, %dma_start3A_1473] : memref<64x1024xf32, #tpu.memory_space<vmem>> -> memref<16x1024xf32, #tpu.memory_space<vmem>>
      %dma_start3A_1475 = arith.constant 0 : i32
      %dma_start3A_1476 = tpu.memref_slice %arg4[%dma_start3A_1471, %add3A_1470, %dma_start3A_1475] : memref<4x4096x1024xf32, #tpu.memory_space<hbm>> -> memref<1x16x1024xf32, #tpu.memory_space<hbm>>
      %dma_start3A_1477 = tpu.memref_squeeze %dma_start3A_1476 : memref<1x16x1024xf32, #tpu.memory_space<hbm>> -> memref<16x1024xf32, #tpu.memory_space<hbm>>
      %dma_start3A_1478 = arith.constant 0 : i32
      %dma_start3A_1479 = tpu.memref_slice %arg4[%dma_start3A_1471, %add3A_1470, %dma_start3A_1478] : memref<4x4096x1024xf32, #tpu.memory_space<hbm>> -> memref<1x16x1024xf32, #tpu.memory_space<hbm>>
      %dma_start3A_1480 = tpu.memref_squeeze %dma_start3A_1479 : memref<1x16x1024xf32, #tpu.memory_space<hbm>> -> memref<16x1024xf32, #tpu.memory_space<hbm>>
      %dma_start3A_1481 = arith.constant 0 : i32
      %dma_start3A_1482 = arith.constant 0 : i32
      %dma_start3A_1483 = tpu.memref_slice %arg7[%dma_start3A_1481, %dma_start3A_1482] : memref<64x1024xf32, #tpu.memory_space<vmem>> -> memref<16x1024xf32, #tpu.memory_space<vmem>>
      tpu.enqueue_dma source(%dma_start3A_1483 : memref<16x1024xf32, #tpu.memory_space<vmem>>) target(%dma_start3A_1480 : memref<16x1024xf32, #tpu.memory_space<hbm>>) target_semaphore(%arg15 : memref<!tpu.dma_semaphore, #tpu.memory_space<semaphore_mem>>)
      %dma_wait3A_1484 = arith.constant 0 : i32
      %dma_wait3A_1485 = arith.constant 0 : i32
      %dma_wait3A_1486 = arith.constant 0 : i32
      %dma_wait3A_1487 = tpu.memref_slice %arg7[%dma_wait3A_1485, %dma_wait3A_1486] : memref<64x1024xf32, #tpu.memory_space<vmem>> -> memref<16x1024xf32, #tpu.memory_space<vmem>>
      %dma_wait3A_1488 = arith.constant 0 : i32
      %dma_wait3A_1489 = tpu.memref_slice %arg4[%dma_wait3A_1484, %add3A_1470, %dma_wait3A_1488] : memref<4x4096x1024xf32, #tpu.memory_space<hbm>> -> memref<1x16x1024xf32, #tpu.memory_space<hbm>>
      %dma_wait3A_1490 = tpu.memref_squeeze %dma_wait3A_1489 : memref<1x16x1024xf32, #tpu.memory_space<hbm>> -> memref<16x1024xf32, #tpu.memory_space<hbm>>
      %dma_wait3A_1491 = arith.constant 0 : i32
      %dma_wait3A_1492 = tpu.memref_slice %arg4[%dma_wait3A_1484, %add3A_1470, %dma_wait3A_1491] : memref<4x4096x1024xf32, #tpu.memory_space<hbm>> -> memref<1x16x1024xf32, #tpu.memory_space<hbm>>
      %dma_wait3A_1493 = tpu.memref_squeeze %dma_wait3A_1492 : memref<1x16x1024xf32, #tpu.memory_space<hbm>> -> memref<16x1024xf32, #tpu.memory_space<hbm>>
      %dma_wait3A_1494 = arith.constant 0 : i32
      %dma_wait3A_1495 = arith.constant 0 : i32
      %dma_wait3A_1496 = tpu.memref_slice %arg7[%dma_wait3A_1494, %dma_wait3A_1495] : memref<64x1024xf32, #tpu.memory_space<vmem>> -> memref<16x1024xf32, #tpu.memory_space<vmem>>
      tpu.wait_dma2 semaphore(%arg15 : memref<!tpu.dma_semaphore, #tpu.memory_space<semaphore_mem>>) src(%dma_wait3A_1496 : memref<16x1024xf32, #tpu.memory_space<vmem>>) dst(%dma_wait3A_1493 : memref<16x1024xf32, #tpu.memory_space<hbm>>)
    } else {
    }
    %get3A_1199 = arith.constant 0 : index
    %get3A_1200 = tpu.vector_load %arg9[%get3A_1199] {strides = array<i32>} : memref<32xi32, #tpu.memory_space<vmem>>, vector<16xi32>,
    %slice3A_1201 = vector.extract_strided_slice %get3A_1200 {offsets = [5], sizes = [1], strides = [1]} : vector<16xi32> to vector<1xi32>
    %squeeze3A_1202 = vector.extract %slice3A_1201[0] : i32 from vector<1xi32>
    %gt3A_1203 = arith.constant 0 : i32
    %gt3A_1204 = arith.cmpi sgt, %squeeze3A_1202, %gt3A_1203 : i32
    %convert_element_type3A_1205 = arith.extui %gt3A_1204 : i1 to i32
    %cond3A_1206 = arith.constant 0 : i32
    %cond3A_1207 = arith.cmpi ne, %convert_element_type3A_1205, %cond3A_1206 : i32
    scf.if %cond3A_1207 {
      %get3A_1442 = arith.constant 0 : i32
      %get3A_1443 = arith.index_cast %get3A_1442 : i32 to index
      %get3A_1444 = arith.constant 80 : index
      %get3A_1445 = tpu.vector_load %arg5[%get3A_1443, %get3A_1444] {strides = array<i32>} : memref<4x128xi32, #tpu.memory_space<vmem>>, vector<16xi32>,
      %add3A_1446 = arith.constant 80 : i32
      %add3A_1447 = arith.addi %mul3A_2, %add3A_1446 : i32
      %add3A_1448 = arith.constant 1 : i32
      %add3A_1449 = arith.addi %add3A_1447, %add3A_1448 : i32
      %add3A_1450 = vector.broadcast %add3A_1449 : i32 to vector<16xi32>
      %add3A_1451 = arith.addi %iota3A, %add3A_1450 : vector<16xi32>
      %ne3A = arith.constant 0 : i32
      %ne3A_1452 = vector.broadcast %ne3A : i32 to vector<16xi32>
      %ne3A_1453 = arith.cmpi ne, %get3A_1445, %ne3A_1452 : vector<16xi32>
      %jit3A_1454 = arith.constant 0 : i32
      %broadcast_in_dim3A_1455 = vector.broadcast %jit3A_1454 : i32 to vector<16xi32>
      %select_n3A_1456 = arith.select %ne3A_1453, %add3A_1451, %broadcast_in_dim3A_1455 : vector<16xi1>, vector<16xi32>
      %dma_start3A_1457 = arith.constant 0 : i32
      %dma_start3A_1458 = arith.constant 0 : i32
      %dma_start3A_1459 = tpu.memref_slice %arg7[%dma_start3A_1457, %dma_start3A_1458] : memref<64x1024xf32, #tpu.memory_space<vmem>> -> memref<16x1024xf32, #tpu.memory_space<vmem>>
      %dma_start3A_1460 = arith.constant 0 : i32
      %dma_start3A_1461 = arith.constant 0 : i32
      %dma_start3A_1462 = tpu.memref_slice %arg3[%dma_start3A_1460, %dma_start3A_1461] : memref<8192x1024xf32, #tpu.memory_space<hbm>> -> memref<8192x1024xf32, #tpu.memory_space<hbm>>
      tpu.enqueue_indirect_dma source(%dma_start3A_1462 : memref<8192x1024xf32, #tpu.memory_space<hbm>>) target(%dma_start3A_1459 : memref<16x1024xf32, #tpu.memory_space<vmem>>) offsets(%select_n3A_1456 : vector<16xi32>) semaphore(%arg15 : memref<!tpu.dma_semaphore, #tpu.memory_space<semaphore_mem>>)
      %dma_wait3A_1463 = arith.constant 0 : i32
      %dma_wait3A_1464 = arith.constant 0 : i32
      %dma_wait3A_1465 = tpu.memref_slice %arg7[%dma_wait3A_1463, %dma_wait3A_1464] : memref<64x1024xf32, #tpu.memory_space<vmem>> -> memref<16x1024xf32, #tpu.memory_space<vmem>>
      %dma_wait3A_1466 = arith.constant 0 : i32
      %dma_wait3A_1467 = arith.constant 0 : i32
      %dma_wait3A_1468 = tpu.memref_slice %arg3[%dma_wait3A_1466, %dma_wait3A_1467] : memref<8192x1024xf32, #tpu.memory_space<hbm>> -> memref<8192x1024xf32, #tpu.memory_space<hbm>>
      tpu.wait_indirect_dma semaphore(%arg15 : memref<!tpu.dma_semaphore, #tpu.memory_space<semaphore_mem>>) src(%dma_wait3A_1468 : memref<8192x1024xf32, #tpu.memory_space<hbm>>) dst(%dma_wait3A_1465 : memref<16x1024xf32, #tpu.memory_space<vmem>>)
      %add3A_1469 = arith.constant 80 : i32
      %add3A_1470 = arith.addi %mul3A_2, %add3A_1469 : i32
      %dma_start3A_1471 = arith.constant 0 : i32
      %dma_start3A_1472 = arith.constant 0 : i32
      %dma_start3A_1473 = arith.constant 0 : i32
      %dma_start3A_1474 = tpu.memref_slice %arg7[%dma_start3A_1472, %dma_start3A_1473] : memref<64x1024xf32, #tpu.memory_space<vmem>> -> memref<16x1024xf32, #tpu.memory_space<vmem>>
      %dma_start3A_1475 = arith.constant 0 : i32
      %dma_start3A_1476 = tpu.memref_slice %arg4[%dma_start3A_1471, %add3A_1470, %dma_start3A_1475] : memref<4x4096x1024xf32, #tpu.memory_space<hbm>> -> memref<1x16x1024xf32, #tpu.memory_space<hbm>>
      %dma_start3A_1477 = tpu.memref_squeeze %dma_start3A_1476 : memref<1x16x1024xf32, #tpu.memory_space<hbm>> -> memref<16x1024xf32, #tpu.memory_space<hbm>>
      %dma_start3A_1478 = arith.constant 0 : i32
      %dma_start3A_1479 = tpu.memref_slice %arg4[%dma_start3A_1471, %add3A_1470, %dma_start3A_1478] : memref<4x4096x1024xf32, #tpu.memory_space<hbm>> -> memref<1x16x1024xf32, #tpu.memory_space<hbm>>
      %dma_start3A_1480 = tpu.memref_squeeze %dma_start3A_1479 : memref<1x16x1024xf32, #tpu.memory_space<hbm>> -> memref<16x1024xf32, #tpu.memory_space<hbm>>
      %dma_start3A_1481 = arith.constant 0 : i32
      %dma_start3A_1482 = arith.constant 0 : i32
      %dma_start3A_1483 = tpu.memref_slice %arg7[%dma_start3A_1481, %dma_start3A_1482] : memref<64x1024xf32, #tpu.memory_space<vmem>> -> memref<16x1024xf32, #tpu.memory_space<vmem>>
      tpu.enqueue_dma source(%dma_start3A_1483 : memref<16x1024xf32, #tpu.memory_space<vmem>>) target(%dma_start3A_1480 : memref<16x1024xf32, #tpu.memory_space<hbm>>) target_semaphore(%arg15 : memref<!tpu.dma_semaphore, #tpu.memory_space<semaphore_mem>>)
      %dma_wait3A_1484 = arith.constant 0 : i32
      %dma_wait3A_1485 = arith.constant 0 : i32
      %dma_wait3A_1486 = arith.constant 0 : i32
      %dma_wait3A_1487 = tpu.memref_slice %arg7[%dma_wait3A_1485, %dma_wait3A_1486] : memref<64x1024xf32, #tpu.memory_space<vmem>> -> memref<16x1024xf32, #tpu.memory_space<vmem>>
      %dma_wait3A_1488 = arith.constant 0 : i32
      %dma_wait3A_1489 = tpu.memref_slice %arg4[%dma_wait3A_1484, %add3A_1470, %dma_wait3A_1488] : memref<4x4096x1024xf32, #tpu.memory_space<hbm>> -> memref<1x16x1024xf32, #tpu.memory_space<hbm>>
      %dma_wait3A_1490 = tpu.memref_squeeze %dma_wait3A_1489 : memref<1x16x1024xf32, #tpu.memory_space<hbm>> -> memref<16x1024xf32, #tpu.memory_space<hbm>>
      %dma_wait3A_1491 = arith.constant 0 : i32
      %dma_wait3A_1492 = tpu.memref_slice %arg4[%dma_wait3A_1484, %add3A_1470, %dma_wait3A_1491] : memref<4x4096x1024xf32, #tpu.memory_space<hbm>> -> memref<1x16x1024xf32, #tpu.memory_space<hbm>>
      %dma_wait3A_1493 = tpu.memref_squeeze %dma_wait3A_1492 : memref<1x16x1024xf32, #tpu.memory_space<hbm>> -> memref<16x1024xf32, #tpu.memory_space<hbm>>
      %dma_wait3A_1494 = arith.constant 0 : i32
      %dma_wait3A_1495 = arith.constant 0 : i32
      %dma_wait3A_1496 = tpu.memref_slice %arg7[%dma_wait3A_1494, %dma_wait3A_1495] : memref<64x1024xf32, #tpu.memory_space<vmem>> -> memref<16x1024xf32, #tpu.memory_space<vmem>>
      tpu.wait_dma2 semaphore(%arg15 : memref<!tpu.dma_semaphore, #tpu.memory_space<semaphore_mem>>) src(%dma_wait3A_1496 : memref<16x1024xf32, #tpu.memory_space<vmem>>) dst(%dma_wait3A_1493 : memref<16x1024xf32, #tpu.memory_space<hbm>>)
    } else {
    }
    %get3A_1208 = arith.constant 0 : index
    %get3A_1209 = tpu.vector_load %arg9[%get3A_1208] {strides = array<i32>} : memref<32xi32, #tpu.memory_space<vmem>>, vector<16xi32>,
    %slice3A_1210 = vector.extract_strided_slice %get3A_1209 {offsets = [6], sizes = [1], strides = [1]} : vector<16xi32> to vector<1xi32>
    %squeeze3A_1211 = vector.extract %slice3A_1210[0] : i32 from vector<1xi32>
    %gt3A_1212 = arith.constant 0 : i32
    %gt3A_1213 = arith.cmpi sgt, %squeeze3A_1211, %gt3A_1212 : i32
    %convert_element_type3A_1214 = arith.extui %gt3A_1213 : i1 to i32
    %cond3A_1215 = arith.constant 0 : i32
    %cond3A_1216 = arith.cmpi ne, %convert_element_type3A_1214, %cond3A_1215 : i32
    scf.if %cond3A_1216 {
      %get3A_1442 = arith.constant 0 : i32
      %get3A_1443 = arith.index_cast %get3A_1442 : i32 to index
      %get3A_1444 = arith.constant 96 : index
      %get3A_1445 = tpu.vector_load %arg5[%get3A_1443, %get3A_1444] {strides = array<i32>} : memref<4x128xi32, #tpu.memory_space<vmem>>, vector<16xi32>,
      %add3A_1446 = arith.constant 96 : i32
      %add3A_1447 = arith.addi %mul3A_2, %add3A_1446 : i32
      %add3A_1448 = arith.constant 1 : i32
      %add3A_1449 = arith.addi %add3A_1447, %add3A_1448 : i32
      %add3A_1450 = vector.broadcast %add3A_1449 : i32 to vector<16xi32>
      %add3A_1451 = arith.addi %iota3A, %add3A_1450 : vector<16xi32>
      %ne3A = arith.constant 0 : i32
      %ne3A_1452 = vector.broadcast %ne3A : i32 to vector<16xi32>
      %ne3A_1453 = arith.cmpi ne, %get3A_1445, %ne3A_1452 : vector<16xi32>
      %jit3A_1454 = arith.constant 0 : i32
      %broadcast_in_dim3A_1455 = vector.broadcast %jit3A_1454 : i32 to vector<16xi32>
      %select_n3A_1456 = arith.select %ne3A_1453, %add3A_1451, %broadcast_in_dim3A_1455 : vector<16xi1>, vector<16xi32>
      %dma_start3A_1457 = arith.constant 0 : i32
      %dma_start3A_1458 = arith.constant 0 : i32
      %dma_start3A_1459 = tpu.memref_slice %arg7[%dma_start3A_1457, %dma_start3A_1458] : memref<64x1024xf32, #tpu.memory_space<vmem>> -> memref<16x1024xf32, #tpu.memory_space<vmem>>
      %dma_start3A_1460 = arith.constant 0 : i32
      %dma_start3A_1461 = arith.constant 0 : i32
      %dma_start3A_1462 = tpu.memref_slice %arg3[%dma_start3A_1460, %dma_start3A_1461] : memref<8192x1024xf32, #tpu.memory_space<hbm>> -> memref<8192x1024xf32, #tpu.memory_space<hbm>>
      tpu.enqueue_indirect_dma source(%dma_start3A_1462 : memref<8192x1024xf32, #tpu.memory_space<hbm>>) target(%dma_start3A_1459 : memref<16x1024xf32, #tpu.memory_space<vmem>>) offsets(%select_n3A_1456 : vector<16xi32>) semaphore(%arg15 : memref<!tpu.dma_semaphore, #tpu.memory_space<semaphore_mem>>)
      %dma_wait3A_1463 = arith.constant 0 : i32
      %dma_wait3A_1464 = arith.constant 0 : i32
      %dma_wait3A_1465 = tpu.memref_slice %arg7[%dma_wait3A_1463, %dma_wait3A_1464] : memref<64x1024xf32, #tpu.memory_space<vmem>> -> memref<16x1024xf32, #tpu.memory_space<vmem>>
      %dma_wait3A_1466 = arith.constant 0 : i32
      %dma_wait3A_1467 = arith.constant 0 : i32
      %dma_wait3A_1468 = tpu.memref_slice %arg3[%dma_wait3A_1466, %dma_wait3A_1467] : memref<8192x1024xf32, #tpu.memory_space<hbm>> -> memref<8192x1024xf32, #tpu.memory_space<hbm>>
      tpu.wait_indirect_dma semaphore(%arg15 : memref<!tpu.dma_semaphore, #tpu.memory_space<semaphore_mem>>) src(%dma_wait3A_1468 : memref<8192x1024xf32, #tpu.memory_space<hbm>>) dst(%dma_wait3A_1465 : memref<16x1024xf32, #tpu.memory_space<vmem>>)
      %add3A_1469 = arith.constant 96 : i32
      %add3A_1470 = arith.addi %mul3A_2, %add3A_1469 : i32
      %dma_start3A_1471 = arith.constant 0 : i32
      %dma_start3A_1472 = arith.constant 0 : i32
      %dma_start3A_1473 = arith.constant 0 : i32
      %dma_start3A_1474 = tpu.memref_slice %arg7[%dma_start3A_1472, %dma_start3A_1473] : memref<64x1024xf32, #tpu.memory_space<vmem>> -> memref<16x1024xf32, #tpu.memory_space<vmem>>
      %dma_start3A_1475 = arith.constant 0 : i32
      %dma_start3A_1476 = tpu.memref_slice %arg4[%dma_start3A_1471, %add3A_1470, %dma_start3A_1475] : memref<4x4096x1024xf32, #tpu.memory_space<hbm>> -> memref<1x16x1024xf32, #tpu.memory_space<hbm>>
      %dma_start3A_1477 = tpu.memref_squeeze %dma_start3A_1476 : memref<1x16x1024xf32, #tpu.memory_space<hbm>> -> memref<16x1024xf32, #tpu.memory_space<hbm>>
      %dma_start3A_1478 = arith.constant 0 : i32
      %dma_start3A_1479 = tpu.memref_slice %arg4[%dma_start3A_1471, %add3A_1470, %dma_start3A_1478] : memref<4x4096x1024xf32, #tpu.memory_space<hbm>> -> memref<1x16x1024xf32, #tpu.memory_space<hbm>>
      %dma_start3A_1480 = tpu.memref_squeeze %dma_start3A_1479 : memref<1x16x1024xf32, #tpu.memory_space<hbm>> -> memref<16x1024xf32, #tpu.memory_space<hbm>>
      %dma_start3A_1481 = arith.constant 0 : i32
      %dma_start3A_1482 = arith.constant 0 : i32
      %dma_start3A_1483 = tpu.memref_slice %arg7[%dma_start3A_1481, %dma_start3A_1482] : memref<64x1024xf32, #tpu.memory_space<vmem>> -> memref<16x1024xf32, #tpu.memory_space<vmem>>
      tpu.enqueue_dma source(%dma_start3A_1483 : memref<16x1024xf32, #tpu.memory_space<vmem>>) target(%dma_start3A_1480 : memref<16x1024xf32, #tpu.memory_space<hbm>>) target_semaphore(%arg15 : memref<!tpu.dma_semaphore, #tpu.memory_space<semaphore_mem>>)
      %dma_wait3A_1484 = arith.constant 0 : i32
      %dma_wait3A_1485 = arith.constant 0 : i32
      %dma_wait3A_1486 = arith.constant 0 : i32
      %dma_wait3A_1487 = tpu.memref_slice %arg7[%dma_wait3A_1485, %dma_wait3A_1486] : memref<64x1024xf32, #tpu.memory_space<vmem>> -> memref<16x1024xf32, #tpu.memory_space<vmem>>
      %dma_wait3A_1488 = arith.constant 0 : i32
      %dma_wait3A_1489 = tpu.memref_slice %arg4[%dma_wait3A_1484, %add3A_1470, %dma_wait3A_1488] : memref<4x4096x1024xf32, #tpu.memory_space<hbm>> -> memref<1x16x1024xf32, #tpu.memory_space<hbm>>
      %dma_wait3A_1490 = tpu.memref_squeeze %dma_wait3A_1489 : memref<1x16x1024xf32, #tpu.memory_space<hbm>> -> memref<16x1024xf32, #tpu.memory_space<hbm>>
      %dma_wait3A_1491 = arith.constant 0 : i32
      %dma_wait3A_1492 = tpu.memref_slice %arg4[%dma_wait3A_1484, %add3A_1470, %dma_wait3A_1491] : memref<4x4096x1024xf32, #tpu.memory_space<hbm>> -> memref<1x16x1024xf32, #tpu.memory_space<hbm>>
      %dma_wait3A_1493 = tpu.memref_squeeze %dma_wait3A_1492 : memref<1x16x1024xf32, #tpu.memory_space<hbm>> -> memref<16x1024xf32, #tpu.memory_space<hbm>>
      %dma_wait3A_1494 = arith.constant 0 : i32
      %dma_wait3A_1495 = arith.constant 0 : i32
      %dma_wait3A_1496 = tpu.memref_slice %arg7[%dma_wait3A_1494, %dma_wait3A_1495] : memref<64x1024xf32, #tpu.memory_space<vmem>> -> memref<16x1024xf32, #tpu.memory_space<vmem>>
      tpu.wait_dma2 semaphore(%arg15 : memref<!tpu.dma_semaphore, #tpu.memory_space<semaphore_mem>>) src(%dma_wait3A_1496 : memref<16x1024xf32, #tpu.memory_space<vmem>>) dst(%dma_wait3A_1493 : memref<16x1024xf32, #tpu.memory_space<hbm>>)
    } else {
    }
    %get3A_1217 = arith.constant 0 : index
    %get3A_1218 = tpu.vector_load %arg9[%get3A_1217] {strides = array<i32>} : memref<32xi32, #tpu.memory_space<vmem>>, vector<16xi32>,
    %slice3A_1219 = vector.extract_strided_slice %get3A_1218 {offsets = [7], sizes = [1], strides = [1]} : vector<16xi32> to vector<1xi32>
    %squeeze3A_1220 = vector.extract %slice3A_1219[0] : i32 from vector<1xi32>
    %gt3A_1221 = arith.constant 0 : i32
    %gt3A_1222 = arith.cmpi sgt, %squeeze3A_1220, %gt3A_1221 : i32
    %convert_element_type3A_1223 = arith.extui %gt3A_1222 : i1 to i32
    %cond3A_1224 = arith.constant 0 : i32
    %cond3A_1225 = arith.cmpi ne, %convert_element_type3A_1223, %cond3A_1224 : i32
    scf.if %cond3A_1225 {
      %get3A_1442 = arith.constant 0 : i32
      %get3A_1443 = arith.index_cast %get3A_1442 : i32 to index
      %get3A_1444 = arith.constant 112 : index
      %get3A_1445 = tpu.vector_load %arg5[%get3A_1443, %get3A_1444] {strides = array<i32>} : memref<4x128xi32, #tpu.memory_space<vmem>>, vector<16xi32>,
      %add3A_1446 = arith.constant 112 : i32
      %add3A_1447 = arith.addi %mul3A_2, %add3A_1446 : i32
      %add3A_1448 = arith.constant 1 : i32
      %add3A_1449 = arith.addi %add3A_1447, %add3A_1448 : i32
      %add3A_1450 = vector.broadcast %add3A_1449 : i32 to vector<16xi32>
      %add3A_1451 = arith.addi %iota3A, %add3A_1450 : vector<16xi32>
      %ne3A = arith.constant 0 : i32
      %ne3A_1452 = vector.broadcast %ne3A : i32 to vector<16xi32>
      %ne3A_1453 = arith.cmpi ne, %get3A_1445, %ne3A_1452 : vector<16xi32>
      %jit3A_1454 = arith.constant 0 : i32
      %broadcast_in_dim3A_1455 = vector.broadcast %jit3A_1454 : i32 to vector<16xi32>
      %select_n3A_1456 = arith.select %ne3A_1453, %add3A_1451, %broadcast_in_dim3A_1455 : vector<16xi1>, vector<16xi32>
      %dma_start3A_1457 = arith.constant 0 : i32
      %dma_start3A_1458 = arith.constant 0 : i32
      %dma_start3A_1459 = tpu.memref_slice %arg7[%dma_start3A_1457, %dma_start3A_1458] : memref<64x1024xf32, #tpu.memory_space<vmem>> -> memref<16x1024xf32, #tpu.memory_space<vmem>>
      %dma_start3A_1460 = arith.constant 0 : i32
      %dma_start3A_1461 = arith.constant 0 : i32
      %dma_start3A_1462 = tpu.memref_slice %arg3[%dma_start3A_1460, %dma_start3A_1461] : memref<8192x1024xf32, #tpu.memory_space<hbm>> -> memref<8192x1024xf32, #tpu.memory_space<hbm>>
      tpu.enqueue_indirect_dma source(%dma_start3A_1462 : memref<8192x1024xf32, #tpu.memory_space<hbm>>) target(%dma_start3A_1459 : memref<16x1024xf32, #tpu.memory_space<vmem>>) offsets(%select_n3A_1456 : vector<16xi32>) semaphore(%arg15 : memref<!tpu.dma_semaphore, #tpu.memory_space<semaphore_mem>>)
      %dma_wait3A_1463 = arith.constant 0 : i32
      %dma_wait3A_1464 = arith.constant 0 : i32
      %dma_wait3A_1465 = tpu.memref_slice %arg7[%dma_wait3A_1463, %dma_wait3A_1464] : memref<64x1024xf32, #tpu.memory_space<vmem>> -> memref<16x1024xf32, #tpu.memory_space<vmem>>
      %dma_wait3A_1466 = arith.constant 0 : i32
      %dma_wait3A_1467 = arith.constant 0 : i32
      %dma_wait3A_1468 = tpu.memref_slice %arg3[%dma_wait3A_1466, %dma_wait3A_1467] : memref<8192x1024xf32, #tpu.memory_space<hbm>> -> memref<8192x1024xf32, #tpu.memory_space<hbm>>
      tpu.wait_indirect_dma semaphore(%arg15 : memref<!tpu.dma_semaphore, #tpu.memory_space<semaphore_mem>>) src(%dma_wait3A_1468 : memref<8192x1024xf32, #tpu.memory_space<hbm>>) dst(%dma_wait3A_1465 : memref<16x1024xf32, #tpu.memory_space<vmem>>)
      %add3A_1469 = arith.constant 112 : i32
      %add3A_1470 = arith.addi %mul3A_2, %add3A_1469 : i32
      %dma_start3A_1471 = arith.constant 0 : i32
      %dma_start3A_1472 = arith.constant 0 : i32
      %dma_start3A_1473 = arith.constant 0 : i32
      %dma_start3A_1474 = tpu.memref_slice %arg7[%dma_start3A_1472, %dma_start3A_1473] : memref<64x1024xf32, #tpu.memory_space<vmem>> -> memref<16x1024xf32, #tpu.memory_space<vmem>>
      %dma_start3A_1475 = arith.constant 0 : i32
      %dma_start3A_1476 = tpu.memref_slice %arg4[%dma_start3A_1471, %add3A_1470, %dma_start3A_1475] : memref<4x4096x1024xf32, #tpu.memory_space<hbm>> -> memref<1x16x1024xf32, #tpu.memory_space<hbm>>
      %dma_start3A_1477 = tpu.memref_squeeze %dma_start3A_1476 : memref<1x16x1024xf32, #tpu.memory_space<hbm>> -> memref<16x1024xf32, #tpu.memory_space<hbm>>
      %dma_start3A_1478 = arith.constant 0 : i32
      %dma_start3A_1479 = tpu.memref_slice %arg4[%dma_start3A_1471, %add3A_1470, %dma_start3A_1478] : memref<4x4096x1024xf32, #tpu.memory_space<hbm>> -> memref<1x16x1024xf32, #tpu.memory_space<hbm>>
      %dma_start3A_1480 = tpu.memref_squeeze %dma_start3A_1479 : memref<1x16x1024xf32, #tpu.memory_space<hbm>> -> memref<16x1024xf32, #tpu.memory_space<hbm>>
      %dma_start3A_1481 = arith.constant 0 : i32
      %dma_start3A_1482 = arith.constant 0 : i32
      %dma_start3A_1483 = tpu.memref_slice %arg7[%dma_start3A_1481, %dma_start3A_1482] : memref<64x1024xf32, #tpu.memory_space<vmem>> -> memref<16x1024xf32, #tpu.memory_space<vmem>>
      tpu.enqueue_dma source(%dma_start3A_1483 : memref<16x1024xf32, #tpu.memory_space<vmem>>) target(%dma_start3A_1480 : memref<16x1024xf32, #tpu.memory_space<hbm>>) target_semaphore(%arg15 : memref<!tpu.dma_semaphore, #tpu.memory_space<semaphore_mem>>)
      %dma_wait3A_1484 = arith.constant 0 : i32
      %dma_wait3A_1485 = arith.constant 0 : i32
      %dma_wait3A_1486 = arith.constant 0 : i32
      %dma_wait3A_1487 = tpu.memref_slice %arg7[%dma_wait3A_1485, %dma_wait3A_1486] : memref<64x1024xf32, #tpu.memory_space<vmem>> -> memref<16x1024xf32, #tpu.memory_space<vmem>>
      %dma_wait3A_1488 = arith.constant 0 : i32
      %dma_wait3A_1489 = tpu.memref_slice %arg4[%dma_wait3A_1484, %add3A_1470, %dma_wait3A_1488] : memref<4x4096x1024xf32, #tpu.memory_space<hbm>> -> memref<1x16x1024xf32, #tpu.memory_space<hbm>>
      %dma_wait3A_1490 = tpu.memref_squeeze %dma_wait3A_1489 : memref<1x16x1024xf32, #tpu.memory_space<hbm>> -> memref<16x1024xf32, #tpu.memory_space<hbm>>
      %dma_wait3A_1491 = arith.constant 0 : i32
      %dma_wait3A_1492 = tpu.memref_slice %arg4[%dma_wait3A_1484, %add3A_1470, %dma_wait3A_1491] : memref<4x4096x1024xf32, #tpu.memory_space<hbm>> -> memref<1x16x1024xf32, #tpu.memory_space<hbm>>
      %dma_wait3A_1493 = tpu.memref_squeeze %dma_wait3A_1492 : memref<1x16x1024xf32, #tpu.memory_space<hbm>> -> memref<16x1024xf32, #tpu.memory_space<hbm>>
      %dma_wait3A_1494 = arith.constant 0 : i32
      %dma_wait3A_1495 = arith.constant 0 : i32
      %dma_wait3A_1496 = tpu.memref_slice %arg7[%dma_wait3A_1494, %dma_wait3A_1495] : memref<64x1024xf32, #tpu.memory_space<vmem>> -> memref<16x1024xf32, #tpu.memory_space<vmem>>
      tpu.wait_dma2 semaphore(%arg15 : memref<!tpu.dma_semaphore, #tpu.memory_space<semaphore_mem>>) src(%dma_wait3A_1496 : memref<16x1024xf32, #tpu.memory_space<vmem>>) dst(%dma_wait3A_1493 : memref<16x1024xf32, #tpu.memory_space<hbm>>)
    } else {
    }
    %get3A_1226 = arith.constant 0 : index
    %get3A_1227 = tpu.vector_load %arg9[%get3A_1226] {strides = array<i32>} : memref<32xi32, #tpu.memory_space<vmem>>, vector<16xi32>,
    %slice3A_1228 = vector.extract_strided_slice %get3A_1227 {offsets = [8], sizes = [1], strides = [1]} : vector<16xi32> to vector<1xi32>
    %squeeze3A_1229 = vector.extract %slice3A_1228[0] : i32 from vector<1xi32>
    %gt3A_1230 = arith.constant 0 : i32
    %gt3A_1231 = arith.cmpi sgt, %squeeze3A_1229, %gt3A_1230 : i32
    %convert_element_type3A_1232 = arith.extui %gt3A_1231 : i1 to i32
    %cond3A_1233 = arith.constant 0 : i32
    %cond3A_1234 = arith.cmpi ne, %convert_element_type3A_1232, %cond3A_1233 : i32
    scf.if %cond3A_1234 {
      %get3A_1442 = arith.constant 1 : i32
      %get3A_1443 = arith.index_cast %get3A_1442 : i32 to index
      %get3A_1444 = arith.constant 0 : index
      %get3A_1445 = tpu.vector_load %arg5[%get3A_1443, %get3A_1444] {strides = array<i32>} : memref<4x128xi32, #tpu.memory_space<vmem>>, vector<16xi32>,
      %add3A_1446 = arith.constant 0 : i32
      %add3A_1447 = arith.addi %mul3A_2, %add3A_1446 : i32
      %add3A_1448 = arith.constant 1 : i32
      %add3A_1449 = arith.addi %add3A_1447, %add3A_1448 : i32
      %add3A_1450 = vector.broadcast %add3A_1449 : i32 to vector<16xi32>
      %add3A_1451 = arith.addi %iota3A, %add3A_1450 : vector<16xi32>
      %ne3A = arith.constant 0 : i32
      %ne3A_1452 = vector.broadcast %ne3A : i32 to vector<16xi32>
      %ne3A_1453 = arith.cmpi ne, %get3A_1445, %ne3A_1452 : vector<16xi32>
      %jit3A_1454 = arith.constant 0 : i32
      %broadcast_in_dim3A_1455 = vector.broadcast %jit3A_1454 : i32 to vector<16xi32>
      %select_n3A_1456 = arith.select %ne3A_1453, %add3A_1451, %broadcast_in_dim3A_1455 : vector<16xi1>, vector<16xi32>
      %dma_start3A_1457 = arith.constant 0 : i32
      %dma_start3A_1458 = arith.constant 0 : i32
      %dma_start3A_1459 = tpu.memref_slice %arg7[%dma_start3A_1457, %dma_start3A_1458] : memref<64x1024xf32, #tpu.memory_space<vmem>> -> memref<16x1024xf32, #tpu.memory_space<vmem>>
      %dma_start3A_1460 = arith.constant 0 : i32
      %dma_start3A_1461 = arith.constant 0 : i32
      %dma_start3A_1462 = tpu.memref_slice %arg3[%dma_start3A_1460, %dma_start3A_1461] : memref<8192x1024xf32, #tpu.memory_space<hbm>> -> memref<8192x1024xf32, #tpu.memory_space<hbm>>
      tpu.enqueue_indirect_dma source(%dma_start3A_1462 : memref<8192x1024xf32, #tpu.memory_space<hbm>>) target(%dma_start3A_1459 : memref<16x1024xf32, #tpu.memory_space<vmem>>) offsets(%select_n3A_1456 : vector<16xi32>) semaphore(%arg15 : memref<!tpu.dma_semaphore, #tpu.memory_space<semaphore_mem>>)
      %dma_wait3A_1463 = arith.constant 0 : i32
      %dma_wait3A_1464 = arith.constant 0 : i32
      %dma_wait3A_1465 = tpu.memref_slice %arg7[%dma_wait3A_1463, %dma_wait3A_1464] : memref<64x1024xf32, #tpu.memory_space<vmem>> -> memref<16x1024xf32, #tpu.memory_space<vmem>>
      %dma_wait3A_1466 = arith.constant 0 : i32
      %dma_wait3A_1467 = arith.constant 0 : i32
      %dma_wait3A_1468 = tpu.memref_slice %arg3[%dma_wait3A_1466, %dma_wait3A_1467] : memref<8192x1024xf32, #tpu.memory_space<hbm>> -> memref<8192x1024xf32, #tpu.memory_space<hbm>>
      tpu.wait_indirect_dma semaphore(%arg15 : memref<!tpu.dma_semaphore, #tpu.memory_space<semaphore_mem>>) src(%dma_wait3A_1468 : memref<8192x1024xf32, #tpu.memory_space<hbm>>) dst(%dma_wait3A_1465 : memref<16x1024xf32, #tpu.memory_space<vmem>>)
      %add3A_1469 = arith.constant 0 : i32
      %add3A_1470 = arith.addi %mul3A_2, %add3A_1469 : i32
      %dma_start3A_1471 = arith.constant 1 : i32
      %dma_start3A_1472 = arith.constant 0 : i32
      %dma_start3A_1473 = arith.constant 0 : i32
      %dma_start3A_1474 = tpu.memref_slice %arg7[%dma_start3A_1472, %dma_start3A_1473] : memref<64x1024xf32, #tpu.memory_space<vmem>> -> memref<16x1024xf32, #tpu.memory_space<vmem>>
      %dma_start3A_1475 = arith.constant 0 : i32
      %dma_start3A_1476 = tpu.memref_slice %arg4[%dma_start3A_1471, %add3A_1470, %dma_start3A_1475] : memref<4x4096x1024xf32, #tpu.memory_space<hbm>> -> memref<1x16x1024xf32, #tpu.memory_space<hbm>>
      %dma_start3A_1477 = tpu.memref_squeeze %dma_start3A_1476 : memref<1x16x1024xf32, #tpu.memory_space<hbm>> -> memref<16x1024xf32, #tpu.memory_space<hbm>>
      %dma_start3A_1478 = arith.constant 0 : i32
      %dma_start3A_1479 = tpu.memref_slice %arg4[%dma_start3A_1471, %add3A_1470, %dma_start3A_1478] : memref<4x4096x1024xf32, #tpu.memory_space<hbm>> -> memref<1x16x1024xf32, #tpu.memory_space<hbm>>
      %dma_start3A_1480 = tpu.memref_squeeze %dma_start3A_1479 : memref<1x16x1024xf32, #tpu.memory_space<hbm>> -> memref<16x1024xf32, #tpu.memory_space<hbm>>
      %dma_start3A_1481 = arith.constant 0 : i32
      %dma_start3A_1482 = arith.constant 0 : i32
      %dma_start3A_1483 = tpu.memref_slice %arg7[%dma_start3A_1481, %dma_start3A_1482] : memref<64x1024xf32, #tpu.memory_space<vmem>> -> memref<16x1024xf32, #tpu.memory_space<vmem>>
      tpu.enqueue_dma source(%dma_start3A_1483 : memref<16x1024xf32, #tpu.memory_space<vmem>>) target(%dma_start3A_1480 : memref<16x1024xf32, #tpu.memory_space<hbm>>) target_semaphore(%arg15 : memref<!tpu.dma_semaphore, #tpu.memory_space<semaphore_mem>>)
      %dma_wait3A_1484 = arith.constant 1 : i32
      %dma_wait3A_1485 = arith.constant 0 : i32
      %dma_wait3A_1486 = arith.constant 0 : i32
      %dma_wait3A_1487 = tpu.memref_slice %arg7[%dma_wait3A_1485, %dma_wait3A_1486] : memref<64x1024xf32, #tpu.memory_space<vmem>> -> memref<16x1024xf32, #tpu.memory_space<vmem>>
      %dma_wait3A_1488 = arith.constant 0 : i32
      %dma_wait3A_1489 = tpu.memref_slice %arg4[%dma_wait3A_1484, %add3A_1470, %dma_wait3A_1488] : memref<4x4096x1024xf32, #tpu.memory_space<hbm>> -> memref<1x16x1024xf32, #tpu.memory_space<hbm>>
      %dma_wait3A_1490 = tpu.memref_squeeze %dma_wait3A_1489 : memref<1x16x1024xf32, #tpu.memory_space<hbm>> -> memref<16x1024xf32, #tpu.memory_space<hbm>>
      %dma_wait3A_1491 = arith.constant 0 : i32
      %dma_wait3A_1492 = tpu.memref_slice %arg4[%dma_wait3A_1484, %add3A_1470, %dma_wait3A_1491] : memref<4x4096x1024xf32, #tpu.memory_space<hbm>> -> memref<1x16x1024xf32, #tpu.memory_space<hbm>>
      %dma_wait3A_1493 = tpu.memref_squeeze %dma_wait3A_1492 : memref<1x16x1024xf32, #tpu.memory_space<hbm>> -> memref<16x1024xf32, #tpu.memory_space<hbm>>
      %dma_wait3A_1494 = arith.constant 0 : i32
      %dma_wait3A_1495 = arith.constant 0 : i32
      %dma_wait3A_1496 = tpu.memref_slice %arg7[%dma_wait3A_1494, %dma_wait3A_1495] : memref<64x1024xf32, #tpu.memory_space<vmem>> -> memref<16x1024xf32, #tpu.memory_space<vmem>>
      tpu.wait_dma2 semaphore(%arg15 : memref<!tpu.dma_semaphore, #tpu.memory_space<semaphore_mem>>) src(%dma_wait3A_1496 : memref<16x1024xf32, #tpu.memory_space<vmem>>) dst(%dma_wait3A_1493 : memref<16x1024xf32, #tpu.memory_space<hbm>>)
    } else {
    }
    %get3A_1235 = arith.constant 0 : index
    %get3A_1236 = tpu.vector_load %arg9[%get3A_1235] {strides = array<i32>} : memref<32xi32, #tpu.memory_space<vmem>>, vector<16xi32>,
    %slice3A_1237 = vector.extract_strided_slice %get3A_1236 {offsets = [9], sizes = [1], strides = [1]} : vector<16xi32> to vector<1xi32>
    %squeeze3A_1238 = vector.extract %slice3A_1237[0] : i32 from vector<1xi32>
    %gt3A_1239 = arith.constant 0 : i32
    %gt3A_1240 = arith.cmpi sgt, %squeeze3A_1238, %gt3A_1239 : i32
    %convert_element_type3A_1241 = arith.extui %gt3A_1240 : i1 to i32
    %cond3A_1242 = arith.constant 0 : i32
    %cond3A_1243 = arith.cmpi ne, %convert_element_type3A_1241, %cond3A_1242 : i32
    scf.if %cond3A_1243 {
      %get3A_1442 = arith.constant 1 : i32
      %get3A_1443 = arith.index_cast %get3A_1442 : i32 to index
      %get3A_1444 = arith.constant 16 : index
      %get3A_1445 = tpu.vector_load %arg5[%get3A_1443, %get3A_1444] {strides = array<i32>} : memref<4x128xi32, #tpu.memory_space<vmem>>, vector<16xi32>,
      %add3A_1446 = arith.constant 16 : i32
      %add3A_1447 = arith.addi %mul3A_2, %add3A_1446 : i32
      %add3A_1448 = arith.constant 1 : i32
      %add3A_1449 = arith.addi %add3A_1447, %add3A_1448 : i32
      %add3A_1450 = vector.broadcast %add3A_1449 : i32 to vector<16xi32>
      %add3A_1451 = arith.addi %iota3A, %add3A_1450 : vector<16xi32>
      %ne3A = arith.constant 0 : i32
      %ne3A_1452 = vector.broadcast %ne3A : i32 to vector<16xi32>
      %ne3A_1453 = arith.cmpi ne, %get3A_1445, %ne3A_1452 : vector<16xi32>
      %jit3A_1454 = arith.constant 0 : i32
      %broadcast_in_dim3A_1455 = vector.broadcast %jit3A_1454 : i32 to vector<16xi32>
      %select_n3A_1456 = arith.select %ne3A_1453, %add3A_1451, %broadcast_in_dim3A_1455 : vector<16xi1>, vector<16xi32>
      %dma_start3A_1457 = arith.constant 0 : i32
      %dma_start3A_1458 = arith.constant 0 : i32
      %dma_start3A_1459 = tpu.memref_slice %arg7[%dma_start3A_1457, %dma_start3A_1458] : memref<64x1024xf32, #tpu.memory_space<vmem>> -> memref<16x1024xf32, #tpu.memory_space<vmem>>
      %dma_start3A_1460 = arith.constant 0 : i32
      %dma_start3A_1461 = arith.constant 0 : i32
      %dma_start3A_1462 = tpu.memref_slice %arg3[%dma_start3A_1460, %dma_start3A_1461] : memref<8192x1024xf32, #tpu.memory_space<hbm>> -> memref<8192x1024xf32, #tpu.memory_space<hbm>>
      tpu.enqueue_indirect_dma source(%dma_start3A_1462 : memref<8192x1024xf32, #tpu.memory_space<hbm>>) target(%dma_start3A_1459 : memref<16x1024xf32, #tpu.memory_space<vmem>>) offsets(%select_n3A_1456 : vector<16xi32>) semaphore(%arg15 : memref<!tpu.dma_semaphore, #tpu.memory_space<semaphore_mem>>)
      %dma_wait3A_1463 = arith.constant 0 : i32
      %dma_wait3A_1464 = arith.constant 0 : i32
      %dma_wait3A_1465 = tpu.memref_slice %arg7[%dma_wait3A_1463, %dma_wait3A_1464] : memref<64x1024xf32, #tpu.memory_space<vmem>> -> memref<16x1024xf32, #tpu.memory_space<vmem>>
      %dma_wait3A_1466 = arith.constant 0 : i32
      %dma_wait3A_1467 = arith.constant 0 : i32
      %dma_wait3A_1468 = tpu.memref_slice %arg3[%dma_wait3A_1466, %dma_wait3A_1467] : memref<8192x1024xf32, #tpu.memory_space<hbm>> -> memref<8192x1024xf32, #tpu.memory_space<hbm>>
      tpu.wait_indirect_dma semaphore(%arg15 : memref<!tpu.dma_semaphore, #tpu.memory_space<semaphore_mem>>) src(%dma_wait3A_1468 : memref<8192x1024xf32, #tpu.memory_space<hbm>>) dst(%dma_wait3A_1465 : memref<16x1024xf32, #tpu.memory_space<vmem>>)
      %add3A_1469 = arith.constant 16 : i32
      %add3A_1470 = arith.addi %mul3A_2, %add3A_1469 : i32
      %dma_start3A_1471 = arith.constant 1 : i32
      %dma_start3A_1472 = arith.constant 0 : i32
      %dma_start3A_1473 = arith.constant 0 : i32
      %dma_start3A_1474 = tpu.memref_slice %arg7[%dma_start3A_1472, %dma_start3A_1473] : memref<64x1024xf32, #tpu.memory_space<vmem>> -> memref<16x1024xf32, #tpu.memory_space<vmem>>
      %dma_start3A_1475 = arith.constant 0 : i32
      %dma_start3A_1476 = tpu.memref_slice %arg4[%dma_start3A_1471, %add3A_1470, %dma_start3A_1475] : memref<4x4096x1024xf32, #tpu.memory_space<hbm>> -> memref<1x16x1024xf32, #tpu.memory_space<hbm>>
      %dma_start3A_1477 = tpu.memref_squeeze %dma_start3A_1476 : memref<1x16x1024xf32, #tpu.memory_space<hbm>> -> memref<16x1024xf32, #tpu.memory_space<hbm>>
      %dma_start3A_1478 = arith.constant 0 : i32
      %dma_start3A_1479 = tpu.memref_slice %arg4[%dma_start3A_1471, %add3A_1470, %dma_start3A_1478] : memref<4x4096x1024xf32, #tpu.memory_space<hbm>> -> memref<1x16x1024xf32, #tpu.memory_space<hbm>>
      %dma_start3A_1480 = tpu.memref_squeeze %dma_start3A_1479 : memref<1x16x1024xf32, #tpu.memory_space<hbm>> -> memref<16x1024xf32, #tpu.memory_space<hbm>>
      %dma_start3A_1481 = arith.constant 0 : i32
      %dma_start3A_1482 = arith.constant 0 : i32
      %dma_start3A_1483 = tpu.memref_slice %arg7[%dma_start3A_1481, %dma_start3A_1482] : memref<64x1024xf32, #tpu.memory_space<vmem>> -> memref<16x1024xf32, #tpu.memory_space<vmem>>
      tpu.enqueue_dma source(%dma_start3A_1483 : memref<16x1024xf32, #tpu.memory_space<vmem>>) target(%dma_start3A_1480 : memref<16x1024xf32, #tpu.memory_space<hbm>>) target_semaphore(%arg15 : memref<!tpu.dma_semaphore, #tpu.memory_space<semaphore_mem>>)
      %dma_wait3A_1484 = arith.constant 1 : i32
      %dma_wait3A_1485 = arith.constant 0 : i32
      %dma_wait3A_1486 = arith.constant 0 : i32
      %dma_wait3A_1487 = tpu.memref_slice %arg7[%dma_wait3A_1485, %dma_wait3A_1486] : memref<64x1024xf32, #tpu.memory_space<vmem>> -> memref<16x1024xf32, #tpu.memory_space<vmem>>
      %dma_wait3A_1488 = arith.constant 0 : i32
      %dma_wait3A_1489 = tpu.memref_slice %arg4[%dma_wait3A_1484, %add3A_1470, %dma_wait3A_1488] : memref<4x4096x1024xf32, #tpu.memory_space<hbm>> -> memref<1x16x1024xf32, #tpu.memory_space<hbm>>
      %dma_wait3A_1490 = tpu.memref_squeeze %dma_wait3A_1489 : memref<1x16x1024xf32, #tpu.memory_space<hbm>> -> memref<16x1024xf32, #tpu.memory_space<hbm>>
      %dma_wait3A_1491 = arith.constant 0 : i32
      %dma_wait3A_1492 = tpu.memref_slice %arg4[%dma_wait3A_1484, %add3A_1470, %dma_wait3A_1491] : memref<4x4096x1024xf32, #tpu.memory_space<hbm>> -> memref<1x16x1024xf32, #tpu.memory_space<hbm>>
      %dma_wait3A_1493 = tpu.memref_squeeze %dma_wait3A_1492 : memref<1x16x1024xf32, #tpu.memory_space<hbm>> -> memref<16x1024xf32, #tpu.memory_space<hbm>>
      %dma_wait3A_1494 = arith.constant 0 : i32
      %dma_wait3A_1495 = arith.constant 0 : i32
      %dma_wait3A_1496 = tpu.memref_slice %arg7[%dma_wait3A_1494, %dma_wait3A_1495] : memref<64x1024xf32, #tpu.memory_space<vmem>> -> memref<16x1024xf32, #tpu.memory_space<vmem>>
      tpu.wait_dma2 semaphore(%arg15 : memref<!tpu.dma_semaphore, #tpu.memory_space<semaphore_mem>>) src(%dma_wait3A_1496 : memref<16x1024xf32, #tpu.memory_space<vmem>>) dst(%dma_wait3A_1493 : memref<16x1024xf32, #tpu.memory_space<hbm>>)
    } else {
    }
    %get3A_1244 = arith.constant 0 : index
    %get3A_1245 = tpu.vector_load %arg9[%get3A_1244] {strides = array<i32>} : memref<32xi32, #tpu.memory_space<vmem>>, vector<16xi32>,
    %slice3A_1246 = vector.extract_strided_slice %get3A_1245 {offsets = [10], sizes = [1], strides = [1]} : vector<16xi32> to vector<1xi32>
    %squeeze3A_1247 = vector.extract %slice3A_1246[0] : i32 from vector<1xi32>
    %gt3A_1248 = arith.constant 0 : i32
    %gt3A_1249 = arith.cmpi sgt, %squeeze3A_1247, %gt3A_1248 : i32
    %convert_element_type3A_1250 = arith.extui %gt3A_1249 : i1 to i32
    %cond3A_1251 = arith.constant 0 : i32
    %cond3A_1252 = arith.cmpi ne, %convert_element_type3A_1250, %cond3A_1251 : i32
    scf.if %cond3A_1252 {
      %get3A_1442 = arith.constant 1 : i32
      %get3A_1443 = arith.index_cast %get3A_1442 : i32 to index
      %get3A_1444 = arith.constant 32 : index
      %get3A_1445 = tpu.vector_load %arg5[%get3A_1443, %get3A_1444] {strides = array<i32>} : memref<4x128xi32, #tpu.memory_space<vmem>>, vector<16xi32>,
      %add3A_1446 = arith.constant 32 : i32
      %add3A_1447 = arith.addi %mul3A_2, %add3A_1446 : i32
      %add3A_1448 = arith.constant 1 : i32
      %add3A_1449 = arith.addi %add3A_1447, %add3A_1448 : i32
      %add3A_1450 = vector.broadcast %add3A_1449 : i32 to vector<16xi32>
      %add3A_1451 = arith.addi %iota3A, %add3A_1450 : vector<16xi32>
      %ne3A = arith.constant 0 : i32
      %ne3A_1452 = vector.broadcast %ne3A : i32 to vector<16xi32>
      %ne3A_1453 = arith.cmpi ne, %get3A_1445, %ne3A_1452 : vector<16xi32>
      %jit3A_1454 = arith.constant 0 : i32
      %broadcast_in_dim3A_1455 = vector.broadcast %jit3A_1454 : i32 to vector<16xi32>
      %select_n3A_1456 = arith.select %ne3A_1453, %add3A_1451, %broadcast_in_dim3A_1455 : vector<16xi1>, vector<16xi32>
      %dma_start3A_1457 = arith.constant 0 : i32
      %dma_start3A_1458 = arith.constant 0 : i32
      %dma_start3A_1459 = tpu.memref_slice %arg7[%dma_start3A_1457, %dma_start3A_1458] : memref<64x1024xf32, #tpu.memory_space<vmem>> -> memref<16x1024xf32, #tpu.memory_space<vmem>>
      %dma_start3A_1460 = arith.constant 0 : i32
      %dma_start3A_1461 = arith.constant 0 : i32
      %dma_start3A_1462 = tpu.memref_slice %arg3[%dma_start3A_1460, %dma_start3A_1461] : memref<8192x1024xf32, #tpu.memory_space<hbm>> -> memref<8192x1024xf32, #tpu.memory_space<hbm>>
      tpu.enqueue_indirect_dma source(%dma_start3A_1462 : memref<8192x1024xf32, #tpu.memory_space<hbm>>) target(%dma_start3A_1459 : memref<16x1024xf32, #tpu.memory_space<vmem>>) offsets(%select_n3A_1456 : vector<16xi32>) semaphore(%arg15 : memref<!tpu.dma_semaphore, #tpu.memory_space<semaphore_mem>>)
      %dma_wait3A_1463 = arith.constant 0 : i32
      %dma_wait3A_1464 = arith.constant 0 : i32
      %dma_wait3A_1465 = tpu.memref_slice %arg7[%dma_wait3A_1463, %dma_wait3A_1464] : memref<64x1024xf32, #tpu.memory_space<vmem>> -> memref<16x1024xf32, #tpu.memory_space<vmem>>
      %dma_wait3A_1466 = arith.constant 0 : i32
      %dma_wait3A_1467 = arith.constant 0 : i32
      %dma_wait3A_1468 = tpu.memref_slice %arg3[%dma_wait3A_1466, %dma_wait3A_1467] : memref<8192x1024xf32, #tpu.memory_space<hbm>> -> memref<8192x1024xf32, #tpu.memory_space<hbm>>
      tpu.wait_indirect_dma semaphore(%arg15 : memref<!tpu.dma_semaphore, #tpu.memory_space<semaphore_mem>>) src(%dma_wait3A_1468 : memref<8192x1024xf32, #tpu.memory_space<hbm>>) dst(%dma_wait3A_1465 : memref<16x1024xf32, #tpu.memory_space<vmem>>)
      %add3A_1469 = arith.constant 32 : i32
      %add3A_1470 = arith.addi %mul3A_2, %add3A_1469 : i32
      %dma_start3A_1471 = arith.constant 1 : i32
      %dma_start3A_1472 = arith.constant 0 : i32
      %dma_start3A_1473 = arith.constant 0 : i32
      %dma_start3A_1474 = tpu.memref_slice %arg7[%dma_start3A_1472, %dma_start3A_1473] : memref<64x1024xf32, #tpu.memory_space<vmem>> -> memref<16x1024xf32, #tpu.memory_space<vmem>>
      %dma_start3A_1475 = arith.constant 0 : i32
      %dma_start3A_1476 = tpu.memref_slice %arg4[%dma_start3A_1471, %add3A_1470, %dma_start3A_1475] : memref<4x4096x1024xf32, #tpu.memory_space<hbm>> -> memref<1x16x1024xf32, #tpu.memory_space<hbm>>
      %dma_start3A_1477 = tpu.memref_squeeze %dma_start3A_1476 : memref<1x16x1024xf32, #tpu.memory_space<hbm>> -> memref<16x1024xf32, #tpu.memory_space<hbm>>
      %dma_start3A_1478 = arith.constant 0 : i32
      %dma_start3A_1479 = tpu.memref_slice %arg4[%dma_start3A_1471, %add3A_1470, %dma_start3A_1478] : memref<4x4096x1024xf32, #tpu.memory_space<hbm>> -> memref<1x16x1024xf32, #tpu.memory_space<hbm>>
      %dma_start3A_1480 = tpu.memref_squeeze %dma_start3A_1479 : memref<1x16x1024xf32, #tpu.memory_space<hbm>> -> memref<16x1024xf32, #tpu.memory_space<hbm>>
      %dma_start3A_1481 = arith.constant 0 : i32
      %dma_start3A_1482 = arith.constant 0 : i32
      %dma_start3A_1483 = tpu.memref_slice %arg7[%dma_start3A_1481, %dma_start3A_1482] : memref<64x1024xf32, #tpu.memory_space<vmem>> -> memref<16x1024xf32, #tpu.memory_space<vmem>>
      tpu.enqueue_dma source(%dma_start3A_1483 : memref<16x1024xf32, #tpu.memory_space<vmem>>) target(%dma_start3A_1480 : memref<16x1024xf32, #tpu.memory_space<hbm>>) target_semaphore(%arg15 : memref<!tpu.dma_semaphore, #tpu.memory_space<semaphore_mem>>)
      %dma_wait3A_1484 = arith.constant 1 : i32
      %dma_wait3A_1485 = arith.constant 0 : i32
      %dma_wait3A_1486 = arith.constant 0 : i32
      %dma_wait3A_1487 = tpu.memref_slice %arg7[%dma_wait3A_1485, %dma_wait3A_1486] : memref<64x1024xf32, #tpu.memory_space<vmem>> -> memref<16x1024xf32, #tpu.memory_space<vmem>>
      %dma_wait3A_1488 = arith.constant 0 : i32
      %dma_wait3A_1489 = tpu.memref_slice %arg4[%dma_wait3A_1484, %add3A_1470, %dma_wait3A_1488] : memref<4x4096x1024xf32, #tpu.memory_space<hbm>> -> memref<1x16x1024xf32, #tpu.memory_space<hbm>>
      %dma_wait3A_1490 = tpu.memref_squeeze %dma_wait3A_1489 : memref<1x16x1024xf32, #tpu.memory_space<hbm>> -> memref<16x1024xf32, #tpu.memory_space<hbm>>
      %dma_wait3A_1491 = arith.constant 0 : i32
      %dma_wait3A_1492 = tpu.memref_slice %arg4[%dma_wait3A_1484, %add3A_1470, %dma_wait3A_1491] : memref<4x4096x1024xf32, #tpu.memory_space<hbm>> -> memref<1x16x1024xf32, #tpu.memory_space<hbm>>
      %dma_wait3A_1493 = tpu.memref_squeeze %dma_wait3A_1492 : memref<1x16x1024xf32, #tpu.memory_space<hbm>> -> memref<16x1024xf32, #tpu.memory_space<hbm>>
      %dma_wait3A_1494 = arith.constant 0 : i32
      %dma_wait3A_1495 = arith.constant 0 : i32
      %dma_wait3A_1496 = tpu.memref_slice %arg7[%dma_wait3A_1494, %dma_wait3A_1495] : memref<64x1024xf32, #tpu.memory_space<vmem>> -> memref<16x1024xf32, #tpu.memory_space<vmem>>
      tpu.wait_dma2 semaphore(%arg15 : memref<!tpu.dma_semaphore, #tpu.memory_space<semaphore_mem>>) src(%dma_wait3A_1496 : memref<16x1024xf32, #tpu.memory_space<vmem>>) dst(%dma_wait3A_1493 : memref<16x1024xf32, #tpu.memory_space<hbm>>)
    } else {
    }
    %get3A_1253 = arith.constant 0 : index
    %get3A_1254 = tpu.vector_load %arg9[%get3A_1253] {strides = array<i32>} : memref<32xi32, #tpu.memory_space<vmem>>, vector<16xi32>,
    %slice3A_1255 = vector.extract_strided_slice %get3A_1254 {offsets = [11], sizes = [1], strides = [1]} : vector<16xi32> to vector<1xi32>
    %squeeze3A_1256 = vector.extract %slice3A_1255[0] : i32 from vector<1xi32>
    %gt3A_1257 = arith.constant 0 : i32
    %gt3A_1258 = arith.cmpi sgt, %squeeze3A_1256, %gt3A_1257 : i32
    %convert_element_type3A_1259 = arith.extui %gt3A_1258 : i1 to i32
    %cond3A_1260 = arith.constant 0 : i32
    %cond3A_1261 = arith.cmpi ne, %convert_element_type3A_1259, %cond3A_1260 : i32
    scf.if %cond3A_1261 {
      %get3A_1442 = arith.constant 1 : i32
      %get3A_1443 = arith.index_cast %get3A_1442 : i32 to index
      %get3A_1444 = arith.constant 48 : index
      %get3A_1445 = tpu.vector_load %arg5[%get3A_1443, %get3A_1444] {strides = array<i32>} : memref<4x128xi32, #tpu.memory_space<vmem>>, vector<16xi32>,
      %add3A_1446 = arith.constant 48 : i32
      %add3A_1447 = arith.addi %mul3A_2, %add3A_1446 : i32
      %add3A_1448 = arith.constant 1 : i32
      %add3A_1449 = arith.addi %add3A_1447, %add3A_1448 : i32
      %add3A_1450 = vector.broadcast %add3A_1449 : i32 to vector<16xi32>
      %add3A_1451 = arith.addi %iota3A, %add3A_1450 : vector<16xi32>
      %ne3A = arith.constant 0 : i32
      %ne3A_1452 = vector.broadcast %ne3A : i32 to vector<16xi32>
      %ne3A_1453 = arith.cmpi ne, %get3A_1445, %ne3A_1452 : vector<16xi32>
      %jit3A_1454 = arith.constant 0 : i32
      %broadcast_in_dim3A_1455 = vector.broadcast %jit3A_1454 : i32 to vector<16xi32>
      %select_n3A_1456 = arith.select %ne3A_1453, %add3A_1451, %broadcast_in_dim3A_1455 : vector<16xi1>, vector<16xi32>
      %dma_start3A_1457 = arith.constant 0 : i32
      %dma_start3A_1458 = arith.constant 0 : i32
      %dma_start3A_1459 = tpu.memref_slice %arg7[%dma_start3A_1457, %dma_start3A_1458] : memref<64x1024xf32, #tpu.memory_space<vmem>> -> memref<16x1024xf32, #tpu.memory_space<vmem>>
      %dma_start3A_1460 = arith.constant 0 : i32
      %dma_start3A_1461 = arith.constant 0 : i32
      %dma_start3A_1462 = tpu.memref_slice %arg3[%dma_start3A_1460, %dma_start3A_1461] : memref<8192x1024xf32, #tpu.memory_space<hbm>> -> memref<8192x1024xf32, #tpu.memory_space<hbm>>
      tpu.enqueue_indirect_dma source(%dma_start3A_1462 : memref<8192x1024xf32, #tpu.memory_space<hbm>>) target(%dma_start3A_1459 : memref<16x1024xf32, #tpu.memory_space<vmem>>) offsets(%select_n3A_1456 : vector<16xi32>) semaphore(%arg15 : memref<!tpu.dma_semaphore, #tpu.memory_space<semaphore_mem>>)
      %dma_wait3A_1463 = arith.constant 0 : i32
      %dma_wait3A_1464 = arith.constant 0 : i32
      %dma_wait3A_1465 = tpu.memref_slice %arg7[%dma_wait3A_1463, %dma_wait3A_1464] : memref<64x1024xf32, #tpu.memory_space<vmem>> -> memref<16x1024xf32, #tpu.memory_space<vmem>>
      %dma_wait3A_1466 = arith.constant 0 : i32
      %dma_wait3A_1467 = arith.constant 0 : i32
      %dma_wait3A_1468 = tpu.memref_slice %arg3[%dma_wait3A_1466, %dma_wait3A_1467] : memref<8192x1024xf32, #tpu.memory_space<hbm>> -> memref<8192x1024xf32, #tpu.memory_space<hbm>>
      tpu.wait_indirect_dma semaphore(%arg15 : memref<!tpu.dma_semaphore, #tpu.memory_space<semaphore_mem>>) src(%dma_wait3A_1468 : memref<8192x1024xf32, #tpu.memory_space<hbm>>) dst(%dma_wait3A_1465 : memref<16x1024xf32, #tpu.memory_space<vmem>>)
      %add3A_1469 = arith.constant 48 : i32
      %add3A_1470 = arith.addi %mul3A_2, %add3A_1469 : i32
      %dma_start3A_1471 = arith.constant 1 : i32
      %dma_start3A_1472 = arith.constant 0 : i32
      %dma_start3A_1473 = arith.constant 0 : i32
      %dma_start3A_1474 = tpu.memref_slice %arg7[%dma_start3A_1472, %dma_start3A_1473] : memref<64x1024xf32, #tpu.memory_space<vmem>> -> memref<16x1024xf32, #tpu.memory_space<vmem>>
      %dma_start3A_1475 = arith.constant 0 : i32
      %dma_start3A_1476 = tpu.memref_slice %arg4[%dma_start3A_1471, %add3A_1470, %dma_start3A_1475] : memref<4x4096x1024xf32, #tpu.memory_space<hbm>> -> memref<1x16x1024xf32, #tpu.memory_space<hbm>>
      %dma_start3A_1477 = tpu.memref_squeeze %dma_start3A_1476 : memref<1x16x1024xf32, #tpu.memory_space<hbm>> -> memref<16x1024xf32, #tpu.memory_space<hbm>>
      %dma_start3A_1478 = arith.constant 0 : i32
      %dma_start3A_1479 = tpu.memref_slice %arg4[%dma_start3A_1471, %add3A_1470, %dma_start3A_1478] : memref<4x4096x1024xf32, #tpu.memory_space<hbm>> -> memref<1x16x1024xf32, #tpu.memory_space<hbm>>
      %dma_start3A_1480 = tpu.memref_squeeze %dma_start3A_1479 : memref<1x16x1024xf32, #tpu.memory_space<hbm>> -> memref<16x1024xf32, #tpu.memory_space<hbm>>
      %dma_start3A_1481 = arith.constant 0 : i32
      %dma_start3A_1482 = arith.constant 0 : i32
      %dma_start3A_1483 = tpu.memref_slice %arg7[%dma_start3A_1481, %dma_start3A_1482] : memref<64x1024xf32, #tpu.memory_space<vmem>> -> memref<16x1024xf32, #tpu.memory_space<vmem>>
      tpu.enqueue_dma source(%dma_start3A_1483 : memref<16x1024xf32, #tpu.memory_space<vmem>>) target(%dma_start3A_1480 : memref<16x1024xf32, #tpu.memory_space<hbm>>) target_semaphore(%arg15 : memref<!tpu.dma_semaphore, #tpu.memory_space<semaphore_mem>>)
      %dma_wait3A_1484 = arith.constant 1 : i32
      %dma_wait3A_1485 = arith.constant 0 : i32
      %dma_wait3A_1486 = arith.constant 0 : i32
      %dma_wait3A_1487 = tpu.memref_slice %arg7[%dma_wait3A_1485, %dma_wait3A_1486] : memref<64x1024xf32, #tpu.memory_space<vmem>> -> memref<16x1024xf32, #tpu.memory_space<vmem>>
      %dma_wait3A_1488 = arith.constant 0 : i32
      %dma_wait3A_1489 = tpu.memref_slice %arg4[%dma_wait3A_1484, %add3A_1470, %dma_wait3A_1488] : memref<4x4096x1024xf32, #tpu.memory_space<hbm>> -> memref<1x16x1024xf32, #tpu.memory_space<hbm>>
      %dma_wait3A_1490 = tpu.memref_squeeze %dma_wait3A_1489 : memref<1x16x1024xf32, #tpu.memory_space<hbm>> -> memref<16x1024xf32, #tpu.memory_space<hbm>>
      %dma_wait3A_1491 = arith.constant 0 : i32
      %dma_wait3A_1492 = tpu.memref_slice %arg4[%dma_wait3A_1484, %add3A_1470, %dma_wait3A_1491] : memref<4x4096x1024xf32, #tpu.memory_space<hbm>> -> memref<1x16x1024xf32, #tpu.memory_space<hbm>>
      %dma_wait3A_1493 = tpu.memref_squeeze %dma_wait3A_1492 : memref<1x16x1024xf32, #tpu.memory_space<hbm>> -> memref<16x1024xf32, #tpu.memory_space<hbm>>
      %dma_wait3A_1494 = arith.constant 0 : i32
      %dma_wait3A_1495 = arith.constant 0 : i32
      %dma_wait3A_1496 = tpu.memref_slice %arg7[%dma_wait3A_1494, %dma_wait3A_1495] : memref<64x1024xf32, #tpu.memory_space<vmem>> -> memref<16x1024xf32, #tpu.memory_space<vmem>>
      tpu.wait_dma2 semaphore(%arg15 : memref<!tpu.dma_semaphore, #tpu.memory_space<semaphore_mem>>) src(%dma_wait3A_1496 : memref<16x1024xf32, #tpu.memory_space<vmem>>) dst(%dma_wait3A_1493 : memref<16x1024xf32, #tpu.memory_space<hbm>>)
    } else {
    }
    %get3A_1262 = arith.constant 0 : index
    %get3A_1263 = tpu.vector_load %arg9[%get3A_1262] {strides = array<i32>} : memref<32xi32, #tpu.memory_space<vmem>>, vector<16xi32>,
    %slice3A_1264 = vector.extract_strided_slice %get3A_1263 {offsets = [12], sizes = [1], strides = [1]} : vector<16xi32> to vector<1xi32>
    %squeeze3A_1265 = vector.extract %slice3A_1264[0] : i32 from vector<1xi32>
    %gt3A_1266 = arith.constant 0 : i32
    %gt3A_1267 = arith.cmpi sgt, %squeeze3A_1265, %gt3A_1266 : i32
    %convert_element_type3A_1268 = arith.extui %gt3A_1267 : i1 to i32
    %cond3A_1269 = arith.constant 0 : i32
    %cond3A_1270 = arith.cmpi ne, %convert_element_type3A_1268, %cond3A_1269 : i32
    scf.if %cond3A_1270 {
      %get3A_1442 = arith.constant 1 : i32
      %get3A_1443 = arith.index_cast %get3A_1442 : i32 to index
      %get3A_1444 = arith.constant 64 : index
      %get3A_1445 = tpu.vector_load %arg5[%get3A_1443, %get3A_1444] {strides = array<i32>} : memref<4x128xi32, #tpu.memory_space<vmem>>, vector<16xi32>,
      %add3A_1446 = arith.constant 64 : i32
      %add3A_1447 = arith.addi %mul3A_2, %add3A_1446 : i32
      %add3A_1448 = arith.constant 1 : i32
      %add3A_1449 = arith.addi %add3A_1447, %add3A_1448 : i32
      %add3A_1450 = vector.broadcast %add3A_1449 : i32 to vector<16xi32>
      %add3A_1451 = arith.addi %iota3A, %add3A_1450 : vector<16xi32>
      %ne3A = arith.constant 0 : i32
      %ne3A_1452 = vector.broadcast %ne3A : i32 to vector<16xi32>
      %ne3A_1453 = arith.cmpi ne, %get3A_1445, %ne3A_1452 : vector<16xi32>
      %jit3A_1454 = arith.constant 0 : i32
      %broadcast_in_dim3A_1455 = vector.broadcast %jit3A_1454 : i32 to vector<16xi32>
      %select_n3A_1456 = arith.select %ne3A_1453, %add3A_1451, %broadcast_in_dim3A_1455 : vector<16xi1>, vector<16xi32>
      %dma_start3A_1457 = arith.constant 0 : i32
      %dma_start3A_1458 = arith.constant 0 : i32
      %dma_start3A_1459 = tpu.memref_slice %arg7[%dma_start3A_1457, %dma_start3A_1458] : memref<64x1024xf32, #tpu.memory_space<vmem>> -> memref<16x1024xf32, #tpu.memory_space<vmem>>
      %dma_start3A_1460 = arith.constant 0 : i32
      %dma_start3A_1461 = arith.constant 0 : i32
      %dma_start3A_1462 = tpu.memref_slice %arg3[%dma_start3A_1460, %dma_start3A_1461] : memref<8192x1024xf32, #tpu.memory_space<hbm>> -> memref<8192x1024xf32, #tpu.memory_space<hbm>>
      tpu.enqueue_indirect_dma source(%dma_start3A_1462 : memref<8192x1024xf32, #tpu.memory_space<hbm>>) target(%dma_start3A_1459 : memref<16x1024xf32, #tpu.memory_space<vmem>>) offsets(%select_n3A_1456 : vector<16xi32>) semaphore(%arg15 : memref<!tpu.dma_semaphore, #tpu.memory_space<semaphore_mem>>)
      %dma_wait3A_1463 = arith.constant 0 : i32
      %dma_wait3A_1464 = arith.constant 0 : i32
      %dma_wait3A_1465 = tpu.memref_slice %arg7[%dma_wait3A_1463, %dma_wait3A_1464] : memref<64x1024xf32, #tpu.memory_space<vmem>> -> memref<16x1024xf32, #tpu.memory_space<vmem>>
      %dma_wait3A_1466 = arith.constant 0 : i32
      %dma_wait3A_1467 = arith.constant 0 : i32
      %dma_wait3A_1468 = tpu.memref_slice %arg3[%dma_wait3A_1466, %dma_wait3A_1467] : memref<8192x1024xf32, #tpu.memory_space<hbm>> -> memref<8192x1024xf32, #tpu.memory_space<hbm>>
      tpu.wait_indirect_dma semaphore(%arg15 : memref<!tpu.dma_semaphore, #tpu.memory_space<semaphore_mem>>) src(%dma_wait3A_1468 : memref<8192x1024xf32, #tpu.memory_space<hbm>>) dst(%dma_wait3A_1465 : memref<16x1024xf32, #tpu.memory_space<vmem>>)
      %add3A_1469 = arith.constant 64 : i32
      %add3A_1470 = arith.addi %mul3A_2, %add3A_1469 : i32
      %dma_start3A_1471 = arith.constant 1 : i32
      %dma_start3A_1472 = arith.constant 0 : i32
      %dma_start3A_1473 = arith.constant 0 : i32
      %dma_start3A_1474 = tpu.memref_slice %arg7[%dma_start3A_1472, %dma_start3A_1473] : memref<64x1024xf32, #tpu.memory_space<vmem>> -> memref<16x1024xf32, #tpu.memory_space<vmem>>
      %dma_start3A_1475 = arith.constant 0 : i32
      %dma_start3A_1476 = tpu.memref_slice %arg4[%dma_start3A_1471, %add3A_1470, %dma_start3A_1475] : memref<4x4096x1024xf32, #tpu.memory_space<hbm>> -> memref<1x16x1024xf32, #tpu.memory_space<hbm>>
      %dma_start3A_1477 = tpu.memref_squeeze %dma_start3A_1476 : memref<1x16x1024xf32, #tpu.memory_space<hbm>> -> memref<16x1024xf32, #tpu.memory_space<hbm>>
      %dma_start3A_1478 = arith.constant 0 : i32
      %dma_start3A_1479 = tpu.memref_slice %arg4[%dma_start3A_1471, %add3A_1470, %dma_start3A_1478] : memref<4x4096x1024xf32, #tpu.memory_space<hbm>> -> memref<1x16x1024xf32, #tpu.memory_space<hbm>>
      %dma_start3A_1480 = tpu.memref_squeeze %dma_start3A_1479 : memref<1x16x1024xf32, #tpu.memory_space<hbm>> -> memref<16x1024xf32, #tpu.memory_space<hbm>>
      %dma_start3A_1481 = arith.constant 0 : i32
      %dma_start3A_1482 = arith.constant 0 : i32
      %dma_start3A_1483 = tpu.memref_slice %arg7[%dma_start3A_1481, %dma_start3A_1482] : memref<64x1024xf32, #tpu.memory_space<vmem>> -> memref<16x1024xf32, #tpu.memory_space<vmem>>
      tpu.enqueue_dma source(%dma_start3A_1483 : memref<16x1024xf32, #tpu.memory_space<vmem>>) target(%dma_start3A_1480 : memref<16x1024xf32, #tpu.memory_space<hbm>>) target_semaphore(%arg15 : memref<!tpu.dma_semaphore, #tpu.memory_space<semaphore_mem>>)
      %dma_wait3A_1484 = arith.constant 1 : i32
      %dma_wait3A_1485 = arith.constant 0 : i32
      %dma_wait3A_1486 = arith.constant 0 : i32
      %dma_wait3A_1487 = tpu.memref_slice %arg7[%dma_wait3A_1485, %dma_wait3A_1486] : memref<64x1024xf32, #tpu.memory_space<vmem>> -> memref<16x1024xf32, #tpu.memory_space<vmem>>
      %dma_wait3A_1488 = arith.constant 0 : i32
      %dma_wait3A_1489 = tpu.memref_slice %arg4[%dma_wait3A_1484, %add3A_1470, %dma_wait3A_1488] : memref<4x4096x1024xf32, #tpu.memory_space<hbm>> -> memref<1x16x1024xf32, #tpu.memory_space<hbm>>
      %dma_wait3A_1490 = tpu.memref_squeeze %dma_wait3A_1489 : memref<1x16x1024xf32, #tpu.memory_space<hbm>> -> memref<16x1024xf32, #tpu.memory_space<hbm>>
      %dma_wait3A_1491 = arith.constant 0 : i32
      %dma_wait3A_1492 = tpu.memref_slice %arg4[%dma_wait3A_1484, %add3A_1470, %dma_wait3A_1491] : memref<4x4096x1024xf32, #tpu.memory_space<hbm>> -> memref<1x16x1024xf32, #tpu.memory_space<hbm>>
      %dma_wait3A_1493 = tpu.memref_squeeze %dma_wait3A_1492 : memref<1x16x1024xf32, #tpu.memory_space<hbm>> -> memref<16x1024xf32, #tpu.memory_space<hbm>>
      %dma_wait3A_1494 = arith.constant 0 : i32
      %dma_wait3A_1495 = arith.constant 0 : i32
      %dma_wait3A_1496 = tpu.memref_slice %arg7[%dma_wait3A_1494, %dma_wait3A_1495] : memref<64x1024xf32, #tpu.memory_space<vmem>> -> memref<16x1024xf32, #tpu.memory_space<vmem>>
      tpu.wait_dma2 semaphore(%arg15 : memref<!tpu.dma_semaphore, #tpu.memory_space<semaphore_mem>>) src(%dma_wait3A_1496 : memref<16x1024xf32, #tpu.memory_space<vmem>>) dst(%dma_wait3A_1493 : memref<16x1024xf32, #tpu.memory_space<hbm>>)
    } else {
    }
    %get3A_1271 = arith.constant 0 : index
    %get3A_1272 = tpu.vector_load %arg9[%get3A_1271] {strides = array<i32>} : memref<32xi32, #tpu.memory_space<vmem>>, vector<16xi32>,
    %slice3A_1273 = vector.extract_strided_slice %get3A_1272 {offsets = [13], sizes = [1], strides = [1]} : vector<16xi32> to vector<1xi32>
    %squeeze3A_1274 = vector.extract %slice3A_1273[0] : i32 from vector<1xi32>
    %gt3A_1275 = arith.constant 0 : i32
    %gt3A_1276 = arith.cmpi sgt, %squeeze3A_1274, %gt3A_1275 : i32
    %convert_element_type3A_1277 = arith.extui %gt3A_1276 : i1 to i32
    %cond3A_1278 = arith.constant 0 : i32
    %cond3A_1279 = arith.cmpi ne, %convert_element_type3A_1277, %cond3A_1278 : i32
    scf.if %cond3A_1279 {
      %get3A_1442 = arith.constant 1 : i32
      %get3A_1443 = arith.index_cast %get3A_1442 : i32 to index
      %get3A_1444 = arith.constant 80 : index
      %get3A_1445 = tpu.vector_load %arg5[%get3A_1443, %get3A_1444] {strides = array<i32>} : memref<4x128xi32, #tpu.memory_space<vmem>>, vector<16xi32>,
      %add3A_1446 = arith.constant 80 : i32
      %add3A_1447 = arith.addi %mul3A_2, %add3A_1446 : i32
      %add3A_1448 = arith.constant 1 : i32
      %add3A_1449 = arith.addi %add3A_1447, %add3A_1448 : i32
      %add3A_1450 = vector.broadcast %add3A_1449 : i32 to vector<16xi32>
      %add3A_1451 = arith.addi %iota3A, %add3A_1450 : vector<16xi32>
      %ne3A = arith.constant 0 : i32
      %ne3A_1452 = vector.broadcast %ne3A : i32 to vector<16xi32>
      %ne3A_1453 = arith.cmpi ne, %get3A_1445, %ne3A_1452 : vector<16xi32>
      %jit3A_1454 = arith.constant 0 : i32
      %broadcast_in_dim3A_1455 = vector.broadcast %jit3A_1454 : i32 to vector<16xi32>
      %select_n3A_1456 = arith.select %ne3A_1453, %add3A_1451, %broadcast_in_dim3A_1455 : vector<16xi1>, vector<16xi32>
      %dma_start3A_1457 = arith.constant 0 : i32
      %dma_start3A_1458 = arith.constant 0 : i32
      %dma_start3A_1459 = tpu.memref_slice %arg7[%dma_start3A_1457, %dma_start3A_1458] : memref<64x1024xf32, #tpu.memory_space<vmem>> -> memref<16x1024xf32, #tpu.memory_space<vmem>>
      %dma_start3A_1460 = arith.constant 0 : i32
      %dma_start3A_1461 = arith.constant 0 : i32
      %dma_start3A_1462 = tpu.memref_slice %arg3[%dma_start3A_1460, %dma_start3A_1461] : memref<8192x1024xf32, #tpu.memory_space<hbm>> -> memref<8192x1024xf32, #tpu.memory_space<hbm>>
      tpu.enqueue_indirect_dma source(%dma_start3A_1462 : memref<8192x1024xf32, #tpu.memory_space<hbm>>) target(%dma_start3A_1459 : memref<16x1024xf32, #tpu.memory_space<vmem>>) offsets(%select_n3A_1456 : vector<16xi32>) semaphore(%arg15 : memref<!tpu.dma_semaphore, #tpu.memory_space<semaphore_mem>>)
      %dma_wait3A_1463 = arith.constant 0 : i32
      %dma_wait3A_1464 = arith.constant 0 : i32
      %dma_wait3A_1465 = tpu.memref_slice %arg7[%dma_wait3A_1463, %dma_wait3A_1464] : memref<64x1024xf32, #tpu.memory_space<vmem>> -> memref<16x1024xf32, #tpu.memory_space<vmem>>
      %dma_wait3A_1466 = arith.constant 0 : i32
      %dma_wait3A_1467 = arith.constant 0 : i32
      %dma_wait3A_1468 = tpu.memref_slice %arg3[%dma_wait3A_1466, %dma_wait3A_1467] : memref<8192x1024xf32, #tpu.memory_space<hbm>> -> memref<8192x1024xf32, #tpu.memory_space<hbm>>
      tpu.wait_indirect_dma semaphore(%arg15 : memref<!tpu.dma_semaphore, #tpu.memory_space<semaphore_mem>>) src(%dma_wait3A_1468 : memref<8192x1024xf32, #tpu.memory_space<hbm>>) dst(%dma_wait3A_1465 : memref<16x1024xf32, #tpu.memory_space<vmem>>)
      %add3A_1469 = arith.constant 80 : i32
      %add3A_1470 = arith.addi %mul3A_2, %add3A_1469 : i32
      %dma_start3A_1471 = arith.constant 1 : i32
      %dma_start3A_1472 = arith.constant 0 : i32
      %dma_start3A_1473 = arith.constant 0 : i32
      %dma_start3A_1474 = tpu.memref_slice %arg7[%dma_start3A_1472, %dma_start3A_1473] : memref<64x1024xf32, #tpu.memory_space<vmem>> -> memref<16x1024xf32, #tpu.memory_space<vmem>>
      %dma_start3A_1475 = arith.constant 0 : i32
      %dma_start3A_1476 = tpu.memref_slice %arg4[%dma_start3A_1471, %add3A_1470, %dma_start3A_1475] : memref<4x4096x1024xf32, #tpu.memory_space<hbm>> -> memref<1x16x1024xf32, #tpu.memory_space<hbm>>
      %dma_start3A_1477 = tpu.memref_squeeze %dma_start3A_1476 : memref<1x16x1024xf32, #tpu.memory_space<hbm>> -> memref<16x1024xf32, #tpu.memory_space<hbm>>
      %dma_start3A_1478 = arith.constant 0 : i32
      %dma_start3A_1479 = tpu.memref_slice %arg4[%dma_start3A_1471, %add3A_1470, %dma_start3A_1478] : memref<4x4096x1024xf32, #tpu.memory_space<hbm>> -> memref<1x16x1024xf32, #tpu.memory_space<hbm>>
      %dma_start3A_1480 = tpu.memref_squeeze %dma_start3A_1479 : memref<1x16x1024xf32, #tpu.memory_space<hbm>> -> memref<16x1024xf32, #tpu.memory_space<hbm>>
      %dma_start3A_1481 = arith.constant 0 : i32
      %dma_start3A_1482 = arith.constant 0 : i32
      %dma_start3A_1483 = tpu.memref_slice %arg7[%dma_start3A_1481, %dma_start3A_1482] : memref<64x1024xf32, #tpu.memory_space<vmem>> -> memref<16x1024xf32, #tpu.memory_space<vmem>>
      tpu.enqueue_dma source(%dma_start3A_1483 : memref<16x1024xf32, #tpu.memory_space<vmem>>) target(%dma_start3A_1480 : memref<16x1024xf32, #tpu.memory_space<hbm>>) target_semaphore(%arg15 : memref<!tpu.dma_semaphore, #tpu.memory_space<semaphore_mem>>)
      %dma_wait3A_1484 = arith.constant 1 : i32
      %dma_wait3A_1485 = arith.constant 0 : i32
      %dma_wait3A_1486 = arith.constant 0 : i32
      %dma_wait3A_1487 = tpu.memref_slice %arg7[%dma_wait3A_1485, %dma_wait3A_1486] : memref<64x1024xf32, #tpu.memory_space<vmem>> -> memref<16x1024xf32, #tpu.memory_space<vmem>>
      %dma_wait3A_1488 = arith.constant 0 : i32
      %dma_wait3A_1489 = tpu.memref_slice %arg4[%dma_wait3A_1484, %add3A_1470, %dma_wait3A_1488] : memref<4x4096x1024xf32, #tpu.memory_space<hbm>> -> memref<1x16x1024xf32, #tpu.memory_space<hbm>>
      %dma_wait3A_1490 = tpu.memref_squeeze %dma_wait3A_1489 : memref<1x16x1024xf32, #tpu.memory_space<hbm>> -> memref<16x1024xf32, #tpu.memory_space<hbm>>
      %dma_wait3A_1491 = arith.constant 0 : i32
      %dma_wait3A_1492 = tpu.memref_slice %arg4[%dma_wait3A_1484, %add3A_1470, %dma_wait3A_1491] : memref<4x4096x1024xf32, #tpu.memory_space<hbm>> -> memref<1x16x1024xf32, #tpu.memory_space<hbm>>
      %dma_wait3A_1493 = tpu.memref_squeeze %dma_wait3A_1492 : memref<1x16x1024xf32, #tpu.memory_space<hbm>> -> memref<16x1024xf32, #tpu.memory_space<hbm>>
      %dma_wait3A_1494 = arith.constant 0 : i32
      %dma_wait3A_1495 = arith.constant 0 : i32
      %dma_wait3A_1496 = tpu.memref_slice %arg7[%dma_wait3A_1494, %dma_wait3A_1495] : memref<64x1024xf32, #tpu.memory_space<vmem>> -> memref<16x1024xf32, #tpu.memory_space<vmem>>
      tpu.wait_dma2 semaphore(%arg15 : memref<!tpu.dma_semaphore, #tpu.memory_space<semaphore_mem>>) src(%dma_wait3A_1496 : memref<16x1024xf32, #tpu.memory_space<vmem>>) dst(%dma_wait3A_1493 : memref<16x1024xf32, #tpu.memory_space<hbm>>)
    } else {
    }
    %get3A_1280 = arith.constant 0 : index
    %get3A_1281 = tpu.vector_load %arg9[%get3A_1280] {strides = array<i32>} : memref<32xi32, #tpu.memory_space<vmem>>, vector<16xi32>,
    %slice3A_1282 = vector.extract_strided_slice %get3A_1281 {offsets = [14], sizes = [1], strides = [1]} : vector<16xi32> to vector<1xi32>
    %squeeze3A_1283 = vector.extract %slice3A_1282[0] : i32 from vector<1xi32>
    %gt3A_1284 = arith.constant 0 : i32
    %gt3A_1285 = arith.cmpi sgt, %squeeze3A_1283, %gt3A_1284 : i32
    %convert_element_type3A_1286 = arith.extui %gt3A_1285 : i1 to i32
    %cond3A_1287 = arith.constant 0 : i32
    %cond3A_1288 = arith.cmpi ne, %convert_element_type3A_1286, %cond3A_1287 : i32
    scf.if %cond3A_1288 {
      %get3A_1442 = arith.constant 1 : i32
      %get3A_1443 = arith.index_cast %get3A_1442 : i32 to index
      %get3A_1444 = arith.constant 96 : index
      %get3A_1445 = tpu.vector_load %arg5[%get3A_1443, %get3A_1444] {strides = array<i32>} : memref<4x128xi32, #tpu.memory_space<vmem>>, vector<16xi32>,
      %add3A_1446 = arith.constant 96 : i32
      %add3A_1447 = arith.addi %mul3A_2, %add3A_1446 : i32
      %add3A_1448 = arith.constant 1 : i32
      %add3A_1449 = arith.addi %add3A_1447, %add3A_1448 : i32
      %add3A_1450 = vector.broadcast %add3A_1449 : i32 to vector<16xi32>
      %add3A_1451 = arith.addi %iota3A, %add3A_1450 : vector<16xi32>
      %ne3A = arith.constant 0 : i32
      %ne3A_1452 = vector.broadcast %ne3A : i32 to vector<16xi32>
      %ne3A_1453 = arith.cmpi ne, %get3A_1445, %ne3A_1452 : vector<16xi32>
      %jit3A_1454 = arith.constant 0 : i32
      %broadcast_in_dim3A_1455 = vector.broadcast %jit3A_1454 : i32 to vector<16xi32>
      %select_n3A_1456 = arith.select %ne3A_1453, %add3A_1451, %broadcast_in_dim3A_1455 : vector<16xi1>, vector<16xi32>
      %dma_start3A_1457 = arith.constant 0 : i32
      %dma_start3A_1458 = arith.constant 0 : i32
      %dma_start3A_1459 = tpu.memref_slice %arg7[%dma_start3A_1457, %dma_start3A_1458] : memref<64x1024xf32, #tpu.memory_space<vmem>> -> memref<16x1024xf32, #tpu.memory_space<vmem>>
      %dma_start3A_1460 = arith.constant 0 : i32
      %dma_start3A_1461 = arith.constant 0 : i32
      %dma_start3A_1462 = tpu.memref_slice %arg3[%dma_start3A_1460, %dma_start3A_1461] : memref<8192x1024xf32, #tpu.memory_space<hbm>> -> memref<8192x1024xf32, #tpu.memory_space<hbm>>
      tpu.enqueue_indirect_dma source(%dma_start3A_1462 : memref<8192x1024xf32, #tpu.memory_space<hbm>>) target(%dma_start3A_1459 : memref<16x1024xf32, #tpu.memory_space<vmem>>) offsets(%select_n3A_1456 : vector<16xi32>) semaphore(%arg15 : memref<!tpu.dma_semaphore, #tpu.memory_space<semaphore_mem>>)
      %dma_wait3A_1463 = arith.constant 0 : i32
      %dma_wait3A_1464 = arith.constant 0 : i32
      %dma_wait3A_1465 = tpu.memref_slice %arg7[%dma_wait3A_1463, %dma_wait3A_1464] : memref<64x1024xf32, #tpu.memory_space<vmem>> -> memref<16x1024xf32, #tpu.memory_space<vmem>>
      %dma_wait3A_1466 = arith.constant 0 : i32
      %dma_wait3A_1467 = arith.constant 0 : i32
      %dma_wait3A_1468 = tpu.memref_slice %arg3[%dma_wait3A_1466, %dma_wait3A_1467] : memref<8192x1024xf32, #tpu.memory_space<hbm>> -> memref<8192x1024xf32, #tpu.memory_space<hbm>>
      tpu.wait_indirect_dma semaphore(%arg15 : memref<!tpu.dma_semaphore, #tpu.memory_space<semaphore_mem>>) src(%dma_wait3A_1468 : memref<8192x1024xf32, #tpu.memory_space<hbm>>) dst(%dma_wait3A_1465 : memref<16x1024xf32, #tpu.memory_space<vmem>>)
      %add3A_1469 = arith.constant 96 : i32
      %add3A_1470 = arith.addi %mul3A_2, %add3A_1469 : i32
      %dma_start3A_1471 = arith.constant 1 : i32
      %dma_start3A_1472 = arith.constant 0 : i32
      %dma_start3A_1473 = arith.constant 0 : i32
      %dma_start3A_1474 = tpu.memref_slice %arg7[%dma_start3A_1472, %dma_start3A_1473] : memref<64x1024xf32, #tpu.memory_space<vmem>> -> memref<16x1024xf32, #tpu.memory_space<vmem>>
      %dma_start3A_1475 = arith.constant 0 : i32
      %dma_start3A_1476 = tpu.memref_slice %arg4[%dma_start3A_1471, %add3A_1470, %dma_start3A_1475] : memref<4x4096x1024xf32, #tpu.memory_space<hbm>> -> memref<1x16x1024xf32, #tpu.memory_space<hbm>>
      %dma_start3A_1477 = tpu.memref_squeeze %dma_start3A_1476 : memref<1x16x1024xf32, #tpu.memory_space<hbm>> -> memref<16x1024xf32, #tpu.memory_space<hbm>>
      %dma_start3A_1478 = arith.constant 0 : i32
      %dma_start3A_1479 = tpu.memref_slice %arg4[%dma_start3A_1471, %add3A_1470, %dma_start3A_1478] : memref<4x4096x1024xf32, #tpu.memory_space<hbm>> -> memref<1x16x1024xf32, #tpu.memory_space<hbm>>
      %dma_start3A_1480 = tpu.memref_squeeze %dma_start3A_1479 : memref<1x16x1024xf32, #tpu.memory_space<hbm>> -> memref<16x1024xf32, #tpu.memory_space<hbm>>
      %dma_start3A_1481 = arith.constant 0 : i32
      %dma_start3A_1482 = arith.constant 0 : i32
      %dma_start3A_1483 = tpu.memref_slice %arg7[%dma_start3A_1481, %dma_start3A_1482] : memref<64x1024xf32, #tpu.memory_space<vmem>> -> memref<16x1024xf32, #tpu.memory_space<vmem>>
      tpu.enqueue_dma source(%dma_start3A_1483 : memref<16x1024xf32, #tpu.memory_space<vmem>>) target(%dma_start3A_1480 : memref<16x1024xf32, #tpu.memory_space<hbm>>) target_semaphore(%arg15 : memref<!tpu.dma_semaphore, #tpu.memory_space<semaphore_mem>>)
      %dma_wait3A_1484 = arith.constant 1 : i32
      %dma_wait3A_1485 = arith.constant 0 : i32
      %dma_wait3A_1486 = arith.constant 0 : i32
      %dma_wait3A_1487 = tpu.memref_slice %arg7[%dma_wait3A_1485, %dma_wait3A_1486] : memref<64x1024xf32, #tpu.memory_space<vmem>> -> memref<16x1024xf32, #tpu.memory_space<vmem>>
      %dma_wait3A_1488 = arith.constant 0 : i32
      %dma_wait3A_1489 = tpu.memref_slice %arg4[%dma_wait3A_1484, %add3A_1470, %dma_wait3A_1488] : memref<4x4096x1024xf32, #tpu.memory_space<hbm>> -> memref<1x16x1024xf32, #tpu.memory_space<hbm>>
      %dma_wait3A_1490 = tpu.memref_squeeze %dma_wait3A_1489 : memref<1x16x1024xf32, #tpu.memory_space<hbm>> -> memref<16x1024xf32, #tpu.memory_space<hbm>>
      %dma_wait3A_1491 = arith.constant 0 : i32
      %dma_wait3A_1492 = tpu.memref_slice %arg4[%dma_wait3A_1484, %add3A_1470, %dma_wait3A_1491] : memref<4x4096x1024xf32, #tpu.memory_space<hbm>> -> memref<1x16x1024xf32, #tpu.memory_space<hbm>>
      %dma_wait3A_1493 = tpu.memref_squeeze %dma_wait3A_1492 : memref<1x16x1024xf32, #tpu.memory_space<hbm>> -> memref<16x1024xf32, #tpu.memory_space<hbm>>
      %dma_wait3A_1494 = arith.constant 0 : i32
      %dma_wait3A_1495 = arith.constant 0 : i32
      %dma_wait3A_1496 = tpu.memref_slice %arg7[%dma_wait3A_1494, %dma_wait3A_1495] : memref<64x1024xf32, #tpu.memory_space<vmem>> -> memref<16x1024xf32, #tpu.memory_space<vmem>>
      tpu.wait_dma2 semaphore(%arg15 : memref<!tpu.dma_semaphore, #tpu.memory_space<semaphore_mem>>) src(%dma_wait3A_1496 : memref<16x1024xf32, #tpu.memory_space<vmem>>) dst(%dma_wait3A_1493 : memref<16x1024xf32, #tpu.memory_space<hbm>>)
    } else {
    }
    %get3A_1289 = arith.constant 0 : index
    %get3A_1290 = tpu.vector_load %arg9[%get3A_1289] {strides = array<i32>} : memref<32xi32, #tpu.memory_space<vmem>>, vector<16xi32>,
    %slice3A_1291 = vector.extract_strided_slice %get3A_1290 {offsets = [15], sizes = [1], strides = [1]} : vector<16xi32> to vector<1xi32>
    %squeeze3A_1292 = vector.extract %slice3A_1291[0] : i32 from vector<1xi32>
    %gt3A_1293 = arith.constant 0 : i32
    %gt3A_1294 = arith.cmpi sgt, %squeeze3A_1292, %gt3A_1293 : i32
    %convert_element_type3A_1295 = arith.extui %gt3A_1294 : i1 to i32
    %cond3A_1296 = arith.constant 0 : i32
    %cond3A_1297 = arith.cmpi ne, %convert_element_type3A_1295, %cond3A_1296 : i32
    scf.if %cond3A_1297 {
      %get3A_1442 = arith.constant 1 : i32
      %get3A_1443 = arith.index_cast %get3A_1442 : i32 to index
      %get3A_1444 = arith.constant 112 : index
      %get3A_1445 = tpu.vector_load %arg5[%get3A_1443, %get3A_1444] {strides = array<i32>} : memref<4x128xi32, #tpu.memory_space<vmem>>, vector<16xi32>,
      %add3A_1446 = arith.constant 112 : i32
      %add3A_1447 = arith.addi %mul3A_2, %add3A_1446 : i32
      %add3A_1448 = arith.constant 1 : i32
      %add3A_1449 = arith.addi %add3A_1447, %add3A_1448 : i32
      %add3A_1450 = vector.broadcast %add3A_1449 : i32 to vector<16xi32>
      %add3A_1451 = arith.addi %iota3A, %add3A_1450 : vector<16xi32>
      %ne3A = arith.constant 0 : i32
      %ne3A_1452 = vector.broadcast %ne3A : i32 to vector<16xi32>
      %ne3A_1453 = arith.cmpi ne, %get3A_1445, %ne3A_1452 : vector<16xi32>
      %jit3A_1454 = arith.constant 0 : i32
      %broadcast_in_dim3A_1455 = vector.broadcast %jit3A_1454 : i32 to vector<16xi32>
      %select_n3A_1456 = arith.select %ne3A_1453, %add3A_1451, %broadcast_in_dim3A_1455 : vector<16xi1>, vector<16xi32>
      %dma_start3A_1457 = arith.constant 0 : i32
      %dma_start3A_1458 = arith.constant 0 : i32
      %dma_start3A_1459 = tpu.memref_slice %arg7[%dma_start3A_1457, %dma_start3A_1458] : memref<64x1024xf32, #tpu.memory_space<vmem>> -> memref<16x1024xf32, #tpu.memory_space<vmem>>
      %dma_start3A_1460 = arith.constant 0 : i32
      %dma_start3A_1461 = arith.constant 0 : i32
      %dma_start3A_1462 = tpu.memref_slice %arg3[%dma_start3A_1460, %dma_start3A_1461] : memref<8192x1024xf32, #tpu.memory_space<hbm>> -> memref<8192x1024xf32, #tpu.memory_space<hbm>>
      tpu.enqueue_indirect_dma source(%dma_start3A_1462 : memref<8192x1024xf32, #tpu.memory_space<hbm>>) target(%dma_start3A_1459 : memref<16x1024xf32, #tpu.memory_space<vmem>>) offsets(%select_n3A_1456 : vector<16xi32>) semaphore(%arg15 : memref<!tpu.dma_semaphore, #tpu.memory_space<semaphore_mem>>)
      %dma_wait3A_1463 = arith.constant 0 : i32
      %dma_wait3A_1464 = arith.constant 0 : i32
      %dma_wait3A_1465 = tpu.memref_slice %arg7[%dma_wait3A_1463, %dma_wait3A_1464] : memref<64x1024xf32, #tpu.memory_space<vmem>> -> memref<16x1024xf32, #tpu.memory_space<vmem>>
      %dma_wait3A_1466 = arith.constant 0 : i32
      %dma_wait3A_1467 = arith.constant 0 : i32
      %dma_wait3A_1468 = tpu.memref_slice %arg3[%dma_wait3A_1466, %dma_wait3A_1467] : memref<8192x1024xf32, #tpu.memory_space<hbm>> -> memref<8192x1024xf32, #tpu.memory_space<hbm>>
      tpu.wait_indirect_dma semaphore(%arg15 : memref<!tpu.dma_semaphore, #tpu.memory_space<semaphore_mem>>) src(%dma_wait3A_1468 : memref<8192x1024xf32, #tpu.memory_space<hbm>>) dst(%dma_wait3A_1465 : memref<16x1024xf32, #tpu.memory_space<vmem>>)
      %add3A_1469 = arith.constant 112 : i32
      %add3A_1470 = arith.addi %mul3A_2, %add3A_1469 : i32
      %dma_start3A_1471 = arith.constant 1 : i32
      %dma_start3A_1472 = arith.constant 0 : i32
      %dma_start3A_1473 = arith.constant 0 : i32
      %dma_start3A_1474 = tpu.memref_slice %arg7[%dma_start3A_1472, %dma_start3A_1473] : memref<64x1024xf32, #tpu.memory_space<vmem>> -> memref<16x1024xf32, #tpu.memory_space<vmem>>
      %dma_start3A_1475 = arith.constant 0 : i32
      %dma_start3A_1476 = tpu.memref_slice %arg4[%dma_start3A_1471, %add3A_1470, %dma_start3A_1475] : memref<4x4096x1024xf32, #tpu.memory_space<hbm>> -> memref<1x16x1024xf32, #tpu.memory_space<hbm>>
      %dma_start3A_1477 = tpu.memref_squeeze %dma_start3A_1476 : memref<1x16x1024xf32, #tpu.memory_space<hbm>> -> memref<16x1024xf32, #tpu.memory_space<hbm>>
      %dma_start3A_1478 = arith.constant 0 : i32
      %dma_start3A_1479 = tpu.memref_slice %arg4[%dma_start3A_1471, %add3A_1470, %dma_start3A_1478] : memref<4x4096x1024xf32, #tpu.memory_space<hbm>> -> memref<1x16x1024xf32, #tpu.memory_space<hbm>>
      %dma_start3A_1480 = tpu.memref_squeeze %dma_start3A_1479 : memref<1x16x1024xf32, #tpu.memory_space<hbm>> -> memref<16x1024xf32, #tpu.memory_space<hbm>>
      %dma_start3A_1481 = arith.constant 0 : i32
      %dma_start3A_1482 = arith.constant 0 : i32
      %dma_start3A_1483 = tpu.memref_slice %arg7[%dma_start3A_1481, %dma_start3A_1482] : memref<64x1024xf32, #tpu.memory_space<vmem>> -> memref<16x1024xf32, #tpu.memory_space<vmem>>
      tpu.enqueue_dma source(%dma_start3A_1483 : memref<16x1024xf32, #tpu.memory_space<vmem>>) target(%dma_start3A_1480 : memref<16x1024xf32, #tpu.memory_space<hbm>>) target_semaphore(%arg15 : memref<!tpu.dma_semaphore, #tpu.memory_space<semaphore_mem>>)
      %dma_wait3A_1484 = arith.constant 1 : i32
      %dma_wait3A_1485 = arith.constant 0 : i32
      %dma_wait3A_1486 = arith.constant 0 : i32
      %dma_wait3A_1487 = tpu.memref_slice %arg7[%dma_wait3A_1485, %dma_wait3A_1486] : memref<64x1024xf32, #tpu.memory_space<vmem>> -> memref<16x1024xf32, #tpu.memory_space<vmem>>
      %dma_wait3A_1488 = arith.constant 0 : i32
      %dma_wait3A_1489 = tpu.memref_slice %arg4[%dma_wait3A_1484, %add3A_1470, %dma_wait3A_1488] : memref<4x4096x1024xf32, #tpu.memory_space<hbm>> -> memref<1x16x1024xf32, #tpu.memory_space<hbm>>
      %dma_wait3A_1490 = tpu.memref_squeeze %dma_wait3A_1489 : memref<1x16x1024xf32, #tpu.memory_space<hbm>> -> memref<16x1024xf32, #tpu.memory_space<hbm>>
      %dma_wait3A_1491 = arith.constant 0 : i32
      %dma_wait3A_1492 = tpu.memref_slice %arg4[%dma_wait3A_1484, %add3A_1470, %dma_wait3A_1491] : memref<4x4096x1024xf32, #tpu.memory_space<hbm>> -> memref<1x16x1024xf32, #tpu.memory_space<hbm>>
      %dma_wait3A_1493 = tpu.memref_squeeze %dma_wait3A_1492 : memref<1x16x1024xf32, #tpu.memory_space<hbm>> -> memref<16x1024xf32, #tpu.memory_space<hbm>>
      %dma_wait3A_1494 = arith.constant 0 : i32
      %dma_wait3A_1495 = arith.constant 0 : i32
      %dma_wait3A_1496 = tpu.memref_slice %arg7[%dma_wait3A_1494, %dma_wait3A_1495] : memref<64x1024xf32, #tpu.memory_space<vmem>> -> memref<16x1024xf32, #tpu.memory_space<vmem>>
      tpu.wait_dma2 semaphore(%arg15 : memref<!tpu.dma_semaphore, #tpu.memory_space<semaphore_mem>>) src(%dma_wait3A_1496 : memref<16x1024xf32, #tpu.memory_space<vmem>>) dst(%dma_wait3A_1493 : memref<16x1024xf32, #tpu.memory_space<hbm>>)
    } else {
    }
    %get3A_1298 = arith.constant 16 : index
    %get3A_1299 = tpu.vector_load %arg9[%get3A_1298] {strides = array<i32>} : memref<32xi32, #tpu.memory_space<vmem>>, vector<16xi32>,
    %slice3A_1300 = vector.extract_strided_slice %get3A_1299 {offsets = [0], sizes = [1], strides = [1]} : vector<16xi32> to vector<1xi32>
    %squeeze3A_1301 = vector.extract %slice3A_1300[0] : i32 from vector<1xi32>
    %gt3A_1302 = arith.constant 0 : i32
    %gt3A_1303 = arith.cmpi sgt, %squeeze3A_1301, %gt3A_1302 : i32
    %convert_element_type3A_1304 = arith.extui %gt3A_1303 : i1 to i32
    %cond3A_1305 = arith.constant 0 : i32
    %cond3A_1306 = arith.cmpi ne, %convert_element_type3A_1304, %cond3A_1305 : i32
    scf.if %cond3A_1306 {
      %get3A_1442 = arith.constant 2 : i32
      %get3A_1443 = arith.index_cast %get3A_1442 : i32 to index
      %get3A_1444 = arith.constant 0 : index
      %get3A_1445 = tpu.vector_load %arg5[%get3A_1443, %get3A_1444] {strides = array<i32>} : memref<4x128xi32, #tpu.memory_space<vmem>>, vector<16xi32>,
      %add3A_1446 = arith.constant 0 : i32
      %add3A_1447 = arith.addi %mul3A_2, %add3A_1446 : i32
      %add3A_1448 = arith.constant 1 : i32
      %add3A_1449 = arith.addi %add3A_1447, %add3A_1448 : i32
      %add3A_1450 = vector.broadcast %add3A_1449 : i32 to vector<16xi32>
      %add3A_1451 = arith.addi %iota3A, %add3A_1450 : vector<16xi32>
      %ne3A = arith.constant 0 : i32
      %ne3A_1452 = vector.broadcast %ne3A : i32 to vector<16xi32>
      %ne3A_1453 = arith.cmpi ne, %get3A_1445, %ne3A_1452 : vector<16xi32>
      %jit3A_1454 = arith.constant 0 : i32
      %broadcast_in_dim3A_1455 = vector.broadcast %jit3A_1454 : i32 to vector<16xi32>
      %select_n3A_1456 = arith.select %ne3A_1453, %add3A_1451, %broadcast_in_dim3A_1455 : vector<16xi1>, vector<16xi32>
      %dma_start3A_1457 = arith.constant 0 : i32
      %dma_start3A_1458 = arith.constant 0 : i32
      %dma_start3A_1459 = tpu.memref_slice %arg7[%dma_start3A_1457, %dma_start3A_1458] : memref<64x1024xf32, #tpu.memory_space<vmem>> -> memref<16x1024xf32, #tpu.memory_space<vmem>>
      %dma_start3A_1460 = arith.constant 0 : i32
      %dma_start3A_1461 = arith.constant 0 : i32
      %dma_start3A_1462 = tpu.memref_slice %arg3[%dma_start3A_1460, %dma_start3A_1461] : memref<8192x1024xf32, #tpu.memory_space<hbm>> -> memref<8192x1024xf32, #tpu.memory_space<hbm>>
      tpu.enqueue_indirect_dma source(%dma_start3A_1462 : memref<8192x1024xf32, #tpu.memory_space<hbm>>) target(%dma_start3A_1459 : memref<16x1024xf32, #tpu.memory_space<vmem>>) offsets(%select_n3A_1456 : vector<16xi32>) semaphore(%arg15 : memref<!tpu.dma_semaphore, #tpu.memory_space<semaphore_mem>>)
      %dma_wait3A_1463 = arith.constant 0 : i32
      %dma_wait3A_1464 = arith.constant 0 : i32
      %dma_wait3A_1465 = tpu.memref_slice %arg7[%dma_wait3A_1463, %dma_wait3A_1464] : memref<64x1024xf32, #tpu.memory_space<vmem>> -> memref<16x1024xf32, #tpu.memory_space<vmem>>
      %dma_wait3A_1466 = arith.constant 0 : i32
      %dma_wait3A_1467 = arith.constant 0 : i32
      %dma_wait3A_1468 = tpu.memref_slice %arg3[%dma_wait3A_1466, %dma_wait3A_1467] : memref<8192x1024xf32, #tpu.memory_space<hbm>> -> memref<8192x1024xf32, #tpu.memory_space<hbm>>
      tpu.wait_indirect_dma semaphore(%arg15 : memref<!tpu.dma_semaphore, #tpu.memory_space<semaphore_mem>>) src(%dma_wait3A_1468 : memref<8192x1024xf32, #tpu.memory_space<hbm>>) dst(%dma_wait3A_1465 : memref<16x1024xf32, #tpu.memory_space<vmem>>)
      %add3A_1469 = arith.constant 0 : i32
      %add3A_1470 = arith.addi %mul3A_2, %add3A_1469 : i32
      %dma_start3A_1471 = arith.constant 2 : i32
      %dma_start3A_1472 = arith.constant 0 : i32
      %dma_start3A_1473 = arith.constant 0 : i32
      %dma_start3A_1474 = tpu.memref_slice %arg7[%dma_start3A_1472, %dma_start3A_1473] : memref<64x1024xf32, #tpu.memory_space<vmem>> -> memref<16x1024xf32, #tpu.memory_space<vmem>>
      %dma_start3A_1475 = arith.constant 0 : i32
      %dma_start3A_1476 = tpu.memref_slice %arg4[%dma_start3A_1471, %add3A_1470, %dma_start3A_1475] : memref<4x4096x1024xf32, #tpu.memory_space<hbm>> -> memref<1x16x1024xf32, #tpu.memory_space<hbm>>
      %dma_start3A_1477 = tpu.memref_squeeze %dma_start3A_1476 : memref<1x16x1024xf32, #tpu.memory_space<hbm>> -> memref<16x1024xf32, #tpu.memory_space<hbm>>
      %dma_start3A_1478 = arith.constant 0 : i32
      %dma_start3A_1479 = tpu.memref_slice %arg4[%dma_start3A_1471, %add3A_1470, %dma_start3A_1478] : memref<4x4096x1024xf32, #tpu.memory_space<hbm>> -> memref<1x16x1024xf32, #tpu.memory_space<hbm>>
      %dma_start3A_1480 = tpu.memref_squeeze %dma_start3A_1479 : memref<1x16x1024xf32, #tpu.memory_space<hbm>> -> memref<16x1024xf32, #tpu.memory_space<hbm>>
      %dma_start3A_1481 = arith.constant 0 : i32
      %dma_start3A_1482 = arith.constant 0 : i32
      %dma_start3A_1483 = tpu.memref_slice %arg7[%dma_start3A_1481, %dma_start3A_1482] : memref<64x1024xf32, #tpu.memory_space<vmem>> -> memref<16x1024xf32, #tpu.memory_space<vmem>>
      tpu.enqueue_dma source(%dma_start3A_1483 : memref<16x1024xf32, #tpu.memory_space<vmem>>) target(%dma_start3A_1480 : memref<16x1024xf32, #tpu.memory_space<hbm>>) target_semaphore(%arg15 : memref<!tpu.dma_semaphore, #tpu.memory_space<semaphore_mem>>)
      %dma_wait3A_1484 = arith.constant 2 : i32
      %dma_wait3A_1485 = arith.constant 0 : i32
      %dma_wait3A_1486 = arith.constant 0 : i32
      %dma_wait3A_1487 = tpu.memref_slice %arg7[%dma_wait3A_1485, %dma_wait3A_1486] : memref<64x1024xf32, #tpu.memory_space<vmem>> -> memref<16x1024xf32, #tpu.memory_space<vmem>>
      %dma_wait3A_1488 = arith.constant 0 : i32
      %dma_wait3A_1489 = tpu.memref_slice %arg4[%dma_wait3A_1484, %add3A_1470, %dma_wait3A_1488] : memref<4x4096x1024xf32, #tpu.memory_space<hbm>> -> memref<1x16x1024xf32, #tpu.memory_space<hbm>>
      %dma_wait3A_1490 = tpu.memref_squeeze %dma_wait3A_1489 : memref<1x16x1024xf32, #tpu.memory_space<hbm>> -> memref<16x1024xf32, #tpu.memory_space<hbm>>
      %dma_wait3A_1491 = arith.constant 0 : i32
      %dma_wait3A_1492 = tpu.memref_slice %arg4[%dma_wait3A_1484, %add3A_1470, %dma_wait3A_1491] : memref<4x4096x1024xf32, #tpu.memory_space<hbm>> -> memref<1x16x1024xf32, #tpu.memory_space<hbm>>
      %dma_wait3A_1493 = tpu.memref_squeeze %dma_wait3A_1492 : memref<1x16x1024xf32, #tpu.memory_space<hbm>> -> memref<16x1024xf32, #tpu.memory_space<hbm>>
      %dma_wait3A_1494 = arith.constant 0 : i32
      %dma_wait3A_1495 = arith.constant 0 : i32
      %dma_wait3A_1496 = tpu.memref_slice %arg7[%dma_wait3A_1494, %dma_wait3A_1495] : memref<64x1024xf32, #tpu.memory_space<vmem>> -> memref<16x1024xf32, #tpu.memory_space<vmem>>
      tpu.wait_dma2 semaphore(%arg15 : memref<!tpu.dma_semaphore, #tpu.memory_space<semaphore_mem>>) src(%dma_wait3A_1496 : memref<16x1024xf32, #tpu.memory_space<vmem>>) dst(%dma_wait3A_1493 : memref<16x1024xf32, #tpu.memory_space<hbm>>)
    } else {
    }
    %get3A_1307 = arith.constant 16 : index
    %get3A_1308 = tpu.vector_load %arg9[%get3A_1307] {strides = array<i32>} : memref<32xi32, #tpu.memory_space<vmem>>, vector<16xi32>,
    %slice3A_1309 = vector.extract_strided_slice %get3A_1308 {offsets = [1], sizes = [1], strides = [1]} : vector<16xi32> to vector<1xi32>
    %squeeze3A_1310 = vector.extract %slice3A_1309[0] : i32 from vector<1xi32>
    %gt3A_1311 = arith.constant 0 : i32
    %gt3A_1312 = arith.cmpi sgt, %squeeze3A_1310, %gt3A_1311 : i32
    %convert_element_type3A_1313 = arith.extui %gt3A_1312 : i1 to i32
    %cond3A_1314 = arith.constant 0 : i32
    %cond3A_1315 = arith.cmpi ne, %convert_element_type3A_1313, %cond3A_1314 : i32
    scf.if %cond3A_1315 {
      %get3A_1442 = arith.constant 2 : i32
      %get3A_1443 = arith.index_cast %get3A_1442 : i32 to index
      %get3A_1444 = arith.constant 16 : index
      %get3A_1445 = tpu.vector_load %arg5[%get3A_1443, %get3A_1444] {strides = array<i32>} : memref<4x128xi32, #tpu.memory_space<vmem>>, vector<16xi32>,
      %add3A_1446 = arith.constant 16 : i32
      %add3A_1447 = arith.addi %mul3A_2, %add3A_1446 : i32
      %add3A_1448 = arith.constant 1 : i32
      %add3A_1449 = arith.addi %add3A_1447, %add3A_1448 : i32
      %add3A_1450 = vector.broadcast %add3A_1449 : i32 to vector<16xi32>
      %add3A_1451 = arith.addi %iota3A, %add3A_1450 : vector<16xi32>
      %ne3A = arith.constant 0 : i32
      %ne3A_1452 = vector.broadcast %ne3A : i32 to vector<16xi32>
      %ne3A_1453 = arith.cmpi ne, %get3A_1445, %ne3A_1452 : vector<16xi32>
      %jit3A_1454 = arith.constant 0 : i32
      %broadcast_in_dim3A_1455 = vector.broadcast %jit3A_1454 : i32 to vector<16xi32>
      %select_n3A_1456 = arith.select %ne3A_1453, %add3A_1451, %broadcast_in_dim3A_1455 : vector<16xi1>, vector<16xi32>
      %dma_start3A_1457 = arith.constant 0 : i32
      %dma_start3A_1458 = arith.constant 0 : i32
      %dma_start3A_1459 = tpu.memref_slice %arg7[%dma_start3A_1457, %dma_start3A_1458] : memref<64x1024xf32, #tpu.memory_space<vmem>> -> memref<16x1024xf32, #tpu.memory_space<vmem>>
      %dma_start3A_1460 = arith.constant 0 : i32
      %dma_start3A_1461 = arith.constant 0 : i32
      %dma_start3A_1462 = tpu.memref_slice %arg3[%dma_start3A_1460, %dma_start3A_1461] : memref<8192x1024xf32, #tpu.memory_space<hbm>> -> memref<8192x1024xf32, #tpu.memory_space<hbm>>
      tpu.enqueue_indirect_dma source(%dma_start3A_1462 : memref<8192x1024xf32, #tpu.memory_space<hbm>>) target(%dma_start3A_1459 : memref<16x1024xf32, #tpu.memory_space<vmem>>) offsets(%select_n3A_1456 : vector<16xi32>) semaphore(%arg15 : memref<!tpu.dma_semaphore, #tpu.memory_space<semaphore_mem>>)
      %dma_wait3A_1463 = arith.constant 0 : i32
      %dma_wait3A_1464 = arith.constant 0 : i32
      %dma_wait3A_1465 = tpu.memref_slice %arg7[%dma_wait3A_1463, %dma_wait3A_1464] : memref<64x1024xf32, #tpu.memory_space<vmem>> -> memref<16x1024xf32, #tpu.memory_space<vmem>>
      %dma_wait3A_1466 = arith.constant 0 : i32
      %dma_wait3A_1467 = arith.constant 0 : i32
      %dma_wait3A_1468 = tpu.memref_slice %arg3[%dma_wait3A_1466, %dma_wait3A_1467] : memref<8192x1024xf32, #tpu.memory_space<hbm>> -> memref<8192x1024xf32, #tpu.memory_space<hbm>>
      tpu.wait_indirect_dma semaphore(%arg15 : memref<!tpu.dma_semaphore, #tpu.memory_space<semaphore_mem>>) src(%dma_wait3A_1468 : memref<8192x1024xf32, #tpu.memory_space<hbm>>) dst(%dma_wait3A_1465 : memref<16x1024xf32, #tpu.memory_space<vmem>>)
      %add3A_1469 = arith.constant 16 : i32
      %add3A_1470 = arith.addi %mul3A_2, %add3A_1469 : i32
      %dma_start3A_1471 = arith.constant 2 : i32
      %dma_start3A_1472 = arith.constant 0 : i32
      %dma_start3A_1473 = arith.constant 0 : i32
      %dma_start3A_1474 = tpu.memref_slice %arg7[%dma_start3A_1472, %dma_start3A_1473] : memref<64x1024xf32, #tpu.memory_space<vmem>> -> memref<16x1024xf32, #tpu.memory_space<vmem>>
      %dma_start3A_1475 = arith.constant 0 : i32
      %dma_start3A_1476 = tpu.memref_slice %arg4[%dma_start3A_1471, %add3A_1470, %dma_start3A_1475] : memref<4x4096x1024xf32, #tpu.memory_space<hbm>> -> memref<1x16x1024xf32, #tpu.memory_space<hbm>>
      %dma_start3A_1477 = tpu.memref_squeeze %dma_start3A_1476 : memref<1x16x1024xf32, #tpu.memory_space<hbm>> -> memref<16x1024xf32, #tpu.memory_space<hbm>>
      %dma_start3A_1478 = arith.constant 0 : i32
      %dma_start3A_1479 = tpu.memref_slice %arg4[%dma_start3A_1471, %add3A_1470, %dma_start3A_1478] : memref<4x4096x1024xf32, #tpu.memory_space<hbm>> -> memref<1x16x1024xf32, #tpu.memory_space<hbm>>
      %dma_start3A_1480 = tpu.memref_squeeze %dma_start3A_1479 : memref<1x16x1024xf32, #tpu.memory_space<hbm>> -> memref<16x1024xf32, #tpu.memory_space<hbm>>
      %dma_start3A_1481 = arith.constant 0 : i32
      %dma_start3A_1482 = arith.constant 0 : i32
      %dma_start3A_1483 = tpu.memref_slice %arg7[%dma_start3A_1481, %dma_start3A_1482] : memref<64x1024xf32, #tpu.memory_space<vmem>> -> memref<16x1024xf32, #tpu.memory_space<vmem>>
      tpu.enqueue_dma source(%dma_start3A_1483 : memref<16x1024xf32, #tpu.memory_space<vmem>>) target(%dma_start3A_1480 : memref<16x1024xf32, #tpu.memory_space<hbm>>) target_semaphore(%arg15 : memref<!tpu.dma_semaphore, #tpu.memory_space<semaphore_mem>>)
      %dma_wait3A_1484 = arith.constant 2 : i32
      %dma_wait3A_1485 = arith.constant 0 : i32
      %dma_wait3A_1486 = arith.constant 0 : i32
      %dma_wait3A_1487 = tpu.memref_slice %arg7[%dma_wait3A_1485, %dma_wait3A_1486] : memref<64x1024xf32, #tpu.memory_space<vmem>> -> memref<16x1024xf32, #tpu.memory_space<vmem>>
      %dma_wait3A_1488 = arith.constant 0 : i32
      %dma_wait3A_1489 = tpu.memref_slice %arg4[%dma_wait3A_1484, %add3A_1470, %dma_wait3A_1488] : memref<4x4096x1024xf32, #tpu.memory_space<hbm>> -> memref<1x16x1024xf32, #tpu.memory_space<hbm>>
      %dma_wait3A_1490 = tpu.memref_squeeze %dma_wait3A_1489 : memref<1x16x1024xf32, #tpu.memory_space<hbm>> -> memref<16x1024xf32, #tpu.memory_space<hbm>>
      %dma_wait3A_1491 = arith.constant 0 : i32
      %dma_wait3A_1492 = tpu.memref_slice %arg4[%dma_wait3A_1484, %add3A_1470, %dma_wait3A_1491] : memref<4x4096x1024xf32, #tpu.memory_space<hbm>> -> memref<1x16x1024xf32, #tpu.memory_space<hbm>>
      %dma_wait3A_1493 = tpu.memref_squeeze %dma_wait3A_1492 : memref<1x16x1024xf32, #tpu.memory_space<hbm>> -> memref<16x1024xf32, #tpu.memory_space<hbm>>
      %dma_wait3A_1494 = arith.constant 0 : i32
      %dma_wait3A_1495 = arith.constant 0 : i32
      %dma_wait3A_1496 = tpu.memref_slice %arg7[%dma_wait3A_1494, %dma_wait3A_1495] : memref<64x1024xf32, #tpu.memory_space<vmem>> -> memref<16x1024xf32, #tpu.memory_space<vmem>>
      tpu.wait_dma2 semaphore(%arg15 : memref<!tpu.dma_semaphore, #tpu.memory_space<semaphore_mem>>) src(%dma_wait3A_1496 : memref<16x1024xf32, #tpu.memory_space<vmem>>) dst(%dma_wait3A_1493 : memref<16x1024xf32, #tpu.memory_space<hbm>>)
    } else {
    }
    %get3A_1316 = arith.constant 16 : index
    %get3A_1317 = tpu.vector_load %arg9[%get3A_1316] {strides = array<i32>} : memref<32xi32, #tpu.memory_space<vmem>>, vector<16xi32>,
    %slice3A_1318 = vector.extract_strided_slice %get3A_1317 {offsets = [2], sizes = [1], strides = [1]} : vector<16xi32> to vector<1xi32>
    %squeeze3A_1319 = vector.extract %slice3A_1318[0] : i32 from vector<1xi32>
    %gt3A_1320 = arith.constant 0 : i32
    %gt3A_1321 = arith.cmpi sgt, %squeeze3A_1319, %gt3A_1320 : i32
    %convert_element_type3A_1322 = arith.extui %gt3A_1321 : i1 to i32
    %cond3A_1323 = arith.constant 0 : i32
    %cond3A_1324 = arith.cmpi ne, %convert_element_type3A_1322, %cond3A_1323 : i32
    scf.if %cond3A_1324 {
      %get3A_1442 = arith.constant 2 : i32
      %get3A_1443 = arith.index_cast %get3A_1442 : i32 to index
      %get3A_1444 = arith.constant 32 : index
      %get3A_1445 = tpu.vector_load %arg5[%get3A_1443, %get3A_1444] {strides = array<i32>} : memref<4x128xi32, #tpu.memory_space<vmem>>, vector<16xi32>,
      %add3A_1446 = arith.constant 32 : i32
      %add3A_1447 = arith.addi %mul3A_2, %add3A_1446 : i32
      %add3A_1448 = arith.constant 1 : i32
      %add3A_1449 = arith.addi %add3A_1447, %add3A_1448 : i32
      %add3A_1450 = vector.broadcast %add3A_1449 : i32 to vector<16xi32>
      %add3A_1451 = arith.addi %iota3A, %add3A_1450 : vector<16xi32>
      %ne3A = arith.constant 0 : i32
      %ne3A_1452 = vector.broadcast %ne3A : i32 to vector<16xi32>
      %ne3A_1453 = arith.cmpi ne, %get3A_1445, %ne3A_1452 : vector<16xi32>
      %jit3A_1454 = arith.constant 0 : i32
      %broadcast_in_dim3A_1455 = vector.broadcast %jit3A_1454 : i32 to vector<16xi32>
      %select_n3A_1456 = arith.select %ne3A_1453, %add3A_1451, %broadcast_in_dim3A_1455 : vector<16xi1>, vector<16xi32>
      %dma_start3A_1457 = arith.constant 0 : i32
      %dma_start3A_1458 = arith.constant 0 : i32
      %dma_start3A_1459 = tpu.memref_slice %arg7[%dma_start3A_1457, %dma_start3A_1458] : memref<64x1024xf32, #tpu.memory_space<vmem>> -> memref<16x1024xf32, #tpu.memory_space<vmem>>
      %dma_start3A_1460 = arith.constant 0 : i32
      %dma_start3A_1461 = arith.constant 0 : i32
      %dma_start3A_1462 = tpu.memref_slice %arg3[%dma_start3A_1460, %dma_start3A_1461] : memref<8192x1024xf32, #tpu.memory_space<hbm>> -> memref<8192x1024xf32, #tpu.memory_space<hbm>>
      tpu.enqueue_indirect_dma source(%dma_start3A_1462 : memref<8192x1024xf32, #tpu.memory_space<hbm>>) target(%dma_start3A_1459 : memref<16x1024xf32, #tpu.memory_space<vmem>>) offsets(%select_n3A_1456 : vector<16xi32>) semaphore(%arg15 : memref<!tpu.dma_semaphore, #tpu.memory_space<semaphore_mem>>)
      %dma_wait3A_1463 = arith.constant 0 : i32
      %dma_wait3A_1464 = arith.constant 0 : i32
      %dma_wait3A_1465 = tpu.memref_slice %arg7[%dma_wait3A_1463, %dma_wait3A_1464] : memref<64x1024xf32, #tpu.memory_space<vmem>> -> memref<16x1024xf32, #tpu.memory_space<vmem>>
      %dma_wait3A_1466 = arith.constant 0 : i32
      %dma_wait3A_1467 = arith.constant 0 : i32
      %dma_wait3A_1468 = tpu.memref_slice %arg3[%dma_wait3A_1466, %dma_wait3A_1467] : memref<8192x1024xf32, #tpu.memory_space<hbm>> -> memref<8192x1024xf32, #tpu.memory_space<hbm>>
      tpu.wait_indirect_dma semaphore(%arg15 : memref<!tpu.dma_semaphore, #tpu.memory_space<semaphore_mem>>) src(%dma_wait3A_1468 : memref<8192x1024xf32, #tpu.memory_space<hbm>>) dst(%dma_wait3A_1465 : memref<16x1024xf32, #tpu.memory_space<vmem>>)
      %add3A_1469 = arith.constant 32 : i32
      %add3A_1470 = arith.addi %mul3A_2, %add3A_1469 : i32
      %dma_start3A_1471 = arith.constant 2 : i32
      %dma_start3A_1472 = arith.constant 0 : i32
      %dma_start3A_1473 = arith.constant 0 : i32
      %dma_start3A_1474 = tpu.memref_slice %arg7[%dma_start3A_1472, %dma_start3A_1473] : memref<64x1024xf32, #tpu.memory_space<vmem>> -> memref<16x1024xf32, #tpu.memory_space<vmem>>
      %dma_start3A_1475 = arith.constant 0 : i32
      %dma_start3A_1476 = tpu.memref_slice %arg4[%dma_start3A_1471, %add3A_1470, %dma_start3A_1475] : memref<4x4096x1024xf32, #tpu.memory_space<hbm>> -> memref<1x16x1024xf32, #tpu.memory_space<hbm>>
      %dma_start3A_1477 = tpu.memref_squeeze %dma_start3A_1476 : memref<1x16x1024xf32, #tpu.memory_space<hbm>> -> memref<16x1024xf32, #tpu.memory_space<hbm>>
      %dma_start3A_1478 = arith.constant 0 : i32
      %dma_start3A_1479 = tpu.memref_slice %arg4[%dma_start3A_1471, %add3A_1470, %dma_start3A_1478] : memref<4x4096x1024xf32, #tpu.memory_space<hbm>> -> memref<1x16x1024xf32, #tpu.memory_space<hbm>>
      %dma_start3A_1480 = tpu.memref_squeeze %dma_start3A_1479 : memref<1x16x1024xf32, #tpu.memory_space<hbm>> -> memref<16x1024xf32, #tpu.memory_space<hbm>>
      %dma_start3A_1481 = arith.constant 0 : i32
      %dma_start3A_1482 = arith.constant 0 : i32
      %dma_start3A_1483 = tpu.memref_slice %arg7[%dma_start3A_1481, %dma_start3A_1482] : memref<64x1024xf32, #tpu.memory_space<vmem>> -> memref<16x1024xf32, #tpu.memory_space<vmem>>
      tpu.enqueue_dma source(%dma_start3A_1483 : memref<16x1024xf32, #tpu.memory_space<vmem>>) target(%dma_start3A_1480 : memref<16x1024xf32, #tpu.memory_space<hbm>>) target_semaphore(%arg15 : memref<!tpu.dma_semaphore, #tpu.memory_space<semaphore_mem>>)
      %dma_wait3A_1484 = arith.constant 2 : i32
      %dma_wait3A_1485 = arith.constant 0 : i32
      %dma_wait3A_1486 = arith.constant 0 : i32
      %dma_wait3A_1487 = tpu.memref_slice %arg7[%dma_wait3A_1485, %dma_wait3A_1486] : memref<64x1024xf32, #tpu.memory_space<vmem>> -> memref<16x1024xf32, #tpu.memory_space<vmem>>
      %dma_wait3A_1488 = arith.constant 0 : i32
      %dma_wait3A_1489 = tpu.memref_slice %arg4[%dma_wait3A_1484, %add3A_1470, %dma_wait3A_1488] : memref<4x4096x1024xf32, #tpu.memory_space<hbm>> -> memref<1x16x1024xf32, #tpu.memory_space<hbm>>
      %dma_wait3A_1490 = tpu.memref_squeeze %dma_wait3A_1489 : memref<1x16x1024xf32, #tpu.memory_space<hbm>> -> memref<16x1024xf32, #tpu.memory_space<hbm>>
      %dma_wait3A_1491 = arith.constant 0 : i32
      %dma_wait3A_1492 = tpu.memref_slice %arg4[%dma_wait3A_1484, %add3A_1470, %dma_wait3A_1491] : memref<4x4096x1024xf32, #tpu.memory_space<hbm>> -> memref<1x16x1024xf32, #tpu.memory_space<hbm>>
      %dma_wait3A_1493 = tpu.memref_squeeze %dma_wait3A_1492 : memref<1x16x1024xf32, #tpu.memory_space<hbm>> -> memref<16x1024xf32, #tpu.memory_space<hbm>>
      %dma_wait3A_1494 = arith.constant 0 : i32
      %dma_wait3A_1495 = arith.constant 0 : i32
      %dma_wait3A_1496 = tpu.memref_slice %arg7[%dma_wait3A_1494, %dma_wait3A_1495] : memref<64x1024xf32, #tpu.memory_space<vmem>> -> memref<16x1024xf32, #tpu.memory_space<vmem>>
      tpu.wait_dma2 semaphore(%arg15 : memref<!tpu.dma_semaphore, #tpu.memory_space<semaphore_mem>>) src(%dma_wait3A_1496 : memref<16x1024xf32, #tpu.memory_space<vmem>>) dst(%dma_wait3A_1493 : memref<16x1024xf32, #tpu.memory_space<hbm>>)
    } else {
    }
    %get3A_1325 = arith.constant 16 : index
    %get3A_1326 = tpu.vector_load %arg9[%get3A_1325] {strides = array<i32>} : memref<32xi32, #tpu.memory_space<vmem>>, vector<16xi32>,
    %slice3A_1327 = vector.extract_strided_slice %get3A_1326 {offsets = [3], sizes = [1], strides = [1]} : vector<16xi32> to vector<1xi32>
    %squeeze3A_1328 = vector.extract %slice3A_1327[0] : i32 from vector<1xi32>
    %gt3A_1329 = arith.constant 0 : i32
    %gt3A_1330 = arith.cmpi sgt, %squeeze3A_1328, %gt3A_1329 : i32
    %convert_element_type3A_1331 = arith.extui %gt3A_1330 : i1 to i32
    %cond3A_1332 = arith.constant 0 : i32
    %cond3A_1333 = arith.cmpi ne, %convert_element_type3A_1331, %cond3A_1332 : i32
    scf.if %cond3A_1333 {
      %get3A_1442 = arith.constant 2 : i32
      %get3A_1443 = arith.index_cast %get3A_1442 : i32 to index
      %get3A_1444 = arith.constant 48 : index
      %get3A_1445 = tpu.vector_load %arg5[%get3A_1443, %get3A_1444] {strides = array<i32>} : memref<4x128xi32, #tpu.memory_space<vmem>>, vector<16xi32>,
      %add3A_1446 = arith.constant 48 : i32
      %add3A_1447 = arith.addi %mul3A_2, %add3A_1446 : i32
      %add3A_1448 = arith.constant 1 : i32
      %add3A_1449 = arith.addi %add3A_1447, %add3A_1448 : i32
      %add3A_1450 = vector.broadcast %add3A_1449 : i32 to vector<16xi32>
      %add3A_1451 = arith.addi %iota3A, %add3A_1450 : vector<16xi32>
      %ne3A = arith.constant 0 : i32
      %ne3A_1452 = vector.broadcast %ne3A : i32 to vector<16xi32>
      %ne3A_1453 = arith.cmpi ne, %get3A_1445, %ne3A_1452 : vector<16xi32>
      %jit3A_1454 = arith.constant 0 : i32
      %broadcast_in_dim3A_1455 = vector.broadcast %jit3A_1454 : i32 to vector<16xi32>
      %select_n3A_1456 = arith.select %ne3A_1453, %add3A_1451, %broadcast_in_dim3A_1455 : vector<16xi1>, vector<16xi32>
      %dma_start3A_1457 = arith.constant 0 : i32
      %dma_start3A_1458 = arith.constant 0 : i32
      %dma_start3A_1459 = tpu.memref_slice %arg7[%dma_start3A_1457, %dma_start3A_1458] : memref<64x1024xf32, #tpu.memory_space<vmem>> -> memref<16x1024xf32, #tpu.memory_space<vmem>>
      %dma_start3A_1460 = arith.constant 0 : i32
      %dma_start3A_1461 = arith.constant 0 : i32
      %dma_start3A_1462 = tpu.memref_slice %arg3[%dma_start3A_1460, %dma_start3A_1461] : memref<8192x1024xf32, #tpu.memory_space<hbm>> -> memref<8192x1024xf32, #tpu.memory_space<hbm>>
      tpu.enqueue_indirect_dma source(%dma_start3A_1462 : memref<8192x1024xf32, #tpu.memory_space<hbm>>) target(%dma_start3A_1459 : memref<16x1024xf32, #tpu.memory_space<vmem>>) offsets(%select_n3A_1456 : vector<16xi32>) semaphore(%arg15 : memref<!tpu.dma_semaphore, #tpu.memory_space<semaphore_mem>>)
      %dma_wait3A_1463 = arith.constant 0 : i32
      %dma_wait3A_1464 = arith.constant 0 : i32
      %dma_wait3A_1465 = tpu.memref_slice %arg7[%dma_wait3A_1463, %dma_wait3A_1464] : memref<64x1024xf32, #tpu.memory_space<vmem>> -> memref<16x1024xf32, #tpu.memory_space<vmem>>
      %dma_wait3A_1466 = arith.constant 0 : i32
      %dma_wait3A_1467 = arith.constant 0 : i32
      %dma_wait3A_1468 = tpu.memref_slice %arg3[%dma_wait3A_1466, %dma_wait3A_1467] : memref<8192x1024xf32, #tpu.memory_space<hbm>> -> memref<8192x1024xf32, #tpu.memory_space<hbm>>
      tpu.wait_indirect_dma semaphore(%arg15 : memref<!tpu.dma_semaphore, #tpu.memory_space<semaphore_mem>>) src(%dma_wait3A_1468 : memref<8192x1024xf32, #tpu.memory_space<hbm>>) dst(%dma_wait3A_1465 : memref<16x1024xf32, #tpu.memory_space<vmem>>)
      %add3A_1469 = arith.constant 48 : i32
      %add3A_1470 = arith.addi %mul3A_2, %add3A_1469 : i32
      %dma_start3A_1471 = arith.constant 2 : i32
      %dma_start3A_1472 = arith.constant 0 : i32
      %dma_start3A_1473 = arith.constant 0 : i32
      %dma_start3A_1474 = tpu.memref_slice %arg7[%dma_start3A_1472, %dma_start3A_1473] : memref<64x1024xf32, #tpu.memory_space<vmem>> -> memref<16x1024xf32, #tpu.memory_space<vmem>>
      %dma_start3A_1475 = arith.constant 0 : i32
      %dma_start3A_1476 = tpu.memref_slice %arg4[%dma_start3A_1471, %add3A_1470, %dma_start3A_1475] : memref<4x4096x1024xf32, #tpu.memory_space<hbm>> -> memref<1x16x1024xf32, #tpu.memory_space<hbm>>
      %dma_start3A_1477 = tpu.memref_squeeze %dma_start3A_1476 : memref<1x16x1024xf32, #tpu.memory_space<hbm>> -> memref<16x1024xf32, #tpu.memory_space<hbm>>
      %dma_start3A_1478 = arith.constant 0 : i32
      %dma_start3A_1479 = tpu.memref_slice %arg4[%dma_start3A_1471, %add3A_1470, %dma_start3A_1478] : memref<4x4096x1024xf32, #tpu.memory_space<hbm>> -> memref<1x16x1024xf32, #tpu.memory_space<hbm>>
      %dma_start3A_1480 = tpu.memref_squeeze %dma_start3A_1479 : memref<1x16x1024xf32, #tpu.memory_space<hbm>> -> memref<16x1024xf32, #tpu.memory_space<hbm>>
      %dma_start3A_1481 = arith.constant 0 : i32
      %dma_start3A_1482 = arith.constant 0 : i32
      %dma_start3A_1483 = tpu.memref_slice %arg7[%dma_start3A_1481, %dma_start3A_1482] : memref<64x1024xf32, #tpu.memory_space<vmem>> -> memref<16x1024xf32, #tpu.memory_space<vmem>>
      tpu.enqueue_dma source(%dma_start3A_1483 : memref<16x1024xf32, #tpu.memory_space<vmem>>) target(%dma_start3A_1480 : memref<16x1024xf32, #tpu.memory_space<hbm>>) target_semaphore(%arg15 : memref<!tpu.dma_semaphore, #tpu.memory_space<semaphore_mem>>)
      %dma_wait3A_1484 = arith.constant 2 : i32
      %dma_wait3A_1485 = arith.constant 0 : i32
      %dma_wait3A_1486 = arith.constant 0 : i32
      %dma_wait3A_1487 = tpu.memref_slice %arg7[%dma_wait3A_1485, %dma_wait3A_1486] : memref<64x1024xf32, #tpu.memory_space<vmem>> -> memref<16x1024xf32, #tpu.memory_space<vmem>>
      %dma_wait3A_1488 = arith.constant 0 : i32
      %dma_wait3A_1489 = tpu.memref_slice %arg4[%dma_wait3A_1484, %add3A_1470, %dma_wait3A_1488] : memref<4x4096x1024xf32, #tpu.memory_space<hbm>> -> memref<1x16x1024xf32, #tpu.memory_space<hbm>>
      %dma_wait3A_1490 = tpu.memref_squeeze %dma_wait3A_1489 : memref<1x16x1024xf32, #tpu.memory_space<hbm>> -> memref<16x1024xf32, #tpu.memory_space<hbm>>
      %dma_wait3A_1491 = arith.constant 0 : i32
      %dma_wait3A_1492 = tpu.memref_slice %arg4[%dma_wait3A_1484, %add3A_1470, %dma_wait3A_1491] : memref<4x4096x1024xf32, #tpu.memory_space<hbm>> -> memref<1x16x1024xf32, #tpu.memory_space<hbm>>
      %dma_wait3A_1493 = tpu.memref_squeeze %dma_wait3A_1492 : memref<1x16x1024xf32, #tpu.memory_space<hbm>> -> memref<16x1024xf32, #tpu.memory_space<hbm>>
      %dma_wait3A_1494 = arith.constant 0 : i32
      %dma_wait3A_1495 = arith.constant 0 : i32
      %dma_wait3A_1496 = tpu.memref_slice %arg7[%dma_wait3A_1494, %dma_wait3A_1495] : memref<64x1024xf32, #tpu.memory_space<vmem>> -> memref<16x1024xf32, #tpu.memory_space<vmem>>
      tpu.wait_dma2 semaphore(%arg15 : memref<!tpu.dma_semaphore, #tpu.memory_space<semaphore_mem>>) src(%dma_wait3A_1496 : memref<16x1024xf32, #tpu.memory_space<vmem>>) dst(%dma_wait3A_1493 : memref<16x1024xf32, #tpu.memory_space<hbm>>)
    } else {
    }
    %get3A_1334 = arith.constant 16 : index
    %get3A_1335 = tpu.vector_load %arg9[%get3A_1334] {strides = array<i32>} : memref<32xi32, #tpu.memory_space<vmem>>, vector<16xi32>,
    %slice3A_1336 = vector.extract_strided_slice %get3A_1335 {offsets = [4], sizes = [1], strides = [1]} : vector<16xi32> to vector<1xi32>
    %squeeze3A_1337 = vector.extract %slice3A_1336[0] : i32 from vector<1xi32>
    %gt3A_1338 = arith.constant 0 : i32
    %gt3A_1339 = arith.cmpi sgt, %squeeze3A_1337, %gt3A_1338 : i32
    %convert_element_type3A_1340 = arith.extui %gt3A_1339 : i1 to i32
    %cond3A_1341 = arith.constant 0 : i32
    %cond3A_1342 = arith.cmpi ne, %convert_element_type3A_1340, %cond3A_1341 : i32
    scf.if %cond3A_1342 {
      %get3A_1442 = arith.constant 2 : i32
      %get3A_1443 = arith.index_cast %get3A_1442 : i32 to index
      %get3A_1444 = arith.constant 64 : index
      %get3A_1445 = tpu.vector_load %arg5[%get3A_1443, %get3A_1444] {strides = array<i32>} : memref<4x128xi32, #tpu.memory_space<vmem>>, vector<16xi32>,
      %add3A_1446 = arith.constant 64 : i32
      %add3A_1447 = arith.addi %mul3A_2, %add3A_1446 : i32
      %add3A_1448 = arith.constant 1 : i32
      %add3A_1449 = arith.addi %add3A_1447, %add3A_1448 : i32
      %add3A_1450 = vector.broadcast %add3A_1449 : i32 to vector<16xi32>
      %add3A_1451 = arith.addi %iota3A, %add3A_1450 : vector<16xi32>
      %ne3A = arith.constant 0 : i32
      %ne3A_1452 = vector.broadcast %ne3A : i32 to vector<16xi32>
      %ne3A_1453 = arith.cmpi ne, %get3A_1445, %ne3A_1452 : vector<16xi32>
      %jit3A_1454 = arith.constant 0 : i32
      %broadcast_in_dim3A_1455 = vector.broadcast %jit3A_1454 : i32 to vector<16xi32>
      %select_n3A_1456 = arith.select %ne3A_1453, %add3A_1451, %broadcast_in_dim3A_1455 : vector<16xi1>, vector<16xi32>
      %dma_start3A_1457 = arith.constant 0 : i32
      %dma_start3A_1458 = arith.constant 0 : i32
      %dma_start3A_1459 = tpu.memref_slice %arg7[%dma_start3A_1457, %dma_start3A_1458] : memref<64x1024xf32, #tpu.memory_space<vmem>> -> memref<16x1024xf32, #tpu.memory_space<vmem>>
      %dma_start3A_1460 = arith.constant 0 : i32
      %dma_start3A_1461 = arith.constant 0 : i32
      %dma_start3A_1462 = tpu.memref_slice %arg3[%dma_start3A_1460, %dma_start3A_1461] : memref<8192x1024xf32, #tpu.memory_space<hbm>> -> memref<8192x1024xf32, #tpu.memory_space<hbm>>
      tpu.enqueue_indirect_dma source(%dma_start3A_1462 : memref<8192x1024xf32, #tpu.memory_space<hbm>>) target(%dma_start3A_1459 : memref<16x1024xf32, #tpu.memory_space<vmem>>) offsets(%select_n3A_1456 : vector<16xi32>) semaphore(%arg15 : memref<!tpu.dma_semaphore, #tpu.memory_space<semaphore_mem>>)
      %dma_wait3A_1463 = arith.constant 0 : i32
      %dma_wait3A_1464 = arith.constant 0 : i32
      %dma_wait3A_1465 = tpu.memref_slice %arg7[%dma_wait3A_1463, %dma_wait3A_1464] : memref<64x1024xf32, #tpu.memory_space<vmem>> -> memref<16x1024xf32, #tpu.memory_space<vmem>>
      %dma_wait3A_1466 = arith.constant 0 : i32
      %dma_wait3A_1467 = arith.constant 0 : i32
      %dma_wait3A_1468 = tpu.memref_slice %arg3[%dma_wait3A_1466, %dma_wait3A_1467] : memref<8192x1024xf32, #tpu.memory_space<hbm>> -> memref<8192x1024xf32, #tpu.memory_space<hbm>>
      tpu.wait_indirect_dma semaphore(%arg15 : memref<!tpu.dma_semaphore, #tpu.memory_space<semaphore_mem>>) src(%dma_wait3A_1468 : memref<8192x1024xf32, #tpu.memory_space<hbm>>) dst(%dma_wait3A_1465 : memref<16x1024xf32, #tpu.memory_space<vmem>>)
      %add3A_1469 = arith.constant 64 : i32
      %add3A_1470 = arith.addi %mul3A_2, %add3A_1469 : i32
      %dma_start3A_1471 = arith.constant 2 : i32
      %dma_start3A_1472 = arith.constant 0 : i32
      %dma_start3A_1473 = arith.constant 0 : i32
      %dma_start3A_1474 = tpu.memref_slice %arg7[%dma_start3A_1472, %dma_start3A_1473] : memref<64x1024xf32, #tpu.memory_space<vmem>> -> memref<16x1024xf32, #tpu.memory_space<vmem>>
      %dma_start3A_1475 = arith.constant 0 : i32
      %dma_start3A_1476 = tpu.memref_slice %arg4[%dma_start3A_1471, %add3A_1470, %dma_start3A_1475] : memref<4x4096x1024xf32, #tpu.memory_space<hbm>> -> memref<1x16x1024xf32, #tpu.memory_space<hbm>>
      %dma_start3A_1477 = tpu.memref_squeeze %dma_start3A_1476 : memref<1x16x1024xf32, #tpu.memory_space<hbm>> -> memref<16x1024xf32, #tpu.memory_space<hbm>>
      %dma_start3A_1478 = arith.constant 0 : i32
      %dma_start3A_1479 = tpu.memref_slice %arg4[%dma_start3A_1471, %add3A_1470, %dma_start3A_1478] : memref<4x4096x1024xf32, #tpu.memory_space<hbm>> -> memref<1x16x1024xf32, #tpu.memory_space<hbm>>
      %dma_start3A_1480 = tpu.memref_squeeze %dma_start3A_1479 : memref<1x16x1024xf32, #tpu.memory_space<hbm>> -> memref<16x1024xf32, #tpu.memory_space<hbm>>
      %dma_start3A_1481 = arith.constant 0 : i32
      %dma_start3A_1482 = arith.constant 0 : i32
      %dma_start3A_1483 = tpu.memref_slice %arg7[%dma_start3A_1481, %dma_start3A_1482] : memref<64x1024xf32, #tpu.memory_space<vmem>> -> memref<16x1024xf32, #tpu.memory_space<vmem>>
      tpu.enqueue_dma source(%dma_start3A_1483 : memref<16x1024xf32, #tpu.memory_space<vmem>>) target(%dma_start3A_1480 : memref<16x1024xf32, #tpu.memory_space<hbm>>) target_semaphore(%arg15 : memref<!tpu.dma_semaphore, #tpu.memory_space<semaphore_mem>>)
      %dma_wait3A_1484 = arith.constant 2 : i32
      %dma_wait3A_1485 = arith.constant 0 : i32
      %dma_wait3A_1486 = arith.constant 0 : i32
      %dma_wait3A_1487 = tpu.memref_slice %arg7[%dma_wait3A_1485, %dma_wait3A_1486] : memref<64x1024xf32, #tpu.memory_space<vmem>> -> memref<16x1024xf32, #tpu.memory_space<vmem>>
      %dma_wait3A_1488 = arith.constant 0 : i32
      %dma_wait3A_1489 = tpu.memref_slice %arg4[%dma_wait3A_1484, %add3A_1470, %dma_wait3A_1488] : memref<4x4096x1024xf32, #tpu.memory_space<hbm>> -> memref<1x16x1024xf32, #tpu.memory_space<hbm>>
      %dma_wait3A_1490 = tpu.memref_squeeze %dma_wait3A_1489 : memref<1x16x1024xf32, #tpu.memory_space<hbm>> -> memref<16x1024xf32, #tpu.memory_space<hbm>>
      %dma_wait3A_1491 = arith.constant 0 : i32
      %dma_wait3A_1492 = tpu.memref_slice %arg4[%dma_wait3A_1484, %add3A_1470, %dma_wait3A_1491] : memref<4x4096x1024xf32, #tpu.memory_space<hbm>> -> memref<1x16x1024xf32, #tpu.memory_space<hbm>>
      %dma_wait3A_1493 = tpu.memref_squeeze %dma_wait3A_1492 : memref<1x16x1024xf32, #tpu.memory_space<hbm>> -> memref<16x1024xf32, #tpu.memory_space<hbm>>
      %dma_wait3A_1494 = arith.constant 0 : i32
      %dma_wait3A_1495 = arith.constant 0 : i32
      %dma_wait3A_1496 = tpu.memref_slice %arg7[%dma_wait3A_1494, %dma_wait3A_1495] : memref<64x1024xf32, #tpu.memory_space<vmem>> -> memref<16x1024xf32, #tpu.memory_space<vmem>>
      tpu.wait_dma2 semaphore(%arg15 : memref<!tpu.dma_semaphore, #tpu.memory_space<semaphore_mem>>) src(%dma_wait3A_1496 : memref<16x1024xf32, #tpu.memory_space<vmem>>) dst(%dma_wait3A_1493 : memref<16x1024xf32, #tpu.memory_space<hbm>>)
    } else {
    }
    %get3A_1343 = arith.constant 16 : index
    %get3A_1344 = tpu.vector_load %arg9[%get3A_1343] {strides = array<i32>} : memref<32xi32, #tpu.memory_space<vmem>>, vector<16xi32>,
    %slice3A_1345 = vector.extract_strided_slice %get3A_1344 {offsets = [5], sizes = [1], strides = [1]} : vector<16xi32> to vector<1xi32>
    %squeeze3A_1346 = vector.extract %slice3A_1345[0] : i32 from vector<1xi32>
    %gt3A_1347 = arith.constant 0 : i32
    %gt3A_1348 = arith.cmpi sgt, %squeeze3A_1346, %gt3A_1347 : i32
    %convert_element_type3A_1349 = arith.extui %gt3A_1348 : i1 to i32
    %cond3A_1350 = arith.constant 0 : i32
    %cond3A_1351 = arith.cmpi ne, %convert_element_type3A_1349, %cond3A_1350 : i32
    scf.if %cond3A_1351 {
      %get3A_1442 = arith.constant 2 : i32
      %get3A_1443 = arith.index_cast %get3A_1442 : i32 to index
      %get3A_1444 = arith.constant 80 : index
      %get3A_1445 = tpu.vector_load %arg5[%get3A_1443, %get3A_1444] {strides = array<i32>} : memref<4x128xi32, #tpu.memory_space<vmem>>, vector<16xi32>,
      %add3A_1446 = arith.constant 80 : i32
      %add3A_1447 = arith.addi %mul3A_2, %add3A_1446 : i32
      %add3A_1448 = arith.constant 1 : i32
      %add3A_1449 = arith.addi %add3A_1447, %add3A_1448 : i32
      %add3A_1450 = vector.broadcast %add3A_1449 : i32 to vector<16xi32>
      %add3A_1451 = arith.addi %iota3A, %add3A_1450 : vector<16xi32>
      %ne3A = arith.constant 0 : i32
      %ne3A_1452 = vector.broadcast %ne3A : i32 to vector<16xi32>
      %ne3A_1453 = arith.cmpi ne, %get3A_1445, %ne3A_1452 : vector<16xi32>
      %jit3A_1454 = arith.constant 0 : i32
      %broadcast_in_dim3A_1455 = vector.broadcast %jit3A_1454 : i32 to vector<16xi32>
      %select_n3A_1456 = arith.select %ne3A_1453, %add3A_1451, %broadcast_in_dim3A_1455 : vector<16xi1>, vector<16xi32>
      %dma_start3A_1457 = arith.constant 0 : i32
      %dma_start3A_1458 = arith.constant 0 : i32
      %dma_start3A_1459 = tpu.memref_slice %arg7[%dma_start3A_1457, %dma_start3A_1458] : memref<64x1024xf32, #tpu.memory_space<vmem>> -> memref<16x1024xf32, #tpu.memory_space<vmem>>
      %dma_start3A_1460 = arith.constant 0 : i32
      %dma_start3A_1461 = arith.constant 0 : i32
      %dma_start3A_1462 = tpu.memref_slice %arg3[%dma_start3A_1460, %dma_start3A_1461] : memref<8192x1024xf32, #tpu.memory_space<hbm>> -> memref<8192x1024xf32, #tpu.memory_space<hbm>>
      tpu.enqueue_indirect_dma source(%dma_start3A_1462 : memref<8192x1024xf32, #tpu.memory_space<hbm>>) target(%dma_start3A_1459 : memref<16x1024xf32, #tpu.memory_space<vmem>>) offsets(%select_n3A_1456 : vector<16xi32>) semaphore(%arg15 : memref<!tpu.dma_semaphore, #tpu.memory_space<semaphore_mem>>)
      %dma_wait3A_1463 = arith.constant 0 : i32
      %dma_wait3A_1464 = arith.constant 0 : i32
      %dma_wait3A_1465 = tpu.memref_slice %arg7[%dma_wait3A_1463, %dma_wait3A_1464] : memref<64x1024xf32, #tpu.memory_space<vmem>> -> memref<16x1024xf32, #tpu.memory_space<vmem>>
      %dma_wait3A_1466 = arith.constant 0 : i32
      %dma_wait3A_1467 = arith.constant 0 : i32
      %dma_wait3A_1468 = tpu.memref_slice %arg3[%dma_wait3A_1466, %dma_wait3A_1467] : memref<8192x1024xf32, #tpu.memory_space<hbm>> -> memref<8192x1024xf32, #tpu.memory_space<hbm>>
      tpu.wait_indirect_dma semaphore(%arg15 : memref<!tpu.dma_semaphore, #tpu.memory_space<semaphore_mem>>) src(%dma_wait3A_1468 : memref<8192x1024xf32, #tpu.memory_space<hbm>>) dst(%dma_wait3A_1465 : memref<16x1024xf32, #tpu.memory_space<vmem>>)
      %add3A_1469 = arith.constant 80 : i32
      %add3A_1470 = arith.addi %mul3A_2, %add3A_1469 : i32
      %dma_start3A_1471 = arith.constant 2 : i32
      %dma_start3A_1472 = arith.constant 0 : i32
      %dma_start3A_1473 = arith.constant 0 : i32
      %dma_start3A_1474 = tpu.memref_slice %arg7[%dma_start3A_1472, %dma_start3A_1473] : memref<64x1024xf32, #tpu.memory_space<vmem>> -> memref<16x1024xf32, #tpu.memory_space<vmem>>
      %dma_start3A_1475 = arith.constant 0 : i32
      %dma_start3A_1476 = tpu.memref_slice %arg4[%dma_start3A_1471, %add3A_1470, %dma_start3A_1475] : memref<4x4096x1024xf32, #tpu.memory_space<hbm>> -> memref<1x16x1024xf32, #tpu.memory_space<hbm>>
      %dma_start3A_1477 = tpu.memref_squeeze %dma_start3A_1476 : memref<1x16x1024xf32, #tpu.memory_space<hbm>> -> memref<16x1024xf32, #tpu.memory_space<hbm>>
      %dma_start3A_1478 = arith.constant 0 : i32
      %dma_start3A_1479 = tpu.memref_slice %arg4[%dma_start3A_1471, %add3A_1470, %dma_start3A_1478] : memref<4x4096x1024xf32, #tpu.memory_space<hbm>> -> memref<1x16x1024xf32, #tpu.memory_space<hbm>>
      %dma_start3A_1480 = tpu.memref_squeeze %dma_start3A_1479 : memref<1x16x1024xf32, #tpu.memory_space<hbm>> -> memref<16x1024xf32, #tpu.memory_space<hbm>>
      %dma_start3A_1481 = arith.constant 0 : i32
      %dma_start3A_1482 = arith.constant 0 : i32
      %dma_start3A_1483 = tpu.memref_slice %arg7[%dma_start3A_1481, %dma_start3A_1482] : memref<64x1024xf32, #tpu.memory_space<vmem>> -> memref<16x1024xf32, #tpu.memory_space<vmem>>
      tpu.enqueue_dma source(%dma_start3A_1483 : memref<16x1024xf32, #tpu.memory_space<vmem>>) target(%dma_start3A_1480 : memref<16x1024xf32, #tpu.memory_space<hbm>>) target_semaphore(%arg15 : memref<!tpu.dma_semaphore, #tpu.memory_space<semaphore_mem>>)
      %dma_wait3A_1484 = arith.constant 2 : i32
      %dma_wait3A_1485 = arith.constant 0 : i32
      %dma_wait3A_1486 = arith.constant 0 : i32
      %dma_wait3A_1487 = tpu.memref_slice %arg7[%dma_wait3A_1485, %dma_wait3A_1486] : memref<64x1024xf32, #tpu.memory_space<vmem>> -> memref<16x1024xf32, #tpu.memory_space<vmem>>
      %dma_wait3A_1488 = arith.constant 0 : i32
      %dma_wait3A_1489 = tpu.memref_slice %arg4[%dma_wait3A_1484, %add3A_1470, %dma_wait3A_1488] : memref<4x4096x1024xf32, #tpu.memory_space<hbm>> -> memref<1x16x1024xf32, #tpu.memory_space<hbm>>
      %dma_wait3A_1490 = tpu.memref_squeeze %dma_wait3A_1489 : memref<1x16x1024xf32, #tpu.memory_space<hbm>> -> memref<16x1024xf32, #tpu.memory_space<hbm>>
      %dma_wait3A_1491 = arith.constant 0 : i32
      %dma_wait3A_1492 = tpu.memref_slice %arg4[%dma_wait3A_1484, %add3A_1470, %dma_wait3A_1491] : memref<4x4096x1024xf32, #tpu.memory_space<hbm>> -> memref<1x16x1024xf32, #tpu.memory_space<hbm>>
      %dma_wait3A_1493 = tpu.memref_squeeze %dma_wait3A_1492 : memref<1x16x1024xf32, #tpu.memory_space<hbm>> -> memref<16x1024xf32, #tpu.memory_space<hbm>>
      %dma_wait3A_1494 = arith.constant 0 : i32
      %dma_wait3A_1495 = arith.constant 0 : i32
      %dma_wait3A_1496 = tpu.memref_slice %arg7[%dma_wait3A_1494, %dma_wait3A_1495] : memref<64x1024xf32, #tpu.memory_space<vmem>> -> memref<16x1024xf32, #tpu.memory_space<vmem>>
      tpu.wait_dma2 semaphore(%arg15 : memref<!tpu.dma_semaphore, #tpu.memory_space<semaphore_mem>>) src(%dma_wait3A_1496 : memref<16x1024xf32, #tpu.memory_space<vmem>>) dst(%dma_wait3A_1493 : memref<16x1024xf32, #tpu.memory_space<hbm>>)
    } else {
    }
    %get3A_1352 = arith.constant 16 : index
    %get3A_1353 = tpu.vector_load %arg9[%get3A_1352] {strides = array<i32>} : memref<32xi32, #tpu.memory_space<vmem>>, vector<16xi32>,
    %slice3A_1354 = vector.extract_strided_slice %get3A_1353 {offsets = [6], sizes = [1], strides = [1]} : vector<16xi32> to vector<1xi32>
    %squeeze3A_1355 = vector.extract %slice3A_1354[0] : i32 from vector<1xi32>
    %gt3A_1356 = arith.constant 0 : i32
    %gt3A_1357 = arith.cmpi sgt, %squeeze3A_1355, %gt3A_1356 : i32
    %convert_element_type3A_1358 = arith.extui %gt3A_1357 : i1 to i32
    %cond3A_1359 = arith.constant 0 : i32
    %cond3A_1360 = arith.cmpi ne, %convert_element_type3A_1358, %cond3A_1359 : i32
    scf.if %cond3A_1360 {
      %get3A_1442 = arith.constant 2 : i32
      %get3A_1443 = arith.index_cast %get3A_1442 : i32 to index
      %get3A_1444 = arith.constant 96 : index
      %get3A_1445 = tpu.vector_load %arg5[%get3A_1443, %get3A_1444] {strides = array<i32>} : memref<4x128xi32, #tpu.memory_space<vmem>>, vector<16xi32>,
      %add3A_1446 = arith.constant 96 : i32
      %add3A_1447 = arith.addi %mul3A_2, %add3A_1446 : i32
      %add3A_1448 = arith.constant 1 : i32
      %add3A_1449 = arith.addi %add3A_1447, %add3A_1448 : i32
      %add3A_1450 = vector.broadcast %add3A_1449 : i32 to vector<16xi32>
      %add3A_1451 = arith.addi %iota3A, %add3A_1450 : vector<16xi32>
      %ne3A = arith.constant 0 : i32
      %ne3A_1452 = vector.broadcast %ne3A : i32 to vector<16xi32>
      %ne3A_1453 = arith.cmpi ne, %get3A_1445, %ne3A_1452 : vector<16xi32>
      %jit3A_1454 = arith.constant 0 : i32
      %broadcast_in_dim3A_1455 = vector.broadcast %jit3A_1454 : i32 to vector<16xi32>
      %select_n3A_1456 = arith.select %ne3A_1453, %add3A_1451, %broadcast_in_dim3A_1455 : vector<16xi1>, vector<16xi32>
      %dma_start3A_1457 = arith.constant 0 : i32
      %dma_start3A_1458 = arith.constant 0 : i32
      %dma_start3A_1459 = tpu.memref_slice %arg7[%dma_start3A_1457, %dma_start3A_1458] : memref<64x1024xf32, #tpu.memory_space<vmem>> -> memref<16x1024xf32, #tpu.memory_space<vmem>>
      %dma_start3A_1460 = arith.constant 0 : i32
      %dma_start3A_1461 = arith.constant 0 : i32
      %dma_start3A_1462 = tpu.memref_slice %arg3[%dma_start3A_1460, %dma_start3A_1461] : memref<8192x1024xf32, #tpu.memory_space<hbm>> -> memref<8192x1024xf32, #tpu.memory_space<hbm>>
      tpu.enqueue_indirect_dma source(%dma_start3A_1462 : memref<8192x1024xf32, #tpu.memory_space<hbm>>) target(%dma_start3A_1459 : memref<16x1024xf32, #tpu.memory_space<vmem>>) offsets(%select_n3A_1456 : vector<16xi32>) semaphore(%arg15 : memref<!tpu.dma_semaphore, #tpu.memory_space<semaphore_mem>>)
      %dma_wait3A_1463 = arith.constant 0 : i32
      %dma_wait3A_1464 = arith.constant 0 : i32
      %dma_wait3A_1465 = tpu.memref_slice %arg7[%dma_wait3A_1463, %dma_wait3A_1464] : memref<64x1024xf32, #tpu.memory_space<vmem>> -> memref<16x1024xf32, #tpu.memory_space<vmem>>
      %dma_wait3A_1466 = arith.constant 0 : i32
      %dma_wait3A_1467 = arith.constant 0 : i32
      %dma_wait3A_1468 = tpu.memref_slice %arg3[%dma_wait3A_1466, %dma_wait3A_1467] : memref<8192x1024xf32, #tpu.memory_space<hbm>> -> memref<8192x1024xf32, #tpu.memory_space<hbm>>
      tpu.wait_indirect_dma semaphore(%arg15 : memref<!tpu.dma_semaphore, #tpu.memory_space<semaphore_mem>>) src(%dma_wait3A_1468 : memref<8192x1024xf32, #tpu.memory_space<hbm>>) dst(%dma_wait3A_1465 : memref<16x1024xf32, #tpu.memory_space<vmem>>)
      %add3A_1469 = arith.constant 96 : i32
      %add3A_1470 = arith.addi %mul3A_2, %add3A_1469 : i32
      %dma_start3A_1471 = arith.constant 2 : i32
      %dma_start3A_1472 = arith.constant 0 : i32
      %dma_start3A_1473 = arith.constant 0 : i32
      %dma_start3A_1474 = tpu.memref_slice %arg7[%dma_start3A_1472, %dma_start3A_1473] : memref<64x1024xf32, #tpu.memory_space<vmem>> -> memref<16x1024xf32, #tpu.memory_space<vmem>>
      %dma_start3A_1475 = arith.constant 0 : i32
      %dma_start3A_1476 = tpu.memref_slice %arg4[%dma_start3A_1471, %add3A_1470, %dma_start3A_1475] : memref<4x4096x1024xf32, #tpu.memory_space<hbm>> -> memref<1x16x1024xf32, #tpu.memory_space<hbm>>
      %dma_start3A_1477 = tpu.memref_squeeze %dma_start3A_1476 : memref<1x16x1024xf32, #tpu.memory_space<hbm>> -> memref<16x1024xf32, #tpu.memory_space<hbm>>
      %dma_start3A_1478 = arith.constant 0 : i32
      %dma_start3A_1479 = tpu.memref_slice %arg4[%dma_start3A_1471, %add3A_1470, %dma_start3A_1478] : memref<4x4096x1024xf32, #tpu.memory_space<hbm>> -> memref<1x16x1024xf32, #tpu.memory_space<hbm>>
      %dma_start3A_1480 = tpu.memref_squeeze %dma_start3A_1479 : memref<1x16x1024xf32, #tpu.memory_space<hbm>> -> memref<16x1024xf32, #tpu.memory_space<hbm>>
      %dma_start3A_1481 = arith.constant 0 : i32
      %dma_start3A_1482 = arith.constant 0 : i32
      %dma_start3A_1483 = tpu.memref_slice %arg7[%dma_start3A_1481, %dma_start3A_1482] : memref<64x1024xf32, #tpu.memory_space<vmem>> -> memref<16x1024xf32, #tpu.memory_space<vmem>>
      tpu.enqueue_dma source(%dma_start3A_1483 : memref<16x1024xf32, #tpu.memory_space<vmem>>) target(%dma_start3A_1480 : memref<16x1024xf32, #tpu.memory_space<hbm>>) target_semaphore(%arg15 : memref<!tpu.dma_semaphore, #tpu.memory_space<semaphore_mem>>)
      %dma_wait3A_1484 = arith.constant 2 : i32
      %dma_wait3A_1485 = arith.constant 0 : i32
      %dma_wait3A_1486 = arith.constant 0 : i32
      %dma_wait3A_1487 = tpu.memref_slice %arg7[%dma_wait3A_1485, %dma_wait3A_1486] : memref<64x1024xf32, #tpu.memory_space<vmem>> -> memref<16x1024xf32, #tpu.memory_space<vmem>>
      %dma_wait3A_1488 = arith.constant 0 : i32
      %dma_wait3A_1489 = tpu.memref_slice %arg4[%dma_wait3A_1484, %add3A_1470, %dma_wait3A_1488] : memref<4x4096x1024xf32, #tpu.memory_space<hbm>> -> memref<1x16x1024xf32, #tpu.memory_space<hbm>>
      %dma_wait3A_1490 = tpu.memref_squeeze %dma_wait3A_1489 : memref<1x16x1024xf32, #tpu.memory_space<hbm>> -> memref<16x1024xf32, #tpu.memory_space<hbm>>
      %dma_wait3A_1491 = arith.constant 0 : i32
      %dma_wait3A_1492 = tpu.memref_slice %arg4[%dma_wait3A_1484, %add3A_1470, %dma_wait3A_1491] : memref<4x4096x1024xf32, #tpu.memory_space<hbm>> -> memref<1x16x1024xf32, #tpu.memory_space<hbm>>
      %dma_wait3A_1493 = tpu.memref_squeeze %dma_wait3A_1492 : memref<1x16x1024xf32, #tpu.memory_space<hbm>> -> memref<16x1024xf32, #tpu.memory_space<hbm>>
      %dma_wait3A_1494 = arith.constant 0 : i32
      %dma_wait3A_1495 = arith.constant 0 : i32
      %dma_wait3A_1496 = tpu.memref_slice %arg7[%dma_wait3A_1494, %dma_wait3A_1495] : memref<64x1024xf32, #tpu.memory_space<vmem>> -> memref<16x1024xf32, #tpu.memory_space<vmem>>
      tpu.wait_dma2 semaphore(%arg15 : memref<!tpu.dma_semaphore, #tpu.memory_space<semaphore_mem>>) src(%dma_wait3A_1496 : memref<16x1024xf32, #tpu.memory_space<vmem>>) dst(%dma_wait3A_1493 : memref<16x1024xf32, #tpu.memory_space<hbm>>)
    } else {
    }
    %get3A_1361 = arith.constant 16 : index
    %get3A_1362 = tpu.vector_load %arg9[%get3A_1361] {strides = array<i32>} : memref<32xi32, #tpu.memory_space<vmem>>, vector<16xi32>,
    %slice3A_1363 = vector.extract_strided_slice %get3A_1362 {offsets = [7], sizes = [1], strides = [1]} : vector<16xi32> to vector<1xi32>
    %squeeze3A_1364 = vector.extract %slice3A_1363[0] : i32 from vector<1xi32>
    %gt3A_1365 = arith.constant 0 : i32
    %gt3A_1366 = arith.cmpi sgt, %squeeze3A_1364, %gt3A_1365 : i32
    %convert_element_type3A_1367 = arith.extui %gt3A_1366 : i1 to i32
    %cond3A_1368 = arith.constant 0 : i32
    %cond3A_1369 = arith.cmpi ne, %convert_element_type3A_1367, %cond3A_1368 : i32
    scf.if %cond3A_1369 {
      %get3A_1442 = arith.constant 2 : i32
      %get3A_1443 = arith.index_cast %get3A_1442 : i32 to index
      %get3A_1444 = arith.constant 112 : index
      %get3A_1445 = tpu.vector_load %arg5[%get3A_1443, %get3A_1444] {strides = array<i32>} : memref<4x128xi32, #tpu.memory_space<vmem>>, vector<16xi32>,
      %add3A_1446 = arith.constant 112 : i32
      %add3A_1447 = arith.addi %mul3A_2, %add3A_1446 : i32
      %add3A_1448 = arith.constant 1 : i32
      %add3A_1449 = arith.addi %add3A_1447, %add3A_1448 : i32
      %add3A_1450 = vector.broadcast %add3A_1449 : i32 to vector<16xi32>
      %add3A_1451 = arith.addi %iota3A, %add3A_1450 : vector<16xi32>
      %ne3A = arith.constant 0 : i32
      %ne3A_1452 = vector.broadcast %ne3A : i32 to vector<16xi32>
      %ne3A_1453 = arith.cmpi ne, %get3A_1445, %ne3A_1452 : vector<16xi32>
      %jit3A_1454 = arith.constant 0 : i32
      %broadcast_in_dim3A_1455 = vector.broadcast %jit3A_1454 : i32 to vector<16xi32>
      %select_n3A_1456 = arith.select %ne3A_1453, %add3A_1451, %broadcast_in_dim3A_1455 : vector<16xi1>, vector<16xi32>
      %dma_start3A_1457 = arith.constant 0 : i32
      %dma_start3A_1458 = arith.constant 0 : i32
      %dma_start3A_1459 = tpu.memref_slice %arg7[%dma_start3A_1457, %dma_start3A_1458] : memref<64x1024xf32, #tpu.memory_space<vmem>> -> memref<16x1024xf32, #tpu.memory_space<vmem>>
      %dma_start3A_1460 = arith.constant 0 : i32
      %dma_start3A_1461 = arith.constant 0 : i32
      %dma_start3A_1462 = tpu.memref_slice %arg3[%dma_start3A_1460, %dma_start3A_1461] : memref<8192x1024xf32, #tpu.memory_space<hbm>> -> memref<8192x1024xf32, #tpu.memory_space<hbm>>
      tpu.enqueue_indirect_dma source(%dma_start3A_1462 : memref<8192x1024xf32, #tpu.memory_space<hbm>>) target(%dma_start3A_1459 : memref<16x1024xf32, #tpu.memory_space<vmem>>) offsets(%select_n3A_1456 : vector<16xi32>) semaphore(%arg15 : memref<!tpu.dma_semaphore, #tpu.memory_space<semaphore_mem>>)
      %dma_wait3A_1463 = arith.constant 0 : i32
      %dma_wait3A_1464 = arith.constant 0 : i32
      %dma_wait3A_1465 = tpu.memref_slice %arg7[%dma_wait3A_1463, %dma_wait3A_1464] : memref<64x1024xf32, #tpu.memory_space<vmem>> -> memref<16x1024xf32, #tpu.memory_space<vmem>>
      %dma_wait3A_1466 = arith.constant 0 : i32
      %dma_wait3A_1467 = arith.constant 0 : i32
      %dma_wait3A_1468 = tpu.memref_slice %arg3[%dma_wait3A_1466, %dma_wait3A_1467] : memref<8192x1024xf32, #tpu.memory_space<hbm>> -> memref<8192x1024xf32, #tpu.memory_space<hbm>>
      tpu.wait_indirect_dma semaphore(%arg15 : memref<!tpu.dma_semaphore, #tpu.memory_space<semaphore_mem>>) src(%dma_wait3A_1468 : memref<8192x1024xf32, #tpu.memory_space<hbm>>) dst(%dma_wait3A_1465 : memref<16x1024xf32, #tpu.memory_space<vmem>>)
      %add3A_1469 = arith.constant 112 : i32
      %add3A_1470 = arith.addi %mul3A_2, %add3A_1469 : i32
      %dma_start3A_1471 = arith.constant 2 : i32
      %dma_start3A_1472 = arith.constant 0 : i32
      %dma_start3A_1473 = arith.constant 0 : i32
      %dma_start3A_1474 = tpu.memref_slice %arg7[%dma_start3A_1472, %dma_start3A_1473] : memref<64x1024xf32, #tpu.memory_space<vmem>> -> memref<16x1024xf32, #tpu.memory_space<vmem>>
      %dma_start3A_1475 = arith.constant 0 : i32
      %dma_start3A_1476 = tpu.memref_slice %arg4[%dma_start3A_1471, %add3A_1470, %dma_start3A_1475] : memref<4x4096x1024xf32, #tpu.memory_space<hbm>> -> memref<1x16x1024xf32, #tpu.memory_space<hbm>>
      %dma_start3A_1477 = tpu.memref_squeeze %dma_start3A_1476 : memref<1x16x1024xf32, #tpu.memory_space<hbm>> -> memref<16x1024xf32, #tpu.memory_space<hbm>>
      %dma_start3A_1478 = arith.constant 0 : i32
      %dma_start3A_1479 = tpu.memref_slice %arg4[%dma_start3A_1471, %add3A_1470, %dma_start3A_1478] : memref<4x4096x1024xf32, #tpu.memory_space<hbm>> -> memref<1x16x1024xf32, #tpu.memory_space<hbm>>
      %dma_start3A_1480 = tpu.memref_squeeze %dma_start3A_1479 : memref<1x16x1024xf32, #tpu.memory_space<hbm>> -> memref<16x1024xf32, #tpu.memory_space<hbm>>
      %dma_start3A_1481 = arith.constant 0 : i32
      %dma_start3A_1482 = arith.constant 0 : i32
      %dma_start3A_1483 = tpu.memref_slice %arg7[%dma_start3A_1481, %dma_start3A_1482] : memref<64x1024xf32, #tpu.memory_space<vmem>> -> memref<16x1024xf32, #tpu.memory_space<vmem>>
      tpu.enqueue_dma source(%dma_start3A_1483 : memref<16x1024xf32, #tpu.memory_space<vmem>>) target(%dma_start3A_1480 : memref<16x1024xf32, #tpu.memory_space<hbm>>) target_semaphore(%arg15 : memref<!tpu.dma_semaphore, #tpu.memory_space<semaphore_mem>>)
      %dma_wait3A_1484 = arith.constant 2 : i32
      %dma_wait3A_1485 = arith.constant 0 : i32
      %dma_wait3A_1486 = arith.constant 0 : i32
      %dma_wait3A_1487 = tpu.memref_slice %arg7[%dma_wait3A_1485, %dma_wait3A_1486] : memref<64x1024xf32, #tpu.memory_space<vmem>> -> memref<16x1024xf32, #tpu.memory_space<vmem>>
      %dma_wait3A_1488 = arith.constant 0 : i32
      %dma_wait3A_1489 = tpu.memref_slice %arg4[%dma_wait3A_1484, %add3A_1470, %dma_wait3A_1488] : memref<4x4096x1024xf32, #tpu.memory_space<hbm>> -> memref<1x16x1024xf32, #tpu.memory_space<hbm>>
      %dma_wait3A_1490 = tpu.memref_squeeze %dma_wait3A_1489 : memref<1x16x1024xf32, #tpu.memory_space<hbm>> -> memref<16x1024xf32, #tpu.memory_space<hbm>>
      %dma_wait3A_1491 = arith.constant 0 : i32
      %dma_wait3A_1492 = tpu.memref_slice %arg4[%dma_wait3A_1484, %add3A_1470, %dma_wait3A_1491] : memref<4x4096x1024xf32, #tpu.memory_space<hbm>> -> memref<1x16x1024xf32, #tpu.memory_space<hbm>>
      %dma_wait3A_1493 = tpu.memref_squeeze %dma_wait3A_1492 : memref<1x16x1024xf32, #tpu.memory_space<hbm>> -> memref<16x1024xf32, #tpu.memory_space<hbm>>
      %dma_wait3A_1494 = arith.constant 0 : i32
      %dma_wait3A_1495 = arith.constant 0 : i32
      %dma_wait3A_1496 = tpu.memref_slice %arg7[%dma_wait3A_1494, %dma_wait3A_1495] : memref<64x1024xf32, #tpu.memory_space<vmem>> -> memref<16x1024xf32, #tpu.memory_space<vmem>>
      tpu.wait_dma2 semaphore(%arg15 : memref<!tpu.dma_semaphore, #tpu.memory_space<semaphore_mem>>) src(%dma_wait3A_1496 : memref<16x1024xf32, #tpu.memory_space<vmem>>) dst(%dma_wait3A_1493 : memref<16x1024xf32, #tpu.memory_space<hbm>>)
    } else {
    }
    %get3A_1370 = arith.constant 16 : index
    %get3A_1371 = tpu.vector_load %arg9[%get3A_1370] {strides = array<i32>} : memref<32xi32, #tpu.memory_space<vmem>>, vector<16xi32>,
    %slice3A_1372 = vector.extract_strided_slice %get3A_1371 {offsets = [8], sizes = [1], strides = [1]} : vector<16xi32> to vector<1xi32>
    %squeeze3A_1373 = vector.extract %slice3A_1372[0] : i32 from vector<1xi32>
    %gt3A_1374 = arith.constant 0 : i32
    %gt3A_1375 = arith.cmpi sgt, %squeeze3A_1373, %gt3A_1374 : i32
    %convert_element_type3A_1376 = arith.extui %gt3A_1375 : i1 to i32
    %cond3A_1377 = arith.constant 0 : i32
    %cond3A_1378 = arith.cmpi ne, %convert_element_type3A_1376, %cond3A_1377 : i32
    scf.if %cond3A_1378 {
      %get3A_1442 = arith.constant 3 : i32
      %get3A_1443 = arith.index_cast %get3A_1442 : i32 to index
      %get3A_1444 = arith.constant 0 : index
      %get3A_1445 = tpu.vector_load %arg5[%get3A_1443, %get3A_1444] {strides = array<i32>} : memref<4x128xi32, #tpu.memory_space<vmem>>, vector<16xi32>,
      %add3A_1446 = arith.constant 0 : i32
      %add3A_1447 = arith.addi %mul3A_2, %add3A_1446 : i32
      %add3A_1448 = arith.constant 1 : i32
      %add3A_1449 = arith.addi %add3A_1447, %add3A_1448 : i32
      %add3A_1450 = vector.broadcast %add3A_1449 : i32 to vector<16xi32>
      %add3A_1451 = arith.addi %iota3A, %add3A_1450 : vector<16xi32>
      %ne3A = arith.constant 0 : i32
      %ne3A_1452 = vector.broadcast %ne3A : i32 to vector<16xi32>
      %ne3A_1453 = arith.cmpi ne, %get3A_1445, %ne3A_1452 : vector<16xi32>
      %jit3A_1454 = arith.constant 0 : i32
      %broadcast_in_dim3A_1455 = vector.broadcast %jit3A_1454 : i32 to vector<16xi32>
      %select_n3A_1456 = arith.select %ne3A_1453, %add3A_1451, %broadcast_in_dim3A_1455 : vector<16xi1>, vector<16xi32>
      %dma_start3A_1457 = arith.constant 0 : i32
      %dma_start3A_1458 = arith.constant 0 : i32
      %dma_start3A_1459 = tpu.memref_slice %arg7[%dma_start3A_1457, %dma_start3A_1458] : memref<64x1024xf32, #tpu.memory_space<vmem>> -> memref<16x1024xf32, #tpu.memory_space<vmem>>
      %dma_start3A_1460 = arith.constant 0 : i32
      %dma_start3A_1461 = arith.constant 0 : i32
      %dma_start3A_1462 = tpu.memref_slice %arg3[%dma_start3A_1460, %dma_start3A_1461] : memref<8192x1024xf32, #tpu.memory_space<hbm>> -> memref<8192x1024xf32, #tpu.memory_space<hbm>>
      tpu.enqueue_indirect_dma source(%dma_start3A_1462 : memref<8192x1024xf32, #tpu.memory_space<hbm>>) target(%dma_start3A_1459 : memref<16x1024xf32, #tpu.memory_space<vmem>>) offsets(%select_n3A_1456 : vector<16xi32>) semaphore(%arg15 : memref<!tpu.dma_semaphore, #tpu.memory_space<semaphore_mem>>)
      %dma_wait3A_1463 = arith.constant 0 : i32
      %dma_wait3A_1464 = arith.constant 0 : i32
      %dma_wait3A_1465 = tpu.memref_slice %arg7[%dma_wait3A_1463, %dma_wait3A_1464] : memref<64x1024xf32, #tpu.memory_space<vmem>> -> memref<16x1024xf32, #tpu.memory_space<vmem>>
      %dma_wait3A_1466 = arith.constant 0 : i32
      %dma_wait3A_1467 = arith.constant 0 : i32
      %dma_wait3A_1468 = tpu.memref_slice %arg3[%dma_wait3A_1466, %dma_wait3A_1467] : memref<8192x1024xf32, #tpu.memory_space<hbm>> -> memref<8192x1024xf32, #tpu.memory_space<hbm>>
      tpu.wait_indirect_dma semaphore(%arg15 : memref<!tpu.dma_semaphore, #tpu.memory_space<semaphore_mem>>) src(%dma_wait3A_1468 : memref<8192x1024xf32, #tpu.memory_space<hbm>>) dst(%dma_wait3A_1465 : memref<16x1024xf32, #tpu.memory_space<vmem>>)
      %add3A_1469 = arith.constant 0 : i32
      %add3A_1470 = arith.addi %mul3A_2, %add3A_1469 : i32
      %dma_start3A_1471 = arith.constant 3 : i32
      %dma_start3A_1472 = arith.constant 0 : i32
      %dma_start3A_1473 = arith.constant 0 : i32
      %dma_start3A_1474 = tpu.memref_slice %arg7[%dma_start3A_1472, %dma_start3A_1473] : memref<64x1024xf32, #tpu.memory_space<vmem>> -> memref<16x1024xf32, #tpu.memory_space<vmem>>
      %dma_start3A_1475 = arith.constant 0 : i32
      %dma_start3A_1476 = tpu.memref_slice %arg4[%dma_start3A_1471, %add3A_1470, %dma_start3A_1475] : memref<4x4096x1024xf32, #tpu.memory_space<hbm>> -> memref<1x16x1024xf32, #tpu.memory_space<hbm>>
      %dma_start3A_1477 = tpu.memref_squeeze %dma_start3A_1476 : memref<1x16x1024xf32, #tpu.memory_space<hbm>> -> memref<16x1024xf32, #tpu.memory_space<hbm>>
      %dma_start3A_1478 = arith.constant 0 : i32
      %dma_start3A_1479 = tpu.memref_slice %arg4[%dma_start3A_1471, %add3A_1470, %dma_start3A_1478] : memref<4x4096x1024xf32, #tpu.memory_space<hbm>> -> memref<1x16x1024xf32, #tpu.memory_space<hbm>>
      %dma_start3A_1480 = tpu.memref_squeeze %dma_start3A_1479 : memref<1x16x1024xf32, #tpu.memory_space<hbm>> -> memref<16x1024xf32, #tpu.memory_space<hbm>>
      %dma_start3A_1481 = arith.constant 0 : i32
      %dma_start3A_1482 = arith.constant 0 : i32
      %dma_start3A_1483 = tpu.memref_slice %arg7[%dma_start3A_1481, %dma_start3A_1482] : memref<64x1024xf32, #tpu.memory_space<vmem>> -> memref<16x1024xf32, #tpu.memory_space<vmem>>
      tpu.enqueue_dma source(%dma_start3A_1483 : memref<16x1024xf32, #tpu.memory_space<vmem>>) target(%dma_start3A_1480 : memref<16x1024xf32, #tpu.memory_space<hbm>>) target_semaphore(%arg15 : memref<!tpu.dma_semaphore, #tpu.memory_space<semaphore_mem>>)
      %dma_wait3A_1484 = arith.constant 3 : i32
      %dma_wait3A_1485 = arith.constant 0 : i32
      %dma_wait3A_1486 = arith.constant 0 : i32
      %dma_wait3A_1487 = tpu.memref_slice %arg7[%dma_wait3A_1485, %dma_wait3A_1486] : memref<64x1024xf32, #tpu.memory_space<vmem>> -> memref<16x1024xf32, #tpu.memory_space<vmem>>
      %dma_wait3A_1488 = arith.constant 0 : i32
      %dma_wait3A_1489 = tpu.memref_slice %arg4[%dma_wait3A_1484, %add3A_1470, %dma_wait3A_1488] : memref<4x4096x1024xf32, #tpu.memory_space<hbm>> -> memref<1x16x1024xf32, #tpu.memory_space<hbm>>
      %dma_wait3A_1490 = tpu.memref_squeeze %dma_wait3A_1489 : memref<1x16x1024xf32, #tpu.memory_space<hbm>> -> memref<16x1024xf32, #tpu.memory_space<hbm>>
      %dma_wait3A_1491 = arith.constant 0 : i32
      %dma_wait3A_1492 = tpu.memref_slice %arg4[%dma_wait3A_1484, %add3A_1470, %dma_wait3A_1491] : memref<4x4096x1024xf32, #tpu.memory_space<hbm>> -> memref<1x16x1024xf32, #tpu.memory_space<hbm>>
      %dma_wait3A_1493 = tpu.memref_squeeze %dma_wait3A_1492 : memref<1x16x1024xf32, #tpu.memory_space<hbm>> -> memref<16x1024xf32, #tpu.memory_space<hbm>>
      %dma_wait3A_1494 = arith.constant 0 : i32
      %dma_wait3A_1495 = arith.constant 0 : i32
      %dma_wait3A_1496 = tpu.memref_slice %arg7[%dma_wait3A_1494, %dma_wait3A_1495] : memref<64x1024xf32, #tpu.memory_space<vmem>> -> memref<16x1024xf32, #tpu.memory_space<vmem>>
      tpu.wait_dma2 semaphore(%arg15 : memref<!tpu.dma_semaphore, #tpu.memory_space<semaphore_mem>>) src(%dma_wait3A_1496 : memref<16x1024xf32, #tpu.memory_space<vmem>>) dst(%dma_wait3A_1493 : memref<16x1024xf32, #tpu.memory_space<hbm>>)
    } else {
    }
    %get3A_1379 = arith.constant 16 : index
    %get3A_1380 = tpu.vector_load %arg9[%get3A_1379] {strides = array<i32>} : memref<32xi32, #tpu.memory_space<vmem>>, vector<16xi32>,
    %slice3A_1381 = vector.extract_strided_slice %get3A_1380 {offsets = [9], sizes = [1], strides = [1]} : vector<16xi32> to vector<1xi32>
    %squeeze3A_1382 = vector.extract %slice3A_1381[0] : i32 from vector<1xi32>
    %gt3A_1383 = arith.constant 0 : i32
    %gt3A_1384 = arith.cmpi sgt, %squeeze3A_1382, %gt3A_1383 : i32
    %convert_element_type3A_1385 = arith.extui %gt3A_1384 : i1 to i32
    %cond3A_1386 = arith.constant 0 : i32
    %cond3A_1387 = arith.cmpi ne, %convert_element_type3A_1385, %cond3A_1386 : i32
    scf.if %cond3A_1387 {
      %get3A_1442 = arith.constant 3 : i32
      %get3A_1443 = arith.index_cast %get3A_1442 : i32 to index
      %get3A_1444 = arith.constant 16 : index
      %get3A_1445 = tpu.vector_load %arg5[%get3A_1443, %get3A_1444] {strides = array<i32>} : memref<4x128xi32, #tpu.memory_space<vmem>>, vector<16xi32>,
      %add3A_1446 = arith.constant 16 : i32
      %add3A_1447 = arith.addi %mul3A_2, %add3A_1446 : i32
      %add3A_1448 = arith.constant 1 : i32
      %add3A_1449 = arith.addi %add3A_1447, %add3A_1448 : i32
      %add3A_1450 = vector.broadcast %add3A_1449 : i32 to vector<16xi32>
      %add3A_1451 = arith.addi %iota3A, %add3A_1450 : vector<16xi32>
      %ne3A = arith.constant 0 : i32
      %ne3A_1452 = vector.broadcast %ne3A : i32 to vector<16xi32>
      %ne3A_1453 = arith.cmpi ne, %get3A_1445, %ne3A_1452 : vector<16xi32>
      %jit3A_1454 = arith.constant 0 : i32
      %broadcast_in_dim3A_1455 = vector.broadcast %jit3A_1454 : i32 to vector<16xi32>
      %select_n3A_1456 = arith.select %ne3A_1453, %add3A_1451, %broadcast_in_dim3A_1455 : vector<16xi1>, vector<16xi32>
      %dma_start3A_1457 = arith.constant 0 : i32
      %dma_start3A_1458 = arith.constant 0 : i32
      %dma_start3A_1459 = tpu.memref_slice %arg7[%dma_start3A_1457, %dma_start3A_1458] : memref<64x1024xf32, #tpu.memory_space<vmem>> -> memref<16x1024xf32, #tpu.memory_space<vmem>>
      %dma_start3A_1460 = arith.constant 0 : i32
      %dma_start3A_1461 = arith.constant 0 : i32
      %dma_start3A_1462 = tpu.memref_slice %arg3[%dma_start3A_1460, %dma_start3A_1461] : memref<8192x1024xf32, #tpu.memory_space<hbm>> -> memref<8192x1024xf32, #tpu.memory_space<hbm>>
      tpu.enqueue_indirect_dma source(%dma_start3A_1462 : memref<8192x1024xf32, #tpu.memory_space<hbm>>) target(%dma_start3A_1459 : memref<16x1024xf32, #tpu.memory_space<vmem>>) offsets(%select_n3A_1456 : vector<16xi32>) semaphore(%arg15 : memref<!tpu.dma_semaphore, #tpu.memory_space<semaphore_mem>>)
      %dma_wait3A_1463 = arith.constant 0 : i32
      %dma_wait3A_1464 = arith.constant 0 : i32
      %dma_wait3A_1465 = tpu.memref_slice %arg7[%dma_wait3A_1463, %dma_wait3A_1464] : memref<64x1024xf32, #tpu.memory_space<vmem>> -> memref<16x1024xf32, #tpu.memory_space<vmem>>
      %dma_wait3A_1466 = arith.constant 0 : i32
      %dma_wait3A_1467 = arith.constant 0 : i32
      %dma_wait3A_1468 = tpu.memref_slice %arg3[%dma_wait3A_1466, %dma_wait3A_1467] : memref<8192x1024xf32, #tpu.memory_space<hbm>> -> memref<8192x1024xf32, #tpu.memory_space<hbm>>
      tpu.wait_indirect_dma semaphore(%arg15 : memref<!tpu.dma_semaphore, #tpu.memory_space<semaphore_mem>>) src(%dma_wait3A_1468 : memref<8192x1024xf32, #tpu.memory_space<hbm>>) dst(%dma_wait3A_1465 : memref<16x1024xf32, #tpu.memory_space<vmem>>)
      %add3A_1469 = arith.constant 16 : i32
      %add3A_1470 = arith.addi %mul3A_2, %add3A_1469 : i32
      %dma_start3A_1471 = arith.constant 3 : i32
      %dma_start3A_1472 = arith.constant 0 : i32
      %dma_start3A_1473 = arith.constant 0 : i32
      %dma_start3A_1474 = tpu.memref_slice %arg7[%dma_start3A_1472, %dma_start3A_1473] : memref<64x1024xf32, #tpu.memory_space<vmem>> -> memref<16x1024xf32, #tpu.memory_space<vmem>>
      %dma_start3A_1475 = arith.constant 0 : i32
      %dma_start3A_1476 = tpu.memref_slice %arg4[%dma_start3A_1471, %add3A_1470, %dma_start3A_1475] : memref<4x4096x1024xf32, #tpu.memory_space<hbm>> -> memref<1x16x1024xf32, #tpu.memory_space<hbm>>
      %dma_start3A_1477 = tpu.memref_squeeze %dma_start3A_1476 : memref<1x16x1024xf32, #tpu.memory_space<hbm>> -> memref<16x1024xf32, #tpu.memory_space<hbm>>
      %dma_start3A_1478 = arith.constant 0 : i32
      %dma_start3A_1479 = tpu.memref_slice %arg4[%dma_start3A_1471, %add3A_1470, %dma_start3A_1478] : memref<4x4096x1024xf32, #tpu.memory_space<hbm>> -> memref<1x16x1024xf32, #tpu.memory_space<hbm>>
      %dma_start3A_1480 = tpu.memref_squeeze %dma_start3A_1479 : memref<1x16x1024xf32, #tpu.memory_space<hbm>> -> memref<16x1024xf32, #tpu.memory_space<hbm>>
      %dma_start3A_1481 = arith.constant 0 : i32
      %dma_start3A_1482 = arith.constant 0 : i32
      %dma_start3A_1483 = tpu.memref_slice %arg7[%dma_start3A_1481, %dma_start3A_1482] : memref<64x1024xf32, #tpu.memory_space<vmem>> -> memref<16x1024xf32, #tpu.memory_space<vmem>>
      tpu.enqueue_dma source(%dma_start3A_1483 : memref<16x1024xf32, #tpu.memory_space<vmem>>) target(%dma_start3A_1480 : memref<16x1024xf32, #tpu.memory_space<hbm>>) target_semaphore(%arg15 : memref<!tpu.dma_semaphore, #tpu.memory_space<semaphore_mem>>)
      %dma_wait3A_1484 = arith.constant 3 : i32
      %dma_wait3A_1485 = arith.constant 0 : i32
      %dma_wait3A_1486 = arith.constant 0 : i32
      %dma_wait3A_1487 = tpu.memref_slice %arg7[%dma_wait3A_1485, %dma_wait3A_1486] : memref<64x1024xf32, #tpu.memory_space<vmem>> -> memref<16x1024xf32, #tpu.memory_space<vmem>>
      %dma_wait3A_1488 = arith.constant 0 : i32
      %dma_wait3A_1489 = tpu.memref_slice %arg4[%dma_wait3A_1484, %add3A_1470, %dma_wait3A_1488] : memref<4x4096x1024xf32, #tpu.memory_space<hbm>> -> memref<1x16x1024xf32, #tpu.memory_space<hbm>>
      %dma_wait3A_1490 = tpu.memref_squeeze %dma_wait3A_1489 : memref<1x16x1024xf32, #tpu.memory_space<hbm>> -> memref<16x1024xf32, #tpu.memory_space<hbm>>
      %dma_wait3A_1491 = arith.constant 0 : i32
      %dma_wait3A_1492 = tpu.memref_slice %arg4[%dma_wait3A_1484, %add3A_1470, %dma_wait3A_1491] : memref<4x4096x1024xf32, #tpu.memory_space<hbm>> -> memref<1x16x1024xf32, #tpu.memory_space<hbm>>
      %dma_wait3A_1493 = tpu.memref_squeeze %dma_wait3A_1492 : memref<1x16x1024xf32, #tpu.memory_space<hbm>> -> memref<16x1024xf32, #tpu.memory_space<hbm>>
      %dma_wait3A_1494 = arith.constant 0 : i32
      %dma_wait3A_1495 = arith.constant 0 : i32
      %dma_wait3A_1496 = tpu.memref_slice %arg7[%dma_wait3A_1494, %dma_wait3A_1495] : memref<64x1024xf32, #tpu.memory_space<vmem>> -> memref<16x1024xf32, #tpu.memory_space<vmem>>
      tpu.wait_dma2 semaphore(%arg15 : memref<!tpu.dma_semaphore, #tpu.memory_space<semaphore_mem>>) src(%dma_wait3A_1496 : memref<16x1024xf32, #tpu.memory_space<vmem>>) dst(%dma_wait3A_1493 : memref<16x1024xf32, #tpu.memory_space<hbm>>)
    } else {
    }
    %get3A_1388 = arith.constant 16 : index
    %get3A_1389 = tpu.vector_load %arg9[%get3A_1388] {strides = array<i32>} : memref<32xi32, #tpu.memory_space<vmem>>, vector<16xi32>,
    %slice3A_1390 = vector.extract_strided_slice %get3A_1389 {offsets = [10], sizes = [1], strides = [1]} : vector<16xi32> to vector<1xi32>
    %squeeze3A_1391 = vector.extract %slice3A_1390[0] : i32 from vector<1xi32>
    %gt3A_1392 = arith.constant 0 : i32
    %gt3A_1393 = arith.cmpi sgt, %squeeze3A_1391, %gt3A_1392 : i32
    %convert_element_type3A_1394 = arith.extui %gt3A_1393 : i1 to i32
    %cond3A_1395 = arith.constant 0 : i32
    %cond3A_1396 = arith.cmpi ne, %convert_element_type3A_1394, %cond3A_1395 : i32
    scf.if %cond3A_1396 {
      %get3A_1442 = arith.constant 3 : i32
      %get3A_1443 = arith.index_cast %get3A_1442 : i32 to index
      %get3A_1444 = arith.constant 32 : index
      %get3A_1445 = tpu.vector_load %arg5[%get3A_1443, %get3A_1444] {strides = array<i32>} : memref<4x128xi32, #tpu.memory_space<vmem>>, vector<16xi32>,
      %add3A_1446 = arith.constant 32 : i32
      %add3A_1447 = arith.addi %mul3A_2, %add3A_1446 : i32
      %add3A_1448 = arith.constant 1 : i32
      %add3A_1449 = arith.addi %add3A_1447, %add3A_1448 : i32
      %add3A_1450 = vector.broadcast %add3A_1449 : i32 to vector<16xi32>
      %add3A_1451 = arith.addi %iota3A, %add3A_1450 : vector<16xi32>
      %ne3A = arith.constant 0 : i32
      %ne3A_1452 = vector.broadcast %ne3A : i32 to vector<16xi32>
      %ne3A_1453 = arith.cmpi ne, %get3A_1445, %ne3A_1452 : vector<16xi32>
      %jit3A_1454 = arith.constant 0 : i32
      %broadcast_in_dim3A_1455 = vector.broadcast %jit3A_1454 : i32 to vector<16xi32>
      %select_n3A_1456 = arith.select %ne3A_1453, %add3A_1451, %broadcast_in_dim3A_1455 : vector<16xi1>, vector<16xi32>
      %dma_start3A_1457 = arith.constant 0 : i32
      %dma_start3A_1458 = arith.constant 0 : i32
      %dma_start3A_1459 = tpu.memref_slice %arg7[%dma_start3A_1457, %dma_start3A_1458] : memref<64x1024xf32, #tpu.memory_space<vmem>> -> memref<16x1024xf32, #tpu.memory_space<vmem>>
      %dma_start3A_1460 = arith.constant 0 : i32
      %dma_start3A_1461 = arith.constant 0 : i32
      %dma_start3A_1462 = tpu.memref_slice %arg3[%dma_start3A_1460, %dma_start3A_1461] : memref<8192x1024xf32, #tpu.memory_space<hbm>> -> memref<8192x1024xf32, #tpu.memory_space<hbm>>
      tpu.enqueue_indirect_dma source(%dma_start3A_1462 : memref<8192x1024xf32, #tpu.memory_space<hbm>>) target(%dma_start3A_1459 : memref<16x1024xf32, #tpu.memory_space<vmem>>) offsets(%select_n3A_1456 : vector<16xi32>) semaphore(%arg15 : memref<!tpu.dma_semaphore, #tpu.memory_space<semaphore_mem>>)
      %dma_wait3A_1463 = arith.constant 0 : i32
      %dma_wait3A_1464 = arith.constant 0 : i32
      %dma_wait3A_1465 = tpu.memref_slice %arg7[%dma_wait3A_1463, %dma_wait3A_1464] : memref<64x1024xf32, #tpu.memory_space<vmem>> -> memref<16x1024xf32, #tpu.memory_space<vmem>>
      %dma_wait3A_1466 = arith.constant 0 : i32
      %dma_wait3A_1467 = arith.constant 0 : i32
      %dma_wait3A_1468 = tpu.memref_slice %arg3[%dma_wait3A_1466, %dma_wait3A_1467] : memref<8192x1024xf32, #tpu.memory_space<hbm>> -> memref<8192x1024xf32, #tpu.memory_space<hbm>>
      tpu.wait_indirect_dma semaphore(%arg15 : memref<!tpu.dma_semaphore, #tpu.memory_space<semaphore_mem>>) src(%dma_wait3A_1468 : memref<8192x1024xf32, #tpu.memory_space<hbm>>) dst(%dma_wait3A_1465 : memref<16x1024xf32, #tpu.memory_space<vmem>>)
      %add3A_1469 = arith.constant 32 : i32
      %add3A_1470 = arith.addi %mul3A_2, %add3A_1469 : i32
      %dma_start3A_1471 = arith.constant 3 : i32
      %dma_start3A_1472 = arith.constant 0 : i32
      %dma_start3A_1473 = arith.constant 0 : i32
      %dma_start3A_1474 = tpu.memref_slice %arg7[%dma_start3A_1472, %dma_start3A_1473] : memref<64x1024xf32, #tpu.memory_space<vmem>> -> memref<16x1024xf32, #tpu.memory_space<vmem>>
      %dma_start3A_1475 = arith.constant 0 : i32
      %dma_start3A_1476 = tpu.memref_slice %arg4[%dma_start3A_1471, %add3A_1470, %dma_start3A_1475] : memref<4x4096x1024xf32, #tpu.memory_space<hbm>> -> memref<1x16x1024xf32, #tpu.memory_space<hbm>>
      %dma_start3A_1477 = tpu.memref_squeeze %dma_start3A_1476 : memref<1x16x1024xf32, #tpu.memory_space<hbm>> -> memref<16x1024xf32, #tpu.memory_space<hbm>>
      %dma_start3A_1478 = arith.constant 0 : i32
      %dma_start3A_1479 = tpu.memref_slice %arg4[%dma_start3A_1471, %add3A_1470, %dma_start3A_1478] : memref<4x4096x1024xf32, #tpu.memory_space<hbm>> -> memref<1x16x1024xf32, #tpu.memory_space<hbm>>
      %dma_start3A_1480 = tpu.memref_squeeze %dma_start3A_1479 : memref<1x16x1024xf32, #tpu.memory_space<hbm>> -> memref<16x1024xf32, #tpu.memory_space<hbm>>
      %dma_start3A_1481 = arith.constant 0 : i32
      %dma_start3A_1482 = arith.constant 0 : i32
      %dma_start3A_1483 = tpu.memref_slice %arg7[%dma_start3A_1481, %dma_start3A_1482] : memref<64x1024xf32, #tpu.memory_space<vmem>> -> memref<16x1024xf32, #tpu.memory_space<vmem>>
      tpu.enqueue_dma source(%dma_start3A_1483 : memref<16x1024xf32, #tpu.memory_space<vmem>>) target(%dma_start3A_1480 : memref<16x1024xf32, #tpu.memory_space<hbm>>) target_semaphore(%arg15 : memref<!tpu.dma_semaphore, #tpu.memory_space<semaphore_mem>>)
      %dma_wait3A_1484 = arith.constant 3 : i32
      %dma_wait3A_1485 = arith.constant 0 : i32
      %dma_wait3A_1486 = arith.constant 0 : i32
      %dma_wait3A_1487 = tpu.memref_slice %arg7[%dma_wait3A_1485, %dma_wait3A_1486] : memref<64x1024xf32, #tpu.memory_space<vmem>> -> memref<16x1024xf32, #tpu.memory_space<vmem>>
      %dma_wait3A_1488 = arith.constant 0 : i32
      %dma_wait3A_1489 = tpu.memref_slice %arg4[%dma_wait3A_1484, %add3A_1470, %dma_wait3A_1488] : memref<4x4096x1024xf32, #tpu.memory_space<hbm>> -> memref<1x16x1024xf32, #tpu.memory_space<hbm>>
      %dma_wait3A_1490 = tpu.memref_squeeze %dma_wait3A_1489 : memref<1x16x1024xf32, #tpu.memory_space<hbm>> -> memref<16x1024xf32, #tpu.memory_space<hbm>>
      %dma_wait3A_1491 = arith.constant 0 : i32
      %dma_wait3A_1492 = tpu.memref_slice %arg4[%dma_wait3A_1484, %add3A_1470, %dma_wait3A_1491] : memref<4x4096x1024xf32, #tpu.memory_space<hbm>> -> memref<1x16x1024xf32, #tpu.memory_space<hbm>>
      %dma_wait3A_1493 = tpu.memref_squeeze %dma_wait3A_1492 : memref<1x16x1024xf32, #tpu.memory_space<hbm>> -> memref<16x1024xf32, #tpu.memory_space<hbm>>
      %dma_wait3A_1494 = arith.constant 0 : i32
      %dma_wait3A_1495 = arith.constant 0 : i32
      %dma_wait3A_1496 = tpu.memref_slice %arg7[%dma_wait3A_1494, %dma_wait3A_1495] : memref<64x1024xf32, #tpu.memory_space<vmem>> -> memref<16x1024xf32, #tpu.memory_space<vmem>>
      tpu.wait_dma2 semaphore(%arg15 : memref<!tpu.dma_semaphore, #tpu.memory_space<semaphore_mem>>) src(%dma_wait3A_1496 : memref<16x1024xf32, #tpu.memory_space<vmem>>) dst(%dma_wait3A_1493 : memref<16x1024xf32, #tpu.memory_space<hbm>>)
    } else {
    }
    %get3A_1397 = arith.constant 16 : index
    %get3A_1398 = tpu.vector_load %arg9[%get3A_1397] {strides = array<i32>} : memref<32xi32, #tpu.memory_space<vmem>>, vector<16xi32>,
    %slice3A_1399 = vector.extract_strided_slice %get3A_1398 {offsets = [11], sizes = [1], strides = [1]} : vector<16xi32> to vector<1xi32>
    %squeeze3A_1400 = vector.extract %slice3A_1399[0] : i32 from vector<1xi32>
    %gt3A_1401 = arith.constant 0 : i32
    %gt3A_1402 = arith.cmpi sgt, %squeeze3A_1400, %gt3A_1401 : i32
    %convert_element_type3A_1403 = arith.extui %gt3A_1402 : i1 to i32
    %cond3A_1404 = arith.constant 0 : i32
    %cond3A_1405 = arith.cmpi ne, %convert_element_type3A_1403, %cond3A_1404 : i32
    scf.if %cond3A_1405 {
      %get3A_1442 = arith.constant 3 : i32
      %get3A_1443 = arith.index_cast %get3A_1442 : i32 to index
      %get3A_1444 = arith.constant 48 : index
      %get3A_1445 = tpu.vector_load %arg5[%get3A_1443, %get3A_1444] {strides = array<i32>} : memref<4x128xi32, #tpu.memory_space<vmem>>, vector<16xi32>,
      %add3A_1446 = arith.constant 48 : i32
      %add3A_1447 = arith.addi %mul3A_2, %add3A_1446 : i32
      %add3A_1448 = arith.constant 1 : i32
      %add3A_1449 = arith.addi %add3A_1447, %add3A_1448 : i32
      %add3A_1450 = vector.broadcast %add3A_1449 : i32 to vector<16xi32>
      %add3A_1451 = arith.addi %iota3A, %add3A_1450 : vector<16xi32>
      %ne3A = arith.constant 0 : i32
      %ne3A_1452 = vector.broadcast %ne3A : i32 to vector<16xi32>
      %ne3A_1453 = arith.cmpi ne, %get3A_1445, %ne3A_1452 : vector<16xi32>
      %jit3A_1454 = arith.constant 0 : i32
      %broadcast_in_dim3A_1455 = vector.broadcast %jit3A_1454 : i32 to vector<16xi32>
      %select_n3A_1456 = arith.select %ne3A_1453, %add3A_1451, %broadcast_in_dim3A_1455 : vector<16xi1>, vector<16xi32>
      %dma_start3A_1457 = arith.constant 0 : i32
      %dma_start3A_1458 = arith.constant 0 : i32
      %dma_start3A_1459 = tpu.memref_slice %arg7[%dma_start3A_1457, %dma_start3A_1458] : memref<64x1024xf32, #tpu.memory_space<vmem>> -> memref<16x1024xf32, #tpu.memory_space<vmem>>
      %dma_start3A_1460 = arith.constant 0 : i32
      %dma_start3A_1461 = arith.constant 0 : i32
      %dma_start3A_1462 = tpu.memref_slice %arg3[%dma_start3A_1460, %dma_start3A_1461] : memref<8192x1024xf32, #tpu.memory_space<hbm>> -> memref<8192x1024xf32, #tpu.memory_space<hbm>>
      tpu.enqueue_indirect_dma source(%dma_start3A_1462 : memref<8192x1024xf32, #tpu.memory_space<hbm>>) target(%dma_start3A_1459 : memref<16x1024xf32, #tpu.memory_space<vmem>>) offsets(%select_n3A_1456 : vector<16xi32>) semaphore(%arg15 : memref<!tpu.dma_semaphore, #tpu.memory_space<semaphore_mem>>)
      %dma_wait3A_1463 = arith.constant 0 : i32
      %dma_wait3A_1464 = arith.constant 0 : i32
      %dma_wait3A_1465 = tpu.memref_slice %arg7[%dma_wait3A_1463, %dma_wait3A_1464] : memref<64x1024xf32, #tpu.memory_space<vmem>> -> memref<16x1024xf32, #tpu.memory_space<vmem>>
      %dma_wait3A_1466 = arith.constant 0 : i32
      %dma_wait3A_1467 = arith.constant 0 : i32
      %dma_wait3A_1468 = tpu.memref_slice %arg3[%dma_wait3A_1466, %dma_wait3A_1467] : memref<8192x1024xf32, #tpu.memory_space<hbm>> -> memref<8192x1024xf32, #tpu.memory_space<hbm>>
      tpu.wait_indirect_dma semaphore(%arg15 : memref<!tpu.dma_semaphore, #tpu.memory_space<semaphore_mem>>) src(%dma_wait3A_1468 : memref<8192x1024xf32, #tpu.memory_space<hbm>>) dst(%dma_wait3A_1465 : memref<16x1024xf32, #tpu.memory_space<vmem>>)
      %add3A_1469 = arith.constant 48 : i32
      %add3A_1470 = arith.addi %mul3A_2, %add3A_1469 : i32
      %dma_start3A_1471 = arith.constant 3 : i32
      %dma_start3A_1472 = arith.constant 0 : i32
      %dma_start3A_1473 = arith.constant 0 : i32
      %dma_start3A_1474 = tpu.memref_slice %arg7[%dma_start3A_1472, %dma_start3A_1473] : memref<64x1024xf32, #tpu.memory_space<vmem>> -> memref<16x1024xf32, #tpu.memory_space<vmem>>
      %dma_start3A_1475 = arith.constant 0 : i32
      %dma_start3A_1476 = tpu.memref_slice %arg4[%dma_start3A_1471, %add3A_1470, %dma_start3A_1475] : memref<4x4096x1024xf32, #tpu.memory_space<hbm>> -> memref<1x16x1024xf32, #tpu.memory_space<hbm>>
      %dma_start3A_1477 = tpu.memref_squeeze %dma_start3A_1476 : memref<1x16x1024xf32, #tpu.memory_space<hbm>> -> memref<16x1024xf32, #tpu.memory_space<hbm>>
      %dma_start3A_1478 = arith.constant 0 : i32
      %dma_start3A_1479 = tpu.memref_slice %arg4[%dma_start3A_1471, %add3A_1470, %dma_start3A_1478] : memref<4x4096x1024xf32, #tpu.memory_space<hbm>> -> memref<1x16x1024xf32, #tpu.memory_space<hbm>>
      %dma_start3A_1480 = tpu.memref_squeeze %dma_start3A_1479 : memref<1x16x1024xf32, #tpu.memory_space<hbm>> -> memref<16x1024xf32, #tpu.memory_space<hbm>>
      %dma_start3A_1481 = arith.constant 0 : i32
      %dma_start3A_1482 = arith.constant 0 : i32
      %dma_start3A_1483 = tpu.memref_slice %arg7[%dma_start3A_1481, %dma_start3A_1482] : memref<64x1024xf32, #tpu.memory_space<vmem>> -> memref<16x1024xf32, #tpu.memory_space<vmem>>
      tpu.enqueue_dma source(%dma_start3A_1483 : memref<16x1024xf32, #tpu.memory_space<vmem>>) target(%dma_start3A_1480 : memref<16x1024xf32, #tpu.memory_space<hbm>>) target_semaphore(%arg15 : memref<!tpu.dma_semaphore, #tpu.memory_space<semaphore_mem>>)
      %dma_wait3A_1484 = arith.constant 3 : i32
      %dma_wait3A_1485 = arith.constant 0 : i32
      %dma_wait3A_1486 = arith.constant 0 : i32
      %dma_wait3A_1487 = tpu.memref_slice %arg7[%dma_wait3A_1485, %dma_wait3A_1486] : memref<64x1024xf32, #tpu.memory_space<vmem>> -> memref<16x1024xf32, #tpu.memory_space<vmem>>
      %dma_wait3A_1488 = arith.constant 0 : i32
      %dma_wait3A_1489 = tpu.memref_slice %arg4[%dma_wait3A_1484, %add3A_1470, %dma_wait3A_1488] : memref<4x4096x1024xf32, #tpu.memory_space<hbm>> -> memref<1x16x1024xf32, #tpu.memory_space<hbm>>
      %dma_wait3A_1490 = tpu.memref_squeeze %dma_wait3A_1489 : memref<1x16x1024xf32, #tpu.memory_space<hbm>> -> memref<16x1024xf32, #tpu.memory_space<hbm>>
      %dma_wait3A_1491 = arith.constant 0 : i32
      %dma_wait3A_1492 = tpu.memref_slice %arg4[%dma_wait3A_1484, %add3A_1470, %dma_wait3A_1491] : memref<4x4096x1024xf32, #tpu.memory_space<hbm>> -> memref<1x16x1024xf32, #tpu.memory_space<hbm>>
      %dma_wait3A_1493 = tpu.memref_squeeze %dma_wait3A_1492 : memref<1x16x1024xf32, #tpu.memory_space<hbm>> -> memref<16x1024xf32, #tpu.memory_space<hbm>>
      %dma_wait3A_1494 = arith.constant 0 : i32
      %dma_wait3A_1495 = arith.constant 0 : i32
      %dma_wait3A_1496 = tpu.memref_slice %arg7[%dma_wait3A_1494, %dma_wait3A_1495] : memref<64x1024xf32, #tpu.memory_space<vmem>> -> memref<16x1024xf32, #tpu.memory_space<vmem>>
      tpu.wait_dma2 semaphore(%arg15 : memref<!tpu.dma_semaphore, #tpu.memory_space<semaphore_mem>>) src(%dma_wait3A_1496 : memref<16x1024xf32, #tpu.memory_space<vmem>>) dst(%dma_wait3A_1493 : memref<16x1024xf32, #tpu.memory_space<hbm>>)
    } else {
    }
    %get3A_1406 = arith.constant 16 : index
    %get3A_1407 = tpu.vector_load %arg9[%get3A_1406] {strides = array<i32>} : memref<32xi32, #tpu.memory_space<vmem>>, vector<16xi32>,
    %slice3A_1408 = vector.extract_strided_slice %get3A_1407 {offsets = [12], sizes = [1], strides = [1]} : vector<16xi32> to vector<1xi32>
    %squeeze3A_1409 = vector.extract %slice3A_1408[0] : i32 from vector<1xi32>
    %gt3A_1410 = arith.constant 0 : i32
    %gt3A_1411 = arith.cmpi sgt, %squeeze3A_1409, %gt3A_1410 : i32
    %convert_element_type3A_1412 = arith.extui %gt3A_1411 : i1 to i32
    %cond3A_1413 = arith.constant 0 : i32
    %cond3A_1414 = arith.cmpi ne, %convert_element_type3A_1412, %cond3A_1413 : i32
    scf.if %cond3A_1414 {
      %get3A_1442 = arith.constant 3 : i32
      %get3A_1443 = arith.index_cast %get3A_1442 : i32 to index
      %get3A_1444 = arith.constant 64 : index
      %get3A_1445 = tpu.vector_load %arg5[%get3A_1443, %get3A_1444] {strides = array<i32>} : memref<4x128xi32, #tpu.memory_space<vmem>>, vector<16xi32>,
      %add3A_1446 = arith.constant 64 : i32
      %add3A_1447 = arith.addi %mul3A_2, %add3A_1446 : i32
      %add3A_1448 = arith.constant 1 : i32
      %add3A_1449 = arith.addi %add3A_1447, %add3A_1448 : i32
      %add3A_1450 = vector.broadcast %add3A_1449 : i32 to vector<16xi32>
      %add3A_1451 = arith.addi %iota3A, %add3A_1450 : vector<16xi32>
      %ne3A = arith.constant 0 : i32
      %ne3A_1452 = vector.broadcast %ne3A : i32 to vector<16xi32>
      %ne3A_1453 = arith.cmpi ne, %get3A_1445, %ne3A_1452 : vector<16xi32>
      %jit3A_1454 = arith.constant 0 : i32
      %broadcast_in_dim3A_1455 = vector.broadcast %jit3A_1454 : i32 to vector<16xi32>
      %select_n3A_1456 = arith.select %ne3A_1453, %add3A_1451, %broadcast_in_dim3A_1455 : vector<16xi1>, vector<16xi32>
      %dma_start3A_1457 = arith.constant 0 : i32
      %dma_start3A_1458 = arith.constant 0 : i32
      %dma_start3A_1459 = tpu.memref_slice %arg7[%dma_start3A_1457, %dma_start3A_1458] : memref<64x1024xf32, #tpu.memory_space<vmem>> -> memref<16x1024xf32, #tpu.memory_space<vmem>>
      %dma_start3A_1460 = arith.constant 0 : i32
      %dma_start3A_1461 = arith.constant 0 : i32
      %dma_start3A_1462 = tpu.memref_slice %arg3[%dma_start3A_1460, %dma_start3A_1461] : memref<8192x1024xf32, #tpu.memory_space<hbm>> -> memref<8192x1024xf32, #tpu.memory_space<hbm>>
      tpu.enqueue_indirect_dma source(%dma_start3A_1462 : memref<8192x1024xf32, #tpu.memory_space<hbm>>) target(%dma_start3A_1459 : memref<16x1024xf32, #tpu.memory_space<vmem>>) offsets(%select_n3A_1456 : vector<16xi32>) semaphore(%arg15 : memref<!tpu.dma_semaphore, #tpu.memory_space<semaphore_mem>>)
      %dma_wait3A_1463 = arith.constant 0 : i32
      %dma_wait3A_1464 = arith.constant 0 : i32
      %dma_wait3A_1465 = tpu.memref_slice %arg7[%dma_wait3A_1463, %dma_wait3A_1464] : memref<64x1024xf32, #tpu.memory_space<vmem>> -> memref<16x1024xf32, #tpu.memory_space<vmem>>
      %dma_wait3A_1466 = arith.constant 0 : i32
      %dma_wait3A_1467 = arith.constant 0 : i32
      %dma_wait3A_1468 = tpu.memref_slice %arg3[%dma_wait3A_1466, %dma_wait3A_1467] : memref<8192x1024xf32, #tpu.memory_space<hbm>> -> memref<8192x1024xf32, #tpu.memory_space<hbm>>
      tpu.wait_indirect_dma semaphore(%arg15 : memref<!tpu.dma_semaphore, #tpu.memory_space<semaphore_mem>>) src(%dma_wait3A_1468 : memref<8192x1024xf32, #tpu.memory_space<hbm>>) dst(%dma_wait3A_1465 : memref<16x1024xf32, #tpu.memory_space<vmem>>)
      %add3A_1469 = arith.constant 64 : i32
      %add3A_1470 = arith.addi %mul3A_2, %add3A_1469 : i32
      %dma_start3A_1471 = arith.constant 3 : i32
      %dma_start3A_1472 = arith.constant 0 : i32
      %dma_start3A_1473 = arith.constant 0 : i32
      %dma_start3A_1474 = tpu.memref_slice %arg7[%dma_start3A_1472, %dma_start3A_1473] : memref<64x1024xf32, #tpu.memory_space<vmem>> -> memref<16x1024xf32, #tpu.memory_space<vmem>>
      %dma_start3A_1475 = arith.constant 0 : i32
      %dma_start3A_1476 = tpu.memref_slice %arg4[%dma_start3A_1471, %add3A_1470, %dma_start3A_1475] : memref<4x4096x1024xf32, #tpu.memory_space<hbm>> -> memref<1x16x1024xf32, #tpu.memory_space<hbm>>
      %dma_start3A_1477 = tpu.memref_squeeze %dma_start3A_1476 : memref<1x16x1024xf32, #tpu.memory_space<hbm>> -> memref<16x1024xf32, #tpu.memory_space<hbm>>
      %dma_start3A_1478 = arith.constant 0 : i32
      %dma_start3A_1479 = tpu.memref_slice %arg4[%dma_start3A_1471, %add3A_1470, %dma_start3A_1478] : memref<4x4096x1024xf32, #tpu.memory_space<hbm>> -> memref<1x16x1024xf32, #tpu.memory_space<hbm>>
      %dma_start3A_1480 = tpu.memref_squeeze %dma_start3A_1479 : memref<1x16x1024xf32, #tpu.memory_space<hbm>> -> memref<16x1024xf32, #tpu.memory_space<hbm>>
      %dma_start3A_1481 = arith.constant 0 : i32
      %dma_start3A_1482 = arith.constant 0 : i32
      %dma_start3A_1483 = tpu.memref_slice %arg7[%dma_start3A_1481, %dma_start3A_1482] : memref<64x1024xf32, #tpu.memory_space<vmem>> -> memref<16x1024xf32, #tpu.memory_space<vmem>>
      tpu.enqueue_dma source(%dma_start3A_1483 : memref<16x1024xf32, #tpu.memory_space<vmem>>) target(%dma_start3A_1480 : memref<16x1024xf32, #tpu.memory_space<hbm>>) target_semaphore(%arg15 : memref<!tpu.dma_semaphore, #tpu.memory_space<semaphore_mem>>)
      %dma_wait3A_1484 = arith.constant 3 : i32
      %dma_wait3A_1485 = arith.constant 0 : i32
      %dma_wait3A_1486 = arith.constant 0 : i32
      %dma_wait3A_1487 = tpu.memref_slice %arg7[%dma_wait3A_1485, %dma_wait3A_1486] : memref<64x1024xf32, #tpu.memory_space<vmem>> -> memref<16x1024xf32, #tpu.memory_space<vmem>>
      %dma_wait3A_1488 = arith.constant 0 : i32
      %dma_wait3A_1489 = tpu.memref_slice %arg4[%dma_wait3A_1484, %add3A_1470, %dma_wait3A_1488] : memref<4x4096x1024xf32, #tpu.memory_space<hbm>> -> memref<1x16x1024xf32, #tpu.memory_space<hbm>>
      %dma_wait3A_1490 = tpu.memref_squeeze %dma_wait3A_1489 : memref<1x16x1024xf32, #tpu.memory_space<hbm>> -> memref<16x1024xf32, #tpu.memory_space<hbm>>
      %dma_wait3A_1491 = arith.constant 0 : i32
      %dma_wait3A_1492 = tpu.memref_slice %arg4[%dma_wait3A_1484, %add3A_1470, %dma_wait3A_1491] : memref<4x4096x1024xf32, #tpu.memory_space<hbm>> -> memref<1x16x1024xf32, #tpu.memory_space<hbm>>
      %dma_wait3A_1493 = tpu.memref_squeeze %dma_wait3A_1492 : memref<1x16x1024xf32, #tpu.memory_space<hbm>> -> memref<16x1024xf32, #tpu.memory_space<hbm>>
      %dma_wait3A_1494 = arith.constant 0 : i32
      %dma_wait3A_1495 = arith.constant 0 : i32
      %dma_wait3A_1496 = tpu.memref_slice %arg7[%dma_wait3A_1494, %dma_wait3A_1495] : memref<64x1024xf32, #tpu.memory_space<vmem>> -> memref<16x1024xf32, #tpu.memory_space<vmem>>
      tpu.wait_dma2 semaphore(%arg15 : memref<!tpu.dma_semaphore, #tpu.memory_space<semaphore_mem>>) src(%dma_wait3A_1496 : memref<16x1024xf32, #tpu.memory_space<vmem>>) dst(%dma_wait3A_1493 : memref<16x1024xf32, #tpu.memory_space<hbm>>)
    } else {
    }
    %get3A_1415 = arith.constant 16 : index
    %get3A_1416 = tpu.vector_load %arg9[%get3A_1415] {strides = array<i32>} : memref<32xi32, #tpu.memory_space<vmem>>, vector<16xi32>,
    %slice3A_1417 = vector.extract_strided_slice %get3A_1416 {offsets = [13], sizes = [1], strides = [1]} : vector<16xi32> to vector<1xi32>
    %squeeze3A_1418 = vector.extract %slice3A_1417[0] : i32 from vector<1xi32>
    %gt3A_1419 = arith.constant 0 : i32
    %gt3A_1420 = arith.cmpi sgt, %squeeze3A_1418, %gt3A_1419 : i32
    %convert_element_type3A_1421 = arith.extui %gt3A_1420 : i1 to i32
    %cond3A_1422 = arith.constant 0 : i32
    %cond3A_1423 = arith.cmpi ne, %convert_element_type3A_1421, %cond3A_1422 : i32
    scf.if %cond3A_1423 {
      %get3A_1442 = arith.constant 3 : i32
      %get3A_1443 = arith.index_cast %get3A_1442 : i32 to index
      %get3A_1444 = arith.constant 80 : index
      %get3A_1445 = tpu.vector_load %arg5[%get3A_1443, %get3A_1444] {strides = array<i32>} : memref<4x128xi32, #tpu.memory_space<vmem>>, vector<16xi32>,
      %add3A_1446 = arith.constant 80 : i32
      %add3A_1447 = arith.addi %mul3A_2, %add3A_1446 : i32
      %add3A_1448 = arith.constant 1 : i32
      %add3A_1449 = arith.addi %add3A_1447, %add3A_1448 : i32
      %add3A_1450 = vector.broadcast %add3A_1449 : i32 to vector<16xi32>
      %add3A_1451 = arith.addi %iota3A, %add3A_1450 : vector<16xi32>
      %ne3A = arith.constant 0 : i32
      %ne3A_1452 = vector.broadcast %ne3A : i32 to vector<16xi32>
      %ne3A_1453 = arith.cmpi ne, %get3A_1445, %ne3A_1452 : vector<16xi32>
      %jit3A_1454 = arith.constant 0 : i32
      %broadcast_in_dim3A_1455 = vector.broadcast %jit3A_1454 : i32 to vector<16xi32>
      %select_n3A_1456 = arith.select %ne3A_1453, %add3A_1451, %broadcast_in_dim3A_1455 : vector<16xi1>, vector<16xi32>
      %dma_start3A_1457 = arith.constant 0 : i32
      %dma_start3A_1458 = arith.constant 0 : i32
      %dma_start3A_1459 = tpu.memref_slice %arg7[%dma_start3A_1457, %dma_start3A_1458] : memref<64x1024xf32, #tpu.memory_space<vmem>> -> memref<16x1024xf32, #tpu.memory_space<vmem>>
      %dma_start3A_1460 = arith.constant 0 : i32
      %dma_start3A_1461 = arith.constant 0 : i32
      %dma_start3A_1462 = tpu.memref_slice %arg3[%dma_start3A_1460, %dma_start3A_1461] : memref<8192x1024xf32, #tpu.memory_space<hbm>> -> memref<8192x1024xf32, #tpu.memory_space<hbm>>
      tpu.enqueue_indirect_dma source(%dma_start3A_1462 : memref<8192x1024xf32, #tpu.memory_space<hbm>>) target(%dma_start3A_1459 : memref<16x1024xf32, #tpu.memory_space<vmem>>) offsets(%select_n3A_1456 : vector<16xi32>) semaphore(%arg15 : memref<!tpu.dma_semaphore, #tpu.memory_space<semaphore_mem>>)
      %dma_wait3A_1463 = arith.constant 0 : i32
      %dma_wait3A_1464 = arith.constant 0 : i32
      %dma_wait3A_1465 = tpu.memref_slice %arg7[%dma_wait3A_1463, %dma_wait3A_1464] : memref<64x1024xf32, #tpu.memory_space<vmem>> -> memref<16x1024xf32, #tpu.memory_space<vmem>>
      %dma_wait3A_1466 = arith.constant 0 : i32
      %dma_wait3A_1467 = arith.constant 0 : i32
      %dma_wait3A_1468 = tpu.memref_slice %arg3[%dma_wait3A_1466, %dma_wait3A_1467] : memref<8192x1024xf32, #tpu.memory_space<hbm>> -> memref<8192x1024xf32, #tpu.memory_space<hbm>>
      tpu.wait_indirect_dma semaphore(%arg15 : memref<!tpu.dma_semaphore, #tpu.memory_space<semaphore_mem>>) src(%dma_wait3A_1468 : memref<8192x1024xf32, #tpu.memory_space<hbm>>) dst(%dma_wait3A_1465 : memref<16x1024xf32, #tpu.memory_space<vmem>>)
      %add3A_1469 = arith.constant 80 : i32
      %add3A_1470 = arith.addi %mul3A_2, %add3A_1469 : i32
      %dma_start3A_1471 = arith.constant 3 : i32
      %dma_start3A_1472 = arith.constant 0 : i32
      %dma_start3A_1473 = arith.constant 0 : i32
      %dma_start3A_1474 = tpu.memref_slice %arg7[%dma_start3A_1472, %dma_start3A_1473] : memref<64x1024xf32, #tpu.memory_space<vmem>> -> memref<16x1024xf32, #tpu.memory_space<vmem>>
      %dma_start3A_1475 = arith.constant 0 : i32
      %dma_start3A_1476 = tpu.memref_slice %arg4[%dma_start3A_1471, %add3A_1470, %dma_start3A_1475] : memref<4x4096x1024xf32, #tpu.memory_space<hbm>> -> memref<1x16x1024xf32, #tpu.memory_space<hbm>>
      %dma_start3A_1477 = tpu.memref_squeeze %dma_start3A_1476 : memref<1x16x1024xf32, #tpu.memory_space<hbm>> -> memref<16x1024xf32, #tpu.memory_space<hbm>>
      %dma_start3A_1478 = arith.constant 0 : i32
      %dma_start3A_1479 = tpu.memref_slice %arg4[%dma_start3A_1471, %add3A_1470, %dma_start3A_1478] : memref<4x4096x1024xf32, #tpu.memory_space<hbm>> -> memref<1x16x1024xf32, #tpu.memory_space<hbm>>
      %dma_start3A_1480 = tpu.memref_squeeze %dma_start3A_1479 : memref<1x16x1024xf32, #tpu.memory_space<hbm>> -> memref<16x1024xf32, #tpu.memory_space<hbm>>
      %dma_start3A_1481 = arith.constant 0 : i32
      %dma_start3A_1482 = arith.constant 0 : i32
      %dma_start3A_1483 = tpu.memref_slice %arg7[%dma_start3A_1481, %dma_start3A_1482] : memref<64x1024xf32, #tpu.memory_space<vmem>> -> memref<16x1024xf32, #tpu.memory_space<vmem>>
      tpu.enqueue_dma source(%dma_start3A_1483 : memref<16x1024xf32, #tpu.memory_space<vmem>>) target(%dma_start3A_1480 : memref<16x1024xf32, #tpu.memory_space<hbm>>) target_semaphore(%arg15 : memref<!tpu.dma_semaphore, #tpu.memory_space<semaphore_mem>>)
      %dma_wait3A_1484 = arith.constant 3 : i32
      %dma_wait3A_1485 = arith.constant 0 : i32
      %dma_wait3A_1486 = arith.constant 0 : i32
      %dma_wait3A_1487 = tpu.memref_slice %arg7[%dma_wait3A_1485, %dma_wait3A_1486] : memref<64x1024xf32, #tpu.memory_space<vmem>> -> memref<16x1024xf32, #tpu.memory_space<vmem>>
      %dma_wait3A_1488 = arith.constant 0 : i32
      %dma_wait3A_1489 = tpu.memref_slice %arg4[%dma_wait3A_1484, %add3A_1470, %dma_wait3A_1488] : memref<4x4096x1024xf32, #tpu.memory_space<hbm>> -> memref<1x16x1024xf32, #tpu.memory_space<hbm>>
      %dma_wait3A_1490 = tpu.memref_squeeze %dma_wait3A_1489 : memref<1x16x1024xf32, #tpu.memory_space<hbm>> -> memref<16x1024xf32, #tpu.memory_space<hbm>>
      %dma_wait3A_1491 = arith.constant 0 : i32
      %dma_wait3A_1492 = tpu.memref_slice %arg4[%dma_wait3A_1484, %add3A_1470, %dma_wait3A_1491] : memref<4x4096x1024xf32, #tpu.memory_space<hbm>> -> memref<1x16x1024xf32, #tpu.memory_space<hbm>>
      %dma_wait3A_1493 = tpu.memref_squeeze %dma_wait3A_1492 : memref<1x16x1024xf32, #tpu.memory_space<hbm>> -> memref<16x1024xf32, #tpu.memory_space<hbm>>
      %dma_wait3A_1494 = arith.constant 0 : i32
      %dma_wait3A_1495 = arith.constant 0 : i32
      %dma_wait3A_1496 = tpu.memref_slice %arg7[%dma_wait3A_1494, %dma_wait3A_1495] : memref<64x1024xf32, #tpu.memory_space<vmem>> -> memref<16x1024xf32, #tpu.memory_space<vmem>>
      tpu.wait_dma2 semaphore(%arg15 : memref<!tpu.dma_semaphore, #tpu.memory_space<semaphore_mem>>) src(%dma_wait3A_1496 : memref<16x1024xf32, #tpu.memory_space<vmem>>) dst(%dma_wait3A_1493 : memref<16x1024xf32, #tpu.memory_space<hbm>>)
    } else {
    }
    %get3A_1424 = arith.constant 16 : index
    %get3A_1425 = tpu.vector_load %arg9[%get3A_1424] {strides = array<i32>} : memref<32xi32, #tpu.memory_space<vmem>>, vector<16xi32>,
    %slice3A_1426 = vector.extract_strided_slice %get3A_1425 {offsets = [14], sizes = [1], strides = [1]} : vector<16xi32> to vector<1xi32>
    %squeeze3A_1427 = vector.extract %slice3A_1426[0] : i32 from vector<1xi32>
    %gt3A_1428 = arith.constant 0 : i32
    %gt3A_1429 = arith.cmpi sgt, %squeeze3A_1427, %gt3A_1428 : i32
    %convert_element_type3A_1430 = arith.extui %gt3A_1429 : i1 to i32
    %cond3A_1431 = arith.constant 0 : i32
    %cond3A_1432 = arith.cmpi ne, %convert_element_type3A_1430, %cond3A_1431 : i32
    scf.if %cond3A_1432 {
      %get3A_1442 = arith.constant 3 : i32
      %get3A_1443 = arith.index_cast %get3A_1442 : i32 to index
      %get3A_1444 = arith.constant 96 : index
      %get3A_1445 = tpu.vector_load %arg5[%get3A_1443, %get3A_1444] {strides = array<i32>} : memref<4x128xi32, #tpu.memory_space<vmem>>, vector<16xi32>,
      %add3A_1446 = arith.constant 96 : i32
      %add3A_1447 = arith.addi %mul3A_2, %add3A_1446 : i32
      %add3A_1448 = arith.constant 1 : i32
      %add3A_1449 = arith.addi %add3A_1447, %add3A_1448 : i32
      %add3A_1450 = vector.broadcast %add3A_1449 : i32 to vector<16xi32>
      %add3A_1451 = arith.addi %iota3A, %add3A_1450 : vector<16xi32>
      %ne3A = arith.constant 0 : i32
      %ne3A_1452 = vector.broadcast %ne3A : i32 to vector<16xi32>
      %ne3A_1453 = arith.cmpi ne, %get3A_1445, %ne3A_1452 : vector<16xi32>
      %jit3A_1454 = arith.constant 0 : i32
      %broadcast_in_dim3A_1455 = vector.broadcast %jit3A_1454 : i32 to vector<16xi32>
      %select_n3A_1456 = arith.select %ne3A_1453, %add3A_1451, %broadcast_in_dim3A_1455 : vector<16xi1>, vector<16xi32>
      %dma_start3A_1457 = arith.constant 0 : i32
      %dma_start3A_1458 = arith.constant 0 : i32
      %dma_start3A_1459 = tpu.memref_slice %arg7[%dma_start3A_1457, %dma_start3A_1458] : memref<64x1024xf32, #tpu.memory_space<vmem>> -> memref<16x1024xf32, #tpu.memory_space<vmem>>
      %dma_start3A_1460 = arith.constant 0 : i32
      %dma_start3A_1461 = arith.constant 0 : i32
      %dma_start3A_1462 = tpu.memref_slice %arg3[%dma_start3A_1460, %dma_start3A_1461] : memref<8192x1024xf32, #tpu.memory_space<hbm>> -> memref<8192x1024xf32, #tpu.memory_space<hbm>>
      tpu.enqueue_indirect_dma source(%dma_start3A_1462 : memref<8192x1024xf32, #tpu.memory_space<hbm>>) target(%dma_start3A_1459 : memref<16x1024xf32, #tpu.memory_space<vmem>>) offsets(%select_n3A_1456 : vector<16xi32>) semaphore(%arg15 : memref<!tpu.dma_semaphore, #tpu.memory_space<semaphore_mem>>)
      %dma_wait3A_1463 = arith.constant 0 : i32
      %dma_wait3A_1464 = arith.constant 0 : i32
      %dma_wait3A_1465 = tpu.memref_slice %arg7[%dma_wait3A_1463, %dma_wait3A_1464] : memref<64x1024xf32, #tpu.memory_space<vmem>> -> memref<16x1024xf32, #tpu.memory_space<vmem>>
      %dma_wait3A_1466 = arith.constant 0 : i32
      %dma_wait3A_1467 = arith.constant 0 : i32
      %dma_wait3A_1468 = tpu.memref_slice %arg3[%dma_wait3A_1466, %dma_wait3A_1467] : memref<8192x1024xf32, #tpu.memory_space<hbm>> -> memref<8192x1024xf32, #tpu.memory_space<hbm>>
      tpu.wait_indirect_dma semaphore(%arg15 : memref<!tpu.dma_semaphore, #tpu.memory_space<semaphore_mem>>) src(%dma_wait3A_1468 : memref<8192x1024xf32, #tpu.memory_space<hbm>>) dst(%dma_wait3A_1465 : memref<16x1024xf32, #tpu.memory_space<vmem>>)
      %add3A_1469 = arith.constant 96 : i32
      %add3A_1470 = arith.addi %mul3A_2, %add3A_1469 : i32
      %dma_start3A_1471 = arith.constant 3 : i32
      %dma_start3A_1472 = arith.constant 0 : i32
      %dma_start3A_1473 = arith.constant 0 : i32
      %dma_start3A_1474 = tpu.memref_slice %arg7[%dma_start3A_1472, %dma_start3A_1473] : memref<64x1024xf32, #tpu.memory_space<vmem>> -> memref<16x1024xf32, #tpu.memory_space<vmem>>
      %dma_start3A_1475 = arith.constant 0 : i32
      %dma_start3A_1476 = tpu.memref_slice %arg4[%dma_start3A_1471, %add3A_1470, %dma_start3A_1475] : memref<4x4096x1024xf32, #tpu.memory_space<hbm>> -> memref<1x16x1024xf32, #tpu.memory_space<hbm>>
      %dma_start3A_1477 = tpu.memref_squeeze %dma_start3A_1476 : memref<1x16x1024xf32, #tpu.memory_space<hbm>> -> memref<16x1024xf32, #tpu.memory_space<hbm>>
      %dma_start3A_1478 = arith.constant 0 : i32
      %dma_start3A_1479 = tpu.memref_slice %arg4[%dma_start3A_1471, %add3A_1470, %dma_start3A_1478] : memref<4x4096x1024xf32, #tpu.memory_space<hbm>> -> memref<1x16x1024xf32, #tpu.memory_space<hbm>>
      %dma_start3A_1480 = tpu.memref_squeeze %dma_start3A_1479 : memref<1x16x1024xf32, #tpu.memory_space<hbm>> -> memref<16x1024xf32, #tpu.memory_space<hbm>>
      %dma_start3A_1481 = arith.constant 0 : i32
      %dma_start3A_1482 = arith.constant 0 : i32
      %dma_start3A_1483 = tpu.memref_slice %arg7[%dma_start3A_1481, %dma_start3A_1482] : memref<64x1024xf32, #tpu.memory_space<vmem>> -> memref<16x1024xf32, #tpu.memory_space<vmem>>
      tpu.enqueue_dma source(%dma_start3A_1483 : memref<16x1024xf32, #tpu.memory_space<vmem>>) target(%dma_start3A_1480 : memref<16x1024xf32, #tpu.memory_space<hbm>>) target_semaphore(%arg15 : memref<!tpu.dma_semaphore, #tpu.memory_space<semaphore_mem>>)
      %dma_wait3A_1484 = arith.constant 3 : i32
      %dma_wait3A_1485 = arith.constant 0 : i32
      %dma_wait3A_1486 = arith.constant 0 : i32
      %dma_wait3A_1487 = tpu.memref_slice %arg7[%dma_wait3A_1485, %dma_wait3A_1486] : memref<64x1024xf32, #tpu.memory_space<vmem>> -> memref<16x1024xf32, #tpu.memory_space<vmem>>
      %dma_wait3A_1488 = arith.constant 0 : i32
      %dma_wait3A_1489 = tpu.memref_slice %arg4[%dma_wait3A_1484, %add3A_1470, %dma_wait3A_1488] : memref<4x4096x1024xf32, #tpu.memory_space<hbm>> -> memref<1x16x1024xf32, #tpu.memory_space<hbm>>
      %dma_wait3A_1490 = tpu.memref_squeeze %dma_wait3A_1489 : memref<1x16x1024xf32, #tpu.memory_space<hbm>> -> memref<16x1024xf32, #tpu.memory_space<hbm>>
      %dma_wait3A_1491 = arith.constant 0 : i32
      %dma_wait3A_1492 = tpu.memref_slice %arg4[%dma_wait3A_1484, %add3A_1470, %dma_wait3A_1491] : memref<4x4096x1024xf32, #tpu.memory_space<hbm>> -> memref<1x16x1024xf32, #tpu.memory_space<hbm>>
      %dma_wait3A_1493 = tpu.memref_squeeze %dma_wait3A_1492 : memref<1x16x1024xf32, #tpu.memory_space<hbm>> -> memref<16x1024xf32, #tpu.memory_space<hbm>>
      %dma_wait3A_1494 = arith.constant 0 : i32
      %dma_wait3A_1495 = arith.constant 0 : i32
      %dma_wait3A_1496 = tpu.memref_slice %arg7[%dma_wait3A_1494, %dma_wait3A_1495] : memref<64x1024xf32, #tpu.memory_space<vmem>> -> memref<16x1024xf32, #tpu.memory_space<vmem>>
      tpu.wait_dma2 semaphore(%arg15 : memref<!tpu.dma_semaphore, #tpu.memory_space<semaphore_mem>>) src(%dma_wait3A_1496 : memref<16x1024xf32, #tpu.memory_space<vmem>>) dst(%dma_wait3A_1493 : memref<16x1024xf32, #tpu.memory_space<hbm>>)
    } else {
    }
    %get3A_1433 = arith.constant 16 : index
    %get3A_1434 = tpu.vector_load %arg9[%get3A_1433] {strides = array<i32>} : memref<32xi32, #tpu.memory_space<vmem>>, vector<16xi32>,
    %slice3A_1435 = vector.extract_strided_slice %get3A_1434 {offsets = [15], sizes = [1], strides = [1]} : vector<16xi32> to vector<1xi32>
    %squeeze3A_1436 = vector.extract %slice3A_1435[0] : i32 from vector<1xi32>
    %gt3A_1437 = arith.constant 0 : i32
    %gt3A_1438 = arith.cmpi sgt, %squeeze3A_1436, %gt3A_1437 : i32
    %convert_element_type3A_1439 = arith.extui %gt3A_1438 : i1 to i32
    %cond3A_1440 = arith.constant 0 : i32
    %cond3A_1441 = arith.cmpi ne, %convert_element_type3A_1439, %cond3A_1440 : i32
    scf.if %cond3A_1441 {
      %get3A_1442 = arith.constant 3 : i32
      %get3A_1443 = arith.index_cast %get3A_1442 : i32 to index
      %get3A_1444 = arith.constant 112 : index
      %get3A_1445 = tpu.vector_load %arg5[%get3A_1443, %get3A_1444] {strides = array<i32>} : memref<4x128xi32, #tpu.memory_space<vmem>>, vector<16xi32>,
      %add3A_1446 = arith.constant 112 : i32
      %add3A_1447 = arith.addi %mul3A_2, %add3A_1446 : i32
      %add3A_1448 = arith.constant 1 : i32
      %add3A_1449 = arith.addi %add3A_1447, %add3A_1448 : i32
      %add3A_1450 = vector.broadcast %add3A_1449 : i32 to vector<16xi32>
      %add3A_1451 = arith.addi %iota3A, %add3A_1450 : vector<16xi32>
      %ne3A = arith.constant 0 : i32
      %ne3A_1452 = vector.broadcast %ne3A : i32 to vector<16xi32>
      %ne3A_1453 = arith.cmpi ne, %get3A_1445, %ne3A_1452 : vector<16xi32>
      %jit3A_1454 = arith.constant 0 : i32
      %broadcast_in_dim3A_1455 = vector.broadcast %jit3A_1454 : i32 to vector<16xi32>
      %select_n3A_1456 = arith.select %ne3A_1453, %add3A_1451, %broadcast_in_dim3A_1455 : vector<16xi1>, vector<16xi32>
      %dma_start3A_1457 = arith.constant 0 : i32
      %dma_start3A_1458 = arith.constant 0 : i32
      %dma_start3A_1459 = tpu.memref_slice %arg7[%dma_start3A_1457, %dma_start3A_1458] : memref<64x1024xf32, #tpu.memory_space<vmem>> -> memref<16x1024xf32, #tpu.memory_space<vmem>>
      %dma_start3A_1460 = arith.constant 0 : i32
      %dma_start3A_1461 = arith.constant 0 : i32
      %dma_start3A_1462 = tpu.memref_slice %arg3[%dma_start3A_1460, %dma_start3A_1461] : memref<8192x1024xf32, #tpu.memory_space<hbm>> -> memref<8192x1024xf32, #tpu.memory_space<hbm>>
      tpu.enqueue_indirect_dma source(%dma_start3A_1462 : memref<8192x1024xf32, #tpu.memory_space<hbm>>) target(%dma_start3A_1459 : memref<16x1024xf32, #tpu.memory_space<vmem>>) offsets(%select_n3A_1456 : vector<16xi32>) semaphore(%arg15 : memref<!tpu.dma_semaphore, #tpu.memory_space<semaphore_mem>>)
      %dma_wait3A_1463 = arith.constant 0 : i32
      %dma_wait3A_1464 = arith.constant 0 : i32
      %dma_wait3A_1465 = tpu.memref_slice %arg7[%dma_wait3A_1463, %dma_wait3A_1464] : memref<64x1024xf32, #tpu.memory_space<vmem>> -> memref<16x1024xf32, #tpu.memory_space<vmem>>
      %dma_wait3A_1466 = arith.constant 0 : i32
      %dma_wait3A_1467 = arith.constant 0 : i32
      %dma_wait3A_1468 = tpu.memref_slice %arg3[%dma_wait3A_1466, %dma_wait3A_1467] : memref<8192x1024xf32, #tpu.memory_space<hbm>> -> memref<8192x1024xf32, #tpu.memory_space<hbm>>
      tpu.wait_indirect_dma semaphore(%arg15 : memref<!tpu.dma_semaphore, #tpu.memory_space<semaphore_mem>>) src(%dma_wait3A_1468 : memref<8192x1024xf32, #tpu.memory_space<hbm>>) dst(%dma_wait3A_1465 : memref<16x1024xf32, #tpu.memory_space<vmem>>)
      %add3A_1469 = arith.constant 112 : i32
      %add3A_1470 = arith.addi %mul3A_2, %add3A_1469 : i32
      %dma_start3A_1471 = arith.constant 3 : i32
      %dma_start3A_1472 = arith.constant 0 : i32
      %dma_start3A_1473 = arith.constant 0 : i32
      %dma_start3A_1474 = tpu.memref_slice %arg7[%dma_start3A_1472, %dma_start3A_1473] : memref<64x1024xf32, #tpu.memory_space<vmem>> -> memref<16x1024xf32, #tpu.memory_space<vmem>>
      %dma_start3A_1475 = arith.constant 0 : i32
      %dma_start3A_1476 = tpu.memref_slice %arg4[%dma_start3A_1471, %add3A_1470, %dma_start3A_1475] : memref<4x4096x1024xf32, #tpu.memory_space<hbm>> -> memref<1x16x1024xf32, #tpu.memory_space<hbm>>
      %dma_start3A_1477 = tpu.memref_squeeze %dma_start3A_1476 : memref<1x16x1024xf32, #tpu.memory_space<hbm>> -> memref<16x1024xf32, #tpu.memory_space<hbm>>
      %dma_start3A_1478 = arith.constant 0 : i32
      %dma_start3A_1479 = tpu.memref_slice %arg4[%dma_start3A_1471, %add3A_1470, %dma_start3A_1478] : memref<4x4096x1024xf32, #tpu.memory_space<hbm>> -> memref<1x16x1024xf32, #tpu.memory_space<hbm>>
      %dma_start3A_1480 = tpu.memref_squeeze %dma_start3A_1479 : memref<1x16x1024xf32, #tpu.memory_space<hbm>> -> memref<16x1024xf32, #tpu.memory_space<hbm>>
      %dma_start3A_1481 = arith.constant 0 : i32
      %dma_start3A_1482 = arith.constant 0 : i32
      %dma_start3A_1483 = tpu.memref_slice %arg7[%dma_start3A_1481, %dma_start3A_1482] : memref<64x1024xf32, #tpu.memory_space<vmem>> -> memref<16x1024xf32, #tpu.memory_space<vmem>>
      tpu.enqueue_dma source(%dma_start3A_1483 : memref<16x1024xf32, #tpu.memory_space<vmem>>) target(%dma_start3A_1480 : memref<16x1024xf32, #tpu.memory_space<hbm>>) target_semaphore(%arg15 : memref<!tpu.dma_semaphore, #tpu.memory_space<semaphore_mem>>)
      %dma_wait3A_1484 = arith.constant 3 : i32
      %dma_wait3A_1485 = arith.constant 0 : i32
      %dma_wait3A_1486 = arith.constant 0 : i32
      %dma_wait3A_1487 = tpu.memref_slice %arg7[%dma_wait3A_1485, %dma_wait3A_1486] : memref<64x1024xf32, #tpu.memory_space<vmem>> -> memref<16x1024xf32, #tpu.memory_space<vmem>>
      %dma_wait3A_1488 = arith.constant 0 : i32
      %dma_wait3A_1489 = tpu.memref_slice %arg4[%dma_wait3A_1484, %add3A_1470, %dma_wait3A_1488] : memref<4x4096x1024xf32, #tpu.memory_space<hbm>> -> memref<1x16x1024xf32, #tpu.memory_space<hbm>>
      %dma_wait3A_1490 = tpu.memref_squeeze %dma_wait3A_1489 : memref<1x16x1024xf32, #tpu.memory_space<hbm>> -> memref<16x1024xf32, #tpu.memory_space<hbm>>
      %dma_wait3A_1491 = arith.constant 0 : i32
      %dma_wait3A_1492 = tpu.memref_slice %arg4[%dma_wait3A_1484, %add3A_1470, %dma_wait3A_1491] : memref<4x4096x1024xf32, #tpu.memory_space<hbm>> -> memref<1x16x1024xf32, #tpu.memory_space<hbm>>
      %dma_wait3A_1493 = tpu.memref_squeeze %dma_wait3A_1492 : memref<1x16x1024xf32, #tpu.memory_space<hbm>> -> memref<16x1024xf32, #tpu.memory_space<hbm>>
      %dma_wait3A_1494 = arith.constant 0 : i32
      %dma_wait3A_1495 = arith.constant 0 : i32
      %dma_wait3A_1496 = tpu.memref_slice %arg7[%dma_wait3A_1494, %dma_wait3A_1495] : memref<64x1024xf32, #tpu.memory_space<vmem>> -> memref<16x1024xf32, #tpu.memory_space<vmem>>
      tpu.wait_dma2 semaphore(%arg15 : memref<!tpu.dma_semaphore, #tpu.memory_space<semaphore_mem>>) src(%dma_wait3A_1496 : memref<16x1024xf32, #tpu.memory_space<vmem>>) dst(%dma_wait3A_1493 : memref<16x1024xf32, #tpu.memory_space<hbm>>)
    } else {
    }
    return
  }
}

</mosaic_0001>

<sc_bundles>
// kernel: kernel.3.cloned.1.call-start
scs
__scs_entry_jumppad:
0x0: {  	(pc) =	sbr.rel $0x88, $3  }
0x1: {  	(tag) =	ssettag $0x0;
	lr =	simm.s32 $0x1  }
0x2: {  	[smem:$0x3F9F] =	sst lr;
	_ =	strace $0xD0000000  }
0x3: {  	_ = 	snop  }
0x4: {  	_ = 	snop  }
0x5: {  	_ = 	snop  }
0x6: {  	_ = 	snop  }
0x7: {  	_ = 	snop  }
__scs_overlays_trampoline_lowered:
0x8: {  	[smem:$0x3FAE] =	sst s0  }
0x9: {  	[smem:$0x3FAF] =	sst s1  }
0xa: {  	[smem:$0x3FB0] =	sst s2  }
0xb: {  	[smem:$0x3FB1] =	sst s3  }
0xc: {  	[smem:$0x3FB2] =	sst s4  }
0xd: {  	[smem:$0x3FB3] =	sst s5  }
0xe: {  	[smem:$0x3FB4] =	sst s6  }
0xf: {  	[smem:$0x3FB5] =	sst s7  }
0x10: {  	[smem:$0x3FB6] =	sst s8  }
0x11: {  	[smem:$0x3FB7] =	sst s9;
	s0 =	simm.s32 @!p0 $0x0  }
0x12: {  	s1 =	sld [smem:$0x3F9D];
	s0 =	simm.s32 @p0 $0x1  }
0x13: {  	[smem:$0x3FB8] =	sst s0;
	s0 =	simm.s32 @!p1 $0x0  }
0x14: {  	s2 =	sld [smem:$0x3F9C];
	s0 =	simm.s32 @p1 $0x1  }
0x15: {  	[smem:$0x3FB9] =	sst s0;
	s0 =	simm.s32 @!p2 $0x0  }
0x16: {  	s3 =	sld [smem:$0x3FDB];
	s0 =	simm.s32 @p2 $0x1  }
0x17: {  	s4 =	simm.s32 $0x1BF5;
	[smem:$0x3FBB] =	sst s0  }
0x18: {  	s0 =	sld [smem:$0x3F9E];
	_ =	swait.ge [sflag:s4], $0x0  }
0x19: {  	s7 =	sld [smem:$0x3F9F]  }
0x1a: {  	s8 =	sadd.s32 $0xFFFFE003, lr  }
0x1b: {  	s9 =	sadd.s32 $0xFFFFFEF7, lr;
	s5 =	simm.s32 $0xFFFFFFFF;
	p2 =	slt.u32 s8, $0xFFFFF086  }
0x1c: {  	p1 =	slt.u32 s9, $0xF7A;
	s5 =	simm.s32 @!p2 $0x0  }
0x1d: {  	s5 =	simm.s32 @p1 $0x1;
	p0 =	seq.s32 s7, s2  }
0x1e: {  	s7 =	smul.u32 @!p0 $0xF7A, s2;
	p2 =	seq.s32 @!p0 s5, $0x0  }
0x1f: {  	s9 =	smul.u32 $0xF7A, s1;
	s8 =	simm.s32 @!p0 $0x1BF5;
	p2 =	por !p2, p0  }
0x20: {  	[sflag:s8] =	ssyncset.s32 @!p0 $0xFFFFF086;
	s6 =	sadd.s32 @!p0 s3, s7;
	s7 =	simm.s32 @!p0 $0x108  }
0x21: {  	s3 =	sadd.s32 s3, s9;
	s6 =	sadd.s32 @!p0 $0x88, s6;
	s7 =	simm.s32 @p2 $0x1082  }
0x22: {  	[simem:s7], [sflag:s8] =	dma.local @!p0 [hbm:s6], $0xF7A  }
0x23: {  	s9 =	sor.u32 $0xD0000000, s2;
	s6 =	simm.s32 $0x108;
	_ =	swait.ge @!p0 [sflag:s8], $0x0  }
0x24: {  	s3 =	sadd.s32 $0x88, s3;
	s6 =	simm.s32 @!p1 $0x1082;
	[sflag:s4] =	ssyncset.s32 $0xFFFFF086  }
0x25: {  	[simem:s6], [sflag:s4] =	dma.local [hbm:s3], $0xF7A  }
0x26: {  	[smem:$0x3F9F] =	sst s1;
	(tag) =	ssettag s2;
	_ =	strace s9  }
0x27: {  	s1 =	sld [smem:$0x3FAF]  }
0x28: {  	s2 =	sld [smem:$0x3FB0]  }
0x29: {  	s4 =	sld [smem:$0x3FB2]  }
0x2a: {  	p0 =	seq.s32 s5, $0x0;
	s5 =	sld [smem:$0x3FB3]  }
0x2b: {  	s6 =	sld [smem:$0x3FB4]  }
0x2c: {  	s7 =	sld [smem:$0x3FB5]  }
0x2d: {  	s3 =	simm.s32 $0x108;
	s8 =	sld [smem:$0x3FB6]  }
0x2e: {  	s3 =	simm.s32 @!p0 $0x1082;
	s9 =	sld [smem:$0x3FB7]  }
0x2f: {  	lr =	sadd.s32 s0, s3;
	s0 =	sld [smem:$0x3FAE]  }
0x30: {  	s3 =	sld [smem:$0x3FB1]  }
0x31: {  	[smem:$0x3FBA] =	sst s10  }
0x32: {  	s10 =	sld [smem:$0x3FB8];
	_ =	sdelay $0x3  }
0x33: {  	p0 =	seq.s32 s10, $0x1;
	s10 =	sld [smem:$0x3FBA];
	_ =	sdelay $0x3  }
0x34: {  	[smem:$0x3FBA] =	sst s10  }
0x35: {  	s10 =	sld [smem:$0x3FB9];
	_ =	sdelay $0x3  }
0x36: {  	p1 =	seq.s32 s10, $0x1;
	s10 =	sld [smem:$0x3FBA];
	_ =	sdelay $0x3  }
0x37: {  	[smem:$0x3FBA] =	sst s10  }
0x38: {  	s10 =	sld [smem:$0x3FBB]  }
0x39: {  	_ = 	snop;
	(pc) =	sbr.ind lr, $3  }
0x3a: {  	_ = 	snop  }
0x3b: {  	_ = 	snop  }
0x3c: {  	p2 =	seq.s32 s10, $0x1;
	s10 =	sld [smem:$0x3FBA]  }
0x3d: {  	_ =	shalt  }
0x3e: {  	_ =	shalt  }
0x3f: {  	_ =	shalt  }
0x40: {  	_ =	shalt  }
0x41: {  	_ =	shalt  }
0x42: {  	_ =	shalt  }
0x43: {  	_ =	shalt  }
0x44: {  	_ =	shalt  }
0x45: {  	_ =	shalt  }
0x46: {  	_ =	shalt  }
0x47: {  	_ =	shalt  }
0x48: {  	_ =	shalt  }
0x49: {  	_ =	shalt  }
0x4a: {  	_ =	shalt  }
0x4b: {  	_ =	shalt  }
0x4c: {  	_ =	shalt  }
0x4d: {  	_ =	shalt  }
0x4e: {  	_ =	shalt  }
0x4f: {  	_ =	shalt  }
0x50: {  	_ =	shalt  }
0x51: {  	_ =	shalt  }
0x52: {  	_ =	shalt  }
0x53: {  	_ =	shalt  }
0x54: {  	_ =	shalt  }
0x55: {  	_ =	shalt  }
0x56: {  	_ =	shalt  }
0x57: {  	_ =	shalt  }
0x58: {  	_ =	shalt  }
0x59: {  	_ =	shalt  }
0x5a: {  	_ =	shalt  }
0x5b: {  	_ =	shalt  }
0x5c: {  	_ =	shalt  }
0x5d: {  	_ =	shalt  }
0x5e: {  	_ =	shalt  }
0x5f: {  	_ =	shalt  }
0x60: {  	_ =	shalt  }
0x61: {  	_ =	shalt  }
0x62: {  	_ =	shalt  }
0x63: {  	_ =	shalt  }
0x64: {  	_ =	shalt  }
0x65: {  	_ =	shalt  }
0x66: {  	_ =	shalt  }
0x67: {  	_ =	shalt  }
0x68: {  	_ =	shalt  }
0x69: {  	_ =	shalt  }
0x6a: {  	_ =	shalt  }
0x6b: {  	_ =	shalt  }
0x6c: {  	_ =	shalt  }
0x6d: {  	_ =	shalt  }
0x6e: {  	_ =	shalt  }
0x6f: {  	_ =	shalt  }
0x70: {  	_ =	shalt  }
0x71: {  	_ =	shalt  }
0x72: {  	_ =	shalt  }
0x73: {  	_ =	shalt  }
0x74: {  	_ =	shalt  }
0x75: {  	_ =	shalt  }
0x76: {  	_ =	shalt  }
0x77: {  	_ =	shalt  }
0x78: {  	_ =	shalt  }
0x79: {  	_ =	shalt  }
0x7a: {  	_ =	shalt  }
0x7b: {  	_ =	shalt  }
0x7c: {  	_ =	shalt  }
0x7d: {  	_ =	shalt  }
0x7e: {  	_ =	shalt  }
0x7f: {  	_ =	shalt  }
0x80: {  	_ =	shalt  }
0x81: {  	_ =	shalt  }
0x82: {  	_ =	shalt  }
0x83: {  	_ =	shalt  }
0x84: {  	_ =	shalt  }
0x85: {  	_ =	shalt  }
0x86: {  	_ =	shalt  }
0x87: {  	_ =	shalt  }
.Lfunc_end0:
.L_simem_size_0:
called_computation_lowered:
.L_overlay_start_0:
0x88: {  	s2 =	sld [smem:$0x3FD9]  }
0x89: {  	s3 =	sld [smem:$0x3FFE];
	_ =	sdelay $0x1  }
0x8a: {  	s1 =	srdreg.scid  }
0x8b: {  	s0 =	sand.u32 $0x1, s1  }
0x8c: {  	s18 =	sshll.u32 s0, $0xA;
	s2 =	sadd.s32 s3, s2  }
0x8d: {  	s2 =	sadd.s32 s2, s18  }
0x8e: {  	[smem:$0x3FC6] =	sst s2  }
0x8f: {  	_ = 	snop  }
0x90: {  	s2 =	sld [smem:$0x3FC9]  }
0x91: {  	s19 =	sld [smem:$0x3FC8]  }
0x92: {  	s4 =	sld [smem:$0x3FD0];
	(tm) =	ssettm $0x1  }
0x93: {  	s5 =	sld [smem:$0x3FFB];
	_ =	sdelay $0x3  }
0x94: {  	_ =	strace s5  }
0x95: {  	s5 =	sld [smem:$0x3FFC];
	_ =	sdelay $0x3  }
0x96: {  	_ =	strace s5  }
0x97: {  	s5 =	sld [smem:$0x3FFD];
	_ =	sdelay $0x3  }
0x98: {  	_ =	strace s5  }
0x99: {  	_ =	strace $0x8FFFFFFF  }
0x9a: {  	s20 =	sld [smem:$0x3FDB];
	_ =	sdelay $0x1  }
0x9b: {  	s6 =	simm.s32 $_scs_section_size  }
0x9c: {  	s7 =	simm.s32 $_size__tile_overlayer_lowered;
	s8 =	simm.s32 $_tile_overlayer_lowered  }
0x9d: {  	s23 =	simm.s32 $0x1BFF;
	s22 =	sshll.u32 s8, $0x1;
	s5 =	sadd.s32 s6, s20  }
0x9e: {  	s9 =	simm.s32 $0x0;
	s21 =	sshll.u32 s7, $0x1;
	s7 =	sadd.s32 s22, s5  }
0x9f: {  	[timem:s9], [sflag:s23] =	dma.local [hbm:s7], s21  }
0xa0: {  	_ =	swait.ge [sflag:s23], s21  }
0xa1: {  	s6 =	ssub.s32 $0x0, s21;
	[sflag:s23] =	ssyncset.done $0x0  }
0xa2: {  	[sflag:s23] =	ssyncadd.s32 s6;
	_ =	sdelay $0x1  }
0xa3: {  	s24 =	simm.s32 $0x1B8B  }
0xa4: {  	_ =	swait.ge [sflag:s24], $0x1  }
0xa5: {  	[sflag:s24] =	ssyncset.done $0x0  }
0xa6: {  	s25 =	simm.s32 $0x1B8E;
	[sflag:s24] =	ssyncadd.s32 $0xFFFFFFFF  }
0xa7: {  	s26 =	simm.s32 $execute0_lowered;
	[smem:$0x3FD2] =	sst s25  }
0xa8: {  	s6 =	sshll.u32 s26, $0x1;
	_ =	strace $0x80000046;
	[dreg:$0x1] =	wrdreg $0xFFFFFFFF  }
0xa9: {  	s28 =	simm.s32 $_size_execute0_lowered;
	s5 =	sadd.s32 s5, s6;
	[dreg:$0x0] =	wrdreg $0x0  }
0xaa: {  	s6 =	sshll.u32 s28, $0x1;
	[dreg:$0x2] =	wrdreg s5  }
0xab: {  	[dreg:$0x3] =	wrdreg s6  }
0xac: {  	[dreg:$0x4] =	wrdreg $0xC0  }
0xad: {  	_ =	task [dreg:s9], $0x5FFFF  }
0xae: {  	[dreg:$0x1] =	wrdreg $0xFFFFFFFF  }
0xaf: {  	[dreg:$0x0] =	wrdreg $0x60  }
0xb0: {  	[dreg:$0x2] =	wrdreg s2  }
0xb1: {  	[dreg:$0x3] =	wrdreg s19  }
0xb2: {  	[dreg:$0x4] =	wrdreg s4  }
0xb3: {  	[dreg:$0x5] =	wrdreg $0x9  }
0xb4: {  	_ =	task.clear_ibuf [dreg:s9], $0x6FFFF;
	_ =	strace $0x90000046  }
0xb5: {  	s29 =	simm.s32 $0x9;
	_ =	strace $0x80000048  }
0xb6: {  	_ =	swait.ge [sflag:s29], $0x1  }
0xb7: {  	[sflag:s29] =	ssyncadd.s32 $0xFFFFFFFF  }
0xb8: {  	_ =	strace $0x90000048  }
0xb9: {  	_ =	sfence  }
0xba: {  	s30 =	sld [smem:$0x0];
	_ =	sdelay $0x2  }
0xbb: {  	s31 =	sshll.u32 s1, $0xD;
	s1 =	sshrl.u32 s1, $0x2  }
0xbc: {  	s3 =	sand.u32 $0x4000, s31;
	s1 =	sadd.s32 s1, s30  }
0xbd: {  	s0 =	sor.u32 s3, s0;
	s1 =	sshll.u32 s1, $0x11  }
0xbe: {  	s0 =	sor.u32 s1, s0  }
0xbf: {  	s0 =	sadd.s32 $0x8F2B, s0  }
0xc0: {  	[sflag:s0] =	ssyncadd.remote.s32 $0x1  }
0xc1: {  	_ =	sfence.sel $0xFFFF  }
0xc2: {  	[dreg:$0x0] =	wrdreg $0xFFFFFFFF;
	(pc) =	sbr.abs _section_cstart, $3  }
0xc3: {  	[dreg:$0x1] =	wrdreg $0xFFFFFFFF  }
0xc4: {  	_ =	task.clear_ibuf [dreg:s9], $0x2FFFF;
	_ =	strace $0x9FFFFFFF  }
0xc5: {  	(tm) =	ssettm $0x7FFFFFFF  }
tec
execute0_lowered:
.L_overlay_start_1:
0x0: {  	(tag) =	ssettag $0x1  }
0x1: {  	s1 =	srdreg.scid  }
0x2: {  	s4 =	rddreg [dreg:$0x0];
	s0 =	stileid.u32;
	s6 =	sand.u32 $0x1, s1  }
0x3: {  	s2 =	rddreg [dreg:$0x1];
	s5 =	sshll.u32 s0, $0x8;
	s8 =	sshll.u32 s6, $0x7  }
0x4: {  	s7 =	rddreg [dreg:$0x2];
	s3 =	simm.s32 $0x0;
	s5 =	sor.u32 s8, s5  }
0x5: {  	s1 =	rddreg [dreg:$0x3];
	s8 =	sshrl.u32 s5, $0x1;
	s9 =	sshll.u32 s5, $0x7  }
0x6: {  	[smem:$0x7FF] =	sst s3;
	s8 =	sadd.s32 s4, s8;
	s4 =	sadd.s32 s7, s9  }
0x7: {  	_ =	strace $0x80000047;
	[dreg:$0x4] =	wrdreg s8;
	s7 =	sadd.s32 $0x3C00, s4  }
0x8: {  	s13 =	sadd.s32 $0x83C00, s4;
	[dreg:$0x5] =	wrdreg s7  }
0x9: {  	s14 =	sadd.s32 $0x103C00, s4;
	[dreg:$0x6] =	wrdreg s13  }
0xa: {  	s15 =	sadd.s32 $0x183C00, s4;
	[dreg:$0x7] =	wrdreg s14  }
0xb: {  	s16 =	sadd.s32 $0x800, s4;
	[dreg:$0x8] =	wrdreg s15  }
0xc: {  	s17 =	sadd.s32 $0x1000, s4;
	[dreg:$0x9] =	wrdreg s16  }
0xd: {  	s18 =	sadd.s32 $0x1800, s4;
	[dreg:$0xa] =	wrdreg s17  }
0xe: {  	s19 =	sadd.s32 $0x2800, s4;
	[dreg:$0xb] =	wrdreg s18  }
0xf: {  	s20 =	sadd.s32 $0x3000, s4;
	[dreg:$0xc] =	wrdreg s19  }
0x10: {  	s21 =	sadd.s32 $0x3800, s4;
	[dreg:$0xd] =	wrdreg s20  }
0x11: {  	s22 =	sadd.s32 $0x80800, s4;
	[dreg:$0xe] =	wrdreg s21  }
0x12: {  	s23 =	sadd.s32 $0x81000, s4;
	[dreg:$0xf] =	wrdreg s22  }
0x13: {  	s24 =	sadd.s32 $0x81800, s4;
	[dreg:$0x10] =	wrdreg s23  }
0x14: {  	s25 =	sadd.s32 $0x82800, s4;
	[dreg:$0x11] =	wrdreg s24  }
0x15: {  	s26 =	sadd.s32 $0x83000, s4;
	[dreg:$0x12] =	wrdreg s25  }
0x16: {  	s28 =	sadd.s32 $0x83800, s4;
	[dreg:$0x13] =	wrdreg s26  }
0x17: {  	s29 =	sadd.s32 $0x100800, s4;
	[dreg:$0x14] =	wrdreg s28  }
0x18: {  	s30 =	sadd.s32 $0x101000, s4;
	[dreg:$0x15] =	wrdreg s29  }
0x19: {  	s31 =	sadd.s32 $0x101800, s4;
	[dreg:$0x16] =	wrdreg s30  }
0x1a: {  	s8 =	sadd.s32 $0x102800, s4;
	[dreg:$0x17] =	wrdreg s31  }
0x1b: {  	s9 =	sadd.s32 $0x103000, s4;
	[dreg:$0x18] =	wrdreg s8  }
0x1c: {  	s10 =	sadd.s32 $0x103800, s4;
	[dreg:$0x19] =	wrdreg s9  }
0x1d: {  	s11 =	sadd.s32 $0x180800, s4;
	[dreg:$0x1a] =	wrdreg s10  }
0x1e: {  	s12 =	sadd.s32 $0x181000, s4;
	[dreg:$0x1b] =	wrdreg s11  }
0x1f: {  	[dreg:$0x1c] =	wrdreg s12;
	s13 =	sadd.s32 $0x181800, s4  }
0x20: {  	s14 =	sadd.s32 $0x182800, s4;
	[dreg:$0x1d] =	wrdreg s13  }
0x21: {  	s15 =	sadd.s32 $0x183000, s4;
	[dreg:$0x1e] =	wrdreg s14  }
0x22: {  	s16 =	sadd.s32 $0x183800, s4;
	[dreg:$0x1f] =	wrdreg s15  }
0x23: {  	s17 =	simm.s32 $0x2280;
	[smem:$0x7C6] =	sst s16  }
0x24: {  	s18 =	simm.s32 $0x2A80;
	[smem:$0x7C7] =	sst s17  }
0x25: {  	s19 =	simm.s32 $0x3280;
	[smem:$0x7C8] =	sst s18  }
0x26: {  	s20 =	simm.s32 $0x3A80;
	[smem:$0x7C9] =	sst s19  }
0x27: {  	s21 =	simm.s32 $0x4280;
	[smem:$0x7CA] =	sst s20  }
0x28: {  	s22 =	simm.s32 $0x4A80;
	[smem:$0x7CB] =	sst s21  }
0x29: {  	s23 =	simm.s32 $0x5280;
	[smem:$0x7CC] =	sst s22  }
0x2a: {  	s24 =	simm.s32 $0x5A80;
	[smem:$0x7CD] =	sst s23  }
0x2b: {  	s25 =	simm.s32 $0x6280;
	[smem:$0x7CE] =	sst s24  }
0x2c: {  	s26 =	simm.s32 $0x6A80;
	[smem:$0x7CF] =	sst s25  }
0x2d: {  	s28 =	simm.s32 $0x7280;
	[smem:$0x7D0] =	sst s26  }
0x2e: {  	s29 =	simm.s32 $0x7A80;
	[smem:$0x7D1] =	sst s28  }
0x2f: {  	s30 =	simm.s32 $0x8280;
	[smem:$0x7D2] =	sst s29  }
0x30: {  	s31 =	simm.s32 $0x8A80;
	[smem:$0x7D3] =	sst s30  }
0x31: {  	s8 =	simm.s32 $0x9280;
	[smem:$0x7D4] =	sst s31  }
0x32: {  	s9 =	simm.s32 $0x9A80;
	[smem:$0x7D5] =	sst s8  }
0x33: {  	s10 =	simm.s32 $0xA280;
	[smem:$0x7D6] =	sst s9  }
0x34: {  	s11 =	simm.s32 $0xAA80;
	[smem:$0x7D7] =	sst s10  }
0x35: {  	s12 =	simm.s32 $0xB280;
	[smem:$0x7D8] =	sst s11  }
0x36: {  	[smem:$0x7D9] =	sst s12;
	s13 =	simm.s32 $0xBA80  }
0x37: {  	s14 =	simm.s32 $0xC280;
	[smem:$0x7DA] =	sst s13  }
0x38: {  	s15 =	simm.s32 $0xCA80;
	[smem:$0x7DB] =	sst s14  }
0x39: {  	s16 =	simm.s32 $0xD280;
	[smem:$0x7DC] =	sst s15  }
0x3a: {  	s17 =	simm.s32 $0xDA80;
	[smem:$0x7DD] =	sst s16  }
0x3b: {  	s18 =	simm.s32 $0xE280;
	[smem:$0x7DE] =	sst s17  }
0x3c: {  	s19 =	simm.s32 $0xEA80;
	[smem:$0x7DF] =	sst s18  }
0x3d: {  	s20 =	simm.s32 $0xF280;
	[smem:$0x7E0] =	sst s19  }
0x3e: {  	s21 =	simm.s32 $0xFA80;
	[smem:$0x7E1] =	sst s20  }
0x3f: {  	s6 =	ssub.s32 $0x2, s6;
	s22 =	simm.s32 $0x10A80;
	[smem:$0x7E2] =	sst s21  }
0x40: {  	s7 =	sadd.s32 $0x300, s2;
	s24 =	simm.s32 $0x11280;
	[smem:$0x7E3] =	sst s22  }
0x41: {  	s23 =	sshrl.u32 s6, $0x1;
	s25 =	simm.s32 $0x11A80;
	[smem:$0x7E4] =	sst s24  }
0x42: {  	s26 =	sor.u32 $0x1, s5;
	s28 =	simm.s32 $0x12280;
	[smem:$0x7E5] =	sst s25  }
0x43: {  	s29 =	sor.u32 $0x11, s5;
	s30 =	simm.s32 $0x12A80;
	[smem:$0x7E6] =	sst s28  }
0x44: {  	s31 =	sor.u32 $0x21, s5;
	[smem:$0x7E7] =	sst s30;
	s14 =	simm.s32 $0x13280  }
0x45: {  	s10 =	sor.u32 $0x31, s5;
	s16 =	simm.s32 $0x13A80;
	[smem:$0x7E8] =	sst s14  }
0x46: {  	s11 =	sor.u32 $0x41, s5;
	s17 =	simm.s32 $0x14280;
	[smem:$0x7E9] =	sst s16  }
0x47: {  	s12 =	sor.u32 $0x51, s5;
	s18 =	simm.s32 $0x14A80;
	[smem:$0x7EA] =	sst s17  }
0x48: {  	v11 =	vlaneseq.u32;
	s8 =	sadd.s32 $0x80000, s4;
	s19 =	simm.s32 $0x15280;
	[smem:$0x7EB] =	sst s18  }
0x49: {  	v10 =	vmul.u32 $0x10, v11;
	s9 =	sadd.s32 $0x100000, s4;
	s20 =	simm.s32 $0x15A80;
	[smem:$0x7EC] =	sst s19  }
0x4a: {  	vm0 =	vmmov $0xffff;
	v7 =	vshrl.u32 v11, $0x3;
	s15 =	ssub.s32 s6, s23;
	s21 =	simm.s32 $0x16280;
	[smem:$0x7ED] =	sst s20  }
0x4b: {  	v29 =	vimm.s32 $0x0;
	v7 =	vmul.u32 $0x8, v7;
	v14 =	vor.u32 $0x1, v10;
	s13 =	sor.u32 $0x61, s5;
	s22 =	simm.s32 $0x16A80;
	[smem:$0x7EE] =	sst s21  }
0x4c: {  	v15 =	vor.u32 $0x2, v10;
	v16 =	vor.u32 $0x3, v10;
	v17 =	vor.u32 $0x4, v10;
	s6 =	sadd.s32 $0x200, s2;
	s23 =	simm.s32 $0x17280;
	[smem:$0x7EF] =	sst s22  }
0x4d: {  	v18 =	vor.u32 $0x5, v10;
	v19 =	vor.u32 $0x6, v10;
	v20 =	vor.u32 $0x7, v10;
	s24 =	simm.s32 $0x17A80;
	s25 =	simm.s32 $0x18280;
	[smem:$0x7F0] =	sst s23  }
0x4e: {  	v21 =	vor.u32 $0x8, v10;
	v0 =	vadd.s32 s26, v11;
	v4 =	vadd.s32 s11, v11;
	s26 =	simm.s32 $0x18A80;
	s11 =	sadd.s32 $0x2000, s4;
	[smem:$0x7F1] =	sst s24  }
0x4f: {  	v22 =	vor.u32 $0x9, v10;
	v23 =	vor.u32 $0xA, v10;
	v1 =	vadd.s32 s29, v11;
	s28 =	simm.s32 $0x19280;
	s29 =	simm.s32 $0x19A80;
	[smem:$0x7F2] =	sst s25  }
0x50: {  	v24 =	vor.u32 $0xB, v10;
	v25 =	vor.u32 $0xC, v10;
	v2 =	vadd.s32 s31, v11;
	s30 =	simm.s32 $0x1AA80;
	s31 =	simm.s32 $0x1DA80;
	[smem:$0x7F3] =	sst s26  }
0x51: {  	v26 =	vor.u32 $0xD, v10;
	v27 =	vor.u32 $0xE, v10;
	v28 =	vor.u32 $0xF, v10;
	s14 =	sor.u32 $0x71, s5;
	s5 =	sadd.s32 $0x100, s2;
	[smem:$0x7F4] =	sst s28  }
0x52: {  	v30 =	vor.u32 $0x100, v10;
	v31 =	vor.u32 $0x101, v10;
	v9 =	vadd.s32 s13, v11;
	s13 =	sadd.s32 $0x102000, s4;
	[smem:$0x7F5] =	sst s29;
	s16 =	simm.s32 $0x1A280  }
0x53: {  	v32 =	vor.u32 $0x102, v10;
	v33 =	vor.u32 $0x103, v10;
	v34 =	vor.u32 $0x104, v10;
	s15 =	smax.u32 s15, $0x1;
	[smem:$0x7F7] =	sst s30;
	s17 =	simm.s32 $0x1B280  }
0x54: {  	v35 =	vor.u32 $0x105, v10;
	v36 =	vor.u32 $0x106, v10;
	v37 =	vor.u32 $0x107, v10;
	s18 =	simm.s32 $0x1BA80;
	s19 =	simm.s32 $0x1C280;
	[smem:$0x7FD] =	sst s31  }
0x55: {  	v38 =	vor.u32 $0x108, v10;
	v39 =	vor.u32 $0x109, v10;
	v40 =	vor.u32 $0x10A, v10;
	s20 =	simm.s32 $0x1CA80;
	s21 =	simm.s32 $0x1D280;
	[smem:$0x7F6] =	sst s16  }
0x56: {  	v41 =	vor.u32 $0x10B, v10;
	v42 =	vor.u32 $0x10C, v10;
	v3 =	vshll.u32 v0, $0x3;
	s22 =	simm.s32 $0x3;
	s23 =	simm.s32 $0x2;
	[smem:$0x7F8] =	sst s17  }
0x57: {  	v5 =	vand.u32 $0x7, v0;
	s24 =	simm.s32 $0x5;
	s25 =	simm.s32 $0x4;
	v6 =	vand.u32 $0x7FFFFFC0, v3;
	v3 =	vadd.s32 s10, v11;
	[smem:$0x7F9] =	sst s18  }
0x58: {  	s10 =	sadd.s32 $0x180000, s4;
	s16 =	simm.s32 $0x280;
	[smem:$0x7FA] =	sst s19;
	v8 =	vor.u32 v5, v6;
	v5 =	vand.u32 $0x7, v11;
	v6 =	vor.u32 $0x8, v11  }
0x59: {  	v43 =	vor.u32 $0x10D, v10;
	s17 =	simm.s32 $0xA80;
	s18 =	simm.s32 $0x1280;
	[smem:$0x7FB] =	sst s20;
	v12 =	vperm.xlane v8, v5;
	v13 =	vperm.xlane v8, v6  }
0x5a: {  	v44 =	vor.u32 $0x10E, v10;
	v45 =	vor.u32 $0x10F, v10;
	s19 =	simm.s32 $0x1A80;
	s20 =	simm.s32 $0x10280;
	[smem:$0x7FC] =	sst s21;
	v8 =	vadd.s32 s12, v11  }
0x5b: {  	s21 =	simm.s32 $0x1;
	v11 =	vadd.s32 s14, v11;
	s12 =	sadd.s32 $0x82000, s4;
	s14 =	sadd.s32 $0x182000, s4;
	v12 =	vadd.s32 v7, v12;
	v13 =	vadd.s32 v7, v13  }
.LBB2_1:
0x5c: {  	[tilespmem:$0x200] =	vst v0  }
0x5d: {  	[tilespmem:$0x210] =	vst v1  }
0x5e: {  	[tilespmem:$0x220] =	vst v2  }
0x5f: {  	[tilespmem:$0x230] =	vst v3  }
0x60: {  	[tilespmem:$0x240] =	vst v4  }
0x61: {  	[tilespmem:$0x250] =	vst v8  }
0x62: {  	[tilespmem:$0x260] =	vst v9  }
0x63: {  	[tilespmem:$0x270] =	vst v11  }
0x64: {  	[tilespmem:s16], [sflag:$0x1] =	stream.indirect_vreg.gather [hbm4b:s2+s3], $0x80, v12, vm0, $0xb8;
	[tilespmem:$0x1E300] =	vst v63  }
0x65: {  	_ = 	snop  }
0x66: {  	[tilespmem:s17], [sflag:$0x1] =	stream.indirect_vreg.gather [hbm4b:s5+s3], $0x80, v12, vm0, $0xb8;
	[tilespmem:$0x1E300] =	vst v63  }
0x67: {  	_ = 	snop  }
0x68: {  	[tilespmem:s18], [sflag:$0x1] =	stream.indirect_vreg.gather [hbm4b:s6+s3], $0x80, v12, vm0, $0xb8;
	[tilespmem:$0x1E300] =	vst v63  }
0x69: {  	s26 =	sld [smem:$0x7C7]  }
0x6a: {  	[tilespmem:s19], [sflag:$0x1] =	stream.indirect_vreg.gather [hbm4b:s7+s3], $0x80, v12, vm0, $0xb8;
	[tilespmem:$0x1E300] =	vst v63  }
0x6b: {  	s28 =	sld [smem:$0x7C8]  }
0x6c: {  	[tilespmem:s26], [sflag:$0x1] =	stream.indirect_vreg.gather [hbm4b:s2+s3], $0x80, v13, vm0, $0xb8;
	[tilespmem:$0x1E300] =	vst v63  }
0x6d: {  	s31 =	sld [smem:$0x7C9]  }
0x6e: {  	[tilespmem:s28], [sflag:$0x1] =	stream.indirect_vreg.gather [hbm4b:s5+s3], $0x80, v13, vm0, $0xb8;
	[tilespmem:$0x1E300] =	vst v63  }
0x6f: {  	s29 =	sld [smem:$0x7CA]  }
0x70: {  	[tilespmem:s31], [sflag:$0x1] =	stream.indirect_vreg.gather [hbm4b:s6+s3], $0x80, v13, vm0, $0xb8;
	[tilespmem:$0x1E300] =	vst v63  }
0x71: {  	_ = 	snop  }
0x72: {  	[tilespmem:s29], [sflag:$0x1] =	stream.indirect_vreg.gather [hbm4b:s7+s3], $0x80, v13, vm0, $0xb8;
	[tilespmem:$0x1E300] =	vst v63  }
0x73: {  	v46 =	vld [tilespmem:$0x210];
	_ =	sdelay $0x4  }
0x74: {  	v47 =	vshll.u32 v46, $0x3  }
0x75: {  	v46 =	vand.u32 $0x7, v46;
	v47 =	vand.u32 $0xFFFFFFC0, v47  }
0x76: {  	v46 =	vor.u32 v46, v47  }
0x77: {  	v47 =	vperm.xlane v46, v5;
	_ =	sdelay $0x1  }
0x78: {  	v47 =	vadd.s32 v7, v47;
	_ =	sdelay $0x1  }
0x79: {  	s30 =	sld [smem:$0x7CB];
	_ =	sdelay $0x1  }
0x7a: {  	s31 =	sld [smem:$0x7CC]  }
0x7b: {  	[tilespmem:s30], [sflag:$0x1] =	stream.indirect_vreg.gather [hbm4b:s2+s3], $0x80, v47, vm0, $0xb8;
	[tilespmem:$0x1E300] =	vst v63  }
0x7c: {  	s29 =	sld [smem:$0x7CD];
	v46 =	vperm.xlane v46, v6  }
0x7d: {  	[tilespmem:s31], [sflag:$0x1] =	stream.indirect_vreg.gather [hbm4b:s5+s3], $0x80, v47, vm0, $0xb8;
	[tilespmem:$0x1E300] =	vst v63  }
0x7e: {  	v46 =	vadd.s32 v7, v46;
	s30 =	sld [smem:$0x7CE]  }
0x7f: {  	[tilespmem:s29], [sflag:$0x1] =	stream.indirect_vreg.gather [hbm4b:s6+s3], $0x80, v47, vm0, $0xb8;
	[tilespmem:$0x1E300] =	vst v63  }
0x80: {  	s31 =	sld [smem:$0x7CF]  }
0x81: {  	[tilespmem:s30], [sflag:$0x1] =	stream.indirect_vreg.gather [hbm4b:s7+s3], $0x80, v47, vm0, $0xb8;
	[tilespmem:$0x1E300] =	vst v63  }
0x82: {  	s29 =	sld [smem:$0x7D0]  }
0x83: {  	[tilespmem:s31], [sflag:$0x1] =	stream.indirect_vreg.gather [hbm4b:s2+s3], $0x80, v46, vm0, $0xb8;
	[tilespmem:$0x1E300] =	vst v63  }
0x84: {  	s30 =	sld [smem:$0x7D1]  }
0x85: {  	[tilespmem:s29], [sflag:$0x1] =	stream.indirect_vreg.gather [hbm4b:s5+s3], $0x80, v46, vm0, $0xb8;
	[tilespmem:$0x1E300] =	vst v63  }
0x86: {  	s31 =	sld [smem:$0x7D2]  }
0x87: {  	[tilespmem:s30], [sflag:$0x1] =	stream.indirect_vreg.gather [hbm4b:s6+s3], $0x80, v46, vm0, $0xb8;
	[tilespmem:$0x1E300] =	vst v63  }
0x88: {  	_ = 	snop  }
0x89: {  	[tilespmem:s31], [sflag:$0x1] =	stream.indirect_vreg.gather [hbm4b:s7+s3], $0x80, v46, vm0, $0xb8;
	[tilespmem:$0x1E300] =	vst v63  }
0x8a: {  	v46 =	vld [tilespmem:$0x220];
	_ =	sdelay $0x4  }
0x8b: {  	v51 =	vshll.u32 v46, $0x3  }
0x8c: {  	v46 =	vand.u32 $0x7, v46;
	v47 =	vand.u32 $0xFFFFFFC0, v51  }
0x8d: {  	v46 =	vor.u32 v46, v47  }
0x8e: {  	v47 =	vperm.xlane v46, v5;
	_ =	sdelay $0x1  }
0x8f: {  	v47 =	vadd.s32 v7, v47;
	_ =	sdelay $0x1  }
0x90: {  	s29 =	sld [smem:$0x7D3];
	_ =	sdelay $0x1  }
0x91: {  	s30 =	sld [smem:$0x7D4]  }
0x92: {  	[tilespmem:s29], [sflag:$0x1] =	stream.indirect_vreg.gather [hbm4b:s2+s3], $0x80, v47, vm0, $0xb8;
	[tilespmem:$0x1E300] =	vst v63  }
0x93: {  	s31 =	sld [smem:$0x7D5];
	v46 =	vperm.xlane v46, v6  }
0x94: {  	[tilespmem:s30], [sflag:$0x1] =	stream.indirect_vreg.gather [hbm4b:s5+s3], $0x80, v47, vm0, $0xb8;
	[tilespmem:$0x1E300] =	vst v63  }
0x95: {  	v46 =	vadd.s32 v7, v46;
	s29 =	sld [smem:$0x7D6]  }
0x96: {  	[tilespmem:s31], [sflag:$0x1] =	stream.indirect_vreg.gather [hbm4b:s6+s3], $0x80, v47, vm0, $0xb8;
	[tilespmem:$0x1E300] =	vst v63  }
0x97: {  	s30 =	sld [smem:$0x7D7]  }
0x98: {  	[tilespmem:s29], [sflag:$0x1] =	stream.indirect_vreg.gather [hbm4b:s7+s3], $0x80, v47, vm0, $0xb8;
	[tilespmem:$0x1E300] =	vst v63  }
0x99: {  	s31 =	sld [smem:$0x7D8]  }
0x9a: {  	[tilespmem:s30], [sflag:$0x1] =	stream.indirect_vreg.gather [hbm4b:s2+s3], $0x80, v46, vm0, $0xb8;
	[tilespmem:$0x1E300] =	vst v63  }
0x9b: {  	s29 =	sld [smem:$0x7D9]  }
0x9c: {  	[tilespmem:s31], [sflag:$0x1] =	stream.indirect_vreg.gather [hbm4b:s5+s3], $0x80, v46, vm0, $0xb8;
	[tilespmem:$0x1E300] =	vst v63  }
0x9d: {  	s30 =	sld [smem:$0x7DA]  }
0x9e: {  	[tilespmem:s29], [sflag:$0x1] =	stream.indirect_vreg.gather [hbm4b:s6+s3], $0x80, v46, vm0, $0xb8;
	[tilespmem:$0x1E300] =	vst v63  }
0x9f: {  	_ = 	snop  }
0xa0: {  	[tilespmem:s30], [sflag:$0x1] =	stream.indirect_vreg.gather [hbm4b:s7+s3], $0x80, v46, vm0, $0xb8;
	[tilespmem:$0x1E300] =	vst v63  }
0xa1: {  	v46 =	vld [tilespmem:$0x230];
	_ =	sdelay $0x4  }
0xa2: {  	v52 =	vshll.u32 v46, $0x3  }
0xa3: {  	v46 =	vand.u32 $0x7, v46;
	v47 =	vand.u32 $0xFFFFFFC0, v52  }
0xa4: {  	v46 =	vor.u32 v46, v47  }
0xa5: {  	v47 =	vperm.xlane v46, v5;
	_ =	sdelay $0x1  }
0xa6: {  	v47 =	vadd.s32 v7, v47;
	_ =	sdelay $0x1  }
0xa7: {  	s31 =	sld [smem:$0x7DB];
	_ =	sdelay $0x1  }
0xa8: {  	s29 =	sld [smem:$0x7DC]  }
0xa9: {  	[tilespmem:s31], [sflag:$0x1] =	stream.indirect_vreg.gather [hbm4b:s2+s3], $0x80, v47, vm0, $0xb8;
	[tilespmem:$0x1E300] =	vst v63  }
0xaa: {  	s30 =	sld [smem:$0x7DD];
	v46 =	vperm.xlane v46, v6  }
0xab: {  	[tilespmem:s29], [sflag:$0x1] =	stream.indirect_vreg.gather [hbm4b:s5+s3], $0x80, v47, vm0, $0xb8;
	[tilespmem:$0x1E300] =	vst v63  }
0xac: {  	v46 =	vadd.s32 v7, v46;
	s31 =	sld [smem:$0x7DE]  }
0xad: {  	[tilespmem:s30], [sflag:$0x1] =	stream.indirect_vreg.gather [hbm4b:s6+s3], $0x80, v47, vm0, $0xb8;
	[tilespmem:$0x1E300] =	vst v63  }
0xae: {  	s29 =	sld [smem:$0x7DF]  }
0xaf: {  	[tilespmem:s31], [sflag:$0x1] =	stream.indirect_vreg.gather [hbm4b:s7+s3], $0x80, v47, vm0, $0xb8;
	[tilespmem:$0x1E300] =	vst v63  }
0xb0: {  	s30 =	sld [smem:$0x7E0]  }
0xb1: {  	[tilespmem:s29], [sflag:$0x1] =	stream.indirect_vreg.gather [hbm4b:s2+s3], $0x80, v46, vm0, $0xb8;
	[tilespmem:$0x1E300] =	vst v63  }
0xb2: {  	s31 =	sld [smem:$0x7E1]  }
0xb3: {  	[tilespmem:s30], [sflag:$0x1] =	stream.indirect_vreg.gather [hbm4b:s5+s3], $0x80, v46, vm0, $0xb8;
	[tilespmem:$0x1E300] =	vst v63  }
0xb4: {  	s29 =	sld [smem:$0x7E2]  }
0xb5: {  	[tilespmem:s31], [sflag:$0x1] =	stream.indirect_vreg.gather [hbm4b:s6+s3], $0x80, v46, vm0, $0xb8;
	[tilespmem:$0x1E300] =	vst v63  }
0xb6: {  	_ = 	snop  }
0xb7: {  	[tilespmem:s29], [sflag:$0x1] =	stream.indirect_vreg.gather [hbm4b:s7+s3], $0x80, v46, vm0, $0xb8;
	[tilespmem:$0x1E300] =	vst v63  }
0xb8: {  	s30 =	rddreg [dreg:$0x4]  }
0xb9: {  	[tilespmem:s3], [sflag:$0x5] =	stream.linear.gather [hbm4b:s30+s3], $0x200, $0x38;
	[tilespmem:$0x1E300] =	vst v63  }
0xba: {  	v46 =	vld [tilespmem:$0x240];
	_ =	sdelay $0x4  }
0xbb: {  	v53 =	vshll.u32 v46, $0x3  }
0xbc: {  	v46 =	vand.u32 $0x7, v46;
	v47 =	vand.u32 $0xFFFFFFC0, v53  }
0xbd: {  	v46 =	vor.u32 v46, v47  }
0xbe: {  	v47 =	vperm.xlane v46, v5;
	_ =	sdelay $0x1  }
0xbf: {  	v47 =	vadd.s32 v7, v47;
	_ =	sdelay $0x3  }
0xc0: {  	s31 =	sld [smem:$0x7E3]  }
0xc1: {  	[tilespmem:s20], [sflag:$0x2] =	stream.indirect_vreg.gather [hbm4b:s2+s3], $0x80, v47, vm0, $0xb8;
	[tilespmem:$0x1E300] =	vst v63  }
0xc2: {  	s29 =	sld [smem:$0x7E4];
	v46 =	vperm.xlane v46, v6  }
0xc3: {  	[tilespmem:s31], [sflag:$0x2] =	stream.indirect_vreg.gather [hbm4b:s5+s3], $0x80, v47, vm0, $0xb8;
	[tilespmem:$0x1E300] =	vst v63  }
0xc4: {  	s30 =	sld [smem:$0x7E5];
	v46 =	vadd.s32 v7, v46  }
0xc5: {  	[tilespmem:s29], [sflag:$0x2] =	stream.indirect_vreg.gather [hbm4b:s6+s3], $0x80, v47, vm0, $0xb8;
	[tilespmem:$0x1E300] =	vst v63  }
0xc6: {  	s31 =	sld [smem:$0x7E6]  }
0xc7: {  	[tilespmem:s30], [sflag:$0x2] =	stream.indirect_vreg.gather [hbm4b:s7+s3], $0x80, v47, vm0, $0xb8;
	[tilespmem:$0x1E300] =	vst v63  }
0xc8: {  	s29 =	sld [smem:$0x7E7]  }
0xc9: {  	[tilespmem:s31], [sflag:$0x2] =	stream.indirect_vreg.gather [hbm4b:s2+s3], $0x80, v46, vm0, $0xb8;
	[tilespmem:$0x1E300] =	vst v63  }
0xca: {  	s30 =	sld [smem:$0x7E8]  }
0xcb: {  	[tilespmem:s29], [sflag:$0x2] =	stream.indirect_vreg.gather [hbm4b:s5+s3], $0x80, v46, vm0, $0xb8;
	[tilespmem:$0x1E300] =	vst v63  }
0xcc: {  	s31 =	sld [smem:$0x7E9]  }
0xcd: {  	[tilespmem:s30], [sflag:$0x2] =	stream.indirect_vreg.gather [hbm4b:s6+s3], $0x80, v46, vm0, $0xb8;
	[tilespmem:$0x1E300] =	vst v63  }
0xce: {  	_ = 	snop  }
0xcf: {  	[tilespmem:s31], [sflag:$0x2] =	stream.indirect_vreg.gather [hbm4b:s7+s3], $0x80, v46, vm0, $0xb8;
	[tilespmem:$0x1E300] =	vst v63  }
0xd0: {  	v46 =	vld [tilespmem:$0x250];
	_ =	sdelay $0x4  }
0xd1: {  	v54 =	vshll.u32 v46, $0x3  }
0xd2: {  	v46 =	vand.u32 $0x7, v46;
	v47 =	vand.u32 $0xFFFFFFC0, v54  }
0xd3: {  	v46 =	vor.u32 v46, v47  }
0xd4: {  	v47 =	vperm.xlane v46, v5;
	_ =	sdelay $0x1  }
0xd5: {  	v47 =	vadd.s32 v7, v47;
	_ =	sdelay $0x1  }
0xd6: {  	s29 =	sld [smem:$0x7EA];
	_ =	sdelay $0x1  }
0xd7: {  	s30 =	sld [smem:$0x7EB]  }
0xd8: {  	[tilespmem:s29], [sflag:$0x2] =	stream.indirect_vreg.gather [hbm4b:s2+s3], $0x80, v47, vm0, $0xb8;
	[tilespmem:$0x1E300] =	vst v63  }
0xd9: {  	s31 =	sld [smem:$0x7EC];
	v46 =	vperm.xlane v46, v6  }
0xda: {  	[tilespmem:s30], [sflag:$0x2] =	stream.indirect_vreg.gather [hbm4b:s5+s3], $0x80, v47, vm0, $0xb8;
	[tilespmem:$0x1E300] =	vst v63  }
0xdb: {  	v46 =	vadd.s32 v7, v46;
	s29 =	sld [smem:$0x7ED]  }
0xdc: {  	[tilespmem:s31], [sflag:$0x2] =	stream.indirect_vreg.gather [hbm4b:s6+s3], $0x80, v47, vm0, $0xb8;
	[tilespmem:$0x1E300] =	vst v63  }
0xdd: {  	s30 =	sld [smem:$0x7EE]  }
0xde: {  	[tilespmem:s29], [sflag:$0x2] =	stream.indirect_vreg.gather [hbm4b:s7+s3], $0x80, v47, vm0, $0xb8;
	[tilespmem:$0x1E300] =	vst v63  }
0xdf: {  	s31 =	sld [smem:$0x7EF]  }
0xe0: {  	[tilespmem:s30], [sflag:$0x2] =	stream.indirect_vreg.gather [hbm4b:s2+s3], $0x80, v46, vm0, $0xb8;
	[tilespmem:$0x1E300] =	vst v63  }
0xe1: {  	s29 =	sld [smem:$0x7F0]  }
0xe2: {  	[tilespmem:s31], [sflag:$0x2] =	stream.indirect_vreg.gather [hbm4b:s5+s3], $0x80, v46, vm0, $0xb8;
	[tilespmem:$0x1E300] =	vst v63  }
0xe3: {  	s30 =	sld [smem:$0x7F1]  }
0xe4: {  	[tilespmem:s29], [sflag:$0x2] =	stream.indirect_vreg.gather [hbm4b:s6+s3], $0x80, v46, vm0, $0xb8;
	[tilespmem:$0x1E300] =	vst v63  }
0xe5: {  	_ = 	snop  }
0xe6: {  	[tilespmem:s30], [sflag:$0x2] =	stream.indirect_vreg.gather [hbm4b:s7+s3], $0x80, v46, vm0, $0xb8;
	[tilespmem:$0x1E300] =	vst v63  }
0xe7: {  	v46 =	vld [tilespmem:$0x260];
	_ =	sdelay $0x4  }
0xe8: {  	v55 =	vshll.u32 v46, $0x3  }
0xe9: {  	v46 =	vand.u32 $0x7, v46;
	v47 =	vand.u32 $0xFFFFFFC0, v55  }
0xea: {  	v46 =	vor.u32 v46, v47  }
0xeb: {  	v47 =	vperm.xlane v46, v5;
	_ =	sdelay $0x1  }
0xec: {  	v47 =	vadd.s32 v7, v47;
	_ =	sdelay $0x1  }
0xed: {  	s31 =	sld [smem:$0x7F2];
	_ =	sdelay $0x1  }
0xee: {  	s29 =	sld [smem:$0x7F3]  }
0xef: {  	[tilespmem:s31], [sflag:$0x2] =	stream.indirect_vreg.gather [hbm4b:s2+s3], $0x80, v47, vm0, $0xb8;
	[tilespmem:$0x1E300] =	vst v63  }
0xf0: {  	s30 =	sld [smem:$0x7F4];
	v46 =	vperm.xlane v46, v6  }
0xf1: {  	[tilespmem:s29], [sflag:$0x2] =	stream.indirect_vreg.gather [hbm4b:s5+s3], $0x80, v47, vm0, $0xb8;
	[tilespmem:$0x1E300] =	vst v63  }
0xf2: {  	v46 =	vadd.s32 v7, v46;
	s31 =	sld [smem:$0x7F5]  }
0xf3: {  	[tilespmem:s30], [sflag:$0x2] =	stream.indirect_vreg.gather [hbm4b:s6+s3], $0x80, v47, vm0, $0xb8;
	[tilespmem:$0x1E300] =	vst v63  }
0xf4: {  	s29 =	sld [smem:$0x7F6]  }
0xf5: {  	[tilespmem:s31], [sflag:$0x2] =	stream.indirect_vreg.gather [hbm4b:s7+s3], $0x80, v47, vm0, $0xb8;
	[tilespmem:$0x1E300] =	vst v63  }
0xf6: {  	s30 =	sld [smem:$0x7F7]  }
0xf7: {  	[tilespmem:s29], [sflag:$0x2] =	stream.indirect_vreg.gather [hbm4b:s2+s3], $0x80, v46, vm0, $0xb8;
	[tilespmem:$0x1E300] =	vst v63  }
0xf8: {  	s31 =	sld [smem:$0x7F8]  }
0xf9: {  	[tilespmem:s30], [sflag:$0x2] =	stream.indirect_vreg.gather [hbm4b:s5+s3], $0x80, v46, vm0, $0xb8;
	[tilespmem:$0x1E300] =	vst v63  }
0xfa: {  	s29 =	sld [smem:$0x7F9]  }
0xfb: {  	[tilespmem:s31], [sflag:$0x2] =	stream.indirect_vreg.gather [hbm4b:s6+s3], $0x80, v46, vm0, $0xb8;
	[tilespmem:$0x1E300] =	vst v63  }
0xfc: {  	_ = 	snop  }
0xfd: {  	[tilespmem:s29], [sflag:$0x2] =	stream.indirect_vreg.gather [hbm4b:s7+s3], $0x80, v46, vm0, $0xb8;
	[tilespmem:$0x1E300] =	vst v63  }
0xfe: {  	v46 =	vld.msk [tilespmem:$0x270], $0xff;
	_ =	sdelay $0x4  }
0xff: {  	v56 =	vshll.u32 v46, $0x3  }
0x100: {  	v46 =	vand.u32 $0x7, v46;
	v47 =	vand.u32 $0xFFFFFFC0, v56  }
0x101: {  	v46 =	vor.u32 v46, v47  }
0x102: {  	v46 =	vperm.xlane v46, v5;
	_ =	sdelay $0x1  }
0x103: {  	v46 =	vadd.s32 v7, v46;
	_ =	sdelay $0x1  }
0x104: {  	s30 =	sld [smem:$0x7FA];
	_ =	sdelay $0x1  }
0x105: {  	s31 =	sld [smem:$0x7FB]  }
0x106: {  	[tilespmem:s30], [sflag:$0x2] =	stream.indirect_vreg.gather [hbm4b:s2+s3], $0x80, v46, vm0, $0xb8;
	[tilespmem:$0x1E300] =	vst v63  }
0x107: {  	s29 =	sld [smem:$0x7FC]  }
0x108: {  	[tilespmem:s31], [sflag:$0x2] =	stream.indirect_vreg.gather [hbm4b:s5+s3], $0x80, v46, vm0, $0xb8;
	[tilespmem:$0x1E300] =	vst v63  }
0x109: {  	s30 =	sld [smem:$0x7FD]  }
0x10a: {  	[tilespmem:s29], [sflag:$0x2] =	stream.indirect_vreg.gather [hbm4b:s6+s3], $0x80, v46, vm0, $0xb8;
	[tilespmem:$0x1E300] =	vst v63  }
0x10b: {  	_ = 	snop  }
0x10c: {  	[tilespmem:s30], [sflag:$0x2] =	stream.indirect_vreg.gather [hbm4b:s7+s3], $0x80, v46, vm0, $0xb8;
	[tilespmem:$0x1E300] =	vst v63  }
0x10d: {  	_ =	swait.ge [sflag:s21], $0x10000  }
0x10e: {  	[sflag:s21] =	ssyncset.done $0x0  }
0x10f: {  	[sflag:s21] =	ssyncadd.s32 $0xFFFF0000  }
0x110: {  	[hbm4b:s4+s3] =	stream.linear.scatter [tilespmem:s16], [sflag:$0x3], $0x10000, $0x38;
	[tilespmem:$0x1E300] =	vst v63  }
0x111: {  	_ = 	snop  }
0x112: {  	[hbm4b:s8+s3] =	stream.linear.scatter [tilespmem:s16], [sflag:$0x3], $0x10000, $0x38;
	[tilespmem:$0x1E300] =	vst v63  }
0x113: {  	_ = 	snop  }
0x114: {  	[hbm4b:s9+s3] =	stream.linear.scatter [tilespmem:s16], [sflag:$0x3], $0x10000, $0x38;
	[tilespmem:$0x1E300] =	vst v63  }
0x115: {  	_ = 	snop  }
0x116: {  	[hbm4b:s10+s3] =	stream.linear.scatter [tilespmem:s16], [sflag:$0x3], $0x10000, $0x38;
	[tilespmem:$0x1E300] =	vst v63  }
0x117: {  	_ =	swait.ge [sflag:s22], $0x10000  }
0x118: {  	[sflag:s22] =	ssyncset.done $0x0  }
0x119: {  	[sflag:s22] =	ssyncadd.s32 $0xFFFF0000  }
0x11a: {  	_ =	swait.ge [sflag:s22], $0x10000  }
0x11b: {  	[sflag:s22] =	ssyncset.done $0x0  }
0x11c: {  	[sflag:s22] =	ssyncadd.s32 $0xFFFF0000  }
0x11d: {  	_ =	swait.ge [sflag:s22], $0x10000  }
0x11e: {  	[sflag:s22] =	ssyncset.done $0x0  }
0x11f: {  	[sflag:s22] =	ssyncadd.s32 $0xFFFF0000  }
0x120: {  	_ =	swait.ge [sflag:s22], $0x10000  }
0x121: {  	[sflag:s22] =	ssyncset.done $0x0  }
0x122: {  	[sflag:s22] =	ssyncadd.s32 $0xFFFF0000  }
0x123: {  	v57 =	vld.msk [tilespmem:$0x278], $0xff;
	_ =	sdelay $0x4  }
0x124: {  	v58 =	vshll.u32 v57, $0x3  }
0x125: {  	v46 =	vand.u32 $0x7, v57;
	v47 =	vand.u32 $0xFFFFFFC0, v58  }
0x126: {  	v46 =	vor.u32 v46, v47  }
0x127: {  	v46 =	vperm.xlane v46, v5;
	_ =	sdelay $0x1  }
0x128: {  	v46 =	vadd.s32 v7, v46;
	_ =	sdelay $0x4  }
0x129: {  	[tilespmem:s16], [sflag:$0x1] =	stream.indirect_vreg.gather [hbm4b:s2+s3], $0x80, v46, vm0, $0xb8;
	[tilespmem:$0x1E300] =	vst v63  }
0x12a: {  	_ = 	snop  }
0x12b: {  	[tilespmem:s17], [sflag:$0x1] =	stream.indirect_vreg.gather [hbm4b:s5+s3], $0x80, v46, vm0, $0xb8;
	[tilespmem:$0x1E300] =	vst v63  }
0x12c: {  	_ = 	snop  }
0x12d: {  	[tilespmem:s18], [sflag:$0x1] =	stream.indirect_vreg.gather [hbm4b:s6+s3], $0x80, v46, vm0, $0xb8;
	[tilespmem:$0x1E300] =	vst v63  }
0x12e: {  	_ = 	snop  }
0x12f: {  	[tilespmem:s19], [sflag:$0x1] =	stream.indirect_vreg.gather [hbm4b:s7+s3], $0x80, v46, vm0, $0xb8;
	[tilespmem:$0x1E300] =	vst v63  }
0x130: {  	_ =	swait.ge [sflag:s23], $0xE000  }
0x131: {  	[sflag:s23] =	ssyncset.done $0x0  }
0x132: {  	[sflag:s23] =	ssyncadd.s32 $0xFFFF2000  }
0x133: {  	[hbm4b:s11+s3] =	stream.linear.scatter [tilespmem:s20], [sflag:$0x4], $0xE000, $0x38;
	[tilespmem:$0x1E300] =	vst v63  }
0x134: {  	_ = 	snop  }
0x135: {  	[hbm4b:s12+s3] =	stream.linear.scatter [tilespmem:s20], [sflag:$0x4], $0xE000, $0x38;
	[tilespmem:$0x1E300] =	vst v63  }
0x136: {  	_ = 	snop  }
0x137: {  	[hbm4b:s13+s3] =	stream.linear.scatter [tilespmem:s20], [sflag:$0x4], $0xE000, $0x38;
	[tilespmem:$0x1E300] =	vst v63  }
0x138: {  	_ = 	snop  }
0x139: {  	[hbm4b:s14+s3] =	stream.linear.scatter [tilespmem:s20], [sflag:$0x4], $0xE000, $0x38;
	[tilespmem:$0x1E300] =	vst v63  }
0x13a: {  	_ =	swait.ge [sflag:s21], $0x2000  }
0x13b: {  	[sflag:s21] =	ssyncset.done $0x0  }
0x13c: {  	s31 =	rddreg [dreg:$0x5];
	[sflag:s21] =	ssyncadd.s32 $0xFFFFE000  }
0x13d: {  	[hbm4b:s31+s3] =	stream.linear.scatter [tilespmem:s16], [sflag:$0x3], $0x2000, $0x38;
	[tilespmem:$0x1E300] =	vst v63  }
0x13e: {  	s29 =	rddreg [dreg:$0x6]  }
0x13f: {  	[hbm4b:s29+s3] =	stream.linear.scatter [tilespmem:s16], [sflag:$0x3], $0x2000, $0x38;
	[tilespmem:$0x1E300] =	vst v63  }
0x140: {  	s30 =	rddreg [dreg:$0x7]  }
0x141: {  	[hbm4b:s30+s3] =	stream.linear.scatter [tilespmem:s16], [sflag:$0x3], $0x2000, $0x38;
	[tilespmem:$0x1E300] =	vst v63  }
0x142: {  	s31 =	rddreg [dreg:$0x8]  }
0x143: {  	[hbm4b:s31+s3] =	stream.linear.scatter [tilespmem:s16], [sflag:$0x3], $0x2000, $0x38;
	[tilespmem:$0x1E300] =	vst v63  }
0x144: {  	_ =	swait.ge [sflag:s24], $0x200  }
0x145: {  	[sflag:s24] =	ssyncset.done $0x0  }
0x146: {  	[sflag:s24] =	ssyncadd.s32 $0xFFFFFE00  }
0x147: {  	v59 =	vld.idx.msk [tilespmem:v10+s3+$0x0], $0xffff  }
0x148: {  	v60 =	vld.idx.msk [tilespmem:v14+s3+$0x0], $0xffff  }
0x149: {  	v48 =	vld.idx.msk [tilespmem:v15+s3+$0x0], $0xffff  }
0x14a: {  	v49 =	vld.idx.msk [tilespmem:v16+s3+$0x0], $0xffff  }
0x14b: {  	v50 =	vld.idx.msk [tilespmem:v17+s3+$0x0], $0xffff  }
0x14c: {  	v51 =	vld.idx.msk [tilespmem:v18+s3+$0x0], $0xffff  }
0x14d: {  	v61 =	vld.idx.msk [tilespmem:v19+s3+$0x0], $0xffff;
	vm1 =	veq.s32 v59, $0x0;
	vm2 =	veq.s32 v60, $0x0  }
0x14e: {  	v62 =	vld.idx.msk [tilespmem:v20+s3+$0x0], $0xffff;
	vm1 =	vmor vm1, vm2;
	vm2 =	veq.s32 v48, $0x0  }
0x14f: {  	v63 =	vld.idx.msk [tilespmem:v21+s3+$0x0], $0xffff;
	vm1 =	vmor vm1, vm2;
	vm2 =	veq.s32 v49, $0x0  }
0x150: {  	v52 =	vld.idx.msk [tilespmem:v22+s3+$0x0], $0xffff;
	vm1 =	vmor vm1, vm2;
	vm2 =	veq.s32 v50, $0x0  }
0x151: {  	v53 =	vld.idx.msk [tilespmem:v23+s3+$0x0], $0xffff;
	vm1 =	vmor vm1, vm2;
	vm2 =	veq.s32 v51, $0x0  }
0x152: {  	v54 =	vld.idx.msk [tilespmem:v24+s3+$0x0], $0xffff;
	vm1 =	vmor vm1, vm2;
	vm2 =	veq.s32 v61, $0x0  }
0x153: {  	v55 =	vld.idx.msk [tilespmem:v25+s3+$0x0], $0xffff;
	vm1 =	vmor vm1, vm2;
	vm2 =	veq.s32 v62, $0x0  }
0x154: {  	v56 =	vld.idx.msk [tilespmem:v26+s3+$0x0], $0xffff;
	vm1 =	vmor vm1, vm2;
	vm2 =	veq.s32 v63, $0x0  }
0x155: {  	v57 =	vld.idx.msk [tilespmem:v27+s3+$0x0], $0xffff;
	vm1 =	vmor vm1, vm2;
	vm2 =	veq.s32 v52, $0x0  }
0x156: {  	v58 =	vld.idx.msk [tilespmem:v28+s3+$0x0], $0xffff;
	vm1 =	vmor vm1, vm2;
	vm2 =	veq.s32 v53, $0x0  }
0x157: {  	vm1 =	vmor vm1, vm2;
	vm2 =	veq.s32 v54, $0x0  }
0x158: {  	vm1 =	vmor vm1, vm2;
	vm2 =	veq.s32 v55, $0x0  }
0x159: {  	vm1 =	vmor vm1, vm2;
	vm2 =	veq.s32 v56, $0x0  }
0x15a: {  	vm1 =	vmor vm1, vm2;
	vm2 =	veq.s32 v57, $0x0  }
0x15b: {  	vm1 =	vmor vm1, vm2;
	vm2 =	veq.s32 v58, $0x0  }
0x15c: {  	vm1 =	vmor vm1, vm2  }
0x15d: {  	v46 =	vsel vm1, $0x1, v29  }
0x15e: {  	[tilespmem:$0x1E280] =	vst v46  }
0x15f: {  	v59 =	vld.idx.msk [tilespmem:v30+s3+$0x0], $0xffff  }
0x160: {  	v60 =	vld.idx.msk [tilespmem:v31+s3+$0x0], $0xffff  }
0x161: {  	v61 =	vld.idx.msk [tilespmem:v32+s3+$0x0], $0xffff  }
0x162: {  	v62 =	vld.idx.msk [tilespmem:v33+s3+$0x0], $0xffff  }
0x163: {  	v63 =	vld.idx.msk [tilespmem:v34+s3+$0x0], $0xffff  }
0x164: {  	v52 =	vld.idx.msk [tilespmem:v35+s3+$0x0], $0xffff  }
0x165: {  	v54 =	vld.idx.msk [tilespmem:v36+s3+$0x0], $0xffff;
	vm1 =	veq.s32 v59, $0x0;
	vm2 =	veq.s32 v60, $0x0  }
0x166: {  	v55 =	vld.idx.msk [tilespmem:v37+s3+$0x0], $0xffff;
	vm1 =	vmor vm1, vm2;
	vm2 =	veq.s32 v61, $0x0  }
0x167: {  	v56 =	vld.idx.msk [tilespmem:v38+s3+$0x0], $0xffff;
	vm1 =	vmor vm1, vm2;
	vm2 =	veq.s32 v62, $0x0  }
0x168: {  	v57 =	vld.idx.msk [tilespmem:v39+s3+$0x0], $0xffff;
	vm1 =	vmor vm1, vm2;
	vm2 =	veq.s32 v63, $0x0  }
0x169: {  	v58 =	vld.idx.msk [tilespmem:v40+s3+$0x0], $0xffff;
	vm1 =	vmor vm1, vm2;
	vm2 =	veq.s32 v52, $0x0  }
0x16a: {  	v59 =	vld.idx.msk [tilespmem:v41+s3+$0x0], $0xffff;
	vm1 =	vmor vm1, vm2;
	vm2 =	veq.s32 v54, $0x0  }
0x16b: {  	v60 =	vld.idx.msk [tilespmem:v42+s3+$0x0], $0xffff;
	vm1 =	vmor vm1, vm2;
	vm2 =	veq.s32 v55, $0x0  }
0x16c: {  	v61 =	vld.idx.msk [tilespmem:v43+s3+$0x0], $0xffff;
	vm1 =	vmor vm1, vm2;
	vm2 =	veq.s32 v56, $0x0  }
0x16d: {  	v62 =	vld.idx.msk [tilespmem:v44+s3+$0x0], $0xffff;
	vm1 =	vmor vm1, vm2;
	vm2 =	veq.s32 v57, $0x0  }
0x16e: {  	v63 =	vld.idx.msk [tilespmem:v45+s3+$0x0], $0xffff;
	vm1 =	vmor vm1, vm2;
	vm2 =	veq.s32 v58, $0x0  }
0x16f: {  	vm1 =	vmor vm1, vm2;
	vm2 =	veq.s32 v59, $0x0  }
0x170: {  	vm1 =	vmor vm1, vm2;
	vm2 =	veq.s32 v60, $0x0  }
0x171: {  	vm1 =	vmor vm1, vm2;
	vm2 =	veq.s32 v61, $0x0  }
0x172: {  	vm1 =	vmor vm1, vm2;
	vm2 =	veq.s32 v62, $0x0  }
0x173: {  	vm1 =	vmor vm1, vm2;
	vm2 =	veq.s32 v63, $0x0  }
0x174: {  	vm1 =	vmor vm1, vm2  }
0x175: {  	v48 =	vsel vm1, $0x1, v29  }
0x176: {  	[tilespmem:$0x1E290] =	vst v48  }
0x177: {  	_ =	swait.ge [sflag:s22], $0x2000  }
0x178: {  	[sflag:s22] =	ssyncset.done $0x0  }
0x179: {  	[sflag:s22] =	ssyncadd.s32 $0xFFFFE000  }
0x17a: {  	_ =	swait.ge [sflag:s22], $0x2000  }
0x17b: {  	[sflag:s22] =	ssyncset.done $0x0  }
0x17c: {  	[sflag:s22] =	ssyncadd.s32 $0xFFFFE000  }
0x17d: {  	_ =	swait.ge [sflag:s22], $0x2000  }
0x17e: {  	[sflag:s22] =	ssyncset.done $0x0  }
0x17f: {  	[sflag:s22] =	ssyncadd.s32 $0xFFFFE000  }
0x180: {  	_ =	swait.ge [sflag:s22], $0x2000  }
0x181: {  	[sflag:s22] =	ssyncset.done $0x0  }
0x182: {  	[sflag:s22] =	ssyncadd.s32 $0xFFFFE000  }
0x183: {  	_ =	swait.ge [sflag:s25], $0xE000  }
0x184: {  	[sflag:s25] =	ssyncset.done $0x0  }
0x185: {  	[sflag:s25] =	ssyncadd.s32 $0xFFFF2000  }
0x186: {  	_ =	swait.ge [sflag:s25], $0xE000  }
0x187: {  	[sflag:s25] =	ssyncset.done $0x0  }
0x188: {  	[sflag:s25] =	ssyncadd.s32 $0xFFFF2000  }
0x189: {  	_ =	swait.ge [sflag:s25], $0xE000  }
0x18a: {  	[sflag:s25] =	ssyncset.done $0x0  }
0x18b: {  	[sflag:s25] =	ssyncadd.s32 $0xFFFF2000  }
0x18c: {  	_ =	swait.ge [sflag:s25], $0xE000  }
0x18d: {  	(v2sf) =	vpush v46, $0x0;
	_ =	sdelay $0xe  }
0x18e: {  	[sflag:s25] =	ssyncset.done $0x0;
	s28 =	spop (v2sf)  }
0x18f: {  	[sflag:s25] =	ssyncadd.s32 $0xFFFF2000;
	p0 =	seq.s32 s28, $0x0  }
0x190: {  	v46 =	vld @!p0 [tilespmem:$0x0];
	_ =	sdelay $0x4  }
0x191: {  	vm1 =	veq.s32 @!p0 v46, $0x0  }
0x192: {  	v46 =	vsel @!p0 vm1, $0x0, v0  }
0x193: {  	v47 =	vshll.u32 @!p0 v46, $0x3  }
0x194: {  	v48 =	vlaneseq.u32 @!p0;
	v46 =	vand.u32 @!p0 $0x7, v46;
	v47 =	vand.u32 @!p0 $0xFFFFFFC0, v47  }
0x195: {  	v49 =	vshrl.u32 @!p0 v48, $0x3;
	v46 =	vor.u32 @!p0 v46, v47;
	v47 =	vand.u32 @!p0 $0x7, v48  }
0x196: {  	v49 =	vmul.u32 @!p0 $0x8, v49;
	v47 =	vperm.xlane @!p0 v46, v47;
	_ =	sdelay $0x1  }
0x197: {  	v47 =	vadd.s32 @!p0 v49, v47;
	_ =	sdelay $0x3  }
0x198: {  	s26 =	simm.s32 @!p0 $0x0;
	s28 =	simm.s32 @!p0 $0x280;
	vm1 =	vmmov @!p0 $0xffff  }
0x199: {  	v48 =	vor.u32 @!p0 $0x8, v48;
	[tilespmem:s28], [sflag:$0x6] =	stream.indirect_vreg.gather @!p0 [hbm4b:s2+s26], $0x80, v47, vm1, $0xb8;
	[tilespmem:$0x1E300] =	vst v63  }
0x19a: {  	s29 =	simm.s32 @!p0 $0xA80;
	v46 =	vperm.xlane @!p0 v46, v48  }
0x19b: {  	[tilespmem:s29], [sflag:$0x6] =	stream.indirect_vreg.gather @!p0 [hbm4b:s5+s26], $0x80, v47, vm1, $0xb8;
	[tilespmem:$0x1E300] =	vst v63  }
0x19c: {  	v46 =	vadd.s32 @!p0 v49, v46;
	s29 =	simm.s32 @!p0 $0x1280  }
0x19d: {  	[tilespmem:s29], [sflag:$0x6] =	stream.indirect_vreg.gather @!p0 [hbm4b:s6+s26], $0x80, v47, vm1, $0xb8;
	[tilespmem:$0x1E300] =	vst v63  }
0x19e: {  	s29 =	simm.s32 @!p0 $0x1A80  }
0x19f: {  	[tilespmem:s29], [sflag:$0x6] =	stream.indirect_vreg.gather @!p0 [hbm4b:s7+s26], $0x80, v47, vm1, $0xb8;
	[tilespmem:$0x1E300] =	vst v63  }
0x1a0: {  	s29 =	simm.s32 @!p0 $0x2280  }
0x1a1: {  	[tilespmem:s29], [sflag:$0x6] =	stream.indirect_vreg.gather @!p0 [hbm4b:s2+s26], $0x80, v46, vm1, $0xb8;
	[tilespmem:$0x1E300] =	vst v63  }
0x1a2: {  	s29 =	simm.s32 @!p0 $0x2A80  }
0x1a3: {  	[tilespmem:s29], [sflag:$0x6] =	stream.indirect_vreg.gather @!p0 [hbm4b:s5+s26], $0x80, v46, vm1, $0xb8;
	[tilespmem:$0x1E300] =	vst v63  }
0x1a4: {  	s29 =	simm.s32 @!p0 $0x3280  }
0x1a5: {  	[tilespmem:s29], [sflag:$0x6] =	stream.indirect_vreg.gather @!p0 [hbm4b:s6+s26], $0x80, v46, vm1, $0xb8;
	[tilespmem:$0x1E300] =	vst v63  }
0x1a6: {  	s29 =	simm.s32 @!p0 $0x3A80  }
0x1a7: {  	[tilespmem:s29], [sflag:$0x6] =	stream.indirect_vreg.gather @!p0 [hbm4b:s7+s26], $0x80, v46, vm1, $0xb8;
	[tilespmem:$0x1E300] =	vst v63  }
0x1a8: {  	s29 =	simm.s32 @!p0 $0x6  }
0x1a9: {  	_ =	swait.ge @!p0 [sflag:s29], $0x4000  }
0x1aa: {  	[sflag:s29] =	ssyncset.done @!p0 $0x0  }
0x1ab: {  	[sflag:s29] =	ssyncadd.s32 @!p0 $0xFFFFC000  }
0x1ac: {  	[hbm4b:s4+s26] =	stream.linear.scatter @!p0 [tilespmem:s28], [sflag:$0x6], $0x4000, $0x38;
	[tilespmem:$0x1E300] =	vst v63  }
0x1ad: {  	_ =	swait.ge @!p0 [sflag:s29], $0x4000  }
0x1ae: {  	[sflag:s29] =	ssyncset.done @!p0 $0x0  }
0x1af: {  	[sflag:s29] =	ssyncadd.s32 @!p0 $0xFFFFC000  }
0x1b0: {  	v49 =	vld [tilespmem:$0x1E280];
	_ =	sdelay $0x4  }
0x1b1: {  	(v2sf) =	vpush v49, $0x1;
	_ =	sdelay $0xe  }
0x1b2: {  	s29 =	spop (v2sf)  }
0x1b3: {  	p0 =	slt.s32 s29, $0x1  }
0x1b4: {  	v46 =	vld @!p0 [tilespmem:$0x10];
	_ =	sdelay $0x4  }
0x1b5: {  	vm1 =	veq.s32 @!p0 v46, $0x0  }
0x1b6: {  	v46 =	vsel @!p0 vm1, $0x0, v1  }
0x1b7: {  	v47 =	vshll.u32 @!p0 v46, $0x3  }
0x1b8: {  	v48 =	vlaneseq.u32 @!p0;
	v46 =	vand.u32 @!p0 $0x7, v46;
	v47 =	vand.u32 @!p0 $0xFFFFFFC0, v47  }
0x1b9: {  	v49 =	vshrl.u32 @!p0 v48, $0x3;
	v46 =	vor.u32 @!p0 v46, v47;
	v47 =	vand.u32 @!p0 $0x7, v48  }
0x1ba: {  	v49 =	vmul.u32 @!p0 $0x8, v49;
	v47 =	vperm.xlane @!p0 v46, v47;
	_ =	sdelay $0x1  }
0x1bb: {  	v47 =	vadd.s32 @!p0 v49, v47;
	_ =	sdelay $0x3  }
0x1bc: {  	s26 =	simm.s32 @!p0 $0x0;
	s28 =	simm.s32 @!p0 $0x280;
	vm1 =	vmmov @!p0 $0xffff  }
0x1bd: {  	v48 =	vor.u32 @!p0 $0x8, v48;
	[tilespmem:s28], [sflag:$0x6] =	stream.indirect_vreg.gather @!p0 [hbm4b:s2+s26], $0x80, v47, vm1, $0xb8;
	[tilespmem:$0x1E300] =	vst v63  }
0x1be: {  	s29 =	simm.s32 @!p0 $0xA80;
	v46 =	vperm.xlane @!p0 v46, v48  }
0x1bf: {  	[tilespmem:s29], [sflag:$0x6] =	stream.indirect_vreg.gather @!p0 [hbm4b:s5+s26], $0x80, v47, vm1, $0xb8;
	[tilespmem:$0x1E300] =	vst v63  }
0x1c0: {  	v46 =	vadd.s32 @!p0 v49, v46;
	s29 =	simm.s32 @!p0 $0x1280  }
0x1c1: {  	[tilespmem:s29], [sflag:$0x6] =	stream.indirect_vreg.gather @!p0 [hbm4b:s6+s26], $0x80, v47, vm1, $0xb8;
	[tilespmem:$0x1E300] =	vst v63  }
0x1c2: {  	s29 =	simm.s32 @!p0 $0x1A80  }
0x1c3: {  	[tilespmem:s29], [sflag:$0x6] =	stream.indirect_vreg.gather @!p0 [hbm4b:s7+s26], $0x80, v47, vm1, $0xb8;
	[tilespmem:$0x1E300] =	vst v63  }
0x1c4: {  	s29 =	simm.s32 @!p0 $0x2280  }
0x1c5: {  	[tilespmem:s29], [sflag:$0x6] =	stream.indirect_vreg.gather @!p0 [hbm4b:s2+s26], $0x80, v46, vm1, $0xb8;
	[tilespmem:$0x1E300] =	vst v63  }
0x1c6: {  	s29 =	simm.s32 @!p0 $0x2A80  }
0x1c7: {  	[tilespmem:s29], [sflag:$0x6] =	stream.indirect_vreg.gather @!p0 [hbm4b:s5+s26], $0x80, v46, vm1, $0xb8;
	[tilespmem:$0x1E300] =	vst v63  }
0x1c8: {  	s29 =	simm.s32 @!p0 $0x3280  }
0x1c9: {  	[tilespmem:s29], [sflag:$0x6] =	stream.indirect_vreg.gather @!p0 [hbm4b:s6+s26], $0x80, v46, vm1, $0xb8;
	[tilespmem:$0x1E300] =	vst v63  }
0x1ca: {  	s29 =	simm.s32 @!p0 $0x3A80  }
0x1cb: {  	[tilespmem:s29], [sflag:$0x6] =	stream.indirect_vreg.gather @!p0 [hbm4b:s7+s26], $0x80, v46, vm1, $0xb8;
	[tilespmem:$0x1E300] =	vst v63  }
0x1cc: {  	s29 =	simm.s32 @!p0 $0x6  }
0x1cd: {  	_ =	swait.ge @!p0 [sflag:s29], $0x4000  }
0x1ce: {  	[sflag:s29] =	ssyncset.done @!p0 $0x0  }
0x1cf: {  	s30 =	rddreg [dreg:$0x9];
	[sflag:s29] =	ssyncadd.s32 @!p0 $0xFFFFC000  }
0x1d0: {  	[hbm4b:s30+s26] =	stream.linear.scatter @!p0 [tilespmem:s28], [sflag:$0x6], $0x4000, $0x38;
	[tilespmem:$0x1E300] =	vst v63  }
0x1d1: {  	_ =	swait.ge @!p0 [sflag:s29], $0x4000  }
0x1d2: {  	[sflag:s29] =	ssyncset.done @!p0 $0x0  }
0x1d3: {  	[sflag:s29] =	ssyncadd.s32 @!p0 $0xFFFFC000  }
0x1d4: {  	v50 =	vld [tilespmem:$0x1E280];
	_ =	sdelay $0x4  }
0x1d5: {  	(v2sf) =	vpush v50, $0x2;
	_ =	sdelay $0xe  }
0x1d6: {  	s30 =	spop (v2sf)  }
0x1d7: {  	p0 =	slt.s32 s30, $0x1  }
0x1d8: {  	v46 =	vld @!p0 [tilespmem:$0x20];
	_ =	sdelay $0x4  }
0x1d9: {  	vm1 =	veq.s32 @!p0 v46, $0x0  }
0x1da: {  	v46 =	vsel @!p0 vm1, $0x0, v2  }
0x1db: {  	v47 =	vshll.u32 @!p0 v46, $0x3  }
0x1dc: {  	v48 =	vlaneseq.u32 @!p0;
	v46 =	vand.u32 @!p0 $0x7, v46;
	v47 =	vand.u32 @!p0 $0xFFFFFFC0, v47  }
0x1dd: {  	v49 =	vshrl.u32 @!p0 v48, $0x3;
	v46 =	vor.u32 @!p0 v46, v47;
	v47 =	vand.u32 @!p0 $0x7, v48  }
0x1de: {  	v49 =	vmul.u32 @!p0 $0x8, v49;
	v47 =	vperm.xlane @!p0 v46, v47;
	_ =	sdelay $0x1  }
0x1df: {  	v47 =	vadd.s32 @!p0 v49, v47;
	_ =	sdelay $0x3  }
0x1e0: {  	s26 =	simm.s32 @!p0 $0x0;
	s28 =	simm.s32 @!p0 $0x280;
	vm1 =	vmmov @!p0 $0xffff  }
0x1e1: {  	v48 =	vor.u32 @!p0 $0x8, v48;
	[tilespmem:s28], [sflag:$0x6] =	stream.indirect_vreg.gather @!p0 [hbm4b:s2+s26], $0x80, v47, vm1, $0xb8;
	[tilespmem:$0x1E300] =	vst v63  }
0x1e2: {  	s29 =	simm.s32 @!p0 $0xA80;
	v46 =	vperm.xlane @!p0 v46, v48  }
0x1e3: {  	[tilespmem:s29], [sflag:$0x6] =	stream.indirect_vreg.gather @!p0 [hbm4b:s5+s26], $0x80, v47, vm1, $0xb8;
	[tilespmem:$0x1E300] =	vst v63  }
0x1e4: {  	v46 =	vadd.s32 @!p0 v49, v46;
	s29 =	simm.s32 @!p0 $0x1280  }
0x1e5: {  	[tilespmem:s29], [sflag:$0x6] =	stream.indirect_vreg.gather @!p0 [hbm4b:s6+s26], $0x80, v47, vm1, $0xb8;
	[tilespmem:$0x1E300] =	vst v63  }
0x1e6: {  	s29 =	simm.s32 @!p0 $0x1A80  }
0x1e7: {  	[tilespmem:s29], [sflag:$0x6] =	stream.indirect_vreg.gather @!p0 [hbm4b:s7+s26], $0x80, v47, vm1, $0xb8;
	[tilespmem:$0x1E300] =	vst v63  }
0x1e8: {  	s29 =	simm.s32 @!p0 $0x2280  }
0x1e9: {  	[tilespmem:s29], [sflag:$0x6] =	stream.indirect_vreg.gather @!p0 [hbm4b:s2+s26], $0x80, v46, vm1, $0xb8;
	[tilespmem:$0x1E300] =	vst v63  }
0x1ea: {  	s29 =	simm.s32 @!p0 $0x2A80  }
0x1eb: {  	[tilespmem:s29], [sflag:$0x6] =	stream.indirect_vreg.gather @!p0 [hbm4b:s5+s26], $0x80, v46, vm1, $0xb8;
	[tilespmem:$0x1E300] =	vst v63  }
0x1ec: {  	s29 =	simm.s32 @!p0 $0x3280  }
0x1ed: {  	[tilespmem:s29], [sflag:$0x6] =	stream.indirect_vreg.gather @!p0 [hbm4b:s6+s26], $0x80, v46, vm1, $0xb8;
	[tilespmem:$0x1E300] =	vst v63  }
0x1ee: {  	s29 =	simm.s32 @!p0 $0x3A80  }
0x1ef: {  	[tilespmem:s29], [sflag:$0x6] =	stream.indirect_vreg.gather @!p0 [hbm4b:s7+s26], $0x80, v46, vm1, $0xb8;
	[tilespmem:$0x1E300] =	vst v63  }
0x1f0: {  	s29 =	simm.s32 @!p0 $0x6  }
0x1f1: {  	_ =	swait.ge @!p0 [sflag:s29], $0x4000  }
0x1f2: {  	[sflag:s29] =	ssyncset.done @!p0 $0x0  }
0x1f3: {  	s30 =	rddreg [dreg:$0xa];
	[sflag:s29] =	ssyncadd.s32 @!p0 $0xFFFFC000  }
0x1f4: {  	[hbm4b:s30+s26] =	stream.linear.scatter @!p0 [tilespmem:s28], [sflag:$0x6], $0x4000, $0x38;
	[tilespmem:$0x1E300] =	vst v63  }
0x1f5: {  	_ =	swait.ge @!p0 [sflag:s29], $0x4000  }
0x1f6: {  	[sflag:s29] =	ssyncset.done @!p0 $0x0  }
0x1f7: {  	[sflag:s29] =	ssyncadd.s32 @!p0 $0xFFFFC000  }
0x1f8: {  	v51 =	vld [tilespmem:$0x1E280];
	_ =	sdelay $0x4  }
0x1f9: {  	(v2sf) =	vpush v51, $0x3;
	_ =	sdelay $0xe  }
0x1fa: {  	s31 =	spop (v2sf)  }
0x1fb: {  	p0 =	slt.s32 s31, $0x1  }
0x1fc: {  	v46 =	vld @!p0 [tilespmem:$0x30];
	_ =	sdelay $0x4  }
0x1fd: {  	vm1 =	veq.s32 @!p0 v46, $0x0  }
0x1fe: {  	v46 =	vsel @!p0 vm1, $0x0, v3  }
0x1ff: {  	v47 =	vshll.u32 @!p0 v46, $0x3  }
0x200: {  	v48 =	vlaneseq.u32 @!p0;
	v46 =	vand.u32 @!p0 $0x7, v46;
	v47 =	vand.u32 @!p0 $0xFFFFFFC0, v47  }
0x201: {  	v49 =	vshrl.u32 @!p0 v48, $0x3;
	v46 =	vor.u32 @!p0 v46, v47;
	v47 =	vand.u32 @!p0 $0x7, v48  }
0x202: {  	v49 =	vmul.u32 @!p0 $0x8, v49;
	v47 =	vperm.xlane @!p0 v46, v47;
	_ =	sdelay $0x1  }
0x203: {  	v47 =	vadd.s32 @!p0 v49, v47;
	_ =	sdelay $0x3  }
0x204: {  	s26 =	simm.s32 @!p0 $0x0;
	s28 =	simm.s32 @!p0 $0x280;
	vm1 =	vmmov @!p0 $0xffff  }
0x205: {  	v48 =	vor.u32 @!p0 $0x8, v48;
	[tilespmem:s28], [sflag:$0x6] =	stream.indirect_vreg.gather @!p0 [hbm4b:s2+s26], $0x80, v47, vm1, $0xb8;
	[tilespmem:$0x1E300] =	vst v63  }
0x206: {  	s29 =	simm.s32 @!p0 $0xA80;
	v46 =	vperm.xlane @!p0 v46, v48  }
0x207: {  	[tilespmem:s29], [sflag:$0x6] =	stream.indirect_vreg.gather @!p0 [hbm4b:s5+s26], $0x80, v47, vm1, $0xb8;
	[tilespmem:$0x1E300] =	vst v63  }
0x208: {  	v46 =	vadd.s32 @!p0 v49, v46;
	s29 =	simm.s32 @!p0 $0x1280  }
0x209: {  	[tilespmem:s29], [sflag:$0x6] =	stream.indirect_vreg.gather @!p0 [hbm4b:s6+s26], $0x80, v47, vm1, $0xb8;
	[tilespmem:$0x1E300] =	vst v63  }
0x20a: {  	s29 =	simm.s32 @!p0 $0x1A80  }
0x20b: {  	[tilespmem:s29], [sflag:$0x6] =	stream.indirect_vreg.gather @!p0 [hbm4b:s7+s26], $0x80, v47, vm1, $0xb8;
	[tilespmem:$0x1E300] =	vst v63  }
0x20c: {  	s29 =	simm.s32 @!p0 $0x2280  }
0x20d: {  	[tilespmem:s29], [sflag:$0x6] =	stream.indirect_vreg.gather @!p0 [hbm4b:s2+s26], $0x80, v46, vm1, $0xb8;
	[tilespmem:$0x1E300] =	vst v63  }
0x20e: {  	s29 =	simm.s32 @!p0 $0x2A80  }
0x20f: {  	[tilespmem:s29], [sflag:$0x6] =	stream.indirect_vreg.gather @!p0 [hbm4b:s5+s26], $0x80, v46, vm1, $0xb8;
	[tilespmem:$0x1E300] =	vst v63  }
0x210: {  	s29 =	simm.s32 @!p0 $0x3280  }
0x211: {  	[tilespmem:s29], [sflag:$0x6] =	stream.indirect_vreg.gather @!p0 [hbm4b:s6+s26], $0x80, v46, vm1, $0xb8;
	[tilespmem:$0x1E300] =	vst v63  }
0x212: {  	s29 =	simm.s32 @!p0 $0x3A80  }
0x213: {  	[tilespmem:s29], [sflag:$0x6] =	stream.indirect_vreg.gather @!p0 [hbm4b:s7+s26], $0x80, v46, vm1, $0xb8;
	[tilespmem:$0x1E300] =	vst v63  }
0x214: {  	s29 =	simm.s32 @!p0 $0x6  }
0x215: {  	_ =	swait.ge @!p0 [sflag:s29], $0x4000  }
0x216: {  	[sflag:s29] =	ssyncset.done @!p0 $0x0  }
0x217: {  	s30 =	rddreg [dreg:$0xb];
	[sflag:s29] =	ssyncadd.s32 @!p0 $0xFFFFC000  }
0x218: {  	[hbm4b:s30+s26] =	stream.linear.scatter @!p0 [tilespmem:s28], [sflag:$0x6], $0x4000, $0x38;
	[tilespmem:$0x1E300] =	vst v63  }
0x219: {  	_ =	swait.ge @!p0 [sflag:s29], $0x4000  }
0x21a: {  	[sflag:s29] =	ssyncset.done @!p0 $0x0  }
0x21b: {  	[sflag:s29] =	ssyncadd.s32 @!p0 $0xFFFFC000  }
0x21c: {  	v52 =	vld [tilespmem:$0x1E280];
	_ =	sdelay $0x4  }
0x21d: {  	(v2sf) =	vpush v52, $0x4;
	_ =	sdelay $0xe  }
0x21e: {  	s28 =	spop (v2sf)  }
0x21f: {  	p0 =	slt.s32 s28, $0x1  }
0x220: {  	v46 =	vld @!p0 [tilespmem:$0x40];
	_ =	sdelay $0x4  }
0x221: {  	vm1 =	veq.s32 @!p0 v46, $0x0  }
0x222: {  	v46 =	vsel @!p0 vm1, $0x0, v4  }
0x223: {  	v47 =	vshll.u32 @!p0 v46, $0x3  }
0x224: {  	v48 =	vlaneseq.u32 @!p0;
	v46 =	vand.u32 @!p0 $0x7, v46;
	v47 =	vand.u32 @!p0 $0xFFFFFFC0, v47  }
0x225: {  	v49 =	vshrl.u32 @!p0 v48, $0x3;
	v46 =	vor.u32 @!p0 v46, v47;
	v47 =	vand.u32 @!p0 $0x7, v48  }
0x226: {  	v49 =	vmul.u32 @!p0 $0x8, v49;
	v47 =	vperm.xlane @!p0 v46, v47;
	_ =	sdelay $0x1  }
0x227: {  	v47 =	vadd.s32 @!p0 v49, v47;
	_ =	sdelay $0x3  }
0x228: {  	s26 =	simm.s32 @!p0 $0x0;
	s28 =	simm.s32 @!p0 $0x280;
	vm1 =	vmmov @!p0 $0xffff  }
0x229: {  	v48 =	vor.u32 @!p0 $0x8, v48;
	[tilespmem:s28], [sflag:$0x6] =	stream.indirect_vreg.gather @!p0 [hbm4b:s2+s26], $0x80, v47, vm1, $0xb8;
	[tilespmem:$0x1E300] =	vst v63  }
0x22a: {  	s29 =	simm.s32 @!p0 $0xA80;
	v46 =	vperm.xlane @!p0 v46, v48  }
0x22b: {  	[tilespmem:s29], [sflag:$0x6] =	stream.indirect_vreg.gather @!p0 [hbm4b:s5+s26], $0x80, v47, vm1, $0xb8;
	[tilespmem:$0x1E300] =	vst v63  }
0x22c: {  	v46 =	vadd.s32 @!p0 v49, v46;
	s29 =	simm.s32 @!p0 $0x1280  }
0x22d: {  	[tilespmem:s29], [sflag:$0x6] =	stream.indirect_vreg.gather @!p0 [hbm4b:s6+s26], $0x80, v47, vm1, $0xb8;
	[tilespmem:$0x1E300] =	vst v63  }
0x22e: {  	s29 =	simm.s32 @!p0 $0x1A80  }
0x22f: {  	[tilespmem:s29], [sflag:$0x6] =	stream.indirect_vreg.gather @!p0 [hbm4b:s7+s26], $0x80, v47, vm1, $0xb8;
	[tilespmem:$0x1E300] =	vst v63  }
0x230: {  	s29 =	simm.s32 @!p0 $0x2280  }
0x231: {  	[tilespmem:s29], [sflag:$0x6] =	stream.indirect_vreg.gather @!p0 [hbm4b:s2+s26], $0x80, v46, vm1, $0xb8;
	[tilespmem:$0x1E300] =	vst v63  }
0x232: {  	s29 =	simm.s32 @!p0 $0x2A80  }
0x233: {  	[tilespmem:s29], [sflag:$0x6] =	stream.indirect_vreg.gather @!p0 [hbm4b:s5+s26], $0x80, v46, vm1, $0xb8;
	[tilespmem:$0x1E300] =	vst v63  }
0x234: {  	s29 =	simm.s32 @!p0 $0x3280  }
0x235: {  	[tilespmem:s29], [sflag:$0x6] =	stream.indirect_vreg.gather @!p0 [hbm4b:s6+s26], $0x80, v46, vm1, $0xb8;
	[tilespmem:$0x1E300] =	vst v63  }
0x236: {  	s29 =	simm.s32 @!p0 $0x3A80  }
0x237: {  	[tilespmem:s29], [sflag:$0x6] =	stream.indirect_vreg.gather @!p0 [hbm4b:s7+s26], $0x80, v46, vm1, $0xb8;
	[tilespmem:$0x1E300] =	vst v63  }
0x238: {  	s29 =	simm.s32 @!p0 $0x6  }
0x239: {  	_ =	swait.ge @!p0 [sflag:s29], $0x4000  }
0x23a: {  	[sflag:s29] =	ssyncset.done @!p0 $0x0  }
0x23b: {  	[sflag:s29] =	ssyncadd.s32 @!p0 $0xFFFFC000  }
0x23c: {  	[hbm4b:s11+s26] =	stream.linear.scatter @!p0 [tilespmem:s28], [sflag:$0x6], $0x4000, $0x38;
	[tilespmem:$0x1E300] =	vst v63  }
0x23d: {  	_ =	swait.ge @!p0 [sflag:s29], $0x4000  }
0x23e: {  	[sflag:s29] =	ssyncset.done @!p0 $0x0  }
0x23f: {  	[sflag:s29] =	ssyncadd.s32 @!p0 $0xFFFFC000  }
0x240: {  	v53 =	vld [tilespmem:$0x1E280];
	_ =	sdelay $0x4  }
0x241: {  	(v2sf) =	vpush v53, $0x5;
	_ =	sdelay $0xe  }
0x242: {  	s29 =	spop (v2sf)  }
0x243: {  	p0 =	slt.s32 s29, $0x1  }
0x244: {  	v46 =	vld @!p0 [tilespmem:$0x50];
	_ =	sdelay $0x4  }
0x245: {  	vm1 =	veq.s32 @!p0 v46, $0x0  }
0x246: {  	v46 =	vsel @!p0 vm1, $0x0, v8  }
0x247: {  	v47 =	vshll.u32 @!p0 v46, $0x3  }
0x248: {  	v48 =	vlaneseq.u32 @!p0;
	v46 =	vand.u32 @!p0 $0x7, v46;
	v47 =	vand.u32 @!p0 $0xFFFFFFC0, v47  }
0x249: {  	v49 =	vshrl.u32 @!p0 v48, $0x3;
	v46 =	vor.u32 @!p0 v46, v47;
	v47 =	vand.u32 @!p0 $0x7, v48  }
0x24a: {  	v49 =	vmul.u32 @!p0 $0x8, v49;
	v47 =	vperm.xlane @!p0 v46, v47;
	_ =	sdelay $0x1  }
0x24b: {  	v47 =	vadd.s32 @!p0 v49, v47;
	_ =	sdelay $0x3  }
0x24c: {  	s26 =	simm.s32 @!p0 $0x0;
	s28 =	simm.s32 @!p0 $0x280;
	vm1 =	vmmov @!p0 $0xffff  }
0x24d: {  	v48 =	vor.u32 @!p0 $0x8, v48;
	[tilespmem:s28], [sflag:$0x6] =	stream.indirect_vreg.gather @!p0 [hbm4b:s2+s26], $0x80, v47, vm1, $0xb8;
	[tilespmem:$0x1E300] =	vst v63  }
0x24e: {  	s29 =	simm.s32 @!p0 $0xA80;
	v46 =	vperm.xlane @!p0 v46, v48  }
0x24f: {  	[tilespmem:s29], [sflag:$0x6] =	stream.indirect_vreg.gather @!p0 [hbm4b:s5+s26], $0x80, v47, vm1, $0xb8;
	[tilespmem:$0x1E300] =	vst v63  }
0x250: {  	v46 =	vadd.s32 @!p0 v49, v46;
	s29 =	simm.s32 @!p0 $0x1280  }
0x251: {  	[tilespmem:s29], [sflag:$0x6] =	stream.indirect_vreg.gather @!p0 [hbm4b:s6+s26], $0x80, v47, vm1, $0xb8;
	[tilespmem:$0x1E300] =	vst v63  }
0x252: {  	s29 =	simm.s32 @!p0 $0x1A80  }
0x253: {  	[tilespmem:s29], [sflag:$0x6] =	stream.indirect_vreg.gather @!p0 [hbm4b:s7+s26], $0x80, v47, vm1, $0xb8;
	[tilespmem:$0x1E300] =	vst v63  }
0x254: {  	s29 =	simm.s32 @!p0 $0x2280  }
0x255: {  	[tilespmem:s29], [sflag:$0x6] =	stream.indirect_vreg.gather @!p0 [hbm4b:s2+s26], $0x80, v46, vm1, $0xb8;
	[tilespmem:$0x1E300] =	vst v63  }
0x256: {  	s29 =	simm.s32 @!p0 $0x2A80  }
0x257: {  	[tilespmem:s29], [sflag:$0x6] =	stream.indirect_vreg.gather @!p0 [hbm4b:s5+s26], $0x80, v46, vm1, $0xb8;
	[tilespmem:$0x1E300] =	vst v63  }
0x258: {  	s29 =	simm.s32 @!p0 $0x3280  }
0x259: {  	[tilespmem:s29], [sflag:$0x6] =	stream.indirect_vreg.gather @!p0 [hbm4b:s6+s26], $0x80, v46, vm1, $0xb8;
	[tilespmem:$0x1E300] =	vst v63  }
0x25a: {  	s29 =	simm.s32 @!p0 $0x3A80  }
0x25b: {  	[tilespmem:s29], [sflag:$0x6] =	stream.indirect_vreg.gather @!p0 [hbm4b:s7+s26], $0x80, v46, vm1, $0xb8;
	[tilespmem:$0x1E300] =	vst v63  }
0x25c: {  	s29 =	simm.s32 @!p0 $0x6  }
0x25d: {  	_ =	swait.ge @!p0 [sflag:s29], $0x4000  }
0x25e: {  	[sflag:s29] =	ssyncset.done @!p0 $0x0  }
0x25f: {  	s30 =	rddreg [dreg:$0xc];
	[sflag:s29] =	ssyncadd.s32 @!p0 $0xFFFFC000  }
0x260: {  	[hbm4b:s30+s26] =	stream.linear.scatter @!p0 [tilespmem:s28], [sflag:$0x6], $0x4000, $0x38;
	[tilespmem:$0x1E300] =	vst v63  }
0x261: {  	_ =	swait.ge @!p0 [sflag:s29], $0x4000  }
0x262: {  	[sflag:s29] =	ssyncset.done @!p0 $0x0  }
0x263: {  	[sflag:s29] =	ssyncadd.s32 @!p0 $0xFFFFC000  }
0x264: {  	v54 =	vld [tilespmem:$0x1E280];
	_ =	sdelay $0x4  }
0x265: {  	(v2sf) =	vpush v54, $0x6;
	_ =	sdelay $0xe  }
0x266: {  	s30 =	spop (v2sf)  }
0x267: {  	p0 =	slt.s32 s30, $0x1  }
0x268: {  	v46 =	vld @!p0 [tilespmem:$0x60];
	_ =	sdelay $0x4  }
0x269: {  	vm1 =	veq.s32 @!p0 v46, $0x0  }
0x26a: {  	v46 =	vsel @!p0 vm1, $0x0, v9  }
0x26b: {  	v47 =	vshll.u32 @!p0 v46, $0x3  }
0x26c: {  	v48 =	vlaneseq.u32 @!p0;
	v46 =	vand.u32 @!p0 $0x7, v46;
	v47 =	vand.u32 @!p0 $0xFFFFFFC0, v47  }
0x26d: {  	v49 =	vshrl.u32 @!p0 v48, $0x3;
	v46 =	vor.u32 @!p0 v46, v47;
	v47 =	vand.u32 @!p0 $0x7, v48  }
0x26e: {  	v49 =	vmul.u32 @!p0 $0x8, v49;
	v47 =	vperm.xlane @!p0 v46, v47;
	_ =	sdelay $0x1  }
0x26f: {  	v47 =	vadd.s32 @!p0 v49, v47;
	_ =	sdelay $0x3  }
0x270: {  	s26 =	simm.s32 @!p0 $0x0;
	s28 =	simm.s32 @!p0 $0x280;
	vm1 =	vmmov @!p0 $0xffff  }
0x271: {  	v48 =	vor.u32 @!p0 $0x8, v48;
	[tilespmem:s28], [sflag:$0x6] =	stream.indirect_vreg.gather @!p0 [hbm4b:s2+s26], $0x80, v47, vm1, $0xb8;
	[tilespmem:$0x1E300] =	vst v63  }
0x272: {  	s29 =	simm.s32 @!p0 $0xA80;
	v46 =	vperm.xlane @!p0 v46, v48  }
0x273: {  	[tilespmem:s29], [sflag:$0x6] =	stream.indirect_vreg.gather @!p0 [hbm4b:s5+s26], $0x80, v47, vm1, $0xb8;
	[tilespmem:$0x1E300] =	vst v63  }
0x274: {  	v46 =	vadd.s32 @!p0 v49, v46;
	s29 =	simm.s32 @!p0 $0x1280  }
0x275: {  	[tilespmem:s29], [sflag:$0x6] =	stream.indirect_vreg.gather @!p0 [hbm4b:s6+s26], $0x80, v47, vm1, $0xb8;
	[tilespmem:$0x1E300] =	vst v63  }
0x276: {  	s29 =	simm.s32 @!p0 $0x1A80  }
0x277: {  	[tilespmem:s29], [sflag:$0x6] =	stream.indirect_vreg.gather @!p0 [hbm4b:s7+s26], $0x80, v47, vm1, $0xb8;
	[tilespmem:$0x1E300] =	vst v63  }
0x278: {  	s29 =	simm.s32 @!p0 $0x2280  }
0x279: {  	[tilespmem:s29], [sflag:$0x6] =	stream.indirect_vreg.gather @!p0 [hbm4b:s2+s26], $0x80, v46, vm1, $0xb8;
	[tilespmem:$0x1E300] =	vst v63  }
0x27a: {  	s29 =	simm.s32 @!p0 $0x2A80  }
0x27b: {  	[tilespmem:s29], [sflag:$0x6] =	stream.indirect_vreg.gather @!p0 [hbm4b:s5+s26], $0x80, v46, vm1, $0xb8;
	[tilespmem:$0x1E300] =	vst v63  }
0x27c: {  	s29 =	simm.s32 @!p0 $0x3280  }
0x27d: {  	[tilespmem:s29], [sflag:$0x6] =	stream.indirect_vreg.gather @!p0 [hbm4b:s6+s26], $0x80, v46, vm1, $0xb8;
	[tilespmem:$0x1E300] =	vst v63  }
0x27e: {  	s29 =	simm.s32 @!p0 $0x3A80  }
0x27f: {  	[tilespmem:s29], [sflag:$0x6] =	stream.indirect_vreg.gather @!p0 [hbm4b:s7+s26], $0x80, v46, vm1, $0xb8;
	[tilespmem:$0x1E300] =	vst v63  }
0x280: {  	s29 =	simm.s32 @!p0 $0x6  }
0x281: {  	_ =	swait.ge @!p0 [sflag:s29], $0x4000  }
0x282: {  	[sflag:s29] =	ssyncset.done @!p0 $0x0  }
0x283: {  	s30 =	rddreg [dreg:$0xd];
	[sflag:s29] =	ssyncadd.s32 @!p0 $0xFFFFC000  }
0x284: {  	[hbm4b:s30+s26] =	stream.linear.scatter @!p0 [tilespmem:s28], [sflag:$0x6], $0x4000, $0x38;
	[tilespmem:$0x1E300] =	vst v63  }
0x285: {  	_ =	swait.ge @!p0 [sflag:s29], $0x4000  }
0x286: {  	[sflag:s29] =	ssyncset.done @!p0 $0x0  }
0x287: {  	[sflag:s29] =	ssyncadd.s32 @!p0 $0xFFFFC000  }
0x288: {  	v55 =	vld [tilespmem:$0x1E280];
	_ =	sdelay $0x4  }
0x289: {  	(v2sf) =	vpush v55, $0x7;
	_ =	sdelay $0xe  }
0x28a: {  	s31 =	spop (v2sf)  }
0x28b: {  	p0 =	slt.s32 s31, $0x1  }
0x28c: {  	v46 =	vld @!p0 [tilespmem:$0x70];
	_ =	sdelay $0x4  }
0x28d: {  	vm1 =	veq.s32 @!p0 v46, $0x0  }
0x28e: {  	v46 =	vsel @!p0 vm1, $0x0, v11  }
0x28f: {  	v47 =	vshll.u32 @!p0 v46, $0x3  }
0x290: {  	v48 =	vlaneseq.u32 @!p0;
	v46 =	vand.u32 @!p0 $0x7, v46;
	v47 =	vand.u32 @!p0 $0xFFFFFFC0, v47  }
0x291: {  	v49 =	vshrl.u32 @!p0 v48, $0x3;
	v46 =	vor.u32 @!p0 v46, v47;
	v47 =	vand.u32 @!p0 $0x7, v48  }
0x292: {  	v49 =	vmul.u32 @!p0 $0x8, v49;
	v47 =	vperm.xlane @!p0 v46, v47;
	_ =	sdelay $0x1  }
0x293: {  	v47 =	vadd.s32 @!p0 v49, v47;
	_ =	sdelay $0x3  }
0x294: {  	s26 =	simm.s32 @!p0 $0x0;
	s28 =	simm.s32 @!p0 $0x280;
	vm1 =	vmmov @!p0 $0xffff  }
0x295: {  	v48 =	vor.u32 @!p0 $0x8, v48;
	[tilespmem:s28], [sflag:$0x6] =	stream.indirect_vreg.gather @!p0 [hbm4b:s2+s26], $0x80, v47, vm1, $0xb8;
	[tilespmem:$0x1E300] =	vst v63  }
0x296: {  	s29 =	simm.s32 @!p0 $0xA80;
	v46 =	vperm.xlane @!p0 v46, v48  }
0x297: {  	[tilespmem:s29], [sflag:$0x6] =	stream.indirect_vreg.gather @!p0 [hbm4b:s5+s26], $0x80, v47, vm1, $0xb8;
	[tilespmem:$0x1E300] =	vst v63  }
0x298: {  	v46 =	vadd.s32 @!p0 v49, v46;
	s29 =	simm.s32 @!p0 $0x1280  }
0x299: {  	[tilespmem:s29], [sflag:$0x6] =	stream.indirect_vreg.gather @!p0 [hbm4b:s6+s26], $0x80, v47, vm1, $0xb8;
	[tilespmem:$0x1E300] =	vst v63  }
0x29a: {  	s29 =	simm.s32 @!p0 $0x1A80  }
0x29b: {  	[tilespmem:s29], [sflag:$0x6] =	stream.indirect_vreg.gather @!p0 [hbm4b:s7+s26], $0x80, v47, vm1, $0xb8;
	[tilespmem:$0x1E300] =	vst v63  }
0x29c: {  	s29 =	simm.s32 @!p0 $0x2280  }
0x29d: {  	[tilespmem:s29], [sflag:$0x6] =	stream.indirect_vreg.gather @!p0 [hbm4b:s2+s26], $0x80, v46, vm1, $0xb8;
	[tilespmem:$0x1E300] =	vst v63  }
0x29e: {  	s29 =	simm.s32 @!p0 $0x2A80  }
0x29f: {  	[tilespmem:s29], [sflag:$0x6] =	stream.indirect_vreg.gather @!p0 [hbm4b:s5+s26], $0x80, v46, vm1, $0xb8;
	[tilespmem:$0x1E300] =	vst v63  }
0x2a0: {  	s29 =	simm.s32 @!p0 $0x3280  }
0x2a1: {  	[tilespmem:s29], [sflag:$0x6] =	stream.indirect_vreg.gather @!p0 [hbm4b:s6+s26], $0x80, v46, vm1, $0xb8;
	[tilespmem:$0x1E300] =	vst v63  }
0x2a2: {  	s29 =	simm.s32 @!p0 $0x3A80  }
0x2a3: {  	[tilespmem:s29], [sflag:$0x6] =	stream.indirect_vreg.gather @!p0 [hbm4b:s7+s26], $0x80, v46, vm1, $0xb8;
	[tilespmem:$0x1E300] =	vst v63  }
0x2a4: {  	s29 =	simm.s32 @!p0 $0x6  }
0x2a5: {  	_ =	swait.ge @!p0 [sflag:s29], $0x4000  }
0x2a6: {  	[sflag:s29] =	ssyncset.done @!p0 $0x0  }
0x2a7: {  	s30 =	rddreg [dreg:$0xe];
	[sflag:s29] =	ssyncadd.s32 @!p0 $0xFFFFC000  }
0x2a8: {  	[hbm4b:s30+s26] =	stream.linear.scatter @!p0 [tilespmem:s28], [sflag:$0x6], $0x4000, $0x38;
	[tilespmem:$0x1E300] =	vst v63  }
0x2a9: {  	_ =	swait.ge @!p0 [sflag:s29], $0x4000  }
0x2aa: {  	[sflag:s29] =	ssyncset.done @!p0 $0x0  }
0x2ab: {  	[sflag:s29] =	ssyncadd.s32 @!p0 $0xFFFFC000  }
0x2ac: {  	v56 =	vld [tilespmem:$0x1E280];
	_ =	sdelay $0x4  }
0x2ad: {  	(v2sf) =	vpush v56, $0x8;
	_ =	sdelay $0xe  }
0x2ae: {  	s28 =	spop (v2sf)  }
0x2af: {  	p0 =	slt.s32 s28, $0x1  }
0x2b0: {  	v46 =	vld @!p0 [tilespmem:$0x80];
	_ =	sdelay $0x4  }
0x2b1: {  	vm1 =	veq.s32 @!p0 v46, $0x0  }
0x2b2: {  	v46 =	vsel @!p0 vm1, $0x0, v0  }
0x2b3: {  	v47 =	vshll.u32 @!p0 v46, $0x3  }
0x2b4: {  	v48 =	vlaneseq.u32 @!p0;
	v46 =	vand.u32 @!p0 $0x7, v46;
	v47 =	vand.u32 @!p0 $0xFFFFFFC0, v47  }
0x2b5: {  	v49 =	vshrl.u32 @!p0 v48, $0x3;
	v46 =	vor.u32 @!p0 v46, v47;
	v47 =	vand.u32 @!p0 $0x7, v48  }
0x2b6: {  	v49 =	vmul.u32 @!p0 $0x8, v49;
	v47 =	vperm.xlane @!p0 v46, v47;
	_ =	sdelay $0x1  }
0x2b7: {  	v47 =	vadd.s32 @!p0 v49, v47;
	_ =	sdelay $0x3  }
0x2b8: {  	s26 =	simm.s32 @!p0 $0x0;
	s28 =	simm.s32 @!p0 $0x280;
	vm1 =	vmmov @!p0 $0xffff  }
0x2b9: {  	v48 =	vor.u32 @!p0 $0x8, v48;
	[tilespmem:s28], [sflag:$0x6] =	stream.indirect_vreg.gather @!p0 [hbm4b:s2+s26], $0x80, v47, vm1, $0xb8;
	[tilespmem:$0x1E300] =	vst v63  }
0x2ba: {  	s29 =	simm.s32 @!p0 $0xA80;
	v46 =	vperm.xlane @!p0 v46, v48  }
0x2bb: {  	[tilespmem:s29], [sflag:$0x6] =	stream.indirect_vreg.gather @!p0 [hbm4b:s5+s26], $0x80, v47, vm1, $0xb8;
	[tilespmem:$0x1E300] =	vst v63  }
0x2bc: {  	v46 =	vadd.s32 @!p0 v49, v46;
	s29 =	simm.s32 @!p0 $0x1280  }
0x2bd: {  	[tilespmem:s29], [sflag:$0x6] =	stream.indirect_vreg.gather @!p0 [hbm4b:s6+s26], $0x80, v47, vm1, $0xb8;
	[tilespmem:$0x1E300] =	vst v63  }
0x2be: {  	s29 =	simm.s32 @!p0 $0x1A80  }
0x2bf: {  	[tilespmem:s29], [sflag:$0x6] =	stream.indirect_vreg.gather @!p0 [hbm4b:s7+s26], $0x80, v47, vm1, $0xb8;
	[tilespmem:$0x1E300] =	vst v63  }
0x2c0: {  	s29 =	simm.s32 @!p0 $0x2280  }
0x2c1: {  	[tilespmem:s29], [sflag:$0x6] =	stream.indirect_vreg.gather @!p0 [hbm4b:s2+s26], $0x80, v46, vm1, $0xb8;
	[tilespmem:$0x1E300] =	vst v63  }
0x2c2: {  	s29 =	simm.s32 @!p0 $0x2A80  }
0x2c3: {  	[tilespmem:s29], [sflag:$0x6] =	stream.indirect_vreg.gather @!p0 [hbm4b:s5+s26], $0x80, v46, vm1, $0xb8;
	[tilespmem:$0x1E300] =	vst v63  }
0x2c4: {  	s29 =	simm.s32 @!p0 $0x3280  }
0x2c5: {  	[tilespmem:s29], [sflag:$0x6] =	stream.indirect_vreg.gather @!p0 [hbm4b:s6+s26], $0x80, v46, vm1, $0xb8;
	[tilespmem:$0x1E300] =	vst v63  }
0x2c6: {  	s29 =	simm.s32 @!p0 $0x3A80  }
0x2c7: {  	[tilespmem:s29], [sflag:$0x6] =	stream.indirect_vreg.gather @!p0 [hbm4b:s7+s26], $0x80, v46, vm1, $0xb8;
	[tilespmem:$0x1E300] =	vst v63  }
0x2c8: {  	s29 =	simm.s32 @!p0 $0x6  }
0x2c9: {  	_ =	swait.ge @!p0 [sflag:s29], $0x4000  }
0x2ca: {  	[sflag:s29] =	ssyncset.done @!p0 $0x0  }
0x2cb: {  	[sflag:s29] =	ssyncadd.s32 @!p0 $0xFFFFC000  }
0x2cc: {  	[hbm4b:s8+s26] =	stream.linear.scatter @!p0 [tilespmem:s28], [sflag:$0x6], $0x4000, $0x38;
	[tilespmem:$0x1E300] =	vst v63  }
0x2cd: {  	_ =	swait.ge @!p0 [sflag:s29], $0x4000  }
0x2ce: {  	[sflag:s29] =	ssyncset.done @!p0 $0x0  }
0x2cf: {  	[sflag:s29] =	ssyncadd.s32 @!p0 $0xFFFFC000  }
0x2d0: {  	v57 =	vld [tilespmem:$0x1E280];
	_ =	sdelay $0x4  }
0x2d1: {  	(v2sf) =	vpush v57, $0x9;
	_ =	sdelay $0xe  }
0x2d2: {  	s29 =	spop (v2sf)  }
0x2d3: {  	p0 =	slt.s32 s29, $0x1  }
0x2d4: {  	v46 =	vld @!p0 [tilespmem:$0x90];
	_ =	sdelay $0x4  }
0x2d5: {  	vm1 =	veq.s32 @!p0 v46, $0x0  }
0x2d6: {  	v46 =	vsel @!p0 vm1, $0x0, v1  }
0x2d7: {  	v47 =	vshll.u32 @!p0 v46, $0x3  }
0x2d8: {  	v48 =	vlaneseq.u32 @!p0;
	v46 =	vand.u32 @!p0 $0x7, v46;
	v47 =	vand.u32 @!p0 $0xFFFFFFC0, v47  }
0x2d9: {  	v49 =	vshrl.u32 @!p0 v48, $0x3;
	v46 =	vor.u32 @!p0 v46, v47;
	v47 =	vand.u32 @!p0 $0x7, v48  }
0x2da: {  	v49 =	vmul.u32 @!p0 $0x8, v49;
	v47 =	vperm.xlane @!p0 v46, v47;
	_ =	sdelay $0x1  }
0x2db: {  	v47 =	vadd.s32 @!p0 v49, v47;
	_ =	sdelay $0x3  }
0x2dc: {  	s26 =	simm.s32 @!p0 $0x0;
	s28 =	simm.s32 @!p0 $0x280;
	vm1 =	vmmov @!p0 $0xffff  }
0x2dd: {  	v48 =	vor.u32 @!p0 $0x8, v48;
	[tilespmem:s28], [sflag:$0x6] =	stream.indirect_vreg.gather @!p0 [hbm4b:s2+s26], $0x80, v47, vm1, $0xb8;
	[tilespmem:$0x1E300] =	vst v63  }
0x2de: {  	s29 =	simm.s32 @!p0 $0xA80;
	v46 =	vperm.xlane @!p0 v46, v48  }
0x2df: {  	[tilespmem:s29], [sflag:$0x6] =	stream.indirect_vreg.gather @!p0 [hbm4b:s5+s26], $0x80, v47, vm1, $0xb8;
	[tilespmem:$0x1E300] =	vst v63  }
0x2e0: {  	v46 =	vadd.s32 @!p0 v49, v46;
	s29 =	simm.s32 @!p0 $0x1280  }
0x2e1: {  	[tilespmem:s29], [sflag:$0x6] =	stream.indirect_vreg.gather @!p0 [hbm4b:s6+s26], $0x80, v47, vm1, $0xb8;
	[tilespmem:$0x1E300] =	vst v63  }
0x2e2: {  	s29 =	simm.s32 @!p0 $0x1A80  }
0x2e3: {  	[tilespmem:s29], [sflag:$0x6] =	stream.indirect_vreg.gather @!p0 [hbm4b:s7+s26], $0x80, v47, vm1, $0xb8;
	[tilespmem:$0x1E300] =	vst v63  }
0x2e4: {  	s29 =	simm.s32 @!p0 $0x2280  }
0x2e5: {  	[tilespmem:s29], [sflag:$0x6] =	stream.indirect_vreg.gather @!p0 [hbm4b:s2+s26], $0x80, v46, vm1, $0xb8;
	[tilespmem:$0x1E300] =	vst v63  }
0x2e6: {  	s29 =	simm.s32 @!p0 $0x2A80  }
0x2e7: {  	[tilespmem:s29], [sflag:$0x6] =	stream.indirect_vreg.gather @!p0 [hbm4b:s5+s26], $0x80, v46, vm1, $0xb8;
	[tilespmem:$0x1E300] =	vst v63  }
0x2e8: {  	s29 =	simm.s32 @!p0 $0x3280  }
0x2e9: {  	[tilespmem:s29], [sflag:$0x6] =	stream.indirect_vreg.gather @!p0 [hbm4b:s6+s26], $0x80, v46, vm1, $0xb8;
	[tilespmem:$0x1E300] =	vst v63  }
0x2ea: {  	s29 =	simm.s32 @!p0 $0x3A80  }
0x2eb: {  	[tilespmem:s29], [sflag:$0x6] =	stream.indirect_vreg.gather @!p0 [hbm4b:s7+s26], $0x80, v46, vm1, $0xb8;
	[tilespmem:$0x1E300] =	vst v63  }
0x2ec: {  	s29 =	simm.s32 @!p0 $0x6  }
0x2ed: {  	_ =	swait.ge @!p0 [sflag:s29], $0x4000  }
0x2ee: {  	[sflag:s29] =	ssyncset.done @!p0 $0x0  }
0x2ef: {  	s30 =	rddreg [dreg:$0xf];
	[sflag:s29] =	ssyncadd.s32 @!p0 $0xFFFFC000  }
0x2f0: {  	[hbm4b:s30+s26] =	stream.linear.scatter @!p0 [tilespmem:s28], [sflag:$0x6], $0x4000, $0x38;
	[tilespmem:$0x1E300] =	vst v63  }
0x2f1: {  	_ =	swait.ge @!p0 [sflag:s29], $0x4000  }
0x2f2: {  	[sflag:s29] =	ssyncset.done @!p0 $0x0  }
0x2f3: {  	[sflag:s29] =	ssyncadd.s32 @!p0 $0xFFFFC000  }
0x2f4: {  	v58 =	vld [tilespmem:$0x1E280];
	_ =	sdelay $0x4  }
0x2f5: {  	(v2sf) =	vpush v58, $0xA;
	_ =	sdelay $0xe  }
0x2f6: {  	s30 =	spop (v2sf)  }
0x2f7: {  	p0 =	slt.s32 s30, $0x1  }
0x2f8: {  	v46 =	vld @!p0 [tilespmem:$0xA0];
	_ =	sdelay $0x4  }
0x2f9: {  	vm1 =	veq.s32 @!p0 v46, $0x0  }
0x2fa: {  	v46 =	vsel @!p0 vm1, $0x0, v2  }
0x2fb: {  	v47 =	vshll.u32 @!p0 v46, $0x3  }
0x2fc: {  	v48 =	vlaneseq.u32 @!p0;
	v46 =	vand.u32 @!p0 $0x7, v46;
	v47 =	vand.u32 @!p0 $0xFFFFFFC0, v47  }
0x2fd: {  	v49 =	vshrl.u32 @!p0 v48, $0x3;
	v46 =	vor.u32 @!p0 v46, v47;
	v47 =	vand.u32 @!p0 $0x7, v48  }
0x2fe: {  	v49 =	vmul.u32 @!p0 $0x8, v49;
	v47 =	vperm.xlane @!p0 v46, v47;
	_ =	sdelay $0x1  }
0x2ff: {  	v47 =	vadd.s32 @!p0 v49, v47;
	_ =	sdelay $0x3  }
0x300: {  	s26 =	simm.s32 @!p0 $0x0;
	s28 =	simm.s32 @!p0 $0x280;
	vm1 =	vmmov @!p0 $0xffff  }
0x301: {  	v48 =	vor.u32 @!p0 $0x8, v48;
	[tilespmem:s28], [sflag:$0x6] =	stream.indirect_vreg.gather @!p0 [hbm4b:s2+s26], $0x80, v47, vm1, $0xb8;
	[tilespmem:$0x1E300] =	vst v63  }
0x302: {  	s29 =	simm.s32 @!p0 $0xA80;
	v46 =	vperm.xlane @!p0 v46, v48  }
0x303: {  	[tilespmem:s29], [sflag:$0x6] =	stream.indirect_vreg.gather @!p0 [hbm4b:s5+s26], $0x80, v47, vm1, $0xb8;
	[tilespmem:$0x1E300] =	vst v63  }
0x304: {  	v46 =	vadd.s32 @!p0 v49, v46;
	s29 =	simm.s32 @!p0 $0x1280  }
0x305: {  	[tilespmem:s29], [sflag:$0x6] =	stream.indirect_vreg.gather @!p0 [hbm4b:s6+s26], $0x80, v47, vm1, $0xb8;
	[tilespmem:$0x1E300] =	vst v63  }
0x306: {  	s29 =	simm.s32 @!p0 $0x1A80  }
0x307: {  	[tilespmem:s29], [sflag:$0x6] =	stream.indirect_vreg.gather @!p0 [hbm4b:s7+s26], $0x80, v47, vm1, $0xb8;
	[tilespmem:$0x1E300] =	vst v63  }
0x308: {  	s29 =	simm.s32 @!p0 $0x2280  }
0x309: {  	[tilespmem:s29], [sflag:$0x6] =	stream.indirect_vreg.gather @!p0 [hbm4b:s2+s26], $0x80, v46, vm1, $0xb8;
	[tilespmem:$0x1E300] =	vst v63  }
0x30a: {  	s29 =	simm.s32 @!p0 $0x2A80  }
0x30b: {  	[tilespmem:s29], [sflag:$0x6] =	stream.indirect_vreg.gather @!p0 [hbm4b:s5+s26], $0x80, v46, vm1, $0xb8;
	[tilespmem:$0x1E300] =	vst v63  }
0x30c: {  	s29 =	simm.s32 @!p0 $0x3280  }
0x30d: {  	[tilespmem:s29], [sflag:$0x6] =	stream.indirect_vreg.gather @!p0 [hbm4b:s6+s26], $0x80, v46, vm1, $0xb8;
	[tilespmem:$0x1E300] =	vst v63  }
0x30e: {  	s29 =	simm.s32 @!p0 $0x3A80  }
0x30f: {  	[tilespmem:s29], [sflag:$0x6] =	stream.indirect_vreg.gather @!p0 [hbm4b:s7+s26], $0x80, v46, vm1, $0xb8;
	[tilespmem:$0x1E300] =	vst v63  }
0x310: {  	s29 =	simm.s32 @!p0 $0x6  }
0x311: {  	_ =	swait.ge @!p0 [sflag:s29], $0x4000  }
0x312: {  	[sflag:s29] =	ssyncset.done @!p0 $0x0  }
0x313: {  	s30 =	rddreg [dreg:$0x10];
	[sflag:s29] =	ssyncadd.s32 @!p0 $0xFFFFC000  }
0x314: {  	[hbm4b:s30+s26] =	stream.linear.scatter @!p0 [tilespmem:s28], [sflag:$0x6], $0x4000, $0x38;
	[tilespmem:$0x1E300] =	vst v63  }
0x315: {  	_ =	swait.ge @!p0 [sflag:s29], $0x4000  }
0x316: {  	[sflag:s29] =	ssyncset.done @!p0 $0x0  }
0x317: {  	[sflag:s29] =	ssyncadd.s32 @!p0 $0xFFFFC000  }
0x318: {  	v59 =	vld [tilespmem:$0x1E280];
	_ =	sdelay $0x4  }
0x319: {  	(v2sf) =	vpush v59, $0xB;
	_ =	sdelay $0xe  }
0x31a: {  	s31 =	spop (v2sf)  }
0x31b: {  	p0 =	slt.s32 s31, $0x1  }
0x31c: {  	v46 =	vld @!p0 [tilespmem:$0xB0];
	_ =	sdelay $0x4  }
0x31d: {  	vm1 =	veq.s32 @!p0 v46, $0x0  }
0x31e: {  	v46 =	vsel @!p0 vm1, $0x0, v3  }
0x31f: {  	v47 =	vshll.u32 @!p0 v46, $0x3  }
0x320: {  	v48 =	vlaneseq.u32 @!p0;
	v46 =	vand.u32 @!p0 $0x7, v46;
	v47 =	vand.u32 @!p0 $0xFFFFFFC0, v47  }
0x321: {  	v49 =	vshrl.u32 @!p0 v48, $0x3;
	v46 =	vor.u32 @!p0 v46, v47;
	v47 =	vand.u32 @!p0 $0x7, v48  }
0x322: {  	v49 =	vmul.u32 @!p0 $0x8, v49;
	v47 =	vperm.xlane @!p0 v46, v47;
	_ =	sdelay $0x1  }
0x323: {  	v47 =	vadd.s32 @!p0 v49, v47;
	_ =	sdelay $0x3  }
0x324: {  	s26 =	simm.s32 @!p0 $0x0;
	s28 =	simm.s32 @!p0 $0x280;
	vm1 =	vmmov @!p0 $0xffff  }
0x325: {  	v48 =	vor.u32 @!p0 $0x8, v48;
	[tilespmem:s28], [sflag:$0x6] =	stream.indirect_vreg.gather @!p0 [hbm4b:s2+s26], $0x80, v47, vm1, $0xb8;
	[tilespmem:$0x1E300] =	vst v63  }
0x326: {  	s29 =	simm.s32 @!p0 $0xA80;
	v46 =	vperm.xlane @!p0 v46, v48  }
0x327: {  	[tilespmem:s29], [sflag:$0x6] =	stream.indirect_vreg.gather @!p0 [hbm4b:s5+s26], $0x80, v47, vm1, $0xb8;
	[tilespmem:$0x1E300] =	vst v63  }
0x328: {  	v46 =	vadd.s32 @!p0 v49, v46;
	s29 =	simm.s32 @!p0 $0x1280  }
0x329: {  	[tilespmem:s29], [sflag:$0x6] =	stream.indirect_vreg.gather @!p0 [hbm4b:s6+s26], $0x80, v47, vm1, $0xb8;
	[tilespmem:$0x1E300] =	vst v63  }
0x32a: {  	s29 =	simm.s32 @!p0 $0x1A80  }
0x32b: {  	[tilespmem:s29], [sflag:$0x6] =	stream.indirect_vreg.gather @!p0 [hbm4b:s7+s26], $0x80, v47, vm1, $0xb8;
	[tilespmem:$0x1E300] =	vst v63  }
0x32c: {  	s29 =	simm.s32 @!p0 $0x2280  }
0x32d: {  	[tilespmem:s29], [sflag:$0x6] =	stream.indirect_vreg.gather @!p0 [hbm4b:s2+s26], $0x80, v46, vm1, $0xb8;
	[tilespmem:$0x1E300] =	vst v63  }
0x32e: {  	s29 =	simm.s32 @!p0 $0x2A80  }
0x32f: {  	[tilespmem:s29], [sflag:$0x6] =	stream.indirect_vreg.gather @!p0 [hbm4b:s5+s26], $0x80, v46, vm1, $0xb8;
	[tilespmem:$0x1E300] =	vst v63  }
0x330: {  	s29 =	simm.s32 @!p0 $0x3280  }
0x331: {  	[tilespmem:s29], [sflag:$0x6] =	stream.indirect_vreg.gather @!p0 [hbm4b:s6+s26], $0x80, v46, vm1, $0xb8;
	[tilespmem:$0x1E300] =	vst v63  }
0x332: {  	s29 =	simm.s32 @!p0 $0x3A80  }
0x333: {  	[tilespmem:s29], [sflag:$0x6] =	stream.indirect_vreg.gather @!p0 [hbm4b:s7+s26], $0x80, v46, vm1, $0xb8;
	[tilespmem:$0x1E300] =	vst v63  }
0x334: {  	s29 =	simm.s32 @!p0 $0x6  }
0x335: {  	_ =	swait.ge @!p0 [sflag:s29], $0x4000  }
0x336: {  	[sflag:s29] =	ssyncset.done @!p0 $0x0  }
0x337: {  	s30 =	rddreg [dreg:$0x11];
	[sflag:s29] =	ssyncadd.s32 @!p0 $0xFFFFC000  }
0x338: {  	[hbm4b:s30+s26] =	stream.linear.scatter @!p0 [tilespmem:s28], [sflag:$0x6], $0x4000, $0x38;
	[tilespmem:$0x1E300] =	vst v63  }
0x339: {  	_ =	swait.ge @!p0 [sflag:s29], $0x4000  }
0x33a: {  	[sflag:s29] =	ssyncset.done @!p0 $0x0  }
0x33b: {  	[sflag:s29] =	ssyncadd.s32 @!p0 $0xFFFFC000  }
0x33c: {  	v60 =	vld [tilespmem:$0x1E280];
	_ =	sdelay $0x4  }
0x33d: {  	(v2sf) =	vpush v60, $0xC;
	_ =	sdelay $0xe  }
0x33e: {  	s28 =	spop (v2sf)  }
0x33f: {  	p0 =	slt.s32 s28, $0x1  }
0x340: {  	v46 =	vld @!p0 [tilespmem:$0xC0];
	_ =	sdelay $0x4  }
0x341: {  	vm1 =	veq.s32 @!p0 v46, $0x0  }
0x342: {  	v46 =	vsel @!p0 vm1, $0x0, v4  }
0x343: {  	v47 =	vshll.u32 @!p0 v46, $0x3  }
0x344: {  	v48 =	vlaneseq.u32 @!p0;
	v46 =	vand.u32 @!p0 $0x7, v46;
	v47 =	vand.u32 @!p0 $0xFFFFFFC0, v47  }
0x345: {  	v49 =	vshrl.u32 @!p0 v48, $0x3;
	v46 =	vor.u32 @!p0 v46, v47;
	v47 =	vand.u32 @!p0 $0x7, v48  }
0x346: {  	v49 =	vmul.u32 @!p0 $0x8, v49;
	v47 =	vperm.xlane @!p0 v46, v47;
	_ =	sdelay $0x1  }
0x347: {  	v47 =	vadd.s32 @!p0 v49, v47;
	_ =	sdelay $0x3  }
0x348: {  	s26 =	simm.s32 @!p0 $0x0;
	s28 =	simm.s32 @!p0 $0x280;
	vm1 =	vmmov @!p0 $0xffff  }
0x349: {  	v48 =	vor.u32 @!p0 $0x8, v48;
	[tilespmem:s28], [sflag:$0x6] =	stream.indirect_vreg.gather @!p0 [hbm4b:s2+s26], $0x80, v47, vm1, $0xb8;
	[tilespmem:$0x1E300] =	vst v63  }
0x34a: {  	s29 =	simm.s32 @!p0 $0xA80;
	v46 =	vperm.xlane @!p0 v46, v48  }
0x34b: {  	[tilespmem:s29], [sflag:$0x6] =	stream.indirect_vreg.gather @!p0 [hbm4b:s5+s26], $0x80, v47, vm1, $0xb8;
	[tilespmem:$0x1E300] =	vst v63  }
0x34c: {  	v46 =	vadd.s32 @!p0 v49, v46;
	s29 =	simm.s32 @!p0 $0x1280  }
0x34d: {  	[tilespmem:s29], [sflag:$0x6] =	stream.indirect_vreg.gather @!p0 [hbm4b:s6+s26], $0x80, v47, vm1, $0xb8;
	[tilespmem:$0x1E300] =	vst v63  }
0x34e: {  	s29 =	simm.s32 @!p0 $0x1A80  }
0x34f: {  	[tilespmem:s29], [sflag:$0x6] =	stream.indirect_vreg.gather @!p0 [hbm4b:s7+s26], $0x80, v47, vm1, $0xb8;
	[tilespmem:$0x1E300] =	vst v63  }
0x350: {  	s29 =	simm.s32 @!p0 $0x2280  }
0x351: {  	[tilespmem:s29], [sflag:$0x6] =	stream.indirect_vreg.gather @!p0 [hbm4b:s2+s26], $0x80, v46, vm1, $0xb8;
	[tilespmem:$0x1E300] =	vst v63  }
0x352: {  	s29 =	simm.s32 @!p0 $0x2A80  }
0x353: {  	[tilespmem:s29], [sflag:$0x6] =	stream.indirect_vreg.gather @!p0 [hbm4b:s5+s26], $0x80, v46, vm1, $0xb8;
	[tilespmem:$0x1E300] =	vst v63  }
0x354: {  	s29 =	simm.s32 @!p0 $0x3280  }
0x355: {  	[tilespmem:s29], [sflag:$0x6] =	stream.indirect_vreg.gather @!p0 [hbm4b:s6+s26], $0x80, v46, vm1, $0xb8;
	[tilespmem:$0x1E300] =	vst v63  }
0x356: {  	s29 =	simm.s32 @!p0 $0x3A80  }
0x357: {  	[tilespmem:s29], [sflag:$0x6] =	stream.indirect_vreg.gather @!p0 [hbm4b:s7+s26], $0x80, v46, vm1, $0xb8;
	[tilespmem:$0x1E300] =	vst v63  }
0x358: {  	s29 =	simm.s32 @!p0 $0x6  }
0x359: {  	_ =	swait.ge @!p0 [sflag:s29], $0x4000  }
0x35a: {  	[sflag:s29] =	ssyncset.done @!p0 $0x0  }
0x35b: {  	[sflag:s29] =	ssyncadd.s32 @!p0 $0xFFFFC000  }
0x35c: {  	[hbm4b:s12+s26] =	stream.linear.scatter @!p0 [tilespmem:s28], [sflag:$0x6], $0x4000, $0x38;
	[tilespmem:$0x1E300] =	vst v63  }
0x35d: {  	_ =	swait.ge @!p0 [sflag:s29], $0x4000  }
0x35e: {  	[sflag:s29] =	ssyncset.done @!p0 $0x0  }
0x35f: {  	[sflag:s29] =	ssyncadd.s32 @!p0 $0xFFFFC000  }
0x360: {  	v61 =	vld [tilespmem:$0x1E280];
	_ =	sdelay $0x4  }
0x361: {  	(v2sf) =	vpush v61, $0xD;
	_ =	sdelay $0xe  }
0x362: {  	s29 =	spop (v2sf)  }
0x363: {  	p0 =	slt.s32 s29, $0x1  }
0x364: {  	v46 =	vld @!p0 [tilespmem:$0xD0];
	_ =	sdelay $0x4  }
0x365: {  	vm1 =	veq.s32 @!p0 v46, $0x0  }
0x366: {  	v46 =	vsel @!p0 vm1, $0x0, v8  }
0x367: {  	v47 =	vshll.u32 @!p0 v46, $0x3  }
0x368: {  	v48 =	vlaneseq.u32 @!p0;
	v46 =	vand.u32 @!p0 $0x7, v46;
	v47 =	vand.u32 @!p0 $0xFFFFFFC0, v47  }
0x369: {  	v49 =	vshrl.u32 @!p0 v48, $0x3;
	v46 =	vor.u32 @!p0 v46, v47;
	v47 =	vand.u32 @!p0 $0x7, v48  }
0x36a: {  	v49 =	vmul.u32 @!p0 $0x8, v49;
	v47 =	vperm.xlane @!p0 v46, v47;
	_ =	sdelay $0x1  }
0x36b: {  	v47 =	vadd.s32 @!p0 v49, v47;
	_ =	sdelay $0x3  }
0x36c: {  	s26 =	simm.s32 @!p0 $0x0;
	s28 =	simm.s32 @!p0 $0x280;
	vm1 =	vmmov @!p0 $0xffff  }
0x36d: {  	v48 =	vor.u32 @!p0 $0x8, v48;
	[tilespmem:s28], [sflag:$0x6] =	stream.indirect_vreg.gather @!p0 [hbm4b:s2+s26], $0x80, v47, vm1, $0xb8;
	[tilespmem:$0x1E300] =	vst v63  }
0x36e: {  	s29 =	simm.s32 @!p0 $0xA80;
	v46 =	vperm.xlane @!p0 v46, v48  }
0x36f: {  	[tilespmem:s29], [sflag:$0x6] =	stream.indirect_vreg.gather @!p0 [hbm4b:s5+s26], $0x80, v47, vm1, $0xb8;
	[tilespmem:$0x1E300] =	vst v63  }
0x370: {  	v46 =	vadd.s32 @!p0 v49, v46;
	s29 =	simm.s32 @!p0 $0x1280  }
0x371: {  	[tilespmem:s29], [sflag:$0x6] =	stream.indirect_vreg.gather @!p0 [hbm4b:s6+s26], $0x80, v47, vm1, $0xb8;
	[tilespmem:$0x1E300] =	vst v63  }
0x372: {  	s29 =	simm.s32 @!p0 $0x1A80  }
0x373: {  	[tilespmem:s29], [sflag:$0x6] =	stream.indirect_vreg.gather @!p0 [hbm4b:s7+s26], $0x80, v47, vm1, $0xb8;
	[tilespmem:$0x1E300] =	vst v63  }
0x374: {  	s29 =	simm.s32 @!p0 $0x2280  }
0x375: {  	[tilespmem:s29], [sflag:$0x6] =	stream.indirect_vreg.gather @!p0 [hbm4b:s2+s26], $0x80, v46, vm1, $0xb8;
	[tilespmem:$0x1E300] =	vst v63  }
0x376: {  	s29 =	simm.s32 @!p0 $0x2A80  }
0x377: {  	[tilespmem:s29], [sflag:$0x6] =	stream.indirect_vreg.gather @!p0 [hbm4b:s5+s26], $0x80, v46, vm1, $0xb8;
	[tilespmem:$0x1E300] =	vst v63  }
0x378: {  	s29 =	simm.s32 @!p0 $0x3280  }
0x379: {  	[tilespmem:s29], [sflag:$0x6] =	stream.indirect_vreg.gather @!p0 [hbm4b:s6+s26], $0x80, v46, vm1, $0xb8;
	[tilespmem:$0x1E300] =	vst v63  }
0x37a: {  	s29 =	simm.s32 @!p0 $0x3A80  }
0x37b: {  	[tilespmem:s29], [sflag:$0x6] =	stream.indirect_vreg.gather @!p0 [hbm4b:s7+s26], $0x80, v46, vm1, $0xb8;
	[tilespmem:$0x1E300] =	vst v63  }
0x37c: {  	s29 =	simm.s32 @!p0 $0x6  }
0x37d: {  	_ =	swait.ge @!p0 [sflag:s29], $0x4000  }
0x37e: {  	[sflag:s29] =	ssyncset.done @!p0 $0x0  }
0x37f: {  	s30 =	rddreg [dreg:$0x12];
	[sflag:s29] =	ssyncadd.s32 @!p0 $0xFFFFC000  }
0x380: {  	[hbm4b:s30+s26] =	stream.linear.scatter @!p0 [tilespmem:s28], [sflag:$0x6], $0x4000, $0x38;
	[tilespmem:$0x1E300] =	vst v63  }
0x381: {  	_ =	swait.ge @!p0 [sflag:s29], $0x4000  }
0x382: {  	[sflag:s29] =	ssyncset.done @!p0 $0x0  }
0x383: {  	[sflag:s29] =	ssyncadd.s32 @!p0 $0xFFFFC000  }
0x384: {  	v62 =	vld [tilespmem:$0x1E280];
	_ =	sdelay $0x4  }
0x385: {  	(v2sf) =	vpush v62, $0xE;
	_ =	sdelay $0xe  }
0x386: {  	s30 =	spop (v2sf)  }
0x387: {  	p0 =	slt.s32 s30, $0x1  }
0x388: {  	v46 =	vld @!p0 [tilespmem:$0xE0];
	_ =	sdelay $0x4  }
0x389: {  	vm1 =	veq.s32 @!p0 v46, $0x0  }
0x38a: {  	v46 =	vsel @!p0 vm1, $0x0, v9  }
0x38b: {  	v47 =	vshll.u32 @!p0 v46, $0x3  }
0x38c: {  	v48 =	vlaneseq.u32 @!p0;
	v46 =	vand.u32 @!p0 $0x7, v46;
	v47 =	vand.u32 @!p0 $0xFFFFFFC0, v47  }
0x38d: {  	v49 =	vshrl.u32 @!p0 v48, $0x3;
	v46 =	vor.u32 @!p0 v46, v47;
	v47 =	vand.u32 @!p0 $0x7, v48  }
0x38e: {  	v49 =	vmul.u32 @!p0 $0x8, v49;
	v47 =	vperm.xlane @!p0 v46, v47;
	_ =	sdelay $0x1  }
0x38f: {  	v47 =	vadd.s32 @!p0 v49, v47;
	_ =	sdelay $0x3  }
0x390: {  	s26 =	simm.s32 @!p0 $0x0;
	s28 =	simm.s32 @!p0 $0x280;
	vm1 =	vmmov @!p0 $0xffff  }
0x391: {  	v48 =	vor.u32 @!p0 $0x8, v48;
	[tilespmem:s28], [sflag:$0x6] =	stream.indirect_vreg.gather @!p0 [hbm4b:s2+s26], $0x80, v47, vm1, $0xb8;
	[tilespmem:$0x1E300] =	vst v63  }
0x392: {  	s29 =	simm.s32 @!p0 $0xA80;
	v46 =	vperm.xlane @!p0 v46, v48  }
0x393: {  	[tilespmem:s29], [sflag:$0x6] =	stream.indirect_vreg.gather @!p0 [hbm4b:s5+s26], $0x80, v47, vm1, $0xb8;
	[tilespmem:$0x1E300] =	vst v63  }
0x394: {  	v46 =	vadd.s32 @!p0 v49, v46;
	s29 =	simm.s32 @!p0 $0x1280  }
0x395: {  	[tilespmem:s29], [sflag:$0x6] =	stream.indirect_vreg.gather @!p0 [hbm4b:s6+s26], $0x80, v47, vm1, $0xb8;
	[tilespmem:$0x1E300] =	vst v63  }
0x396: {  	s29 =	simm.s32 @!p0 $0x1A80  }
0x397: {  	[tilespmem:s29], [sflag:$0x6] =	stream.indirect_vreg.gather @!p0 [hbm4b:s7+s26], $0x80, v47, vm1, $0xb8;
	[tilespmem:$0x1E300] =	vst v63  }
0x398: {  	s29 =	simm.s32 @!p0 $0x2280  }
0x399: {  	[tilespmem:s29], [sflag:$0x6] =	stream.indirect_vreg.gather @!p0 [hbm4b:s2+s26], $0x80, v46, vm1, $0xb8;
	[tilespmem:$0x1E300] =	vst v63  }
0x39a: {  	s29 =	simm.s32 @!p0 $0x2A80  }
0x39b: {  	[tilespmem:s29], [sflag:$0x6] =	stream.indirect_vreg.gather @!p0 [hbm4b:s5+s26], $0x80, v46, vm1, $0xb8;
	[tilespmem:$0x1E300] =	vst v63  }
0x39c: {  	s29 =	simm.s32 @!p0 $0x3280  }
0x39d: {  	[tilespmem:s29], [sflag:$0x6] =	stream.indirect_vreg.gather @!p0 [hbm4b:s6+s26], $0x80, v46, vm1, $0xb8;
	[tilespmem:$0x1E300] =	vst v63  }
0x39e: {  	s29 =	simm.s32 @!p0 $0x3A80  }
0x39f: {  	[tilespmem:s29], [sflag:$0x6] =	stream.indirect_vreg.gather @!p0 [hbm4b:s7+s26], $0x80, v46, vm1, $0xb8;
	[tilespmem:$0x1E300] =	vst v63  }
0x3a0: {  	s29 =	simm.s32 @!p0 $0x6  }
0x3a1: {  	_ =	swait.ge @!p0 [sflag:s29], $0x4000  }
0x3a2: {  	[sflag:s29] =	ssyncset.done @!p0 $0x0  }
0x3a3: {  	s30 =	rddreg [dreg:$0x13];
	[sflag:s29] =	ssyncadd.s32 @!p0 $0xFFFFC000  }
0x3a4: {  	[hbm4b:s30+s26] =	stream.linear.scatter @!p0 [tilespmem:s28], [sflag:$0x6], $0x4000, $0x38;
	[tilespmem:$0x1E300] =	vst v63  }
0x3a5: {  	_ =	swait.ge @!p0 [sflag:s29], $0x4000  }
0x3a6: {  	[sflag:s29] =	ssyncset.done @!p0 $0x0  }
0x3a7: {  	[sflag:s29] =	ssyncadd.s32 @!p0 $0xFFFFC000  }
0x3a8: {  	v63 =	vld [tilespmem:$0x1E280];
	_ =	sdelay $0x4  }
0x3a9: {  	(v2sf) =	vpush v63, $0xF;
	_ =	sdelay $0xe  }
0x3aa: {  	s31 =	spop (v2sf)  }
0x3ab: {  	p0 =	slt.s32 s31, $0x1  }
0x3ac: {  	v46 =	vld @!p0 [tilespmem:$0xF0];
	_ =	sdelay $0x4  }
0x3ad: {  	vm1 =	veq.s32 @!p0 v46, $0x0  }
0x3ae: {  	v46 =	vsel @!p0 vm1, $0x0, v11  }
0x3af: {  	v47 =	vshll.u32 @!p0 v46, $0x3  }
0x3b0: {  	v48 =	vlaneseq.u32 @!p0;
	v46 =	vand.u32 @!p0 $0x7, v46;
	v47 =	vand.u32 @!p0 $0xFFFFFFC0, v47  }
0x3b1: {  	v49 =	vshrl.u32 @!p0 v48, $0x3;
	v46 =	vor.u32 @!p0 v46, v47;
	v47 =	vand.u32 @!p0 $0x7, v48  }
0x3b2: {  	v49 =	vmul.u32 @!p0 $0x8, v49;
	v47 =	vperm.xlane @!p0 v46, v47;
	_ =	sdelay $0x1  }
0x3b3: {  	v47 =	vadd.s32 @!p0 v49, v47;
	_ =	sdelay $0x3  }
0x3b4: {  	s26 =	simm.s32 @!p0 $0x0;
	s28 =	simm.s32 @!p0 $0x280;
	vm1 =	vmmov @!p0 $0xffff  }
0x3b5: {  	v48 =	vor.u32 @!p0 $0x8, v48;
	[tilespmem:s28], [sflag:$0x6] =	stream.indirect_vreg.gather @!p0 [hbm4b:s2+s26], $0x80, v47, vm1, $0xb8;
	[tilespmem:$0x1E300] =	vst v63  }
0x3b6: {  	s29 =	simm.s32 @!p0 $0xA80;
	v46 =	vperm.xlane @!p0 v46, v48  }
0x3b7: {  	[tilespmem:s29], [sflag:$0x6] =	stream.indirect_vreg.gather @!p0 [hbm4b:s5+s26], $0x80, v47, vm1, $0xb8;
	[tilespmem:$0x1E300] =	vst v63  }
0x3b8: {  	v46 =	vadd.s32 @!p0 v49, v46;
	s29 =	simm.s32 @!p0 $0x1280  }
0x3b9: {  	[tilespmem:s29], [sflag:$0x6] =	stream.indirect_vreg.gather @!p0 [hbm4b:s6+s26], $0x80, v47, vm1, $0xb8;
	[tilespmem:$0x1E300] =	vst v63  }
0x3ba: {  	s29 =	simm.s32 @!p0 $0x1A80  }
0x3bb: {  	[tilespmem:s29], [sflag:$0x6] =	stream.indirect_vreg.gather @!p0 [hbm4b:s7+s26], $0x80, v47, vm1, $0xb8;
	[tilespmem:$0x1E300] =	vst v63  }
0x3bc: {  	s29 =	simm.s32 @!p0 $0x2280  }
0x3bd: {  	[tilespmem:s29], [sflag:$0x6] =	stream.indirect_vreg.gather @!p0 [hbm4b:s2+s26], $0x80, v46, vm1, $0xb8;
	[tilespmem:$0x1E300] =	vst v63  }
0x3be: {  	s29 =	simm.s32 @!p0 $0x2A80  }
0x3bf: {  	[tilespmem:s29], [sflag:$0x6] =	stream.indirect_vreg.gather @!p0 [hbm4b:s5+s26], $0x80, v46, vm1, $0xb8;
	[tilespmem:$0x1E300] =	vst v63  }
0x3c0: {  	s29 =	simm.s32 @!p0 $0x3280  }
0x3c1: {  	[tilespmem:s29], [sflag:$0x6] =	stream.indirect_vreg.gather @!p0 [hbm4b:s6+s26], $0x80, v46, vm1, $0xb8;
	[tilespmem:$0x1E300] =	vst v63  }
0x3c2: {  	s29 =	simm.s32 @!p0 $0x3A80  }
0x3c3: {  	[tilespmem:s29], [sflag:$0x6] =	stream.indirect_vreg.gather @!p0 [hbm4b:s7+s26], $0x80, v46, vm1, $0xb8;
	[tilespmem:$0x1E300] =	vst v63  }
0x3c4: {  	s29 =	simm.s32 @!p0 $0x6  }
0x3c5: {  	_ =	swait.ge @!p0 [sflag:s29], $0x4000  }
0x3c6: {  	[sflag:s29] =	ssyncset.done @!p0 $0x0  }
0x3c7: {  	s30 =	rddreg [dreg:$0x14];
	[sflag:s29] =	ssyncadd.s32 @!p0 $0xFFFFC000  }
0x3c8: {  	[hbm4b:s30+s26] =	stream.linear.scatter @!p0 [tilespmem:s28], [sflag:$0x6], $0x4000, $0x38;
	[tilespmem:$0x1E300] =	vst v63  }
0x3c9: {  	_ =	swait.ge @!p0 [sflag:s29], $0x4000  }
0x3ca: {  	[sflag:s29] =	ssyncset.done @!p0 $0x0  }
0x3cb: {  	[sflag:s29] =	ssyncadd.s32 @!p0 $0xFFFFC000  }
0x3cc: {  	v48 =	vld [tilespmem:$0x1E290];
	_ =	sdelay $0x4  }
0x3cd: {  	(v2sf) =	vpush v48, $0x0;
	_ =	sdelay $0xe  }
0x3ce: {  	s28 =	spop (v2sf)  }
0x3cf: {  	p0 =	slt.s32 s28, $0x1  }
0x3d0: {  	v46 =	vld @!p0 [tilespmem:$0x100];
	_ =	sdelay $0x4  }
0x3d1: {  	vm1 =	veq.s32 @!p0 v46, $0x0  }
0x3d2: {  	v46 =	vsel @!p0 vm1, $0x0, v0  }
0x3d3: {  	v47 =	vshll.u32 @!p0 v46, $0x3  }
0x3d4: {  	v48 =	vlaneseq.u32 @!p0;
	v46 =	vand.u32 @!p0 $0x7, v46;
	v47 =	vand.u32 @!p0 $0xFFFFFFC0, v47  }
0x3d5: {  	v49 =	vshrl.u32 @!p0 v48, $0x3;
	v46 =	vor.u32 @!p0 v46, v47;
	v47 =	vand.u32 @!p0 $0x7, v48  }
0x3d6: {  	v49 =	vmul.u32 @!p0 $0x8, v49;
	v47 =	vperm.xlane @!p0 v46, v47;
	_ =	sdelay $0x1  }
0x3d7: {  	v47 =	vadd.s32 @!p0 v49, v47;
	_ =	sdelay $0x3  }
0x3d8: {  	s26 =	simm.s32 @!p0 $0x0;
	s28 =	simm.s32 @!p0 $0x280;
	vm1 =	vmmov @!p0 $0xffff  }
0x3d9: {  	v48 =	vor.u32 @!p0 $0x8, v48;
	[tilespmem:s28], [sflag:$0x6] =	stream.indirect_vreg.gather @!p0 [hbm4b:s2+s26], $0x80, v47, vm1, $0xb8;
	[tilespmem:$0x1E300] =	vst v63  }
0x3da: {  	s29 =	simm.s32 @!p0 $0xA80;
	v46 =	vperm.xlane @!p0 v46, v48  }
0x3db: {  	[tilespmem:s29], [sflag:$0x6] =	stream.indirect_vreg.gather @!p0 [hbm4b:s5+s26], $0x80, v47, vm1, $0xb8;
	[tilespmem:$0x1E300] =	vst v63  }
0x3dc: {  	v46 =	vadd.s32 @!p0 v49, v46;
	s29 =	simm.s32 @!p0 $0x1280  }
0x3dd: {  	[tilespmem:s29], [sflag:$0x6] =	stream.indirect_vreg.gather @!p0 [hbm4b:s6+s26], $0x80, v47, vm1, $0xb8;
	[tilespmem:$0x1E300] =	vst v63  }
0x3de: {  	s29 =	simm.s32 @!p0 $0x1A80  }
0x3df: {  	[tilespmem:s29], [sflag:$0x6] =	stream.indirect_vreg.gather @!p0 [hbm4b:s7+s26], $0x80, v47, vm1, $0xb8;
	[tilespmem:$0x1E300] =	vst v63  }
0x3e0: {  	s29 =	simm.s32 @!p0 $0x2280  }
0x3e1: {  	[tilespmem:s29], [sflag:$0x6] =	stream.indirect_vreg.gather @!p0 [hbm4b:s2+s26], $0x80, v46, vm1, $0xb8;
	[tilespmem:$0x1E300] =	vst v63  }
0x3e2: {  	s29 =	simm.s32 @!p0 $0x2A80  }
0x3e3: {  	[tilespmem:s29], [sflag:$0x6] =	stream.indirect_vreg.gather @!p0 [hbm4b:s5+s26], $0x80, v46, vm1, $0xb8;
	[tilespmem:$0x1E300] =	vst v63  }
0x3e4: {  	s29 =	simm.s32 @!p0 $0x3280  }
0x3e5: {  	[tilespmem:s29], [sflag:$0x6] =	stream.indirect_vreg.gather @!p0 [hbm4b:s6+s26], $0x80, v46, vm1, $0xb8;
	[tilespmem:$0x1E300] =	vst v63  }
0x3e6: {  	s29 =	simm.s32 @!p0 $0x3A80  }
0x3e7: {  	[tilespmem:s29], [sflag:$0x6] =	stream.indirect_vreg.gather @!p0 [hbm4b:s7+s26], $0x80, v46, vm1, $0xb8;
	[tilespmem:$0x1E300] =	vst v63  }
0x3e8: {  	s29 =	simm.s32 @!p0 $0x6  }
0x3e9: {  	_ =	swait.ge @!p0 [sflag:s29], $0x4000  }
0x3ea: {  	[sflag:s29] =	ssyncset.done @!p0 $0x0  }
0x3eb: {  	[sflag:s29] =	ssyncadd.s32 @!p0 $0xFFFFC000  }
0x3ec: {  	[hbm4b:s9+s26] =	stream.linear.scatter @!p0 [tilespmem:s28], [sflag:$0x6], $0x4000, $0x38;
	[tilespmem:$0x1E300] =	vst v63  }
0x3ed: {  	_ =	swait.ge @!p0 [sflag:s29], $0x4000  }
0x3ee: {  	[sflag:s29] =	ssyncset.done @!p0 $0x0  }
0x3ef: {  	[sflag:s29] =	ssyncadd.s32 @!p0 $0xFFFFC000  }
0x3f0: {  	v49 =	vld [tilespmem:$0x1E290];
	_ =	sdelay $0x4  }
0x3f1: {  	(v2sf) =	vpush v49, $0x1;
	_ =	sdelay $0xe  }
0x3f2: {  	s29 =	spop (v2sf)  }
0x3f3: {  	p0 =	slt.s32 s29, $0x1  }
0x3f4: {  	v46 =	vld @!p0 [tilespmem:$0x110];
	_ =	sdelay $0x4  }
0x3f5: {  	vm1 =	veq.s32 @!p0 v46, $0x0  }
0x3f6: {  	v46 =	vsel @!p0 vm1, $0x0, v1  }
0x3f7: {  	v47 =	vshll.u32 @!p0 v46, $0x3  }
0x3f8: {  	v48 =	vlaneseq.u32 @!p0;
	v46 =	vand.u32 @!p0 $0x7, v46;
	v47 =	vand.u32 @!p0 $0xFFFFFFC0, v47  }
0x3f9: {  	v49 =	vshrl.u32 @!p0 v48, $0x3;
	v46 =	vor.u32 @!p0 v46, v47;
	v47 =	vand.u32 @!p0 $0x7, v48  }
0x3fa: {  	v49 =	vmul.u32 @!p0 $0x8, v49;
	v47 =	vperm.xlane @!p0 v46, v47;
	_ =	sdelay $0x1  }
0x3fb: {  	v47 =	vadd.s32 @!p0 v49, v47;
	_ =	sdelay $0x3  }
0x3fc: {  	s26 =	simm.s32 @!p0 $0x0;
	s28 =	simm.s32 @!p0 $0x280;
	vm1 =	vmmov @!p0 $0xffff  }
0x3fd: {  	v48 =	vor.u32 @!p0 $0x8, v48;
	[tilespmem:s28], [sflag:$0x6] =	stream.indirect_vreg.gather @!p0 [hbm4b:s2+s26], $0x80, v47, vm1, $0xb8;
	[tilespmem:$0x1E300] =	vst v63  }
0x3fe: {  	s29 =	simm.s32 @!p0 $0xA80;
	v46 =	vperm.xlane @!p0 v46, v48  }
0x3ff: {  	[tilespmem:s29], [sflag:$0x6] =	stream.indirect_vreg.gather @!p0 [hbm4b:s5+s26], $0x80, v47, vm1, $0xb8;
	[tilespmem:$0x1E300] =	vst v63  }
0x400: {  	v46 =	vadd.s32 @!p0 v49, v46;
	s29 =	simm.s32 @!p0 $0x1280  }
0x401: {  	[tilespmem:s29], [sflag:$0x6] =	stream.indirect_vreg.gather @!p0 [hbm4b:s6+s26], $0x80, v47, vm1, $0xb8;
	[tilespmem:$0x1E300] =	vst v63  }
0x402: {  	s29 =	simm.s32 @!p0 $0x1A80  }
0x403: {  	[tilespmem:s29], [sflag:$0x6] =	stream.indirect_vreg.gather @!p0 [hbm4b:s7+s26], $0x80, v47, vm1, $0xb8;
	[tilespmem:$0x1E300] =	vst v63  }
0x404: {  	s29 =	simm.s32 @!p0 $0x2280  }
0x405: {  	[tilespmem:s29], [sflag:$0x6] =	stream.indirect_vreg.gather @!p0 [hbm4b:s2+s26], $0x80, v46, vm1, $0xb8;
	[tilespmem:$0x1E300] =	vst v63  }
0x406: {  	s29 =	simm.s32 @!p0 $0x2A80  }
0x407: {  	[tilespmem:s29], [sflag:$0x6] =	stream.indirect_vreg.gather @!p0 [hbm4b:s5+s26], $0x80, v46, vm1, $0xb8;
	[tilespmem:$0x1E300] =	vst v63  }
0x408: {  	s29 =	simm.s32 @!p0 $0x3280  }
0x409: {  	[tilespmem:s29], [sflag:$0x6] =	stream.indirect_vreg.gather @!p0 [hbm4b:s6+s26], $0x80, v46, vm1, $0xb8;
	[tilespmem:$0x1E300] =	vst v63  }
0x40a: {  	s29 =	simm.s32 @!p0 $0x3A80  }
0x40b: {  	[tilespmem:s29], [sflag:$0x6] =	stream.indirect_vreg.gather @!p0 [hbm4b:s7+s26], $0x80, v46, vm1, $0xb8;
	[tilespmem:$0x1E300] =	vst v63  }
0x40c: {  	s29 =	simm.s32 @!p0 $0x6  }
0x40d: {  	_ =	swait.ge @!p0 [sflag:s29], $0x4000  }
0x40e: {  	[sflag:s29] =	ssyncset.done @!p0 $0x0  }
0x40f: {  	s30 =	rddreg [dreg:$0x15];
	[sflag:s29] =	ssyncadd.s32 @!p0 $0xFFFFC000  }
0x410: {  	[hbm4b:s30+s26] =	stream.linear.scatter @!p0 [tilespmem:s28], [sflag:$0x6], $0x4000, $0x38;
	[tilespmem:$0x1E300] =	vst v63  }
0x411: {  	_ =	swait.ge @!p0 [sflag:s29], $0x4000  }
0x412: {  	[sflag:s29] =	ssyncset.done @!p0 $0x0  }
0x413: {  	[sflag:s29] =	ssyncadd.s32 @!p0 $0xFFFFC000  }
0x414: {  	v50 =	vld [tilespmem:$0x1E290];
	_ =	sdelay $0x4  }
0x415: {  	(v2sf) =	vpush v50, $0x2;
	_ =	sdelay $0xe  }
0x416: {  	s30 =	spop (v2sf)  }
0x417: {  	p0 =	slt.s32 s30, $0x1  }
0x418: {  	v46 =	vld @!p0 [tilespmem:$0x120];
	_ =	sdelay $0x4  }
0x419: {  	vm1 =	veq.s32 @!p0 v46, $0x0  }
0x41a: {  	v46 =	vsel @!p0 vm1, $0x0, v2  }
0x41b: {  	v47 =	vshll.u32 @!p0 v46, $0x3  }
0x41c: {  	v48 =	vlaneseq.u32 @!p0;
	v46 =	vand.u32 @!p0 $0x7, v46;
	v47 =	vand.u32 @!p0 $0xFFFFFFC0, v47  }
0x41d: {  	v49 =	vshrl.u32 @!p0 v48, $0x3;
	v46 =	vor.u32 @!p0 v46, v47;
	v47 =	vand.u32 @!p0 $0x7, v48  }
0x41e: {  	v49 =	vmul.u32 @!p0 $0x8, v49;
	v47 =	vperm.xlane @!p0 v46, v47;
	_ =	sdelay $0x1  }
0x41f: {  	v47 =	vadd.s32 @!p0 v49, v47;
	_ =	sdelay $0x3  }
0x420: {  	s26 =	simm.s32 @!p0 $0x0;
	s28 =	simm.s32 @!p0 $0x280;
	vm1 =	vmmov @!p0 $0xffff  }
0x421: {  	v48 =	vor.u32 @!p0 $0x8, v48;
	[tilespmem:s28], [sflag:$0x6] =	stream.indirect_vreg.gather @!p0 [hbm4b:s2+s26], $0x80, v47, vm1, $0xb8;
	[tilespmem:$0x1E300] =	vst v63  }
0x422: {  	s29 =	simm.s32 @!p0 $0xA80;
	v46 =	vperm.xlane @!p0 v46, v48  }
0x423: {  	[tilespmem:s29], [sflag:$0x6] =	stream.indirect_vreg.gather @!p0 [hbm4b:s5+s26], $0x80, v47, vm1, $0xb8;
	[tilespmem:$0x1E300] =	vst v63  }
0x424: {  	v46 =	vadd.s32 @!p0 v49, v46;
	s29 =	simm.s32 @!p0 $0x1280  }
0x425: {  	[tilespmem:s29], [sflag:$0x6] =	stream.indirect_vreg.gather @!p0 [hbm4b:s6+s26], $0x80, v47, vm1, $0xb8;
	[tilespmem:$0x1E300] =	vst v63  }
0x426: {  	s29 =	simm.s32 @!p0 $0x1A80  }
0x427: {  	[tilespmem:s29], [sflag:$0x6] =	stream.indirect_vreg.gather @!p0 [hbm4b:s7+s26], $0x80, v47, vm1, $0xb8;
	[tilespmem:$0x1E300] =	vst v63  }
0x428: {  	s29 =	simm.s32 @!p0 $0x2280  }
0x429: {  	[tilespmem:s29], [sflag:$0x6] =	stream.indirect_vreg.gather @!p0 [hbm4b:s2+s26], $0x80, v46, vm1, $0xb8;
	[tilespmem:$0x1E300] =	vst v63  }
0x42a: {  	s29 =	simm.s32 @!p0 $0x2A80  }
0x42b: {  	[tilespmem:s29], [sflag:$0x6] =	stream.indirect_vreg.gather @!p0 [hbm4b:s5+s26], $0x80, v46, vm1, $0xb8;
	[tilespmem:$0x1E300] =	vst v63  }
0x42c: {  	s29 =	simm.s32 @!p0 $0x3280  }
0x42d: {  	[tilespmem:s29], [sflag:$0x6] =	stream.indirect_vreg.gather @!p0 [hbm4b:s6+s26], $0x80, v46, vm1, $0xb8;
	[tilespmem:$0x1E300] =	vst v63  }
0x42e: {  	s29 =	simm.s32 @!p0 $0x3A80  }
0x42f: {  	[tilespmem:s29], [sflag:$0x6] =	stream.indirect_vreg.gather @!p0 [hbm4b:s7+s26], $0x80, v46, vm1, $0xb8;
	[tilespmem:$0x1E300] =	vst v63  }
0x430: {  	s29 =	simm.s32 @!p0 $0x6  }
0x431: {  	_ =	swait.ge @!p0 [sflag:s29], $0x4000  }
0x432: {  	[sflag:s29] =	ssyncset.done @!p0 $0x0  }
0x433: {  	s30 =	rddreg [dreg:$0x16];
	[sflag:s29] =	ssyncadd.s32 @!p0 $0xFFFFC000  }
0x434: {  	[hbm4b:s30+s26] =	stream.linear.scatter @!p0 [tilespmem:s28], [sflag:$0x6], $0x4000, $0x38;
	[tilespmem:$0x1E300] =	vst v63  }
0x435: {  	_ =	swait.ge @!p0 [sflag:s29], $0x4000  }
0x436: {  	[sflag:s29] =	ssyncset.done @!p0 $0x0  }
0x437: {  	[sflag:s29] =	ssyncadd.s32 @!p0 $0xFFFFC000  }
0x438: {  	v51 =	vld [tilespmem:$0x1E290];
	_ =	sdelay $0x4  }
0x439: {  	(v2sf) =	vpush v51, $0x3;
	_ =	sdelay $0xe  }
0x43a: {  	s31 =	spop (v2sf)  }
0x43b: {  	p0 =	slt.s32 s31, $0x1  }
0x43c: {  	v46 =	vld @!p0 [tilespmem:$0x130];
	_ =	sdelay $0x4  }
0x43d: {  	vm1 =	veq.s32 @!p0 v46, $0x0  }
0x43e: {  	v46 =	vsel @!p0 vm1, $0x0, v3  }
0x43f: {  	v47 =	vshll.u32 @!p0 v46, $0x3  }
0x440: {  	v48 =	vlaneseq.u32 @!p0;
	v46 =	vand.u32 @!p0 $0x7, v46;
	v47 =	vand.u32 @!p0 $0xFFFFFFC0, v47  }
0x441: {  	v49 =	vshrl.u32 @!p0 v48, $0x3;
	v46 =	vor.u32 @!p0 v46, v47;
	v47 =	vand.u32 @!p0 $0x7, v48  }
0x442: {  	v49 =	vmul.u32 @!p0 $0x8, v49;
	v47 =	vperm.xlane @!p0 v46, v47;
	_ =	sdelay $0x1  }
0x443: {  	v47 =	vadd.s32 @!p0 v49, v47;
	_ =	sdelay $0x3  }
0x444: {  	s26 =	simm.s32 @!p0 $0x0;
	s28 =	simm.s32 @!p0 $0x280;
	vm1 =	vmmov @!p0 $0xffff  }
0x445: {  	v48 =	vor.u32 @!p0 $0x8, v48;
	[tilespmem:s28], [sflag:$0x6] =	stream.indirect_vreg.gather @!p0 [hbm4b:s2+s26], $0x80, v47, vm1, $0xb8;
	[tilespmem:$0x1E300] =	vst v63  }
0x446: {  	s29 =	simm.s32 @!p0 $0xA80;
	v46 =	vperm.xlane @!p0 v46, v48  }
0x447: {  	[tilespmem:s29], [sflag:$0x6] =	stream.indirect_vreg.gather @!p0 [hbm4b:s5+s26], $0x80, v47, vm1, $0xb8;
	[tilespmem:$0x1E300] =	vst v63  }
0x448: {  	v46 =	vadd.s32 @!p0 v49, v46;
	s29 =	simm.s32 @!p0 $0x1280  }
0x449: {  	[tilespmem:s29], [sflag:$0x6] =	stream.indirect_vreg.gather @!p0 [hbm4b:s6+s26], $0x80, v47, vm1, $0xb8;
	[tilespmem:$0x1E300] =	vst v63  }
0x44a: {  	s29 =	simm.s32 @!p0 $0x1A80  }
0x44b: {  	[tilespmem:s29], [sflag:$0x6] =	stream.indirect_vreg.gather @!p0 [hbm4b:s7+s26], $0x80, v47, vm1, $0xb8;
	[tilespmem:$0x1E300] =	vst v63  }
0x44c: {  	s29 =	simm.s32 @!p0 $0x2280  }
0x44d: {  	[tilespmem:s29], [sflag:$0x6] =	stream.indirect_vreg.gather @!p0 [hbm4b:s2+s26], $0x80, v46, vm1, $0xb8;
	[tilespmem:$0x1E300] =	vst v63  }
0x44e: {  	s29 =	simm.s32 @!p0 $0x2A80  }
0x44f: {  	[tilespmem:s29], [sflag:$0x6] =	stream.indirect_vreg.gather @!p0 [hbm4b:s5+s26], $0x80, v46, vm1, $0xb8;
	[tilespmem:$0x1E300] =	vst v63  }
0x450: {  	s29 =	simm.s32 @!p0 $0x3280  }
0x451: {  	[tilespmem:s29], [sflag:$0x6] =	stream.indirect_vreg.gather @!p0 [hbm4b:s6+s26], $0x80, v46, vm1, $0xb8;
	[tilespmem:$0x1E300] =	vst v63  }
0x452: {  	s29 =	simm.s32 @!p0 $0x3A80  }
0x453: {  	[tilespmem:s29], [sflag:$0x6] =	stream.indirect_vreg.gather @!p0 [hbm4b:s7+s26], $0x80, v46, vm1, $0xb8;
	[tilespmem:$0x1E300] =	vst v63  }
0x454: {  	s29 =	simm.s32 @!p0 $0x6  }
0x455: {  	_ =	swait.ge @!p0 [sflag:s29], $0x4000  }
0x456: {  	[sflag:s29] =	ssyncset.done @!p0 $0x0  }
0x457: {  	s30 =	rddreg [dreg:$0x17];
	[sflag:s29] =	ssyncadd.s32 @!p0 $0xFFFFC000  }
0x458: {  	[hbm4b:s30+s26] =	stream.linear.scatter @!p0 [tilespmem:s28], [sflag:$0x6], $0x4000, $0x38;
	[tilespmem:$0x1E300] =	vst v63  }
0x459: {  	_ =	swait.ge @!p0 [sflag:s29], $0x4000  }
0x45a: {  	[sflag:s29] =	ssyncset.done @!p0 $0x0  }
0x45b: {  	[sflag:s29] =	ssyncadd.s32 @!p0 $0xFFFFC000  }
0x45c: {  	v52 =	vld [tilespmem:$0x1E290];
	_ =	sdelay $0x4  }
0x45d: {  	(v2sf) =	vpush v52, $0x4;
	_ =	sdelay $0xe  }
0x45e: {  	s28 =	spop (v2sf)  }
0x45f: {  	p0 =	slt.s32 s28, $0x1  }
0x460: {  	v46 =	vld @!p0 [tilespmem:$0x140];
	_ =	sdelay $0x4  }
0x461: {  	vm1 =	veq.s32 @!p0 v46, $0x0  }
0x462: {  	v46 =	vsel @!p0 vm1, $0x0, v4  }
0x463: {  	v47 =	vshll.u32 @!p0 v46, $0x3  }
0x464: {  	v48 =	vlaneseq.u32 @!p0;
	v46 =	vand.u32 @!p0 $0x7, v46;
	v47 =	vand.u32 @!p0 $0xFFFFFFC0, v47  }
0x465: {  	v49 =	vshrl.u32 @!p0 v48, $0x3;
	v46 =	vor.u32 @!p0 v46, v47;
	v47 =	vand.u32 @!p0 $0x7, v48  }
0x466: {  	v49 =	vmul.u32 @!p0 $0x8, v49;
	v47 =	vperm.xlane @!p0 v46, v47;
	_ =	sdelay $0x1  }
0x467: {  	v47 =	vadd.s32 @!p0 v49, v47;
	_ =	sdelay $0x3  }
0x468: {  	s26 =	simm.s32 @!p0 $0x0;
	s28 =	simm.s32 @!p0 $0x280;
	vm1 =	vmmov @!p0 $0xffff  }
0x469: {  	v48 =	vor.u32 @!p0 $0x8, v48;
	[tilespmem:s28], [sflag:$0x6] =	stream.indirect_vreg.gather @!p0 [hbm4b:s2+s26], $0x80, v47, vm1, $0xb8;
	[tilespmem:$0x1E300] =	vst v63  }
0x46a: {  	s29 =	simm.s32 @!p0 $0xA80;
	v46 =	vperm.xlane @!p0 v46, v48  }
0x46b: {  	[tilespmem:s29], [sflag:$0x6] =	stream.indirect_vreg.gather @!p0 [hbm4b:s5+s26], $0x80, v47, vm1, $0xb8;
	[tilespmem:$0x1E300] =	vst v63  }
0x46c: {  	v46 =	vadd.s32 @!p0 v49, v46;
	s29 =	simm.s32 @!p0 $0x1280  }
0x46d: {  	[tilespmem:s29], [sflag:$0x6] =	stream.indirect_vreg.gather @!p0 [hbm4b:s6+s26], $0x80, v47, vm1, $0xb8;
	[tilespmem:$0x1E300] =	vst v63  }
0x46e: {  	s29 =	simm.s32 @!p0 $0x1A80  }
0x46f: {  	[tilespmem:s29], [sflag:$0x6] =	stream.indirect_vreg.gather @!p0 [hbm4b:s7+s26], $0x80, v47, vm1, $0xb8;
	[tilespmem:$0x1E300] =	vst v63  }
0x470: {  	s29 =	simm.s32 @!p0 $0x2280  }
0x471: {  	[tilespmem:s29], [sflag:$0x6] =	stream.indirect_vreg.gather @!p0 [hbm4b:s2+s26], $0x80, v46, vm1, $0xb8;
	[tilespmem:$0x1E300] =	vst v63  }
0x472: {  	s29 =	simm.s32 @!p0 $0x2A80  }
0x473: {  	[tilespmem:s29], [sflag:$0x6] =	stream.indirect_vreg.gather @!p0 [hbm4b:s5+s26], $0x80, v46, vm1, $0xb8;
	[tilespmem:$0x1E300] =	vst v63  }
0x474: {  	s29 =	simm.s32 @!p0 $0x3280  }
0x475: {  	[tilespmem:s29], [sflag:$0x6] =	stream.indirect_vreg.gather @!p0 [hbm4b:s6+s26], $0x80, v46, vm1, $0xb8;
	[tilespmem:$0x1E300] =	vst v63  }
0x476: {  	s29 =	simm.s32 @!p0 $0x3A80  }
0x477: {  	[tilespmem:s29], [sflag:$0x6] =	stream.indirect_vreg.gather @!p0 [hbm4b:s7+s26], $0x80, v46, vm1, $0xb8;
	[tilespmem:$0x1E300] =	vst v63  }
0x478: {  	s29 =	simm.s32 @!p0 $0x6  }
0x479: {  	_ =	swait.ge @!p0 [sflag:s29], $0x4000  }
0x47a: {  	[sflag:s29] =	ssyncset.done @!p0 $0x0  }
0x47b: {  	[sflag:s29] =	ssyncadd.s32 @!p0 $0xFFFFC000  }
0x47c: {  	[hbm4b:s13+s26] =	stream.linear.scatter @!p0 [tilespmem:s28], [sflag:$0x6], $0x4000, $0x38;
	[tilespmem:$0x1E300] =	vst v63  }
0x47d: {  	_ =	swait.ge @!p0 [sflag:s29], $0x4000  }
0x47e: {  	[sflag:s29] =	ssyncset.done @!p0 $0x0  }
0x47f: {  	[sflag:s29] =	ssyncadd.s32 @!p0 $0xFFFFC000  }
0x480: {  	v53 =	vld [tilespmem:$0x1E290];
	_ =	sdelay $0x4  }
0x481: {  	(v2sf) =	vpush v53, $0x5;
	_ =	sdelay $0xe  }
0x482: {  	s29 =	spop (v2sf)  }
0x483: {  	p0 =	slt.s32 s29, $0x1  }
0x484: {  	v46 =	vld @!p0 [tilespmem:$0x150];
	_ =	sdelay $0x4  }
0x485: {  	vm1 =	veq.s32 @!p0 v46, $0x0  }
0x486: {  	v46 =	vsel @!p0 vm1, $0x0, v8  }
0x487: {  	v47 =	vshll.u32 @!p0 v46, $0x3  }
0x488: {  	v48 =	vlaneseq.u32 @!p0;
	v46 =	vand.u32 @!p0 $0x7, v46;
	v47 =	vand.u32 @!p0 $0xFFFFFFC0, v47  }
0x489: {  	v49 =	vshrl.u32 @!p0 v48, $0x3;
	v46 =	vor.u32 @!p0 v46, v47;
	v47 =	vand.u32 @!p0 $0x7, v48  }
0x48a: {  	v49 =	vmul.u32 @!p0 $0x8, v49;
	v47 =	vperm.xlane @!p0 v46, v47;
	_ =	sdelay $0x1  }
0x48b: {  	v47 =	vadd.s32 @!p0 v49, v47;
	_ =	sdelay $0x3  }
0x48c: {  	s26 =	simm.s32 @!p0 $0x0;
	s28 =	simm.s32 @!p0 $0x280;
	vm1 =	vmmov @!p0 $0xffff  }
0x48d: {  	v48 =	vor.u32 @!p0 $0x8, v48;
	[tilespmem:s28], [sflag:$0x6] =	stream.indirect_vreg.gather @!p0 [hbm4b:s2+s26], $0x80, v47, vm1, $0xb8;
	[tilespmem:$0x1E300] =	vst v63  }
0x48e: {  	s29 =	simm.s32 @!p0 $0xA80;
	v46 =	vperm.xlane @!p0 v46, v48  }
0x48f: {  	[tilespmem:s29], [sflag:$0x6] =	stream.indirect_vreg.gather @!p0 [hbm4b:s5+s26], $0x80, v47, vm1, $0xb8;
	[tilespmem:$0x1E300] =	vst v63  }
0x490: {  	v46 =	vadd.s32 @!p0 v49, v46;
	s29 =	simm.s32 @!p0 $0x1280  }
0x491: {  	[tilespmem:s29], [sflag:$0x6] =	stream.indirect_vreg.gather @!p0 [hbm4b:s6+s26], $0x80, v47, vm1, $0xb8;
	[tilespmem:$0x1E300] =	vst v63  }
0x492: {  	s29 =	simm.s32 @!p0 $0x1A80  }
0x493: {  	[tilespmem:s29], [sflag:$0x6] =	stream.indirect_vreg.gather @!p0 [hbm4b:s7+s26], $0x80, v47, vm1, $0xb8;
	[tilespmem:$0x1E300] =	vst v63  }
0x494: {  	s29 =	simm.s32 @!p0 $0x2280  }
0x495: {  	[tilespmem:s29], [sflag:$0x6] =	stream.indirect_vreg.gather @!p0 [hbm4b:s2+s26], $0x80, v46, vm1, $0xb8;
	[tilespmem:$0x1E300] =	vst v63  }
0x496: {  	s29 =	simm.s32 @!p0 $0x2A80  }
0x497: {  	[tilespmem:s29], [sflag:$0x6] =	stream.indirect_vreg.gather @!p0 [hbm4b:s5+s26], $0x80, v46, vm1, $0xb8;
	[tilespmem:$0x1E300] =	vst v63  }
0x498: {  	s29 =	simm.s32 @!p0 $0x3280  }
0x499: {  	[tilespmem:s29], [sflag:$0x6] =	stream.indirect_vreg.gather @!p0 [hbm4b:s6+s26], $0x80, v46, vm1, $0xb8;
	[tilespmem:$0x1E300] =	vst v63  }
0x49a: {  	s29 =	simm.s32 @!p0 $0x3A80  }
0x49b: {  	[tilespmem:s29], [sflag:$0x6] =	stream.indirect_vreg.gather @!p0 [hbm4b:s7+s26], $0x80, v46, vm1, $0xb8;
	[tilespmem:$0x1E300] =	vst v63  }
0x49c: {  	s29 =	simm.s32 @!p0 $0x6  }
0x49d: {  	_ =	swait.ge @!p0 [sflag:s29], $0x4000  }
0x49e: {  	[sflag:s29] =	ssyncset.done @!p0 $0x0  }
0x49f: {  	s30 =	rddreg [dreg:$0x18];
	[sflag:s29] =	ssyncadd.s32 @!p0 $0xFFFFC000  }
0x4a0: {  	[hbm4b:s30+s26] =	stream.linear.scatter @!p0 [tilespmem:s28], [sflag:$0x6], $0x4000, $0x38;
	[tilespmem:$0x1E300] =	vst v63  }
0x4a1: {  	_ =	swait.ge @!p0 [sflag:s29], $0x4000  }
0x4a2: {  	[sflag:s29] =	ssyncset.done @!p0 $0x0  }
0x4a3: {  	[sflag:s29] =	ssyncadd.s32 @!p0 $0xFFFFC000  }
0x4a4: {  	v54 =	vld [tilespmem:$0x1E290];
	_ =	sdelay $0x4  }
0x4a5: {  	(v2sf) =	vpush v54, $0x6;
	_ =	sdelay $0xe  }
0x4a6: {  	s30 =	spop (v2sf)  }
0x4a7: {  	p0 =	slt.s32 s30, $0x1  }
0x4a8: {  	v46 =	vld @!p0 [tilespmem:$0x160];
	_ =	sdelay $0x4  }
0x4a9: {  	vm1 =	veq.s32 @!p0 v46, $0x0  }
0x4aa: {  	v46 =	vsel @!p0 vm1, $0x0, v9  }
0x4ab: {  	v47 =	vshll.u32 @!p0 v46, $0x3  }
0x4ac: {  	v48 =	vlaneseq.u32 @!p0;
	v46 =	vand.u32 @!p0 $0x7, v46;
	v47 =	vand.u32 @!p0 $0xFFFFFFC0, v47  }
0x4ad: {  	v49 =	vshrl.u32 @!p0 v48, $0x3;
	v46 =	vor.u32 @!p0 v46, v47;
	v47 =	vand.u32 @!p0 $0x7, v48  }
0x4ae: {  	v49 =	vmul.u32 @!p0 $0x8, v49;
	v47 =	vperm.xlane @!p0 v46, v47;
	_ =	sdelay $0x1  }
0x4af: {  	v47 =	vadd.s32 @!p0 v49, v47;
	_ =	sdelay $0x3  }
0x4b0: {  	s26 =	simm.s32 @!p0 $0x0;
	s28 =	simm.s32 @!p0 $0x280;
	vm1 =	vmmov @!p0 $0xffff  }
0x4b1: {  	v48 =	vor.u32 @!p0 $0x8, v48;
	[tilespmem:s28], [sflag:$0x6] =	stream.indirect_vreg.gather @!p0 [hbm4b:s2+s26], $0x80, v47, vm1, $0xb8;
	[tilespmem:$0x1E300] =	vst v63  }
0x4b2: {  	s29 =	simm.s32 @!p0 $0xA80;
	v46 =	vperm.xlane @!p0 v46, v48  }
0x4b3: {  	[tilespmem:s29], [sflag:$0x6] =	stream.indirect_vreg.gather @!p0 [hbm4b:s5+s26], $0x80, v47, vm1, $0xb8;
	[tilespmem:$0x1E300] =	vst v63  }
0x4b4: {  	v46 =	vadd.s32 @!p0 v49, v46;
	s29 =	simm.s32 @!p0 $0x1280  }
0x4b5: {  	[tilespmem:s29], [sflag:$0x6] =	stream.indirect_vreg.gather @!p0 [hbm4b:s6+s26], $0x80, v47, vm1, $0xb8;
	[tilespmem:$0x1E300] =	vst v63  }
0x4b6: {  	s29 =	simm.s32 @!p0 $0x1A80  }
0x4b7: {  	[tilespmem:s29], [sflag:$0x6] =	stream.indirect_vreg.gather @!p0 [hbm4b:s7+s26], $0x80, v47, vm1, $0xb8;
	[tilespmem:$0x1E300] =	vst v63  }
0x4b8: {  	s29 =	simm.s32 @!p0 $0x2280  }
0x4b9: {  	[tilespmem:s29], [sflag:$0x6] =	stream.indirect_vreg.gather @!p0 [hbm4b:s2+s26], $0x80, v46, vm1, $0xb8;
	[tilespmem:$0x1E300] =	vst v63  }
0x4ba: {  	s29 =	simm.s32 @!p0 $0x2A80  }
0x4bb: {  	[tilespmem:s29], [sflag:$0x6] =	stream.indirect_vreg.gather @!p0 [hbm4b:s5+s26], $0x80, v46, vm1, $0xb8;
	[tilespmem:$0x1E300] =	vst v63  }
0x4bc: {  	s29 =	simm.s32 @!p0 $0x3280  }
0x4bd: {  	[tilespmem:s29], [sflag:$0x6] =	stream.indirect_vreg.gather @!p0 [hbm4b:s6+s26], $0x80, v46, vm1, $0xb8;
	[tilespmem:$0x1E300] =	vst v63  }
0x4be: {  	s29 =	simm.s32 @!p0 $0x3A80  }
0x4bf: {  	[tilespmem:s29], [sflag:$0x6] =	stream.indirect_vreg.gather @!p0 [hbm4b:s7+s26], $0x80, v46, vm1, $0xb8;
	[tilespmem:$0x1E300] =	vst v63  }
0x4c0: {  	s29 =	simm.s32 @!p0 $0x6  }
0x4c1: {  	_ =	swait.ge @!p0 [sflag:s29], $0x4000  }
0x4c2: {  	[sflag:s29] =	ssyncset.done @!p0 $0x0  }
0x4c3: {  	s30 =	rddreg [dreg:$0x19];
	[sflag:s29] =	ssyncadd.s32 @!p0 $0xFFFFC000  }
0x4c4: {  	[hbm4b:s30+s26] =	stream.linear.scatter @!p0 [tilespmem:s28], [sflag:$0x6], $0x4000, $0x38;
	[tilespmem:$0x1E300] =	vst v63  }
0x4c5: {  	_ =	swait.ge @!p0 [sflag:s29], $0x4000  }
0x4c6: {  	[sflag:s29] =	ssyncset.done @!p0 $0x0  }
0x4c7: {  	[sflag:s29] =	ssyncadd.s32 @!p0 $0xFFFFC000  }
0x4c8: {  	v55 =	vld [tilespmem:$0x1E290];
	_ =	sdelay $0x4  }
0x4c9: {  	(v2sf) =	vpush v55, $0x7;
	_ =	sdelay $0xe  }
0x4ca: {  	s31 =	spop (v2sf)  }
0x4cb: {  	p0 =	slt.s32 s31, $0x1  }
0x4cc: {  	v46 =	vld @!p0 [tilespmem:$0x170];
	_ =	sdelay $0x4  }
0x4cd: {  	vm1 =	veq.s32 @!p0 v46, $0x0  }
0x4ce: {  	v46 =	vsel @!p0 vm1, $0x0, v11  }
0x4cf: {  	v47 =	vshll.u32 @!p0 v46, $0x3  }
0x4d0: {  	v48 =	vlaneseq.u32 @!p0;
	v46 =	vand.u32 @!p0 $0x7, v46;
	v47 =	vand.u32 @!p0 $0xFFFFFFC0, v47  }
0x4d1: {  	v49 =	vshrl.u32 @!p0 v48, $0x3;
	v46 =	vor.u32 @!p0 v46, v47;
	v47 =	vand.u32 @!p0 $0x7, v48  }
0x4d2: {  	v49 =	vmul.u32 @!p0 $0x8, v49;
	v47 =	vperm.xlane @!p0 v46, v47;
	_ =	sdelay $0x1  }
0x4d3: {  	v47 =	vadd.s32 @!p0 v49, v47;
	_ =	sdelay $0x3  }
0x4d4: {  	s26 =	simm.s32 @!p0 $0x0;
	s28 =	simm.s32 @!p0 $0x280;
	vm1 =	vmmov @!p0 $0xffff  }
0x4d5: {  	v48 =	vor.u32 @!p0 $0x8, v48;
	[tilespmem:s28], [sflag:$0x6] =	stream.indirect_vreg.gather @!p0 [hbm4b:s2+s26], $0x80, v47, vm1, $0xb8;
	[tilespmem:$0x1E300] =	vst v63  }
0x4d6: {  	s29 =	simm.s32 @!p0 $0xA80;
	v46 =	vperm.xlane @!p0 v46, v48  }
0x4d7: {  	[tilespmem:s29], [sflag:$0x6] =	stream.indirect_vreg.gather @!p0 [hbm4b:s5+s26], $0x80, v47, vm1, $0xb8;
	[tilespmem:$0x1E300] =	vst v63  }
0x4d8: {  	v46 =	vadd.s32 @!p0 v49, v46;
	s29 =	simm.s32 @!p0 $0x1280  }
0x4d9: {  	[tilespmem:s29], [sflag:$0x6] =	stream.indirect_vreg.gather @!p0 [hbm4b:s6+s26], $0x80, v47, vm1, $0xb8;
	[tilespmem:$0x1E300] =	vst v63  }
0x4da: {  	s29 =	simm.s32 @!p0 $0x1A80  }
0x4db: {  	[tilespmem:s29], [sflag:$0x6] =	stream.indirect_vreg.gather @!p0 [hbm4b:s7+s26], $0x80, v47, vm1, $0xb8;
	[tilespmem:$0x1E300] =	vst v63  }
0x4dc: {  	s29 =	simm.s32 @!p0 $0x2280  }
0x4dd: {  	[tilespmem:s29], [sflag:$0x6] =	stream.indirect_vreg.gather @!p0 [hbm4b:s2+s26], $0x80, v46, vm1, $0xb8;
	[tilespmem:$0x1E300] =	vst v63  }
0x4de: {  	s29 =	simm.s32 @!p0 $0x2A80  }
0x4df: {  	[tilespmem:s29], [sflag:$0x6] =	stream.indirect_vreg.gather @!p0 [hbm4b:s5+s26], $0x80, v46, vm1, $0xb8;
	[tilespmem:$0x1E300] =	vst v63  }
0x4e0: {  	s29 =	simm.s32 @!p0 $0x3280  }
0x4e1: {  	[tilespmem:s29], [sflag:$0x6] =	stream.indirect_vreg.gather @!p0 [hbm4b:s6+s26], $0x80, v46, vm1, $0xb8;
	[tilespmem:$0x1E300] =	vst v63  }
0x4e2: {  	s29 =	simm.s32 @!p0 $0x3A80  }
0x4e3: {  	[tilespmem:s29], [sflag:$0x6] =	stream.indirect_vreg.gather @!p0 [hbm4b:s7+s26], $0x80, v46, vm1, $0xb8;
	[tilespmem:$0x1E300] =	vst v63  }
0x4e4: {  	s29 =	simm.s32 @!p0 $0x6  }
0x4e5: {  	_ =	swait.ge @!p0 [sflag:s29], $0x4000  }
0x4e6: {  	[sflag:s29] =	ssyncset.done @!p0 $0x0  }
0x4e7: {  	s30 =	rddreg [dreg:$0x1a];
	[sflag:s29] =	ssyncadd.s32 @!p0 $0xFFFFC000  }
0x4e8: {  	[hbm4b:s30+s26] =	stream.linear.scatter @!p0 [tilespmem:s28], [sflag:$0x6], $0x4000, $0x38;
	[tilespmem:$0x1E300] =	vst v63  }
0x4e9: {  	_ =	swait.ge @!p0 [sflag:s29], $0x4000  }
0x4ea: {  	[sflag:s29] =	ssyncset.done @!p0 $0x0  }
0x4eb: {  	[sflag:s29] =	ssyncadd.s32 @!p0 $0xFFFFC000  }
0x4ec: {  	v56 =	vld [tilespmem:$0x1E290];
	_ =	sdelay $0x4  }
0x4ed: {  	(v2sf) =	vpush v56, $0x8;
	_ =	sdelay $0xe  }
0x4ee: {  	s28 =	spop (v2sf)  }
0x4ef: {  	p0 =	slt.s32 s28, $0x1  }
0x4f0: {  	v46 =	vld @!p0 [tilespmem:$0x180];
	_ =	sdelay $0x4  }
0x4f1: {  	vm1 =	veq.s32 @!p0 v46, $0x0  }
0x4f2: {  	v46 =	vsel @!p0 vm1, $0x0, v0  }
0x4f3: {  	v47 =	vshll.u32 @!p0 v46, $0x3  }
0x4f4: {  	v48 =	vlaneseq.u32 @!p0;
	v46 =	vand.u32 @!p0 $0x7, v46;
	v47 =	vand.u32 @!p0 $0xFFFFFFC0, v47  }
0x4f5: {  	v49 =	vshrl.u32 @!p0 v48, $0x3;
	v46 =	vor.u32 @!p0 v46, v47;
	v47 =	vand.u32 @!p0 $0x7, v48  }
0x4f6: {  	v49 =	vmul.u32 @!p0 $0x8, v49;
	v47 =	vperm.xlane @!p0 v46, v47;
	_ =	sdelay $0x1  }
0x4f7: {  	v47 =	vadd.s32 @!p0 v49, v47;
	_ =	sdelay $0x3  }
0x4f8: {  	s26 =	simm.s32 @!p0 $0x0;
	s28 =	simm.s32 @!p0 $0x280;
	vm1 =	vmmov @!p0 $0xffff  }
0x4f9: {  	v48 =	vor.u32 @!p0 $0x8, v48;
	[tilespmem:s28], [sflag:$0x6] =	stream.indirect_vreg.gather @!p0 [hbm4b:s2+s26], $0x80, v47, vm1, $0xb8;
	[tilespmem:$0x1E300] =	vst v63  }
0x4fa: {  	s29 =	simm.s32 @!p0 $0xA80;
	v46 =	vperm.xlane @!p0 v46, v48  }
0x4fb: {  	[tilespmem:s29], [sflag:$0x6] =	stream.indirect_vreg.gather @!p0 [hbm4b:s5+s26], $0x80, v47, vm1, $0xb8;
	[tilespmem:$0x1E300] =	vst v63  }
0x4fc: {  	v46 =	vadd.s32 @!p0 v49, v46;
	s29 =	simm.s32 @!p0 $0x1280  }
0x4fd: {  	[tilespmem:s29], [sflag:$0x6] =	stream.indirect_vreg.gather @!p0 [hbm4b:s6+s26], $0x80, v47, vm1, $0xb8;
	[tilespmem:$0x1E300] =	vst v63  }
0x4fe: {  	s29 =	simm.s32 @!p0 $0x1A80  }
0x4ff: {  	[tilespmem:s29], [sflag:$0x6] =	stream.indirect_vreg.gather @!p0 [hbm4b:s7+s26], $0x80, v47, vm1, $0xb8;
	[tilespmem:$0x1E300] =	vst v63  }
0x500: {  	s29 =	simm.s32 @!p0 $0x2280  }
0x501: {  	[tilespmem:s29], [sflag:$0x6] =	stream.indirect_vreg.gather @!p0 [hbm4b:s2+s26], $0x80, v46, vm1, $0xb8;
	[tilespmem:$0x1E300] =	vst v63  }
0x502: {  	s29 =	simm.s32 @!p0 $0x2A80  }
0x503: {  	[tilespmem:s29], [sflag:$0x6] =	stream.indirect_vreg.gather @!p0 [hbm4b:s5+s26], $0x80, v46, vm1, $0xb8;
	[tilespmem:$0x1E300] =	vst v63  }
0x504: {  	s29 =	simm.s32 @!p0 $0x3280  }
0x505: {  	[tilespmem:s29], [sflag:$0x6] =	stream.indirect_vreg.gather @!p0 [hbm4b:s6+s26], $0x80, v46, vm1, $0xb8;
	[tilespmem:$0x1E300] =	vst v63  }
0x506: {  	s29 =	simm.s32 @!p0 $0x3A80  }
0x507: {  	[tilespmem:s29], [sflag:$0x6] =	stream.indirect_vreg.gather @!p0 [hbm4b:s7+s26], $0x80, v46, vm1, $0xb8;
	[tilespmem:$0x1E300] =	vst v63  }
0x508: {  	s29 =	simm.s32 @!p0 $0x6  }
0x509: {  	_ =	swait.ge @!p0 [sflag:s29], $0x4000  }
0x50a: {  	[sflag:s29] =	ssyncset.done @!p0 $0x0  }
0x50b: {  	[sflag:s29] =	ssyncadd.s32 @!p0 $0xFFFFC000  }
0x50c: {  	[hbm4b:s10+s26] =	stream.linear.scatter @!p0 [tilespmem:s28], [sflag:$0x6], $0x4000, $0x38;
	[tilespmem:$0x1E300] =	vst v63  }
0x50d: {  	_ =	swait.ge @!p0 [sflag:s29], $0x4000  }
0x50e: {  	[sflag:s29] =	ssyncset.done @!p0 $0x0  }
0x50f: {  	[sflag:s29] =	ssyncadd.s32 @!p0 $0xFFFFC000  }
0x510: {  	v57 =	vld [tilespmem:$0x1E290];
	_ =	sdelay $0x4  }
0x511: {  	(v2sf) =	vpush v57, $0x9;
	_ =	sdelay $0xe  }
0x512: {  	s29 =	spop (v2sf)  }
0x513: {  	p0 =	slt.s32 s29, $0x1  }
0x514: {  	v46 =	vld @!p0 [tilespmem:$0x190];
	_ =	sdelay $0x4  }
0x515: {  	vm1 =	veq.s32 @!p0 v46, $0x0  }
0x516: {  	v46 =	vsel @!p0 vm1, $0x0, v1  }
0x517: {  	v47 =	vshll.u32 @!p0 v46, $0x3  }
0x518: {  	v48 =	vlaneseq.u32 @!p0;
	v46 =	vand.u32 @!p0 $0x7, v46;
	v47 =	vand.u32 @!p0 $0xFFFFFFC0, v47  }
0x519: {  	v49 =	vshrl.u32 @!p0 v48, $0x3;
	v46 =	vor.u32 @!p0 v46, v47;
	v47 =	vand.u32 @!p0 $0x7, v48  }
0x51a: {  	v49 =	vmul.u32 @!p0 $0x8, v49;
	v47 =	vperm.xlane @!p0 v46, v47;
	_ =	sdelay $0x1  }
0x51b: {  	v47 =	vadd.s32 @!p0 v49, v47;
	_ =	sdelay $0x3  }
0x51c: {  	s26 =	simm.s32 @!p0 $0x0;
	s28 =	simm.s32 @!p0 $0x280;
	vm1 =	vmmov @!p0 $0xffff  }
0x51d: {  	v48 =	vor.u32 @!p0 $0x8, v48;
	[tilespmem:s28], [sflag:$0x6] =	stream.indirect_vreg.gather @!p0 [hbm4b:s2+s26], $0x80, v47, vm1, $0xb8;
	[tilespmem:$0x1E300] =	vst v63  }
0x51e: {  	s29 =	simm.s32 @!p0 $0xA80;
	v46 =	vperm.xlane @!p0 v46, v48  }
0x51f: {  	[tilespmem:s29], [sflag:$0x6] =	stream.indirect_vreg.gather @!p0 [hbm4b:s5+s26], $0x80, v47, vm1, $0xb8;
	[tilespmem:$0x1E300] =	vst v63  }
0x520: {  	v46 =	vadd.s32 @!p0 v49, v46;
	s29 =	simm.s32 @!p0 $0x1280  }
0x521: {  	[tilespmem:s29], [sflag:$0x6] =	stream.indirect_vreg.gather @!p0 [hbm4b:s6+s26], $0x80, v47, vm1, $0xb8;
	[tilespmem:$0x1E300] =	vst v63  }
0x522: {  	s29 =	simm.s32 @!p0 $0x1A80  }
0x523: {  	[tilespmem:s29], [sflag:$0x6] =	stream.indirect_vreg.gather @!p0 [hbm4b:s7+s26], $0x80, v47, vm1, $0xb8;
	[tilespmem:$0x1E300] =	vst v63  }
0x524: {  	s29 =	simm.s32 @!p0 $0x2280  }
0x525: {  	[tilespmem:s29], [sflag:$0x6] =	stream.indirect_vreg.gather @!p0 [hbm4b:s2+s26], $0x80, v46, vm1, $0xb8;
	[tilespmem:$0x1E300] =	vst v63  }
0x526: {  	s29 =	simm.s32 @!p0 $0x2A80  }
0x527: {  	[tilespmem:s29], [sflag:$0x6] =	stream.indirect_vreg.gather @!p0 [hbm4b:s5+s26], $0x80, v46, vm1, $0xb8;
	[tilespmem:$0x1E300] =	vst v63  }
0x528: {  	s29 =	simm.s32 @!p0 $0x3280  }
0x529: {  	[tilespmem:s29], [sflag:$0x6] =	stream.indirect_vreg.gather @!p0 [hbm4b:s6+s26], $0x80, v46, vm1, $0xb8;
	[tilespmem:$0x1E300] =	vst v63  }
0x52a: {  	s29 =	simm.s32 @!p0 $0x3A80  }
0x52b: {  	[tilespmem:s29], [sflag:$0x6] =	stream.indirect_vreg.gather @!p0 [hbm4b:s7+s26], $0x80, v46, vm1, $0xb8;
	[tilespmem:$0x1E300] =	vst v63  }
0x52c: {  	s29 =	simm.s32 @!p0 $0x6  }
0x52d: {  	_ =	swait.ge @!p0 [sflag:s29], $0x4000  }
0x52e: {  	[sflag:s29] =	ssyncset.done @!p0 $0x0  }
0x52f: {  	s30 =	rddreg [dreg:$0x1b];
	[sflag:s29] =	ssyncadd.s32 @!p0 $0xFFFFC000  }
0x530: {  	[hbm4b:s30+s26] =	stream.linear.scatter @!p0 [tilespmem:s28], [sflag:$0x6], $0x4000, $0x38;
	[tilespmem:$0x1E300] =	vst v63  }
0x531: {  	_ =	swait.ge @!p0 [sflag:s29], $0x4000  }
0x532: {  	[sflag:s29] =	ssyncset.done @!p0 $0x0  }
0x533: {  	[sflag:s29] =	ssyncadd.s32 @!p0 $0xFFFFC000  }
0x534: {  	v58 =	vld [tilespmem:$0x1E290];
	_ =	sdelay $0x4  }
0x535: {  	(v2sf) =	vpush v58, $0xA;
	_ =	sdelay $0xe  }
0x536: {  	s30 =	spop (v2sf)  }
0x537: {  	p0 =	slt.s32 s30, $0x1  }
0x538: {  	v46 =	vld @!p0 [tilespmem:$0x1A0];
	_ =	sdelay $0x4  }
0x539: {  	vm1 =	veq.s32 @!p0 v46, $0x0  }
0x53a: {  	v46 =	vsel @!p0 vm1, $0x0, v2  }
0x53b: {  	v47 =	vshll.u32 @!p0 v46, $0x3  }
0x53c: {  	v48 =	vlaneseq.u32 @!p0;
	v46 =	vand.u32 @!p0 $0x7, v46;
	v47 =	vand.u32 @!p0 $0xFFFFFFC0, v47  }
0x53d: {  	v49 =	vshrl.u32 @!p0 v48, $0x3;
	v46 =	vor.u32 @!p0 v46, v47;
	v47 =	vand.u32 @!p0 $0x7, v48  }
0x53e: {  	v49 =	vmul.u32 @!p0 $0x8, v49;
	v47 =	vperm.xlane @!p0 v46, v47;
	_ =	sdelay $0x1  }
0x53f: {  	v47 =	vadd.s32 @!p0 v49, v47;
	_ =	sdelay $0x3  }
0x540: {  	s26 =	simm.s32 @!p0 $0x0;
	s28 =	simm.s32 @!p0 $0x280;
	vm1 =	vmmov @!p0 $0xffff  }
0x541: {  	v48 =	vor.u32 @!p0 $0x8, v48;
	[tilespmem:s28], [sflag:$0x6] =	stream.indirect_vreg.gather @!p0 [hbm4b:s2+s26], $0x80, v47, vm1, $0xb8;
	[tilespmem:$0x1E300] =	vst v63  }
0x542: {  	s29 =	simm.s32 @!p0 $0xA80;
	v46 =	vperm.xlane @!p0 v46, v48  }
0x543: {  	[tilespmem:s29], [sflag:$0x6] =	stream.indirect_vreg.gather @!p0 [hbm4b:s5+s26], $0x80, v47, vm1, $0xb8;
	[tilespmem:$0x1E300] =	vst v63  }
0x544: {  	v46 =	vadd.s32 @!p0 v49, v46;
	s29 =	simm.s32 @!p0 $0x1280  }
0x545: {  	[tilespmem:s29], [sflag:$0x6] =	stream.indirect_vreg.gather @!p0 [hbm4b:s6+s26], $0x80, v47, vm1, $0xb8;
	[tilespmem:$0x1E300] =	vst v63  }
0x546: {  	s29 =	simm.s32 @!p0 $0x1A80  }
0x547: {  	[tilespmem:s29], [sflag:$0x6] =	stream.indirect_vreg.gather @!p0 [hbm4b:s7+s26], $0x80, v47, vm1, $0xb8;
	[tilespmem:$0x1E300] =	vst v63  }
0x548: {  	s29 =	simm.s32 @!p0 $0x2280  }
0x549: {  	[tilespmem:s29], [sflag:$0x6] =	stream.indirect_vreg.gather @!p0 [hbm4b:s2+s26], $0x80, v46, vm1, $0xb8;
	[tilespmem:$0x1E300] =	vst v63  }
0x54a: {  	s29 =	simm.s32 @!p0 $0x2A80  }
0x54b: {  	[tilespmem:s29], [sflag:$0x6] =	stream.indirect_vreg.gather @!p0 [hbm4b:s5+s26], $0x80, v46, vm1, $0xb8;
	[tilespmem:$0x1E300] =	vst v63  }
0x54c: {  	s29 =	simm.s32 @!p0 $0x3280  }
0x54d: {  	[tilespmem:s29], [sflag:$0x6] =	stream.indirect_vreg.gather @!p0 [hbm4b:s6+s26], $0x80, v46, vm1, $0xb8;
	[tilespmem:$0x1E300] =	vst v63  }
0x54e: {  	s29 =	simm.s32 @!p0 $0x3A80  }
0x54f: {  	[tilespmem:s29], [sflag:$0x6] =	stream.indirect_vreg.gather @!p0 [hbm4b:s7+s26], $0x80, v46, vm1, $0xb8;
	[tilespmem:$0x1E300] =	vst v63  }
0x550: {  	s29 =	simm.s32 @!p0 $0x6  }
0x551: {  	_ =	swait.ge @!p0 [sflag:s29], $0x4000  }
0x552: {  	[sflag:s29] =	ssyncset.done @!p0 $0x0  }
0x553: {  	s30 =	rddreg [dreg:$0x1c];
	[sflag:s29] =	ssyncadd.s32 @!p0 $0xFFFFC000  }
0x554: {  	[hbm4b:s30+s26] =	stream.linear.scatter @!p0 [tilespmem:s28], [sflag:$0x6], $0x4000, $0x38;
	[tilespmem:$0x1E300] =	vst v63  }
0x555: {  	_ =	swait.ge @!p0 [sflag:s29], $0x4000  }
0x556: {  	[sflag:s29] =	ssyncset.done @!p0 $0x0  }
0x557: {  	[sflag:s29] =	ssyncadd.s32 @!p0 $0xFFFFC000  }
0x558: {  	v59 =	vld [tilespmem:$0x1E290];
	_ =	sdelay $0x4  }
0x559: {  	(v2sf) =	vpush v59, $0xB;
	_ =	sdelay $0xe  }
0x55a: {  	s31 =	spop (v2sf)  }
0x55b: {  	p0 =	slt.s32 s31, $0x1  }
0x55c: {  	v46 =	vld @!p0 [tilespmem:$0x1B0];
	_ =	sdelay $0x4  }
0x55d: {  	vm1 =	veq.s32 @!p0 v46, $0x0  }
0x55e: {  	v46 =	vsel @!p0 vm1, $0x0, v3  }
0x55f: {  	v47 =	vshll.u32 @!p0 v46, $0x3  }
0x560: {  	v48 =	vlaneseq.u32 @!p0;
	v46 =	vand.u32 @!p0 $0x7, v46;
	v47 =	vand.u32 @!p0 $0xFFFFFFC0, v47  }
0x561: {  	v49 =	vshrl.u32 @!p0 v48, $0x3;
	v46 =	vor.u32 @!p0 v46, v47;
	v47 =	vand.u32 @!p0 $0x7, v48  }
0x562: {  	v49 =	vmul.u32 @!p0 $0x8, v49;
	v47 =	vperm.xlane @!p0 v46, v47;
	_ =	sdelay $0x1  }
0x563: {  	v47 =	vadd.s32 @!p0 v49, v47;
	_ =	sdelay $0x3  }
0x564: {  	s26 =	simm.s32 @!p0 $0x0;
	s28 =	simm.s32 @!p0 $0x280;
	vm1 =	vmmov @!p0 $0xffff  }
0x565: {  	v48 =	vor.u32 @!p0 $0x8, v48;
	[tilespmem:s28], [sflag:$0x6] =	stream.indirect_vreg.gather @!p0 [hbm4b:s2+s26], $0x80, v47, vm1, $0xb8;
	[tilespmem:$0x1E300] =	vst v63  }
0x566: {  	s29 =	simm.s32 @!p0 $0xA80;
	v46 =	vperm.xlane @!p0 v46, v48  }
0x567: {  	[tilespmem:s29], [sflag:$0x6] =	stream.indirect_vreg.gather @!p0 [hbm4b:s5+s26], $0x80, v47, vm1, $0xb8;
	[tilespmem:$0x1E300] =	vst v63  }
0x568: {  	v46 =	vadd.s32 @!p0 v49, v46;
	s29 =	simm.s32 @!p0 $0x1280  }
0x569: {  	[tilespmem:s29], [sflag:$0x6] =	stream.indirect_vreg.gather @!p0 [hbm4b:s6+s26], $0x80, v47, vm1, $0xb8;
	[tilespmem:$0x1E300] =	vst v63  }
0x56a: {  	s29 =	simm.s32 @!p0 $0x1A80  }
0x56b: {  	[tilespmem:s29], [sflag:$0x6] =	stream.indirect_vreg.gather @!p0 [hbm4b:s7+s26], $0x80, v47, vm1, $0xb8;
	[tilespmem:$0x1E300] =	vst v63  }
0x56c: {  	s29 =	simm.s32 @!p0 $0x2280  }
0x56d: {  	[tilespmem:s29], [sflag:$0x6] =	stream.indirect_vreg.gather @!p0 [hbm4b:s2+s26], $0x80, v46, vm1, $0xb8;
	[tilespmem:$0x1E300] =	vst v63  }
0x56e: {  	s29 =	simm.s32 @!p0 $0x2A80  }
0x56f: {  	[tilespmem:s29], [sflag:$0x6] =	stream.indirect_vreg.gather @!p0 [hbm4b:s5+s26], $0x80, v46, vm1, $0xb8;
	[tilespmem:$0x1E300] =	vst v63  }
0x570: {  	s29 =	simm.s32 @!p0 $0x3280  }
0x571: {  	[tilespmem:s29], [sflag:$0x6] =	stream.indirect_vreg.gather @!p0 [hbm4b:s6+s26], $0x80, v46, vm1, $0xb8;
	[tilespmem:$0x1E300] =	vst v63  }
0x572: {  	s29 =	simm.s32 @!p0 $0x3A80  }
0x573: {  	[tilespmem:s29], [sflag:$0x6] =	stream.indirect_vreg.gather @!p0 [hbm4b:s7+s26], $0x80, v46, vm1, $0xb8;
	[tilespmem:$0x1E300] =	vst v63  }
0x574: {  	s29 =	simm.s32 @!p0 $0x6  }
0x575: {  	_ =	swait.ge @!p0 [sflag:s29], $0x4000  }
0x576: {  	[sflag:s29] =	ssyncset.done @!p0 $0x0  }
0x577: {  	s30 =	rddreg [dreg:$0x1d];
	[sflag:s29] =	ssyncadd.s32 @!p0 $0xFFFFC000  }
0x578: {  	[hbm4b:s30+s26] =	stream.linear.scatter @!p0 [tilespmem:s28], [sflag:$0x6], $0x4000, $0x38;
	[tilespmem:$0x1E300] =	vst v63  }
0x579: {  	_ =	swait.ge @!p0 [sflag:s29], $0x4000  }
0x57a: {  	[sflag:s29] =	ssyncset.done @!p0 $0x0  }
0x57b: {  	[sflag:s29] =	ssyncadd.s32 @!p0 $0xFFFFC000  }
0x57c: {  	v60 =	vld [tilespmem:$0x1E290];
	_ =	sdelay $0x4  }
0x57d: {  	(v2sf) =	vpush v60, $0xC;
	_ =	sdelay $0xe  }
0x57e: {  	s28 =	spop (v2sf)  }
0x57f: {  	p0 =	slt.s32 s28, $0x1  }
0x580: {  	v46 =	vld @!p0 [tilespmem:$0x1C0];
	_ =	sdelay $0x4  }
0x581: {  	vm1 =	veq.s32 @!p0 v46, $0x0  }
0x582: {  	v46 =	vsel @!p0 vm1, $0x0, v4  }
0x583: {  	v47 =	vshll.u32 @!p0 v46, $0x3  }
0x584: {  	v48 =	vlaneseq.u32 @!p0;
	v46 =	vand.u32 @!p0 $0x7, v46;
	v47 =	vand.u32 @!p0 $0xFFFFFFC0, v47  }
0x585: {  	v49 =	vshrl.u32 @!p0 v48, $0x3;
	v46 =	vor.u32 @!p0 v46, v47;
	v47 =	vand.u32 @!p0 $0x7, v48  }
0x586: {  	v49 =	vmul.u32 @!p0 $0x8, v49;
	v47 =	vperm.xlane @!p0 v46, v47;
	_ =	sdelay $0x1  }
0x587: {  	v47 =	vadd.s32 @!p0 v49, v47;
	_ =	sdelay $0x3  }
0x588: {  	s26 =	simm.s32 @!p0 $0x0;
	s28 =	simm.s32 @!p0 $0x280;
	vm1 =	vmmov @!p0 $0xffff  }
0x589: {  	v48 =	vor.u32 @!p0 $0x8, v48;
	[tilespmem:s28], [sflag:$0x6] =	stream.indirect_vreg.gather @!p0 [hbm4b:s2+s26], $0x80, v47, vm1, $0xb8;
	[tilespmem:$0x1E300] =	vst v63  }
0x58a: {  	s29 =	simm.s32 @!p0 $0xA80;
	v46 =	vperm.xlane @!p0 v46, v48  }
0x58b: {  	[tilespmem:s29], [sflag:$0x6] =	stream.indirect_vreg.gather @!p0 [hbm4b:s5+s26], $0x80, v47, vm1, $0xb8;
	[tilespmem:$0x1E300] =	vst v63  }
0x58c: {  	v46 =	vadd.s32 @!p0 v49, v46;
	s29 =	simm.s32 @!p0 $0x1280  }
0x58d: {  	[tilespmem:s29], [sflag:$0x6] =	stream.indirect_vreg.gather @!p0 [hbm4b:s6+s26], $0x80, v47, vm1, $0xb8;
	[tilespmem:$0x1E300] =	vst v63  }
0x58e: {  	s29 =	simm.s32 @!p0 $0x1A80  }
0x58f: {  	[tilespmem:s29], [sflag:$0x6] =	stream.indirect_vreg.gather @!p0 [hbm4b:s7+s26], $0x80, v47, vm1, $0xb8;
	[tilespmem:$0x1E300] =	vst v63  }
0x590: {  	s29 =	simm.s32 @!p0 $0x2280  }
0x591: {  	[tilespmem:s29], [sflag:$0x6] =	stream.indirect_vreg.gather @!p0 [hbm4b:s2+s26], $0x80, v46, vm1, $0xb8;
	[tilespmem:$0x1E300] =	vst v63  }
0x592: {  	s29 =	simm.s32 @!p0 $0x2A80  }
0x593: {  	[tilespmem:s29], [sflag:$0x6] =	stream.indirect_vreg.gather @!p0 [hbm4b:s5+s26], $0x80, v46, vm1, $0xb8;
	[tilespmem:$0x1E300] =	vst v63  }
0x594: {  	s29 =	simm.s32 @!p0 $0x3280  }
0x595: {  	[tilespmem:s29], [sflag:$0x6] =	stream.indirect_vreg.gather @!p0 [hbm4b:s6+s26], $0x80, v46, vm1, $0xb8;
	[tilespmem:$0x1E300] =	vst v63  }
0x596: {  	s29 =	simm.s32 @!p0 $0x3A80  }
0x597: {  	[tilespmem:s29], [sflag:$0x6] =	stream.indirect_vreg.gather @!p0 [hbm4b:s7+s26], $0x80, v46, vm1, $0xb8;
	[tilespmem:$0x1E300] =	vst v63  }
0x598: {  	s29 =	simm.s32 @!p0 $0x6  }
0x599: {  	_ =	swait.ge @!p0 [sflag:s29], $0x4000  }
0x59a: {  	[sflag:s29] =	ssyncset.done @!p0 $0x0  }
0x59b: {  	[sflag:s29] =	ssyncadd.s32 @!p0 $0xFFFFC000  }
0x59c: {  	[hbm4b:s14+s26] =	stream.linear.scatter @!p0 [tilespmem:s28], [sflag:$0x6], $0x4000, $0x38;
	[tilespmem:$0x1E300] =	vst v63  }
0x59d: {  	_ =	swait.ge @!p0 [sflag:s29], $0x4000  }
0x59e: {  	[sflag:s29] =	ssyncset.done @!p0 $0x0  }
0x59f: {  	[sflag:s29] =	ssyncadd.s32 @!p0 $0xFFFFC000  }
0x5a0: {  	v61 =	vld [tilespmem:$0x1E290];
	_ =	sdelay $0x4  }
0x5a1: {  	(v2sf) =	vpush v61, $0xD;
	_ =	sdelay $0xe  }
0x5a2: {  	s29 =	spop (v2sf)  }
0x5a3: {  	p0 =	slt.s32 s29, $0x1  }
0x5a4: {  	v46 =	vld @!p0 [tilespmem:$0x1D0];
	_ =	sdelay $0x4  }
0x5a5: {  	vm1 =	veq.s32 @!p0 v46, $0x0  }
0x5a6: {  	v46 =	vsel @!p0 vm1, $0x0, v8  }
0x5a7: {  	v47 =	vshll.u32 @!p0 v46, $0x3  }
0x5a8: {  	v48 =	vlaneseq.u32 @!p0;
	v46 =	vand.u32 @!p0 $0x7, v46;
	v47 =	vand.u32 @!p0 $0xFFFFFFC0, v47  }
0x5a9: {  	v49 =	vshrl.u32 @!p0 v48, $0x3;
	v46 =	vor.u32 @!p0 v46, v47;
	v47 =	vand.u32 @!p0 $0x7, v48  }
0x5aa: {  	v49 =	vmul.u32 @!p0 $0x8, v49;
	v47 =	vperm.xlane @!p0 v46, v47;
	_ =	sdelay $0x1  }
0x5ab: {  	v47 =	vadd.s32 @!p0 v49, v47;
	_ =	sdelay $0x3  }
0x5ac: {  	s26 =	simm.s32 @!p0 $0x0;
	s28 =	simm.s32 @!p0 $0x280;
	vm1 =	vmmov @!p0 $0xffff  }
0x5ad: {  	v48 =	vor.u32 @!p0 $0x8, v48;
	[tilespmem:s28], [sflag:$0x6] =	stream.indirect_vreg.gather @!p0 [hbm4b:s2+s26], $0x80, v47, vm1, $0xb8;
	[tilespmem:$0x1E300] =	vst v63  }
0x5ae: {  	s29 =	simm.s32 @!p0 $0xA80;
	v46 =	vperm.xlane @!p0 v46, v48  }
0x5af: {  	[tilespmem:s29], [sflag:$0x6] =	stream.indirect_vreg.gather @!p0 [hbm4b:s5+s26], $0x80, v47, vm1, $0xb8;
	[tilespmem:$0x1E300] =	vst v63  }
0x5b0: {  	v46 =	vadd.s32 @!p0 v49, v46;
	s29 =	simm.s32 @!p0 $0x1280  }
0x5b1: {  	[tilespmem:s29], [sflag:$0x6] =	stream.indirect_vreg.gather @!p0 [hbm4b:s6+s26], $0x80, v47, vm1, $0xb8;
	[tilespmem:$0x1E300] =	vst v63  }
0x5b2: {  	s29 =	simm.s32 @!p0 $0x1A80  }
0x5b3: {  	[tilespmem:s29], [sflag:$0x6] =	stream.indirect_vreg.gather @!p0 [hbm4b:s7+s26], $0x80, v47, vm1, $0xb8;
	[tilespmem:$0x1E300] =	vst v63  }
0x5b4: {  	s29 =	simm.s32 @!p0 $0x2280  }
0x5b5: {  	[tilespmem:s29], [sflag:$0x6] =	stream.indirect_vreg.gather @!p0 [hbm4b:s2+s26], $0x80, v46, vm1, $0xb8;
	[tilespmem:$0x1E300] =	vst v63  }
0x5b6: {  	s29 =	simm.s32 @!p0 $0x2A80  }
0x5b7: {  	[tilespmem:s29], [sflag:$0x6] =	stream.indirect_vreg.gather @!p0 [hbm4b:s5+s26], $0x80, v46, vm1, $0xb8;
	[tilespmem:$0x1E300] =	vst v63  }
0x5b8: {  	s29 =	simm.s32 @!p0 $0x3280  }
0x5b9: {  	[tilespmem:s29], [sflag:$0x6] =	stream.indirect_vreg.gather @!p0 [hbm4b:s6+s26], $0x80, v46, vm1, $0xb8;
	[tilespmem:$0x1E300] =	vst v63  }
0x5ba: {  	s29 =	simm.s32 @!p0 $0x3A80  }
0x5bb: {  	[tilespmem:s29], [sflag:$0x6] =	stream.indirect_vreg.gather @!p0 [hbm4b:s7+s26], $0x80, v46, vm1, $0xb8;
	[tilespmem:$0x1E300] =	vst v63  }
0x5bc: {  	s29 =	simm.s32 @!p0 $0x6  }
0x5bd: {  	_ =	swait.ge @!p0 [sflag:s29], $0x4000  }
0x5be: {  	[sflag:s29] =	ssyncset.done @!p0 $0x0  }
0x5bf: {  	s30 =	rddreg [dreg:$0x1e];
	[sflag:s29] =	ssyncadd.s32 @!p0 $0xFFFFC000  }
0x5c0: {  	[hbm4b:s30+s26] =	stream.linear.scatter @!p0 [tilespmem:s28], [sflag:$0x6], $0x4000, $0x38;
	[tilespmem:$0x1E300] =	vst v63  }
0x5c1: {  	_ =	swait.ge @!p0 [sflag:s29], $0x4000  }
0x5c2: {  	[sflag:s29] =	ssyncset.done @!p0 $0x0  }
0x5c3: {  	[sflag:s29] =	ssyncadd.s32 @!p0 $0xFFFFC000  }
0x5c4: {  	v62 =	vld [tilespmem:$0x1E290];
	_ =	sdelay $0x4  }
0x5c5: {  	(v2sf) =	vpush v62, $0xE;
	_ =	sdelay $0xe  }
0x5c6: {  	s30 =	spop (v2sf)  }
0x5c7: {  	p0 =	slt.s32 s30, $0x1  }
0x5c8: {  	v46 =	vld @!p0 [tilespmem:$0x1E0];
	_ =	sdelay $0x4  }
0x5c9: {  	vm1 =	veq.s32 @!p0 v46, $0x0  }
0x5ca: {  	v46 =	vsel @!p0 vm1, $0x0, v9  }
0x5cb: {  	v47 =	vshll.u32 @!p0 v46, $0x3  }
0x5cc: {  	v48 =	vlaneseq.u32 @!p0;
	v46 =	vand.u32 @!p0 $0x7, v46;
	v47 =	vand.u32 @!p0 $0xFFFFFFC0, v47  }
0x5cd: {  	v49 =	vshrl.u32 @!p0 v48, $0x3;
	v46 =	vor.u32 @!p0 v46, v47;
	v47 =	vand.u32 @!p0 $0x7, v48  }
0x5ce: {  	v49 =	vmul.u32 @!p0 $0x8, v49;
	v47 =	vperm.xlane @!p0 v46, v47;
	_ =	sdelay $0x1  }
0x5cf: {  	v47 =	vadd.s32 @!p0 v49, v47;
	_ =	sdelay $0x3  }
0x5d0: {  	s26 =	simm.s32 @!p0 $0x0;
	s28 =	simm.s32 @!p0 $0x280;
	vm1 =	vmmov @!p0 $0xffff  }
0x5d1: {  	v48 =	vor.u32 @!p0 $0x8, v48;
	[tilespmem:s28], [sflag:$0x6] =	stream.indirect_vreg.gather @!p0 [hbm4b:s2+s26], $0x80, v47, vm1, $0xb8;
	[tilespmem:$0x1E300] =	vst v63  }
0x5d2: {  	s29 =	simm.s32 @!p0 $0xA80;
	v46 =	vperm.xlane @!p0 v46, v48  }
0x5d3: {  	[tilespmem:s29], [sflag:$0x6] =	stream.indirect_vreg.gather @!p0 [hbm4b:s5+s26], $0x80, v47, vm1, $0xb8;
	[tilespmem:$0x1E300] =	vst v63  }
0x5d4: {  	v46 =	vadd.s32 @!p0 v49, v46;
	s29 =	simm.s32 @!p0 $0x1280  }
0x5d5: {  	[tilespmem:s29], [sflag:$0x6] =	stream.indirect_vreg.gather @!p0 [hbm4b:s6+s26], $0x80, v47, vm1, $0xb8;
	[tilespmem:$0x1E300] =	vst v63  }
0x5d6: {  	s29 =	simm.s32 @!p0 $0x1A80  }
0x5d7: {  	[tilespmem:s29], [sflag:$0x6] =	stream.indirect_vreg.gather @!p0 [hbm4b:s7+s26], $0x80, v47, vm1, $0xb8;
	[tilespmem:$0x1E300] =	vst v63  }
0x5d8: {  	s29 =	simm.s32 @!p0 $0x2280  }
0x5d9: {  	[tilespmem:s29], [sflag:$0x6] =	stream.indirect_vreg.gather @!p0 [hbm4b:s2+s26], $0x80, v46, vm1, $0xb8;
	[tilespmem:$0x1E300] =	vst v63  }
0x5da: {  	s29 =	simm.s32 @!p0 $0x2A80  }
0x5db: {  	[tilespmem:s29], [sflag:$0x6] =	stream.indirect_vreg.gather @!p0 [hbm4b:s5+s26], $0x80, v46, vm1, $0xb8;
	[tilespmem:$0x1E300] =	vst v63  }
0x5dc: {  	s29 =	simm.s32 @!p0 $0x3280  }
0x5dd: {  	[tilespmem:s29], [sflag:$0x6] =	stream.indirect_vreg.gather @!p0 [hbm4b:s6+s26], $0x80, v46, vm1, $0xb8;
	[tilespmem:$0x1E300] =	vst v63  }
0x5de: {  	s29 =	simm.s32 @!p0 $0x3A80  }
0x5df: {  	[tilespmem:s29], [sflag:$0x6] =	stream.indirect_vreg.gather @!p0 [hbm4b:s7+s26], $0x80, v46, vm1, $0xb8;
	[tilespmem:$0x1E300] =	vst v63  }
0x5e0: {  	s29 =	simm.s32 @!p0 $0x6  }
0x5e1: {  	_ =	swait.ge @!p0 [sflag:s29], $0x4000  }
0x5e2: {  	[sflag:s29] =	ssyncset.done @!p0 $0x0  }
0x5e3: {  	s30 =	rddreg [dreg:$0x1f];
	[sflag:s29] =	ssyncadd.s32 @!p0 $0xFFFFC000  }
0x5e4: {  	[hbm4b:s30+s26] =	stream.linear.scatter @!p0 [tilespmem:s28], [sflag:$0x6], $0x4000, $0x38;
	[tilespmem:$0x1E300] =	vst v63  }
0x5e5: {  	_ =	swait.ge @!p0 [sflag:s29], $0x4000  }
0x5e6: {  	[sflag:s29] =	ssyncset.done @!p0 $0x0  }
0x5e7: {  	[sflag:s29] =	ssyncadd.s32 @!p0 $0xFFFFC000  }
0x5e8: {  	v63 =	vld [tilespmem:$0x1E290];
	_ =	sdelay $0x4  }
0x5e9: {  	(v2sf) =	vpush v63, $0xF;
	_ =	sdelay $0xe  }
0x5ea: {  	s31 =	spop (v2sf)  }
0x5eb: {  	p0 =	slt.s32 s31, $0x1  }
0x5ec: {  	v46 =	vld @!p0 [tilespmem:$0x1F0];
	_ =	sdelay $0x4  }
0x5ed: {  	vm1 =	veq.s32 @!p0 v46, $0x0  }
0x5ee: {  	v46 =	vsel @!p0 vm1, $0x0, v11  }
0x5ef: {  	v47 =	vshll.u32 @!p0 v46, $0x3  }
0x5f0: {  	v48 =	vlaneseq.u32 @!p0;
	v46 =	vand.u32 @!p0 $0x7, v46;
	v47 =	vand.u32 @!p0 $0xFFFFFFC0, v47  }
0x5f1: {  	v49 =	vshrl.u32 @!p0 v48, $0x3;
	v46 =	vor.u32 @!p0 v46, v47;
	v47 =	vand.u32 @!p0 $0x7, v48  }
0x5f2: {  	v49 =	vmul.u32 @!p0 $0x8, v49;
	v47 =	vperm.xlane @!p0 v46, v47;
	_ =	sdelay $0x1  }
0x5f3: {  	v47 =	vadd.s32 @!p0 v49, v47;
	_ =	sdelay $0x3  }
0x5f4: {  	s26 =	simm.s32 @!p0 $0x0;
	s28 =	simm.s32 @!p0 $0x280;
	vm1 =	vmmov @!p0 $0xffff  }
0x5f5: {  	v48 =	vor.u32 @!p0 $0x8, v48;
	[tilespmem:s28], [sflag:$0x6] =	stream.indirect_vreg.gather @!p0 [hbm4b:s2+s26], $0x80, v47, vm1, $0xb8;
	[tilespmem:$0x1E300] =	vst v63  }
0x5f6: {  	s29 =	simm.s32 @!p0 $0xA80;
	v46 =	vperm.xlane @!p0 v46, v48  }
0x5f7: {  	[tilespmem:s29], [sflag:$0x6] =	stream.indirect_vreg.gather @!p0 [hbm4b:s5+s26], $0x80, v47, vm1, $0xb8;
	[tilespmem:$0x1E300] =	vst v63  }
0x5f8: {  	v46 =	vadd.s32 @!p0 v49, v46;
	s29 =	simm.s32 @!p0 $0x1280  }
0x5f9: {  	[tilespmem:s29], [sflag:$0x6] =	stream.indirect_vreg.gather @!p0 [hbm4b:s6+s26], $0x80, v47, vm1, $0xb8;
	[tilespmem:$0x1E300] =	vst v63  }
0x5fa: {  	s29 =	simm.s32 @!p0 $0x1A80  }
0x5fb: {  	[tilespmem:s29], [sflag:$0x6] =	stream.indirect_vreg.gather @!p0 [hbm4b:s7+s26], $0x80, v47, vm1, $0xb8;
	[tilespmem:$0x1E300] =	vst v63  }
0x5fc: {  	s29 =	simm.s32 @!p0 $0x2280  }
0x5fd: {  	[tilespmem:s29], [sflag:$0x6] =	stream.indirect_vreg.gather @!p0 [hbm4b:s2+s26], $0x80, v46, vm1, $0xb8;
	[tilespmem:$0x1E300] =	vst v63  }
0x5fe: {  	s29 =	simm.s32 @!p0 $0x2A80  }
0x5ff: {  	[tilespmem:s29], [sflag:$0x6] =	stream.indirect_vreg.gather @!p0 [hbm4b:s5+s26], $0x80, v46, vm1, $0xb8;
	[tilespmem:$0x1E300] =	vst v63  }
0x600: {  	s29 =	simm.s32 @!p0 $0x3280  }
0x601: {  	[tilespmem:s29], [sflag:$0x6] =	stream.indirect_vreg.gather @!p0 [hbm4b:s6+s26], $0x80, v46, vm1, $0xb8;
	[tilespmem:$0x1E300] =	vst v63  }
0x602: {  	s29 =	simm.s32 @!p0 $0x3A80  }
0x603: {  	[tilespmem:s29], [sflag:$0x6] =	stream.indirect_vreg.gather @!p0 [hbm4b:s7+s26], $0x80, v46, vm1, $0xb8;
	[tilespmem:$0x1E300] =	vst v63  }
0x604: {  	s29 =	simm.s32 @!p0 $0x6  }
0x605: {  	_ =	swait.ge @!p0 [sflag:s29], $0x4000  }
0x606: {  	s15 =	sadd.s32 $0xFFFFFFFF, s15;
	s30 =	sld [smem:$0x7C6]  }
0x607: {  	p1 =	sne.s32 s15, $0x0;
	[sflag:s29] =	ssyncset.done @!p0 $0x0  }
.Ltmp0:
0x608: {  	[sflag:s29] =	ssyncadd.s32 @!p0 $0xFFFFC000;
	(pc) =	sbr.rel @p1 .LBB2_1-.Ltmp0, $4  }
0x609: {  	[hbm4b:s30+s26] =	stream.linear.scatter @!p0 [tilespmem:s28], [sflag:$0x6], $0x4000, $0x38;
	[tilespmem:$0x1E300] =	vst v63  }
0x60a: {  	_ =	swait.ge @!p0 [sflag:s29], $0x4000  }
0x60b: {  	[sflag:s29] =	ssyncset.done @!p0 $0x0  }
0x60c: {  	[sflag:s29] =	ssyncadd.s32 @!p0 $0xFFFFC000  }
0x60d: {  	_ =	sfence.sel $0x180000  }
0x60e: {  	[bflag:$0x0] =	sbarrier.arrive $0xFFFF  }
0x60f: {  	p0 =	sne.s32 s0, $0x0;
	_ =	strace $0x90000047  }
0x610: {  	s0 =	sadd.s32 @!p0 $0x100000, s1;
	[bflag:$0x2] =	sbarrier.arrive $0xFFFF  }
0x611: {  	[sflag:s0] =	ssyncadd.tile.s32 @!p0 $0x1;
	_ =	shalt  }
.Lfunc_end2:
_tile_overlayer_lowered:
.L_overlay_start_2:
0x612: {  	(tag) =	ssettag $0x2  }
0x613: {  	s0 =	rddreg [dreg:$0x0];
	s2 =	stileid.u32  }
0x614: {  	s1 =	rddreg [dreg:$0x1];
	p0 =	sne.s32 s2, $0x0  }
0x615: {  	s3 =	rddreg [dreg:$0x2];
	[bflag:$0x3] =	sbarrier.arrive $0xFFFF;
	s2 =	simm.s32 @!p0 $0x1C07  }
0x616: {  	[timem:s3], [sflag:s2] =	dma.local @!p0 [hbm:s0], s1  }
0x617: {  	s0 =	simm.s32 @!p0 $0x7  }
0x618: {  	_ =	swait.ge @!p0 [sflag:s0], s1  }
0x619: {  	s1 =	ssub.s32 @!p0 $0x0, s1;
	[sflag:s0] =	ssyncset.done @!p0 $0x0  }
0x61a: {  	[sflag:s0] =	ssyncadd.s32 @!p0 s1  }
0x61b: {  	[bflag:$0x3] =	sbarrier.arrive $0xFFFF  }
0x61c: {  	_ =	shalt  }

</sc_bundles>
